<compile_context>
chip_gen: v7x
topology: tpu7x:2x2x1
jax: 0.10.2.dev20260603
libtpu: 0.0.44.dev20260713+nightly
codegen_flags: <defaults>
</compile_context>

<pallas_src>
import functools
import jax
import jax.numpy as jnp
from jax import lax
from jax.experimental import pallas as pl
from jax.experimental.pallas import tpu as pltpu
from jax.experimental.pallas import tpu_sc as plsc

NN = 10000
EE = 320000
DD = 128
GG = 64
NC = 2
NS = 16
NW = NC * NS
CH = 128
NNP = 10240
RPT = NNP // NS
ZR = RPT // 5
EPW = 10240
EP = NW * EPW
NCHUNK = EPW // CH
FAST_CID = 1
NCF = 160
EPWF = NCF * CH
BR = 1000
NB = NN // BR

_mesh = plsc.VectorSubcoreMesh(core_axis_name="c", subcore_axis_name="s")


def _zero_acc(zero_v, acc, sid, sem):
    @pl.loop(0, ZR)
    def _z(i):
        for k in range(DD // 16):
            zero_v[i, pl.ds(k * 16, 16)] = jnp.zeros((16,), jnp.float32)

    for k in range(5):
        pltpu.async_copy(
            zero_v.at[pl.ds(0, ZR), :], acc.at[pl.ds(sid * RPT + k * ZR, ZR), :], sem
        )
    for k in range(5):
        pltpu.make_async_copy(
            zero_v.at[pl.ds(0, ZR), :], acc.at[pl.ds(sid * RPT, ZR), :], sem
        ).wait()


@functools.partial(
    pl.kernel,
    out_type=jax.ShapeDtypeStruct((NC, NNP, DD), jnp.float32),
    mesh=_mesh,
    scratch_types=[
        [pltpu.VMEM((CH,), jnp.int32) for _ in range(4)],
        pltpu.VMEM((CH, DD), jnp.float32),
        pltpu.VMEM_SHARED((NNP, DD), jnp.float32),
        pltpu.SemaphoreType.DMA,
        pltpu.SemaphoreType.DMA,
    ],
)
def _deg_kernel(dst_hbm, out_hbm, dbufs, ones_v, acc, isem, ssem):
    cid = lax.axis_index("c")
    sid = lax.axis_index("s")
    wid = sid * NC + cid
    ebase = wid * EPW

    def start_i(j, buf):
        pltpu.async_copy(dst_hbm.at[pl.ds(ebase + j * CH, CH)], buf, isem)

    def wait_i(buf):
        pltpu.make_async_copy(dst_hbm.at[pl.ds(ebase, CH)], buf, isem).wait()

    def wait_s():
        pltpu.make_async_copy(ones_v, acc.at[dbufs[0]], ssem).wait()

    for m in range(3):
        start_i(m, dbufs[m])
    _zero_acc(ones_v, acc, sid, ssem)

    @pl.loop(0, CH)
    def _o(i):
        for k in range(DD // 16):
            ones_v[i, pl.ds(k * 16, 16)] = jnp.full((16,), 1.0, jnp.float32)

    wait_i(dbufs[0])
    plsc.subcore_barrier()

    Q = NCHUNK // 4

    @pl.loop(0, Q)
    def _chunk(q):
        for m in range(4):
            j = q * 4 + m
            pltpu.async_copy(ones_v, acc.at[dbufs[m]], ssem, add=True)
            if m == 0:
                @pl.when(q > 0)
                def _():
                    wait_s()
            else:
                wait_s()
            if m == 1 or m == 2 or m == 3:
                @pl.when(q < Q - 1)
                def _():
                    start_i(j + 3, dbufs[(m + 3) % 4])
            else:
                start_i(j + 3, dbufs[3])
            if m < 3:
                wait_i(dbufs[m + 1])
            else:
                @pl.when(q < Q - 1)
                def _():
                    wait_i(dbufs[0])

    wait_s()

    plsc.subcore_barrier()
    pltpu.async_copy(
        acc.at[pl.ds(sid * RPT, RPT), :],
        out_hbm.at[cid, pl.ds(sid * RPT, RPT), :],
        ssem,
    ).wait()


@functools.partial(
    pl.kernel,
    out_type=jax.ShapeDtypeStruct((NC, NNP, DD), jnp.float32),
    mesh=_mesh,
    scratch_types=[
        [pltpu.VMEM((CH,), jnp.int32) for _ in range(4)],
        [pltpu.VMEM((CH,), jnp.int32) for _ in range(4)],
        pltpu.VMEM((CH, DD), jnp.float32),
        pltpu.VMEM((CH, DD), jnp.float32),
        pltpu.VMEM_SHARED((NNP, DD), jnp.float32),
        pltpu.SemaphoreType.DMA,
        pltpu.SemaphoreType.DMA,
        pltpu.SemaphoreType.DMA,
    ],
)
def _agg_kernel(hws_hbm, src_hbm, dst_hbm, out_hbm,
                sbufs, dbufs, rows0, rows1, acc,
                isem, gsem, ssem):
    cid = lax.axis_index("c")
    sid = lax.axis_index("s")
    rbufs = (rows0, rows1)
    ebase = sid * EPWF
    Q = NCF // 4

    def start_i(j, m):
        pltpu.async_copy(src_hbm.at[pl.ds(ebase + j * CH, CH)], sbufs[m], isem)
        pltpu.async_copy(dst_hbm.at[pl.ds(ebase + j * CH, CH)], dbufs[m], isem)

    def wait_i(m):
        pltpu.make_async_copy(src_hbm.at[pl.ds(ebase, CH)], sbufs[m], isem).wait()
        pltpu.make_async_copy(dst_hbm.at[pl.ds(ebase, CH)], dbufs[m], isem).wait()

    def start_g(m, buf):
        pltpu.async_copy(hws_hbm.at[sbufs[m]], buf, gsem)

    def wait_g(buf):
        pltpu.make_async_copy(hws_hbm.at[sbufs[0]], buf, gsem).wait()

    def start_s(m, buf):
        pltpu.async_copy(buf, acc.at[dbufs[m]], ssem, add=True)

    def wait_s(buf):
        pltpu.make_async_copy(buf, acc.at[dbufs[0]], ssem).wait()

    @pl.when(cid == FAST_CID)
    def _fast():
        for m in range(3):
            start_i(m, m)
        _zero_acc(rows0, acc, sid, gsem)
        wait_i(0)

    plsc.subcore_barrier()

    @pl.when(cid == FAST_CID)
    def _fast2():
        start_g(0, rows0)

        @pl.loop(0, Q)
        def _chunk(q):
            for m in range(4):
                j = q * 4 + m
                cur = rbufs[m % 2]
                oth = rbufs[1 - m % 2]

                wait_g(cur)
                start_s(m, cur)
                if m == 0:
                    @pl.when(q > 0)
                    def _():
                        wait_s(oth)
                else:
                    wait_s(oth)
                if m < 3:
                    wait_i(m + 1)
                    start_g(m + 1, oth)
                else:
                    @pl.when(q < Q - 1)
                    def _():
                        wait_i(0)
                        start_g(0, oth)
                if m == 0:
                    start_i(j + 3, 3)
                else:
                    @pl.when(q < Q - 1)
                    def _():
                        start_i(j + 3, (m + 3) % 4)

        wait_s(rows0)

    plsc.subcore_barrier()

    @pl.when(cid == FAST_CID)
    def _fast3():
        pltpu.async_copy(
            acc.at[pl.ds(sid * RPT, RPT), :],
            out_hbm.at[FAST_CID, pl.ds(sid * RPT, RPT), :],
            ssem,
        ).wait()


def _first_body(x_ref, w_ref, d0_ref, d1_ref, hws_ref, dinv_ref):
    deg = d0_ref[0, :, 0:1] + d1_ref[0, :, 0:1] + 1.0
    dinv = lax.rsqrt(deg)
    dinv_ref[...] = dinv
    hws_ref[...] = (
        jnp.dot(x_ref[...], w_ref[...], preferred_element_type=jnp.float32) * dinv
    )


_first_call = pl.pallas_call(
    _first_body,
    grid=(NB,),
    in_specs=[
        pl.BlockSpec((BR, DD), lambda i: (i, 0)),
        pl.BlockSpec((DD, DD), lambda i: (0, 0)),
        pl.BlockSpec((1, BR, DD), lambda i: (0, i, 0)),
        pl.BlockSpec((1, BR, DD), lambda i: (1, i, 0)),
    ],
    out_specs=[
        pl.BlockSpec((BR, DD), lambda i: (i, 0)),
        pl.BlockSpec((BR, 1), lambda i: (i, 0)),
    ],
    out_shape=[
        jax.ShapeDtypeStruct((NN, DD), jnp.float32),
        jax.ShapeDtypeStruct((NN, 1), jnp.float32),
    ],
)


def _layer_body(p0_ref, hws_ref, dinv_ref, batch_ref, b_ref, w_ref,
                hwsn_ref, pool_ref):
    i = pl.program_id(0)
    dinv = dinv_ref[...]
    t = (p0_ref[0] + hws_ref[...]) * dinv
    h = jnp.maximum(t + b_ref[...], 0.0)
    oneh = (batch_ref[...] == lax.broadcasted_iota(jnp.int32, (BR, GG), 1))
    oneh = oneh.astype(jnp.float32)
    contrib = lax.dot_general(
        oneh, h, (((0,), (0,)), ((), ())), preferred_element_type=jnp.float32
    )

    @pl.when(i == 0)
    def _():
        pool_ref[...] = jnp.zeros_like(pool_ref)

    pool_ref[...] += contrib
    hwsn_ref[...] = (
        jnp.dot(h, w_ref[...], preferred_element_type=jnp.float32) * dinv
    )


_layer_call = pl.pallas_call(
    _layer_body,
    grid=(NB,),
    in_specs=[
        pl.BlockSpec((1, BR, DD), lambda i: (FAST_CID, i, 0)),
        pl.BlockSpec((BR, DD), lambda i: (i, 0)),
        pl.BlockSpec((BR, 1), lambda i: (i, 0)),
        pl.BlockSpec((BR, 1), lambda i: (i, 0)),
        pl.BlockSpec((1, DD), lambda i: (0, 0)),
        pl.BlockSpec((DD, DD), lambda i: (0, 0)),
    ],
    out_specs=[
        pl.BlockSpec((BR, DD), lambda i: (i, 0)),
        pl.BlockSpec((GG, DD), lambda i: (0, 0)),
    ],
    out_shape=[
        jax.ShapeDtypeStruct((NN, DD), jnp.float32),
        jax.ShapeDtypeStruct((GG, DD), jnp.float32),
    ],
)


def _last_body(p0_ref, hws_ref, dinv_ref, batch_ref, b_ref, pool_ref):
    i = pl.program_id(0)
    t = (p0_ref[0] + hws_ref[...]) * dinv_ref[...]
    h = jnp.maximum(t + b_ref[...], 0.0)
    oneh = (batch_ref[...] == lax.broadcasted_iota(jnp.int32, (BR, GG), 1))
    oneh = oneh.astype(jnp.float32)
    contrib = lax.dot_general(
        oneh, h, (((0,), (0,)), ((), ())), preferred_element_type=jnp.float32
    )

    @pl.when(i == 0)
    def _():
        pool_ref[...] = jnp.zeros_like(pool_ref)

    pool_ref[...] += contrib


_last_call = pl.pallas_call(
    _last_body,
    grid=(NB,),
    in_specs=[
        pl.BlockSpec((1, BR, DD), lambda i: (FAST_CID, i, 0)),
        pl.BlockSpec((BR, DD), lambda i: (i, 0)),
        pl.BlockSpec((BR, 1), lambda i: (i, 0)),
        pl.BlockSpec((BR, 1), lambda i: (i, 0)),
        pl.BlockSpec((1, DD), lambda i: (0, 0)),
    ],
    out_specs=pl.BlockSpec((GG, DD), lambda i: (0, 0)),
    out_shape=jax.ShapeDtypeStruct((GG, DD), jnp.float32),
)


def kernel(x, edge_index, batch, Ws, bs):
    edge_index = edge_index.astype(jnp.int32)
    npad = EP - EE
    src = jnp.concatenate([edge_index[0], jnp.zeros((npad,), jnp.int32)])
    dst = jnp.concatenate([edge_index[1], jnp.full((npad,), NN, jnp.int32)])
    batch2 = batch.astype(jnp.int32).reshape(NN, 1)

    degp = _deg_kernel(dst)
    hws, dinv = _first_call(x, Ws[0], degp, degp)

    pools = []
    for i in range(5):
        parts = _agg_kernel(hws, src, dst)
        if i < 4:
            hws, pool = _layer_call(
                parts, hws, dinv, batch2,
                bs[i].reshape(1, DD), Ws[i + 1]
            )
        else:
            pool = _last_call(
                parts, hws, dinv, batch2, bs[i].reshape(1, DD)
            )
        pools.append(pool)

    return jnp.concatenate(pools, axis=1)

# --- scband reference (transcript-rebuilt; emitter-appended) ---
"""Pipeline reference for scband-encoder-29892972380736 (READ-ONLY COPY).

The authoritative reference and input builder live on the scoring server;
editing this copy changes nothing except your own understanding.
"""

import jax, jax.numpy as jnp
import numpy as np

N = 10000
E = 320000
D = 128
H = 128
L = 5
G = 64


def setup_inputs(seed: int = 0) -> dict:
    key = jax.random.key(seed)
    k0, k1, k2, k3 = jax.random.split(key, 4)
    x = jax.random.normal(k0, (N, D), dtype=jnp.float32)
    edge_index = jax.random.randint(k1, (2, E), 0, N)
    batch = jnp.sort(jax.random.randint(k2, (N,), 0, G))
    # 5 GCNConv layers: weight [in, out] (xavier-uniform-ish), bias zeros (per weights_init)
    wkeys = jax.random.split(k3, L)
    limit = np.sqrt(6.0 / (D + H))
    Ws = jnp.stack([jax.random.uniform(wkeys[i], (D, H), minval=-limit, maxval=limit) for i in range(L)])
    bs = jnp.zeros((L, H), dtype=jnp.float32)
    return {"x": x, "edge_index": edge_index, "batch": batch, "Ws": Ws, "bs": bs}


def reference(x, edge_index, batch, Ws, bs):
    Nn = x.shape[0]
    # GCN normalization with self-loops (same for every layer since edge_index is fixed)
    loop = jnp.arange(Nn, dtype=edge_index.dtype)
    src = jnp.concatenate([edge_index[0], loop])
    dst = jnp.concatenate([edge_index[1], loop])
    deg = jnp.zeros((Nn,), dtype=x.dtype).at[dst].add(1.0)
    dinv = jnp.where(deg > 0, jax.lax.rsqrt(deg), 0.0)
    norm = dinv[src] * dinv[dst]

    xs = []
    h = x
    for i in range(Ws.shape[0]):
        hw = h @ Ws[i]
        msg = hw[src] * norm[:, None]
        agg = jnp.zeros((Nn, hw.shape[1]), dtype=x.dtype).at[dst].add(msg)
        h = jax.nn.relu(agg + bs[i])
        xs.append(h)

    # global_add_pool per layer, then concat -> graph-level representation
    pools = [jax.ops.segment_sum(t, batch, num_segments=G) for t in xs]
    z_g = jnp.concatenate(pools, axis=1)
    # Encoder(graph_level=True, node_level=False) returns z_g only
    return z_g

if __name__ == "__main__":
    import jax
    _d = setup_inputs()
    print(jax.jit(kernel)(*tuple(_d.values())))

</pallas_src>

<mosaic_0001>
#map = affine_map<(d0, d1) -> (0, 0)>
#map1 = affine_map<(d0, d1) -> (0)>
#map2 = affine_map<(d0, d1) -> (0, 0, 0)>
module attributes {stable_mosaic.version = 14 : i64} {
  func.func @_agg_kernel(%arg0: i32, %arg1: i32, %arg2: memref<10000x128xf32, #tpu.memory_space<hbm>>, %arg3: memref<327680xi32, #tpu.memory_space<hbm>>, %arg4: memref<327680xi32, #tpu.memory_space<hbm>>, %arg5: memref<2x10240x128xf32, #tpu.memory_space<hbm>>, %arg6: memref<128xi32, #tpu.memory_space<vmem>>, %arg7: memref<128xi32, #tpu.memory_space<vmem>>, %arg8: memref<128xi32, #tpu.memory_space<vmem>>, %arg9: memref<128xi32, #tpu.memory_space<vmem>>, %arg10: memref<128xi32, #tpu.memory_space<vmem>>, %arg11: memref<128xi32, #tpu.memory_space<vmem>>, %arg12: memref<128xi32, #tpu.memory_space<vmem>>, %arg13: memref<128xi32, #tpu.memory_space<vmem>>, %arg14: memref<128x128xf32, #tpu.memory_space<vmem>>, %arg15: memref<128x128xf32, #tpu.memory_space<vmem>>, %arg16: memref<10240x128xf32, #tpu.memory_space<vmem_shared>>, %arg17: memref<!tpu.dma_semaphore, #tpu.memory_space<semaphore_mem>>, %arg18: memref<!tpu.dma_semaphore, #tpu.memory_space<semaphore_mem>>, %arg19: memref<!tpu.dma_semaphore, #tpu.memory_space<semaphore_mem>>) attributes {dimension_semantics = [#tpu.dimension_semantics<core_parallel>, #tpu.dimension_semantics<subcore_parallel>], iteration_bounds = array<i64: 2, 16>, scalar_prefetch = 0 : i64, scratch_operands = 14 : i64, tpu.core_type = #tpu.core_type<sc_vector_subcore>, window_params = [{transform_indices = #map}, {transform_indices = #map1}, {transform_indices = #map1}, {transform_indices = #map2}]} {
    %mul3A = arith.constant 20480 : i32
    %mul3A_0 = arith.muli %arg1, %mul3A : i32
    %eq3A = arith.constant 1 : i32
    %eq3A_1 = arith.cmpi eq, %arg0, %eq3A : i32
    %convert_element_type3A = arith.extui %eq3A_1 : i1 to i32
    %cond3A = arith.constant 0 : i32
    %cond3A_2 = arith.cmpi ne, %convert_element_type3A, %cond3A : i32
    scf.if %cond3A_2 {
      %add3A = arith.constant 0 : i32
      %add3A_14 = arith.addi %mul3A_0, %add3A : i32
      %dma_start3A = tpu.memref_slice %arg3[%add3A_14] : memref<327680xi32, #tpu.memory_space<hbm>> -> memref<128xi32, #tpu.memory_space<hbm>>
      %dma_start3A_15 = tpu.memref_slice %arg3[%add3A_14] : memref<327680xi32, #tpu.memory_space<hbm>> -> memref<128xi32, #tpu.memory_space<hbm>>
      tpu.enqueue_dma source(%dma_start3A_15 : memref<128xi32, #tpu.memory_space<hbm>>) target(%arg6 : memref<128xi32, #tpu.memory_space<vmem>>) target_semaphore(%arg17 : memref<!tpu.dma_semaphore, #tpu.memory_space<semaphore_mem>>)
      %add3A_16 = arith.constant 0 : i32
      %add3A_17 = arith.addi %mul3A_0, %add3A_16 : i32
      %dma_start3A_18 = tpu.memref_slice %arg4[%add3A_17] : memref<327680xi32, #tpu.memory_space<hbm>> -> memref<128xi32, #tpu.memory_space<hbm>>
      %dma_start3A_19 = tpu.memref_slice %arg4[%add3A_17] : memref<327680xi32, #tpu.memory_space<hbm>> -> memref<128xi32, #tpu.memory_space<hbm>>
      tpu.enqueue_dma source(%dma_start3A_19 : memref<128xi32, #tpu.memory_space<hbm>>) target(%arg10 : memref<128xi32, #tpu.memory_space<vmem>>) target_semaphore(%arg17 : memref<!tpu.dma_semaphore, #tpu.memory_space<semaphore_mem>>)
      %add3A_20 = arith.constant 128 : i32
      %add3A_21 = arith.addi %mul3A_0, %add3A_20 : i32
      %dma_start3A_22 = tpu.memref_slice %arg3[%add3A_21] : memref<327680xi32, #tpu.memory_space<hbm>> -> memref<128xi32, #tpu.memory_space<hbm>>
      %dma_start3A_23 = tpu.memref_slice %arg3[%add3A_21] : memref<327680xi32, #tpu.memory_space<hbm>> -> memref<128xi32, #tpu.memory_space<hbm>>
      tpu.enqueue_dma source(%dma_start3A_23 : memref<128xi32, #tpu.memory_space<hbm>>) target(%arg7 : memref<128xi32, #tpu.memory_space<vmem>>) target_semaphore(%arg17 : memref<!tpu.dma_semaphore, #tpu.memory_space<semaphore_mem>>)
      %add3A_24 = arith.constant 128 : i32
      %add3A_25 = arith.addi %mul3A_0, %add3A_24 : i32
      %dma_start3A_26 = tpu.memref_slice %arg4[%add3A_25] : memref<327680xi32, #tpu.memory_space<hbm>> -> memref<128xi32, #tpu.memory_space<hbm>>
      %dma_start3A_27 = tpu.memref_slice %arg4[%add3A_25] : memref<327680xi32, #tpu.memory_space<hbm>> -> memref<128xi32, #tpu.memory_space<hbm>>
      tpu.enqueue_dma source(%dma_start3A_27 : memref<128xi32, #tpu.memory_space<hbm>>) target(%arg11 : memref<128xi32, #tpu.memory_space<vmem>>) target_semaphore(%arg17 : memref<!tpu.dma_semaphore, #tpu.memory_space<semaphore_mem>>)
      %add3A_28 = arith.constant 256 : i32
      %add3A_29 = arith.addi %mul3A_0, %add3A_28 : i32
      %dma_start3A_30 = tpu.memref_slice %arg3[%add3A_29] : memref<327680xi32, #tpu.memory_space<hbm>> -> memref<128xi32, #tpu.memory_space<hbm>>
      %dma_start3A_31 = tpu.memref_slice %arg3[%add3A_29] : memref<327680xi32, #tpu.memory_space<hbm>> -> memref<128xi32, #tpu.memory_space<hbm>>
      tpu.enqueue_dma source(%dma_start3A_31 : memref<128xi32, #tpu.memory_space<hbm>>) target(%arg8 : memref<128xi32, #tpu.memory_space<vmem>>) target_semaphore(%arg17 : memref<!tpu.dma_semaphore, #tpu.memory_space<semaphore_mem>>)
      %add3A_32 = arith.constant 256 : i32
      %add3A_33 = arith.addi %mul3A_0, %add3A_32 : i32
      %dma_start3A_34 = tpu.memref_slice %arg4[%add3A_33] : memref<327680xi32, #tpu.memory_space<hbm>> -> memref<128xi32, #tpu.memory_space<hbm>>
      %dma_start3A_35 = tpu.memref_slice %arg4[%add3A_33] : memref<327680xi32, #tpu.memory_space<hbm>> -> memref<128xi32, #tpu.memory_space<hbm>>
      tpu.enqueue_dma source(%dma_start3A_35 : memref<128xi32, #tpu.memory_space<hbm>>) target(%arg12 : memref<128xi32, #tpu.memory_space<vmem>>) target_semaphore(%arg17 : memref<!tpu.dma_semaphore, #tpu.memory_space<semaphore_mem>>)
      %scan3A = arith.constant 0 : i32
      %scan3A_36 = arith.constant 128 : i32
      %scan3A_37 = arith.addi %scan3A, %scan3A_36 : i32
      %scan3A_38 = arith.constant 1 : i32
      scf.for %scan3A_173 = %scan3A to %scan3A_37 step %scan3A_38  : i32 {
        %mul3A_174 = arith.constant 1 : i32
        %mul3A_175 = arith.muli %scan3A_173, %mul3A_174 : i32
        %add3A_176 = arith.constant 0 : i32
        %add3A_177 = arith.addi %add3A_176, %mul3A_175 : i32
        %broadcast_in_dim3A = arith.constant 0.000000e+00 : f32
        %broadcast_in_dim3A_178 = vector.broadcast %broadcast_in_dim3A : f32 to vector<16xf32>
        %swap3A = arith.index_cast %add3A_177 : i32 to index
        %swap3A_179 = arith.constant 0 : index
        %swap3A_180 = tpu.vector_load %arg14[%swap3A, %swap3A_179] {strides = array<i32>} : memref<128x128xf32, #tpu.memory_space<vmem>>, vector<1x16xf32>,
        %swap3A_181 = vector.shape_cast %swap3A_180 : vector<1x16xf32> to vector<16xf32>
        %swap3A_182 = vector.shape_cast %broadcast_in_dim3A_178 : vector<16xf32> to vector<1x16xf32>
        tpu.vector_store %arg14[%swap3A, %swap3A_179], %swap3A_182 {strides = array<i32>} : memref<128x128xf32, #tpu.memory_space<vmem>>, vector<1x16xf32>,
        %broadcast_in_dim3A_183 = arith.constant 0.000000e+00 : f32
        %broadcast_in_dim3A_184 = vector.broadcast %broadcast_in_dim3A_183 : f32 to vector<16xf32>
        %swap3A_185 = arith.index_cast %add3A_177 : i32 to index
        %swap3A_186 = arith.constant 16 : index
        %swap3A_187 = tpu.vector_load %arg14[%swap3A_185, %swap3A_186] {strides = array<i32>} : memref<128x128xf32, #tpu.memory_space<vmem>>, vector<1x16xf32>,
        %swap3A_188 = vector.shape_cast %swap3A_187 : vector<1x16xf32> to vector<16xf32>
        %swap3A_189 = vector.shape_cast %broadcast_in_dim3A_184 : vector<16xf32> to vector<1x16xf32>
        tpu.vector_store %arg14[%swap3A_185, %swap3A_186], %swap3A_189 {strides = array<i32>} : memref<128x128xf32, #tpu.memory_space<vmem>>, vector<1x16xf32>,
        %broadcast_in_dim3A_190 = arith.constant 0.000000e+00 : f32
        %broadcast_in_dim3A_191 = vector.broadcast %broadcast_in_dim3A_190 : f32 to vector<16xf32>
        %swap3A_192 = arith.index_cast %add3A_177 : i32 to index
        %swap3A_193 = arith.constant 32 : index
        %swap3A_194 = tpu.vector_load %arg14[%swap3A_192, %swap3A_193] {strides = array<i32>} : memref<128x128xf32, #tpu.memory_space<vmem>>, vector<1x16xf32>,
        %swap3A_195 = vector.shape_cast %swap3A_194 : vector<1x16xf32> to vector<16xf32>
        %swap3A_196 = vector.shape_cast %broadcast_in_dim3A_191 : vector<16xf32> to vector<1x16xf32>
        tpu.vector_store %arg14[%swap3A_192, %swap3A_193], %swap3A_196 {strides = array<i32>} : memref<128x128xf32, #tpu.memory_space<vmem>>, vector<1x16xf32>,
        %broadcast_in_dim3A_197 = arith.constant 0.000000e+00 : f32
        %broadcast_in_dim3A_198 = vector.broadcast %broadcast_in_dim3A_197 : f32 to vector<16xf32>
        %swap3A_199 = arith.index_cast %add3A_177 : i32 to index
        %swap3A_200 = arith.constant 48 : index
        %swap3A_201 = tpu.vector_load %arg14[%swap3A_199, %swap3A_200] {strides = array<i32>} : memref<128x128xf32, #tpu.memory_space<vmem>>, vector<1x16xf32>,
        %swap3A_202 = vector.shape_cast %swap3A_201 : vector<1x16xf32> to vector<16xf32>
        %swap3A_203 = vector.shape_cast %broadcast_in_dim3A_198 : vector<16xf32> to vector<1x16xf32>
        tpu.vector_store %arg14[%swap3A_199, %swap3A_200], %swap3A_203 {strides = array<i32>} : memref<128x128xf32, #tpu.memory_space<vmem>>, vector<1x16xf32>,
        %broadcast_in_dim3A_204 = arith.constant 0.000000e+00 : f32
        %broadcast_in_dim3A_205 = vector.broadcast %broadcast_in_dim3A_204 : f32 to vector<16xf32>
        %swap3A_206 = arith.index_cast %add3A_177 : i32 to index
        %swap3A_207 = arith.constant 64 : index
        %swap3A_208 = tpu.vector_load %arg14[%swap3A_206, %swap3A_207] {strides = array<i32>} : memref<128x128xf32, #tpu.memory_space<vmem>>, vector<1x16xf32>,
        %swap3A_209 = vector.shape_cast %swap3A_208 : vector<1x16xf32> to vector<16xf32>
        %swap3A_210 = vector.shape_cast %broadcast_in_dim3A_205 : vector<16xf32> to vector<1x16xf32>
        tpu.vector_store %arg14[%swap3A_206, %swap3A_207], %swap3A_210 {strides = array<i32>} : memref<128x128xf32, #tpu.memory_space<vmem>>, vector<1x16xf32>,
        %broadcast_in_dim3A_211 = arith.constant 0.000000e+00 : f32
        %broadcast_in_dim3A_212 = vector.broadcast %broadcast_in_dim3A_211 : f32 to vector<16xf32>
        %swap3A_213 = arith.index_cast %add3A_177 : i32 to index
        %swap3A_214 = arith.constant 80 : index
        %swap3A_215 = tpu.vector_load %arg14[%swap3A_213, %swap3A_214] {strides = array<i32>} : memref<128x128xf32, #tpu.memory_space<vmem>>, vector<1x16xf32>,
        %swap3A_216 = vector.shape_cast %swap3A_215 : vector<1x16xf32> to vector<16xf32>
        %swap3A_217 = vector.shape_cast %broadcast_in_dim3A_212 : vector<16xf32> to vector<1x16xf32>
        tpu.vector_store %arg14[%swap3A_213, %swap3A_214], %swap3A_217 {strides = array<i32>} : memref<128x128xf32, #tpu.memory_space<vmem>>, vector<1x16xf32>,
        %broadcast_in_dim3A_218 = arith.constant 0.000000e+00 : f32
        %broadcast_in_dim3A_219 = vector.broadcast %broadcast_in_dim3A_218 : f32 to vector<16xf32>
        %swap3A_220 = arith.index_cast %add3A_177 : i32 to index
        %swap3A_221 = arith.constant 96 : index
        %swap3A_222 = tpu.vector_load %arg14[%swap3A_220, %swap3A_221] {strides = array<i32>} : memref<128x128xf32, #tpu.memory_space<vmem>>, vector<1x16xf32>,
        %swap3A_223 = vector.shape_cast %swap3A_222 : vector<1x16xf32> to vector<16xf32>
        %swap3A_224 = vector.shape_cast %broadcast_in_dim3A_219 : vector<16xf32> to vector<1x16xf32>
        tpu.vector_store %arg14[%swap3A_220, %swap3A_221], %swap3A_224 {strides = array<i32>} : memref<128x128xf32, #tpu.memory_space<vmem>>, vector<1x16xf32>,
        %broadcast_in_dim3A_225 = arith.constant 0.000000e+00 : f32
        %broadcast_in_dim3A_226 = vector.broadcast %broadcast_in_dim3A_225 : f32 to vector<16xf32>
        %swap3A_227 = arith.index_cast %add3A_177 : i32 to index
        %swap3A_228 = arith.constant 112 : index
        %swap3A_229 = tpu.vector_load %arg14[%swap3A_227, %swap3A_228] {strides = array<i32>} : memref<128x128xf32, #tpu.memory_space<vmem>>, vector<1x16xf32>,
        %swap3A_230 = vector.shape_cast %swap3A_229 : vector<1x16xf32> to vector<16xf32>
        %swap3A_231 = vector.shape_cast %broadcast_in_dim3A_226 : vector<16xf32> to vector<1x16xf32>
        tpu.vector_store %arg14[%swap3A_227, %swap3A_228], %swap3A_231 {strides = array<i32>} : memref<128x128xf32, #tpu.memory_space<vmem>>, vector<1x16xf32>,
      }
      %scan3A_39 = arith.constant 128 : i32
      %mul3A_40 = arith.constant 640 : i32
      %mul3A_41 = arith.muli %arg1, %mul3A_40 : i32
      %add3A_42 = arith.constant 0 : i32
      %add3A_43 = arith.addi %mul3A_41, %add3A_42 : i32
      %dma_start3A_44 = arith.constant 0 : i32
      %dma_start3A_45 = arith.constant 0 : i32
      %dma_start3A_46 = tpu.memref_slice %arg14[%dma_start3A_44, %dma_start3A_45] : memref<128x128xf32, #tpu.memory_space<vmem>> -> memref<128x128xf32, #tpu.memory_space<vmem>>
      %dma_start3A_47 = arith.constant 0 : i32
      %dma_start3A_48 = tpu.memref_slice %arg16[%add3A_43, %dma_start3A_47] : memref<10240x128xf32, #tpu.memory_space<vmem_shared>> -> memref<128x128xf32, #tpu.memory_space<vmem_shared>>
      %dma_start3A_49 = arith.constant 0 : i32
      %dma_start3A_50 = tpu.memref_slice %arg16[%add3A_43, %dma_start3A_49] : memref<10240x128xf32, #tpu.memory_space<vmem_shared>> -> memref<128x128xf32, #tpu.memory_space<vmem_shared>>
      %dma_start3A_51 = arith.constant 0 : i32
      %dma_start3A_52 = arith.constant 0 : i32
      %dma_start3A_53 = tpu.memref_slice %arg14[%dma_start3A_51, %dma_start3A_52] : memref<128x128xf32, #tpu.memory_space<vmem>> -> memref<128x128xf32, #tpu.memory_space<vmem>>
      tpu.enqueue_dma source(%dma_start3A_53 : memref<128x128xf32, #tpu.memory_space<vmem>>) target(%dma_start3A_50 : memref<128x128xf32, #tpu.memory_space<vmem_shared>>) target_semaphore(%arg18 : memref<!tpu.dma_semaphore, #tpu.memory_space<semaphore_mem>>)
      %mul3A_54 = arith.constant 640 : i32
      %mul3A_55 = arith.muli %arg1, %mul3A_54 : i32
      %add3A_56 = arith.constant 128 : i32
      %add3A_57 = arith.addi %mul3A_55, %add3A_56 : i32
      %dma_start3A_58 = arith.constant 0 : i32
      %dma_start3A_59 = arith.constant 0 : i32
      %dma_start3A_60 = tpu.memref_slice %arg14[%dma_start3A_58, %dma_start3A_59] : memref<128x128xf32, #tpu.memory_space<vmem>> -> memref<128x128xf32, #tpu.memory_space<vmem>>
      %dma_start3A_61 = arith.constant 0 : i32
      %dma_start3A_62 = tpu.memref_slice %arg16[%add3A_57, %dma_start3A_61] : memref<10240x128xf32, #tpu.memory_space<vmem_shared>> -> memref<128x128xf32, #tpu.memory_space<vmem_shared>>
      %dma_start3A_63 = arith.constant 0 : i32
      %dma_start3A_64 = tpu.memref_slice %arg16[%add3A_57, %dma_start3A_63] : memref<10240x128xf32, #tpu.memory_space<vmem_shared>> -> memref<128x128xf32, #tpu.memory_space<vmem_shared>>
      %dma_start3A_65 = arith.constant 0 : i32
      %dma_start3A_66 = arith.constant 0 : i32
      %dma_start3A_67 = tpu.memref_slice %arg14[%dma_start3A_65, %dma_start3A_66] : memref<128x128xf32, #tpu.memory_space<vmem>> -> memref<128x128xf32, #tpu.memory_space<vmem>>
      tpu.enqueue_dma source(%dma_start3A_67 : memref<128x128xf32, #tpu.memory_space<vmem>>) target(%dma_start3A_64 : memref<128x128xf32, #tpu.memory_space<vmem_shared>>) target_semaphore(%arg18 : memref<!tpu.dma_semaphore, #tpu.memory_space<semaphore_mem>>)
      %mul3A_68 = arith.constant 640 : i32
      %mul3A_69 = arith.muli %arg1, %mul3A_68 : i32
      %add3A_70 = arith.constant 256 : i32
      %add3A_71 = arith.addi %mul3A_69, %add3A_70 : i32
      %dma_start3A_72 = arith.constant 0 : i32
      %dma_start3A_73 = arith.constant 0 : i32
      %dma_start3A_74 = tpu.memref_slice %arg14[%dma_start3A_72, %dma_start3A_73] : memref<128x128xf32, #tpu.memory_space<vmem>> -> memref<128x128xf32, #tpu.memory_space<vmem>>
      %dma_start3A_75 = arith.constant 0 : i32
      %dma_start3A_76 = tpu.memref_slice %arg16[%add3A_71, %dma_start3A_75] : memref<10240x128xf32, #tpu.memory_space<vmem_shared>> -> memref<128x128xf32, #tpu.memory_space<vmem_shared>>
      %dma_start3A_77 = arith.constant 0 : i32
      %dma_start3A_78 = tpu.memref_slice %arg16[%add3A_71, %dma_start3A_77] : memref<10240x128xf32, #tpu.memory_space<vmem_shared>> -> memref<128x128xf32, #tpu.memory_space<vmem_shared>>
      %dma_start3A_79 = arith.constant 0 : i32
      %dma_start3A_80 = arith.constant 0 : i32
      %dma_start3A_81 = tpu.memref_slice %arg14[%dma_start3A_79, %dma_start3A_80] : memref<128x128xf32, #tpu.memory_space<vmem>> -> memref<128x128xf32, #tpu.memory_space<vmem>>
      tpu.enqueue_dma source(%dma_start3A_81 : memref<128x128xf32, #tpu.memory_space<vmem>>) target(%dma_start3A_78 : memref<128x128xf32, #tpu.memory_space<vmem_shared>>) target_semaphore(%arg18 : memref<!tpu.dma_semaphore, #tpu.memory_space<semaphore_mem>>)
      %mul3A_82 = arith.constant 640 : i32
      %mul3A_83 = arith.muli %arg1, %mul3A_82 : i32
      %add3A_84 = arith.constant 384 : i32
      %add3A_85 = arith.addi %mul3A_83, %add3A_84 : i32
      %dma_start3A_86 = arith.constant 0 : i32
      %dma_start3A_87 = arith.constant 0 : i32
      %dma_start3A_88 = tpu.memref_slice %arg14[%dma_start3A_86, %dma_start3A_87] : memref<128x128xf32, #tpu.memory_space<vmem>> -> memref<128x128xf32, #tpu.memory_space<vmem>>
      %dma_start3A_89 = arith.constant 0 : i32
      %dma_start3A_90 = tpu.memref_slice %arg16[%add3A_85, %dma_start3A_89] : memref<10240x128xf32, #tpu.memory_space<vmem_shared>> -> memref<128x128xf32, #tpu.memory_space<vmem_shared>>
      %dma_start3A_91 = arith.constant 0 : i32
      %dma_start3A_92 = tpu.memref_slice %arg16[%add3A_85, %dma_start3A_91] : memref<10240x128xf32, #tpu.memory_space<vmem_shared>> -> memref<128x128xf32, #tpu.memory_space<vmem_shared>>
      %dma_start3A_93 = arith.constant 0 : i32
      %dma_start3A_94 = arith.constant 0 : i32
      %dma_start3A_95 = tpu.memref_slice %arg14[%dma_start3A_93, %dma_start3A_94] : memref<128x128xf32, #tpu.memory_space<vmem>> -> memref<128x128xf32, #tpu.memory_space<vmem>>
      tpu.enqueue_dma source(%dma_start3A_95 : memref<128x128xf32, #tpu.memory_space<vmem>>) target(%dma_start3A_92 : memref<128x128xf32, #tpu.memory_space<vmem_shared>>) target_semaphore(%arg18 : memref<!tpu.dma_semaphore, #tpu.memory_space<semaphore_mem>>)
      %mul3A_96 = arith.constant 640 : i32
      %mul3A_97 = arith.muli %arg1, %mul3A_96 : i32
      %add3A_98 = arith.constant 512 : i32
      %add3A_99 = arith.addi %mul3A_97, %add3A_98 : i32
      %dma_start3A_100 = arith.constant 0 : i32
      %dma_start3A_101 = arith.constant 0 : i32
      %dma_start3A_102 = tpu.memref_slice %arg14[%dma_start3A_100, %dma_start3A_101] : memref<128x128xf32, #tpu.memory_space<vmem>> -> memref<128x128xf32, #tpu.memory_space<vmem>>
      %dma_start3A_103 = arith.constant 0 : i32
      %dma_start3A_104 = tpu.memref_slice %arg16[%add3A_99, %dma_start3A_103] : memref<10240x128xf32, #tpu.memory_space<vmem_shared>> -> memref<128x128xf32, #tpu.memory_space<vmem_shared>>
      %dma_start3A_105 = arith.constant 0 : i32
      %dma_start3A_106 = tpu.memref_slice %arg16[%add3A_99, %dma_start3A_105] : memref<10240x128xf32, #tpu.memory_space<vmem_shared>> -> memref<128x128xf32, #tpu.memory_space<vmem_shared>>
      %dma_start3A_107 = arith.constant 0 : i32
      %dma_start3A_108 = arith.constant 0 : i32
      %dma_start3A_109 = tpu.memref_slice %arg14[%dma_start3A_107, %dma_start3A_108] : memref<128x128xf32, #tpu.memory_space<vmem>> -> memref<128x128xf32, #tpu.memory_space<vmem>>
      tpu.enqueue_dma source(%dma_start3A_109 : memref<128x128xf32, #tpu.memory_space<vmem>>) target(%dma_start3A_106 : memref<128x128xf32, #tpu.memory_space<vmem_shared>>) target_semaphore(%arg18 : memref<!tpu.dma_semaphore, #tpu.memory_space<semaphore_mem>>)
      %mul3A_110 = arith.constant 640 : i32
      %mul3A_111 = arith.muli %arg1, %mul3A_110 : i32
      %dma_wait3A = arith.constant 0 : i32
      %dma_wait3A_112 = arith.constant 0 : i32
      %dma_wait3A_113 = tpu.memref_slice %arg14[%dma_wait3A, %dma_wait3A_112] : memref<128x128xf32, #tpu.memory_space<vmem>> -> memref<128x128xf32, #tpu.memory_space<vmem>>
      %dma_wait3A_114 = arith.constant 0 : i32
      %dma_wait3A_115 = tpu.memref_slice %arg16[%mul3A_111, %dma_wait3A_114] : memref<10240x128xf32, #tpu.memory_space<vmem_shared>> -> memref<128x128xf32, #tpu.memory_space<vmem_shared>>
      %dma_wait3A_116 = arith.constant 0 : i32
      %dma_wait3A_117 = tpu.memref_slice %arg16[%mul3A_111, %dma_wait3A_116] : memref<10240x128xf32, #tpu.memory_space<vmem_shared>> -> memref<128x128xf32, #tpu.memory_space<vmem_shared>>
      %dma_wait3A_118 = arith.constant 0 : i32
      %dma_wait3A_119 = arith.constant 0 : i32
      %dma_wait3A_120 = tpu.memref_slice %arg14[%dma_wait3A_118, %dma_wait3A_119] : memref<128x128xf32, #tpu.memory_space<vmem>> -> memref<128x128xf32, #tpu.memory_space<vmem>>
      tpu.wait_dma2 semaphore(%arg18 : memref<!tpu.dma_semaphore, #tpu.memory_space<semaphore_mem>>) src(%dma_wait3A_120 : memref<128x128xf32, #tpu.memory_space<vmem>>) dst(%dma_wait3A_117 : memref<128x128xf32, #tpu.memory_space<vmem_shared>>)
      %mul3A_121 = arith.constant 640 : i32
      %mul3A_122 = arith.muli %arg1, %mul3A_121 : i32
      %dma_wait3A_123 = arith.constant 0 : i32
      %dma_wait3A_124 = arith.constant 0 : i32
      %dma_wait3A_125 = tpu.memref_slice %arg14[%dma_wait3A_123, %dma_wait3A_124] : memref<128x128xf32, #tpu.memory_space<vmem>> -> memref<128x128xf32, #tpu.memory_space<vmem>>
      %dma_wait3A_126 = arith.constant 0 : i32
      %dma_wait3A_127 = tpu.memref_slice %arg16[%mul3A_122, %dma_wait3A_126] : memref<10240x128xf32, #tpu.memory_space<vmem_shared>> -> memref<128x128xf32, #tpu.memory_space<vmem_shared>>
      %dma_wait3A_128 = arith.constant 0 : i32
      %dma_wait3A_129 = tpu.memref_slice %arg16[%mul3A_122, %dma_wait3A_128] : memref<10240x128xf32, #tpu.memory_space<vmem_shared>> -> memref<128x128xf32, #tpu.memory_space<vmem_shared>>
      %dma_wait3A_130 = arith.constant 0 : i32
      %dma_wait3A_131 = arith.constant 0 : i32
      %dma_wait3A_132 = tpu.memref_slice %arg14[%dma_wait3A_130, %dma_wait3A_131] : memref<128x128xf32, #tpu.memory_space<vmem>> -> memref<128x128xf32, #tpu.memory_space<vmem>>
      tpu.wait_dma2 semaphore(%arg18 : memref<!tpu.dma_semaphore, #tpu.memory_space<semaphore_mem>>) src(%dma_wait3A_132 : memref<128x128xf32, #tpu.memory_space<vmem>>) dst(%dma_wait3A_129 : memref<128x128xf32, #tpu.memory_space<vmem_shared>>)
      %mul3A_133 = arith.constant 640 : i32
      %mul3A_134 = arith.muli %arg1, %mul3A_133 : i32
      %dma_wait3A_135 = arith.constant 0 : i32
      %dma_wait3A_136 = arith.constant 0 : i32
      %dma_wait3A_137 = tpu.memref_slice %arg14[%dma_wait3A_135, %dma_wait3A_136] : memref<128x128xf32, #tpu.memory_space<vmem>> -> memref<128x128xf32, #tpu.memory_space<vmem>>
      %dma_wait3A_138 = arith.constant 0 : i32
      %dma_wait3A_139 = tpu.memref_slice %arg16[%mul3A_134, %dma_wait3A_138] : memref<10240x128xf32, #tpu.memory_space<vmem_shared>> -> memref<128x128xf32, #tpu.memory_space<vmem_shared>>
      %dma_wait3A_140 = arith.constant 0 : i32
      %dma_wait3A_141 = tpu.memref_slice %arg16[%mul3A_134, %dma_wait3A_140] : memref<10240x128xf32, #tpu.memory_space<vmem_shared>> -> memref<128x128xf32, #tpu.memory_space<vmem_shared>>
      %dma_wait3A_142 = arith.constant 0 : i32
      %dma_wait3A_143 = arith.constant 0 : i32
      %dma_wait3A_144 = tpu.memref_slice %arg14[%dma_wait3A_142, %dma_wait3A_143] : memref<128x128xf32, #tpu.memory_space<vmem>> -> memref<128x128xf32, #tpu.memory_space<vmem>>
      tpu.wait_dma2 semaphore(%arg18 : memref<!tpu.dma_semaphore, #tpu.memory_space<semaphore_mem>>) src(%dma_wait3A_144 : memref<128x128xf32, #tpu.memory_space<vmem>>) dst(%dma_wait3A_141 : memref<128x128xf32, #tpu.memory_space<vmem_shared>>)
      %mul3A_145 = arith.constant 640 : i32
      %mul3A_146 = arith.muli %arg1, %mul3A_145 : i32
      %dma_wait3A_147 = arith.constant 0 : i32
      %dma_wait3A_148 = arith.constant 0 : i32
      %dma_wait3A_149 = tpu.memref_slice %arg14[%dma_wait3A_147, %dma_wait3A_148] : memref<128x128xf32, #tpu.memory_space<vmem>> -> memref<128x128xf32, #tpu.memory_space<vmem>>
      %dma_wait3A_150 = arith.constant 0 : i32
      %dma_wait3A_151 = tpu.memref_slice %arg16[%mul3A_146, %dma_wait3A_150] : memref<10240x128xf32, #tpu.memory_space<vmem_shared>> -> memref<128x128xf32, #tpu.memory_space<vmem_shared>>
      %dma_wait3A_152 = arith.constant 0 : i32
      %dma_wait3A_153 = tpu.memref_slice %arg16[%mul3A_146, %dma_wait3A_152] : memref<10240x128xf32, #tpu.memory_space<vmem_shared>> -> memref<128x128xf32, #tpu.memory_space<vmem_shared>>
      %dma_wait3A_154 = arith.constant 0 : i32
      %dma_wait3A_155 = arith.constant 0 : i32
      %dma_wait3A_156 = tpu.memref_slice %arg14[%dma_wait3A_154, %dma_wait3A_155] : memref<128x128xf32, #tpu.memory_space<vmem>> -> memref<128x128xf32, #tpu.memory_space<vmem>>
      tpu.wait_dma2 semaphore(%arg18 : memref<!tpu.dma_semaphore, #tpu.memory_space<semaphore_mem>>) src(%dma_wait3A_156 : memref<128x128xf32, #tpu.memory_space<vmem>>) dst(%dma_wait3A_153 : memref<128x128xf32, #tpu.memory_space<vmem_shared>>)
      %mul3A_157 = arith.constant 640 : i32
      %mul3A_158 = arith.muli %arg1, %mul3A_157 : i32
      %dma_wait3A_159 = arith.constant 0 : i32
      %dma_wait3A_160 = arith.constant 0 : i32
      %dma_wait3A_161 = tpu.memref_slice %arg14[%dma_wait3A_159, %dma_wait3A_160] : memref<128x128xf32, #tpu.memory_space<vmem>> -> memref<128x128xf32, #tpu.memory_space<vmem>>
      %dma_wait3A_162 = arith.constant 0 : i32
      %dma_wait3A_163 = tpu.memref_slice %arg16[%mul3A_158, %dma_wait3A_162] : memref<10240x128xf32, #tpu.memory_space<vmem_shared>> -> memref<128x128xf32, #tpu.memory_space<vmem_shared>>
      %dma_wait3A_164 = arith.constant 0 : i32
      %dma_wait3A_165 = tpu.memref_slice %arg16[%mul3A_158, %dma_wait3A_164] : memref<10240x128xf32, #tpu.memory_space<vmem_shared>> -> memref<128x128xf32, #tpu.memory_space<vmem_shared>>
      %dma_wait3A_166 = arith.constant 0 : i32
      %dma_wait3A_167 = arith.constant 0 : i32
      %dma_wait3A_168 = tpu.memref_slice %arg14[%dma_wait3A_166, %dma_wait3A_167] : memref<128x128xf32, #tpu.memory_space<vmem>> -> memref<128x128xf32, #tpu.memory_space<vmem>>
      tpu.wait_dma2 semaphore(%arg18 : memref<!tpu.dma_semaphore, #tpu.memory_space<semaphore_mem>>) src(%dma_wait3A_168 : memref<128x128xf32, #tpu.memory_space<vmem>>) dst(%dma_wait3A_165 : memref<128x128xf32, #tpu.memory_space<vmem_shared>>)
      %dma_wait3A_169 = tpu.memref_slice %arg3[%mul3A_0] : memref<327680xi32, #tpu.memory_space<hbm>> -> memref<128xi32, #tpu.memory_space<hbm>>
      %dma_wait3A_170 = tpu.memref_slice %arg3[%mul3A_0] : memref<327680xi32, #tpu.memory_space<hbm>> -> memref<128xi32, #tpu.memory_space<hbm>>
      tpu.wait_dma2 semaphore(%arg17 : memref<!tpu.dma_semaphore, #tpu.memory_space<semaphore_mem>>) src(%dma_wait3A_170 : memref<128xi32, #tpu.memory_space<hbm>>) dst(%arg6 : memref<128xi32, #tpu.memory_space<vmem>>)
      %dma_wait3A_171 = tpu.memref_slice %arg4[%mul3A_0] : memref<327680xi32, #tpu.memory_space<hbm>> -> memref<128xi32, #tpu.memory_space<hbm>>
      %dma_wait3A_172 = tpu.memref_slice %arg4[%mul3A_0] : memref<327680xi32, #tpu.memory_space<hbm>> -> memref<128xi32, #tpu.memory_space<hbm>>
      tpu.wait_dma2 semaphore(%arg17 : memref<!tpu.dma_semaphore, #tpu.memory_space<semaphore_mem>>) src(%dma_wait3A_172 : memref<128xi32, #tpu.memory_space<hbm>>) dst(%arg10 : memref<128xi32, #tpu.memory_space<vmem>>)
    } else {
    }
    %barrier3A = arith.constant 0 : index
    tpu.barrier barrier_id(%barrier3A)
    %eq3A_3 = arith.constant 1 : i32
    %eq3A_4 = arith.cmpi eq, %arg0, %eq3A_3 : i32
    %convert_element_type3A_5 = arith.extui %eq3A_4 : i1 to i32
    %cond3A_6 = arith.constant 0 : i32
    %cond3A_7 = arith.cmpi ne, %convert_element_type3A_5, %cond3A_6 : i32
    scf.if %cond3A_7 {
      %dma_start3A = arith.constant 0 : i32
      %dma_start3A_14 = arith.constant 0 : i32
      %dma_start3A_15 = tpu.memref_slice %arg2[%dma_start3A, %dma_start3A_14] : memref<10000x128xf32, #tpu.memory_space<hbm>> -> memref<10000x128xf32, #tpu.memory_space<hbm>>
      tpu.enqueue_indirect_dma source(%dma_start3A_15 : memref<10000x128xf32, #tpu.memory_space<hbm>>) target(%arg14 : memref<128x128xf32, #tpu.memory_space<vmem>>) offsets(%arg6 : memref<128xi32, #tpu.memory_space<vmem>>) semaphore(%arg18 : memref<!tpu.dma_semaphore, #tpu.memory_space<semaphore_mem>>)
      %scan3A = arith.constant 0 : i32
      %scan3A_16 = arith.constant 40 : i32
      %scan3A_17 = arith.addi %scan3A, %scan3A_16 : i32
      %scan3A_18 = arith.constant 1 : i32
      scf.for %scan3A_22 = %scan3A to %scan3A_17 step %scan3A_18  : i32 {
        %mul3A_23 = arith.constant 1 : i32
        %mul3A_24 = arith.muli %scan3A_22, %mul3A_23 : i32
        %add3A = arith.constant 0 : i32
        %add3A_25 = arith.addi %add3A, %mul3A_24 : i32
        %mul3A_26 = arith.constant 4 : i32
        %mul3A_27 = arith.muli %add3A_25, %mul3A_26 : i32
        %add3A_28 = arith.constant 0 : i32
        %add3A_29 = arith.addi %mul3A_27, %add3A_28 : i32
        %dma_wait3A_30 = arith.constant 0 : i32
        %dma_wait3A_31 = arith.constant 0 : i32
        %dma_wait3A_32 = tpu.memref_slice %arg2[%dma_wait3A_30, %dma_wait3A_31] : memref<10000x128xf32, #tpu.memory_space<hbm>> -> memref<10000x128xf32, #tpu.memory_space<hbm>>
        tpu.wait_indirect_dma semaphore(%arg18 : memref<!tpu.dma_semaphore, #tpu.memory_space<semaphore_mem>>) src(%dma_wait3A_32 : memref<10000x128xf32, #tpu.memory_space<hbm>>) dst(%arg14 : memref<128x128xf32, #tpu.memory_space<vmem>>)
        %dma_start3A_33 = arith.constant 0 : i32
        %dma_start3A_34 = arith.constant 0 : i32
        %dma_start3A_35 = tpu.memref_slice %arg16[%dma_start3A_33, %dma_start3A_34] : memref<10240x128xf32, #tpu.memory_space<vmem_shared>> -> memref<10240x128xf32, #tpu.memory_space<vmem_shared>>
        tpu.enqueue_indirect_dma source(%arg14 : memref<128x128xf32, #tpu.memory_space<vmem>>) target(%dma_start3A_35 : memref<10240x128xf32, #tpu.memory_space<vmem_shared>>) offsets(%arg10 : memref<128xi32, #tpu.memory_space<vmem>>) semaphore(%arg19 : memref<!tpu.dma_semaphore, #tpu.memory_space<semaphore_mem>>) {add = true}
        %gt3A = arith.constant 0 : i32
        %gt3A_36 = arith.cmpi sgt, %add3A_25, %gt3A : i32
        %convert_element_type3A_37 = arith.extui %gt3A_36 : i1 to i32
        %cond3A_38 = arith.constant 0 : i32
        %cond3A_39 = arith.cmpi ne, %convert_element_type3A_37, %cond3A_38 : i32
        scf.if %cond3A_39 {
          %dma_wait3A_131 = arith.constant 0 : i32
          %dma_wait3A_132 = arith.constant 0 : i32
          %dma_wait3A_133 = tpu.memref_slice %arg16[%dma_wait3A_131, %dma_wait3A_132] : memref<10240x128xf32, #tpu.memory_space<vmem_shared>> -> memref<10240x128xf32, #tpu.memory_space<vmem_shared>>
          tpu.wait_indirect_dma semaphore(%arg19 : memref<!tpu.dma_semaphore, #tpu.memory_space<semaphore_mem>>) src(%arg15 : memref<128x128xf32, #tpu.memory_space<vmem>>) dst(%dma_wait3A_133 : memref<10240x128xf32, #tpu.memory_space<vmem_shared>>)
        } else {
        }
        %dma_wait3A_40 = tpu.memref_slice %arg3[%mul3A_0] : memref<327680xi32, #tpu.memory_space<hbm>> -> memref<128xi32, #tpu.memory_space<hbm>>
        %dma_wait3A_41 = tpu.memref_slice %arg3[%mul3A_0] : memref<327680xi32, #tpu.memory_space<hbm>> -> memref<128xi32, #tpu.memory_space<hbm>>
        tpu.wait_dma2 semaphore(%arg17 : memref<!tpu.dma_semaphore, #tpu.memory_space<semaphore_mem>>) src(%dma_wait3A_41 : memref<128xi32, #tpu.memory_space<hbm>>) dst(%arg7 : memref<128xi32, #tpu.memory_space<vmem>>)
        %dma_wait3A_42 = tpu.memref_slice %arg4[%mul3A_0] : memref<327680xi32, #tpu.memory_space<hbm>> -> memref<128xi32, #tpu.memory_space<hbm>>
        %dma_wait3A_43 = tpu.memref_slice %arg4[%mul3A_0] : memref<327680xi32, #tpu.memory_space<hbm>> -> memref<128xi32, #tpu.memory_space<hbm>>
        tpu.wait_dma2 semaphore(%arg17 : memref<!tpu.dma_semaphore, #tpu.memory_space<semaphore_mem>>) src(%dma_wait3A_43 : memref<128xi32, #tpu.memory_space<hbm>>) dst(%arg11 : memref<128xi32, #tpu.memory_space<vmem>>)
        %dma_start3A_44 = arith.constant 0 : i32
        %dma_start3A_45 = arith.constant 0 : i32
        %dma_start3A_46 = tpu.memref_slice %arg2[%dma_start3A_44, %dma_start3A_45] : memref<10000x128xf32, #tpu.memory_space<hbm>> -> memref<10000x128xf32, #tpu.memory_space<hbm>>
        tpu.enqueue_indirect_dma source(%dma_start3A_46 : memref<10000x128xf32, #tpu.memory_space<hbm>>) target(%arg15 : memref<128x128xf32, #tpu.memory_space<vmem>>) offsets(%arg7 : memref<128xi32, #tpu.memory_space<vmem>>) semaphore(%arg18 : memref<!tpu.dma_semaphore, #tpu.memory_space<semaphore_mem>>)
        %add3A_47 = arith.constant 3 : i32
        %add3A_48 = arith.addi %add3A_29, %add3A_47 : i32
        %mul3A_49 = arith.constant 128 : i32
        %mul3A_50 = arith.muli %add3A_48, %mul3A_49 : i32
        %add3A_51 = arith.addi %mul3A_0, %mul3A_50 : i32
        %dma_start3A_52 = tpu.memref_slice %arg3[%add3A_51] : memref<327680xi32, #tpu.memory_space<hbm>> -> memref<128xi32, #tpu.memory_space<hbm>>
        %dma_start3A_53 = tpu.memref_slice %arg3[%add3A_51] : memref<327680xi32, #tpu.memory_space<hbm>> -> memref<128xi32, #tpu.memory_space<hbm>>
        tpu.enqueue_dma source(%dma_start3A_53 : memref<128xi32, #tpu.memory_space<hbm>>) target(%arg9 : memref<128xi32, #tpu.memory_space<vmem>>) target_semaphore(%arg17 : memref<!tpu.dma_semaphore, #tpu.memory_space<semaphore_mem>>)
        %mul3A_54 = arith.constant 128 : i32
        %mul3A_55 = arith.muli %add3A_48, %mul3A_54 : i32
        %add3A_56 = arith.addi %mul3A_0, %mul3A_55 : i32
        %dma_start3A_57 = tpu.memref_slice %arg4[%add3A_56] : memref<327680xi32, #tpu.memory_space<hbm>> -> memref<128xi32, #tpu.memory_space<hbm>>
        %dma_start3A_58 = tpu.memref_slice %arg4[%add3A_56] : memref<327680xi32, #tpu.memory_space<hbm>> -> memref<128xi32, #tpu.memory_space<hbm>>
        tpu.enqueue_dma source(%dma_start3A_58 : memref<128xi32, #tpu.memory_space<hbm>>) target(%arg13 : memref<128xi32, #tpu.memory_space<vmem>>) target_semaphore(%arg17 : memref<!tpu.dma_semaphore, #tpu.memory_space<semaphore_mem>>)
        %mul3A_59 = arith.constant 4 : i32
        %mul3A_60 = arith.muli %add3A_25, %mul3A_59 : i32
        %add3A_61 = arith.constant 1 : i32
        %add3A_62 = arith.addi %mul3A_60, %add3A_61 : i32
        %dma_wait3A_63 = arith.constant 0 : i32
        %dma_wait3A_64 = arith.constant 0 : i32
        %dma_wait3A_65 = tpu.memref_slice %arg2[%dma_wait3A_63, %dma_wait3A_64] : memref<10000x128xf32, #tpu.memory_space<hbm>> -> memref<10000x128xf32, #tpu.memory_space<hbm>>
        tpu.wait_indirect_dma semaphore(%arg18 : memref<!tpu.dma_semaphore, #tpu.memory_space<semaphore_mem>>) src(%dma_wait3A_65 : memref<10000x128xf32, #tpu.memory_space<hbm>>) dst(%arg15 : memref<128x128xf32, #tpu.memory_space<vmem>>)
        %dma_start3A_66 = arith.constant 0 : i32
        %dma_start3A_67 = arith.constant 0 : i32
        %dma_start3A_68 = tpu.memref_slice %arg16[%dma_start3A_66, %dma_start3A_67] : memref<10240x128xf32, #tpu.memory_space<vmem_shared>> -> memref<10240x128xf32, #tpu.memory_space<vmem_shared>>
        tpu.enqueue_indirect_dma source(%arg15 : memref<128x128xf32, #tpu.memory_space<vmem>>) target(%dma_start3A_68 : memref<10240x128xf32, #tpu.memory_space<vmem_shared>>) offsets(%arg11 : memref<128xi32, #tpu.memory_space<vmem>>) semaphore(%arg19 : memref<!tpu.dma_semaphore, #tpu.memory_space<semaphore_mem>>) {add = true}
        %dma_wait3A_69 = arith.constant 0 : i32
        %dma_wait3A_70 = arith.constant 0 : i32
        %dma_wait3A_71 = tpu.memref_slice %arg16[%dma_wait3A_69, %dma_wait3A_70] : memref<10240x128xf32, #tpu.memory_space<vmem_shared>> -> memref<10240x128xf32, #tpu.memory_space<vmem_shared>>
        tpu.wait_indirect_dma semaphore(%arg19 : memref<!tpu.dma_semaphore, #tpu.memory_space<semaphore_mem>>) src(%arg14 : memref<128x128xf32, #tpu.memory_space<vmem>>) dst(%dma_wait3A_71 : memref<10240x128xf32, #tpu.memory_space<vmem_shared>>)
        %dma_wait3A_72 = tpu.memref_slice %arg3[%mul3A_0] : memref<327680xi32, #tpu.memory_space<hbm>> -> memref<128xi32, #tpu.memory_space<hbm>>
        %dma_wait3A_73 = tpu.memref_slice %arg3[%mul3A_0] : memref<327680xi32, #tpu.memory_space<hbm>> -> memref<128xi32, #tpu.memory_space<hbm>>
        tpu.wait_dma2 semaphore(%arg17 : memref<!tpu.dma_semaphore, #tpu.memory_space<semaphore_mem>>) src(%dma_wait3A_73 : memref<128xi32, #tpu.memory_space<hbm>>) dst(%arg8 : memref<128xi32, #tpu.memory_space<vmem>>)
        %dma_wait3A_74 = tpu.memref_slice %arg4[%mul3A_0] : memref<327680xi32, #tpu.memory_space<hbm>> -> memref<128xi32, #tpu.memory_space<hbm>>
        %dma_wait3A_75 = tpu.memref_slice %arg4[%mul3A_0] : memref<327680xi32, #tpu.memory_space<hbm>> -> memref<128xi32, #tpu.memory_space<hbm>>
        tpu.wait_dma2 semaphore(%arg17 : memref<!tpu.dma_semaphore, #tpu.memory_space<semaphore_mem>>) src(%dma_wait3A_75 : memref<128xi32, #tpu.memory_space<hbm>>) dst(%arg12 : memref<128xi32, #tpu.memory_space<vmem>>)
        %dma_start3A_76 = arith.constant 0 : i32
        %dma_start3A_77 = arith.constant 0 : i32
        %dma_start3A_78 = tpu.memref_slice %arg2[%dma_start3A_76, %dma_start3A_77] : memref<10000x128xf32, #tpu.memory_space<hbm>> -> memref<10000x128xf32, #tpu.memory_space<hbm>>
        tpu.enqueue_indirect_dma source(%dma_start3A_78 : memref<10000x128xf32, #tpu.memory_space<hbm>>) target(%arg14 : memref<128x128xf32, #tpu.memory_space<vmem>>) offsets(%arg8 : memref<128xi32, #tpu.memory_space<vmem>>) semaphore(%arg18 : memref<!tpu.dma_semaphore, #tpu.memory_space<semaphore_mem>>)
        %lt3A = arith.constant 39 : i32
        %lt3A_79 = arith.cmpi slt, %add3A_25, %lt3A : i32
        %convert_element_type3A_80 = arith.extui %lt3A_79 : i1 to i32
        %cond3A_81 = arith.constant 0 : i32
        %cond3A_82 = arith.cmpi ne, %convert_element_type3A_80, %cond3A_81 : i32
        scf.if %cond3A_82 {
          %add3A_131 = arith.constant 3 : i32
          %add3A_132 = arith.addi %add3A_62, %add3A_131 : i32
          %mul3A_133 = arith.constant 128 : i32
          %mul3A_134 = arith.muli %add3A_132, %mul3A_133 : i32
          %add3A_135 = arith.addi %mul3A_0, %mul3A_134 : i32
          %dma_start3A_136 = tpu.memref_slice %arg3[%add3A_135] : memref<327680xi32, #tpu.memory_space<hbm>> -> memref<128xi32, #tpu.memory_space<hbm>>
          %dma_start3A_137 = tpu.memref_slice %arg3[%add3A_135] : memref<327680xi32, #tpu.memory_space<hbm>> -> memref<128xi32, #tpu.memory_space<hbm>>
          tpu.enqueue_dma source(%dma_start3A_137 : memref<128xi32, #tpu.memory_space<hbm>>) target(%arg6 : memref<128xi32, #tpu.memory_space<vmem>>) target_semaphore(%arg17 : memref<!tpu.dma_semaphore, #tpu.memory_space<semaphore_mem>>)
          %mul3A_138 = arith.constant 128 : i32
          %mul3A_139 = arith.muli %add3A_132, %mul3A_138 : i32
          %add3A_140 = arith.addi %mul3A_0, %mul3A_139 : i32
          %dma_start3A_141 = tpu.memref_slice %arg4[%add3A_140] : memref<327680xi32, #tpu.memory_space<hbm>> -> memref<128xi32, #tpu.memory_space<hbm>>
          %dma_start3A_142 = tpu.memref_slice %arg4[%add3A_140] : memref<327680xi32, #tpu.memory_space<hbm>> -> memref<128xi32, #tpu.memory_space<hbm>>
          tpu.enqueue_dma source(%dma_start3A_142 : memref<128xi32, #tpu.memory_space<hbm>>) target(%arg10 : memref<128xi32, #tpu.memory_space<vmem>>) target_semaphore(%arg17 : memref<!tpu.dma_semaphore, #tpu.memory_space<semaphore_mem>>)
        } else {
        }
        %mul3A_83 = arith.constant 4 : i32
        %mul3A_84 = arith.muli %add3A_25, %mul3A_83 : i32
        %add3A_85 = arith.constant 2 : i32
        %add3A_86 = arith.addi %mul3A_84, %add3A_85 : i32
        %dma_wait3A_87 = arith.constant 0 : i32
        %dma_wait3A_88 = arith.constant 0 : i32
        %dma_wait3A_89 = tpu.memref_slice %arg2[%dma_wait3A_87, %dma_wait3A_88] : memref<10000x128xf32, #tpu.memory_space<hbm>> -> memref<10000x128xf32, #tpu.memory_space<hbm>>
        tpu.wait_indirect_dma semaphore(%arg18 : memref<!tpu.dma_semaphore, #tpu.memory_space<semaphore_mem>>) src(%dma_wait3A_89 : memref<10000x128xf32, #tpu.memory_space<hbm>>) dst(%arg14 : memref<128x128xf32, #tpu.memory_space<vmem>>)
        %dma_start3A_90 = arith.constant 0 : i32
        %dma_start3A_91 = arith.constant 0 : i32
        %dma_start3A_92 = tpu.memref_slice %arg16[%dma_start3A_90, %dma_start3A_91] : memref<10240x128xf32, #tpu.memory_space<vmem_shared>> -> memref<10240x128xf32, #tpu.memory_space<vmem_shared>>
        tpu.enqueue_indirect_dma source(%arg14 : memref<128x128xf32, #tpu.memory_space<vmem>>) target(%dma_start3A_92 : memref<10240x128xf32, #tpu.memory_space<vmem_shared>>) offsets(%arg12 : memref<128xi32, #tpu.memory_space<vmem>>) semaphore(%arg19 : memref<!tpu.dma_semaphore, #tpu.memory_space<semaphore_mem>>) {add = true}
        %dma_wait3A_93 = arith.constant 0 : i32
        %dma_wait3A_94 = arith.constant 0 : i32
        %dma_wait3A_95 = tpu.memref_slice %arg16[%dma_wait3A_93, %dma_wait3A_94] : memref<10240x128xf32, #tpu.memory_space<vmem_shared>> -> memref<10240x128xf32, #tpu.memory_space<vmem_shared>>
        tpu.wait_indirect_dma semaphore(%arg19 : memref<!tpu.dma_semaphore, #tpu.memory_space<semaphore_mem>>) src(%arg15 : memref<128x128xf32, #tpu.memory_space<vmem>>) dst(%dma_wait3A_95 : memref<10240x128xf32, #tpu.memory_space<vmem_shared>>)
        %dma_wait3A_96 = tpu.memref_slice %arg3[%mul3A_0] : memref<327680xi32, #tpu.memory_space<hbm>> -> memref<128xi32, #tpu.memory_space<hbm>>
        %dma_wait3A_97 = tpu.memref_slice %arg3[%mul3A_0] : memref<327680xi32, #tpu.memory_space<hbm>> -> memref<128xi32, #tpu.memory_space<hbm>>
        tpu.wait_dma2 semaphore(%arg17 : memref<!tpu.dma_semaphore, #tpu.memory_space<semaphore_mem>>) src(%dma_wait3A_97 : memref<128xi32, #tpu.memory_space<hbm>>) dst(%arg9 : memref<128xi32, #tpu.memory_space<vmem>>)
        %dma_wait3A_98 = tpu.memref_slice %arg4[%mul3A_0] : memref<327680xi32, #tpu.memory_space<hbm>> -> memref<128xi32, #tpu.memory_space<hbm>>
        %dma_wait3A_99 = tpu.memref_slice %arg4[%mul3A_0] : memref<327680xi32, #tpu.memory_space<hbm>> -> memref<128xi32, #tpu.memory_space<hbm>>
        tpu.wait_dma2 semaphore(%arg17 : memref<!tpu.dma_semaphore, #tpu.memory_space<semaphore_mem>>) src(%dma_wait3A_99 : memref<128xi32, #tpu.memory_space<hbm>>) dst(%arg13 : memref<128xi32, #tpu.memory_space<vmem>>)
        %dma_start3A_100 = arith.constant 0 : i32
        %dma_start3A_101 = arith.constant 0 : i32
        %dma_start3A_102 = tpu.memref_slice %arg2[%dma_start3A_100, %dma_start3A_101] : memref<10000x128xf32, #tpu.memory_space<hbm>> -> memref<10000x128xf32, #tpu.memory_space<hbm>>
        tpu.enqueue_indirect_dma source(%dma_start3A_102 : memref<10000x128xf32, #tpu.memory_space<hbm>>) target(%arg15 : memref<128x128xf32, #tpu.memory_space<vmem>>) offsets(%arg9 : memref<128xi32, #tpu.memory_space<vmem>>) semaphore(%arg18 : memref<!tpu.dma_semaphore, #tpu.memory_space<semaphore_mem>>)
        %lt3A_103 = arith.constant 39 : i32
        %lt3A_104 = arith.cmpi slt, %add3A_25, %lt3A_103 : i32
        %convert_element_type3A_105 = arith.extui %lt3A_104 : i1 to i32
        %cond3A_106 = arith.constant 0 : i32
        %cond3A_107 = arith.cmpi ne, %convert_element_type3A_105, %cond3A_106 : i32
        scf.if %cond3A_107 {
          %add3A_131 = arith.constant 3 : i32
          %add3A_132 = arith.addi %add3A_86, %add3A_131 : i32
          %mul3A_133 = arith.constant 128 : i32
          %mul3A_134 = arith.muli %add3A_132, %mul3A_133 : i32
          %add3A_135 = arith.addi %mul3A_0, %mul3A_134 : i32
          %dma_start3A_136 = tpu.memref_slice %arg3[%add3A_135] : memref<327680xi32, #tpu.memory_space<hbm>> -> memref<128xi32, #tpu.memory_space<hbm>>
          %dma_start3A_137 = tpu.memref_slice %arg3[%add3A_135] : memref<327680xi32, #tpu.memory_space<hbm>> -> memref<128xi32, #tpu.memory_space<hbm>>
          tpu.enqueue_dma source(%dma_start3A_137 : memref<128xi32, #tpu.memory_space<hbm>>) target(%arg7 : memref<128xi32, #tpu.memory_space<vmem>>) target_semaphore(%arg17 : memref<!tpu.dma_semaphore, #tpu.memory_space<semaphore_mem>>)
          %mul3A_138 = arith.constant 128 : i32
          %mul3A_139 = arith.muli %add3A_132, %mul3A_138 : i32
          %add3A_140 = arith.addi %mul3A_0, %mul3A_139 : i32
          %dma_start3A_141 = tpu.memref_slice %arg4[%add3A_140] : memref<327680xi32, #tpu.memory_space<hbm>> -> memref<128xi32, #tpu.memory_space<hbm>>
          %dma_start3A_142 = tpu.memref_slice %arg4[%add3A_140] : memref<327680xi32, #tpu.memory_space<hbm>> -> memref<128xi32, #tpu.memory_space<hbm>>
          tpu.enqueue_dma source(%dma_start3A_142 : memref<128xi32, #tpu.memory_space<hbm>>) target(%arg11 : memref<128xi32, #tpu.memory_space<vmem>>) target_semaphore(%arg17 : memref<!tpu.dma_semaphore, #tpu.memory_space<semaphore_mem>>)
        } else {
        }
        %mul3A_108 = arith.constant 4 : i32
        %mul3A_109 = arith.muli %add3A_25, %mul3A_108 : i32
        %add3A_110 = arith.constant 3 : i32
        %add3A_111 = arith.addi %mul3A_109, %add3A_110 : i32
        %dma_wait3A_112 = arith.constant 0 : i32
        %dma_wait3A_113 = arith.constant 0 : i32
        %dma_wait3A_114 = tpu.memref_slice %arg2[%dma_wait3A_112, %dma_wait3A_113] : memref<10000x128xf32, #tpu.memory_space<hbm>> -> memref<10000x128xf32, #tpu.memory_space<hbm>>
        tpu.wait_indirect_dma semaphore(%arg18 : memref<!tpu.dma_semaphore, #tpu.memory_space<semaphore_mem>>) src(%dma_wait3A_114 : memref<10000x128xf32, #tpu.memory_space<hbm>>) dst(%arg15 : memref<128x128xf32, #tpu.memory_space<vmem>>)
        %dma_start3A_115 = arith.constant 0 : i32
        %dma_start3A_116 = arith.constant 0 : i32
        %dma_start3A_117 = tpu.memref_slice %arg16[%dma_start3A_115, %dma_start3A_116] : memref<10240x128xf32, #tpu.memory_space<vmem_shared>> -> memref<10240x128xf32, #tpu.memory_space<vmem_shared>>
        tpu.enqueue_indirect_dma source(%arg15 : memref<128x128xf32, #tpu.memory_space<vmem>>) target(%dma_start3A_117 : memref<10240x128xf32, #tpu.memory_space<vmem_shared>>) offsets(%arg13 : memref<128xi32, #tpu.memory_space<vmem>>) semaphore(%arg19 : memref<!tpu.dma_semaphore, #tpu.memory_space<semaphore_mem>>) {add = true}
        %dma_wait3A_118 = arith.constant 0 : i32
        %dma_wait3A_119 = arith.constant 0 : i32
        %dma_wait3A_120 = tpu.memref_slice %arg16[%dma_wait3A_118, %dma_wait3A_119] : memref<10240x128xf32, #tpu.memory_space<vmem_shared>> -> memref<10240x128xf32, #tpu.memory_space<vmem_shared>>
        tpu.wait_indirect_dma semaphore(%arg19 : memref<!tpu.dma_semaphore, #tpu.memory_space<semaphore_mem>>) src(%arg14 : memref<128x128xf32, #tpu.memory_space<vmem>>) dst(%dma_wait3A_120 : memref<10240x128xf32, #tpu.memory_space<vmem_shared>>)
        %lt3A_121 = arith.constant 39 : i32
        %lt3A_122 = arith.cmpi slt, %add3A_25, %lt3A_121 : i32
        %convert_element_type3A_123 = arith.extui %lt3A_122 : i1 to i32
        %cond3A_124 = arith.constant 0 : i32
        %cond3A_125 = arith.cmpi ne, %convert_element_type3A_123, %cond3A_124 : i32
        scf.if %cond3A_125 {
          %dma_wait3A_131 = tpu.memref_slice %arg3[%mul3A_0] : memref<327680xi32, #tpu.memory_space<hbm>> -> memref<128xi32, #tpu.memory_space<hbm>>
          %dma_wait3A_132 = tpu.memref_slice %arg3[%mul3A_0] : memref<327680xi32, #tpu.memory_space<hbm>> -> memref<128xi32, #tpu.memory_space<hbm>>
          tpu.wait_dma2 semaphore(%arg17 : memref<!tpu.dma_semaphore, #tpu.memory_space<semaphore_mem>>) src(%dma_wait3A_132 : memref<128xi32, #tpu.memory_space<hbm>>) dst(%arg6 : memref<128xi32, #tpu.memory_space<vmem>>)
          %dma_wait3A_133 = tpu.memref_slice %arg4[%mul3A_0] : memref<327680xi32, #tpu.memory_space<hbm>> -> memref<128xi32, #tpu.memory_space<hbm>>
          %dma_wait3A_134 = tpu.memref_slice %arg4[%mul3A_0] : memref<327680xi32, #tpu.memory_space<hbm>> -> memref<128xi32, #tpu.memory_space<hbm>>
          tpu.wait_dma2 semaphore(%arg17 : memref<!tpu.dma_semaphore, #tpu.memory_space<semaphore_mem>>) src(%dma_wait3A_134 : memref<128xi32, #tpu.memory_space<hbm>>) dst(%arg10 : memref<128xi32, #tpu.memory_space<vmem>>)
          %dma_start3A_135 = arith.constant 0 : i32
          %dma_start3A_136 = arith.constant 0 : i32
          %dma_start3A_137 = tpu.memref_slice %arg2[%dma_start3A_135, %dma_start3A_136] : memref<10000x128xf32, #tpu.memory_space<hbm>> -> memref<10000x128xf32, #tpu.memory_space<hbm>>
          tpu.enqueue_indirect_dma source(%dma_start3A_137 : memref<10000x128xf32, #tpu.memory_space<hbm>>) target(%arg14 : memref<128x128xf32, #tpu.memory_space<vmem>>) offsets(%arg6 : memref<128xi32, #tpu.memory_space<vmem>>) semaphore(%arg18 : memref<!tpu.dma_semaphore, #tpu.memory_space<semaphore_mem>>)
        } else {
        }
        %lt3A_126 = arith.constant 39 : i32
        %lt3A_127 = arith.cmpi slt, %add3A_25, %lt3A_126 : i32
        %convert_element_type3A_128 = arith.extui %lt3A_127 : i1 to i32
        %cond3A_129 = arith.constant 0 : i32
        %cond3A_130 = arith.cmpi ne, %convert_element_type3A_128, %cond3A_129 : i32
        scf.if %cond3A_130 {
          %add3A_131 = arith.constant 3 : i32
          %add3A_132 = arith.addi %add3A_111, %add3A_131 : i32
          %mul3A_133 = arith.constant 128 : i32
          %mul3A_134 = arith.muli %add3A_132, %mul3A_133 : i32
          %add3A_135 = arith.addi %mul3A_0, %mul3A_134 : i32
          %dma_start3A_136 = tpu.memref_slice %arg3[%add3A_135] : memref<327680xi32, #tpu.memory_space<hbm>> -> memref<128xi32, #tpu.memory_space<hbm>>
          %dma_start3A_137 = tpu.memref_slice %arg3[%add3A_135] : memref<327680xi32, #tpu.memory_space<hbm>> -> memref<128xi32, #tpu.memory_space<hbm>>
          tpu.enqueue_dma source(%dma_start3A_137 : memref<128xi32, #tpu.memory_space<hbm>>) target(%arg8 : memref<128xi32, #tpu.memory_space<vmem>>) target_semaphore(%arg17 : memref<!tpu.dma_semaphore, #tpu.memory_space<semaphore_mem>>)
          %mul3A_138 = arith.constant 128 : i32
          %mul3A_139 = arith.muli %add3A_132, %mul3A_138 : i32
          %add3A_140 = arith.addi %mul3A_0, %mul3A_139 : i32
          %dma_start3A_141 = tpu.memref_slice %arg4[%add3A_140] : memref<327680xi32, #tpu.memory_space<hbm>> -> memref<128xi32, #tpu.memory_space<hbm>>
          %dma_start3A_142 = tpu.memref_slice %arg4[%add3A_140] : memref<327680xi32, #tpu.memory_space<hbm>> -> memref<128xi32, #tpu.memory_space<hbm>>
          tpu.enqueue_dma source(%dma_start3A_142 : memref<128xi32, #tpu.memory_space<hbm>>) target(%arg12 : memref<128xi32, #tpu.memory_space<vmem>>) target_semaphore(%arg17 : memref<!tpu.dma_semaphore, #tpu.memory_space<semaphore_mem>>)
        } else {
        }
      }
      %scan3A_19 = arith.constant 40 : i32
      %dma_wait3A = arith.constant 0 : i32
      %dma_wait3A_20 = arith.constant 0 : i32
      %dma_wait3A_21 = tpu.memref_slice %arg16[%dma_wait3A, %dma_wait3A_20] : memref<10240x128xf32, #tpu.memory_space<vmem_shared>> -> memref<10240x128xf32, #tpu.memory_space<vmem_shared>>
      tpu.wait_indirect_dma semaphore(%arg19 : memref<!tpu.dma_semaphore, #tpu.memory_space<semaphore_mem>>) src(%arg14 : memref<128x128xf32, #tpu.memory_space<vmem>>) dst(%dma_wait3A_21 : memref<10240x128xf32, #tpu.memory_space<vmem_shared>>)
    } else {
    }
    %barrier3A_8 = arith.constant 0 : index
    tpu.barrier barrier_id(%barrier3A_8)
    %eq3A_9 = arith.constant 1 : i32
    %eq3A_10 = arith.cmpi eq, %arg0, %eq3A_9 : i32
    %convert_element_type3A_11 = arith.extui %eq3A_10 : i1 to i32
    %cond3A_12 = arith.constant 0 : i32
    %cond3A_13 = arith.cmpi ne, %convert_element_type3A_11, %cond3A_12 : i32
    scf.if %cond3A_13 {
      %mul3A_14 = arith.constant 640 : i32
      %mul3A_15 = arith.muli %arg1, %mul3A_14 : i32
      %mul3A_16 = arith.constant 640 : i32
      %mul3A_17 = arith.muli %arg1, %mul3A_16 : i32
      %dma_start3A = arith.constant 1 : i32
      %dma_start3A_18 = arith.constant 0 : i32
      %dma_start3A_19 = tpu.memref_slice %arg5[%dma_start3A, %mul3A_17, %dma_start3A_18] : memref<2x10240x128xf32, #tpu.memory_space<hbm>> -> memref<1x640x128xf32, #tpu.memory_space<hbm>>
      %dma_start3A_20 = tpu.memref_squeeze %dma_start3A_19 : memref<1x640x128xf32, #tpu.memory_space<hbm>> -> memref<640x128xf32, #tpu.memory_space<hbm>>
      %dma_start3A_21 = arith.constant 0 : i32
      %dma_start3A_22 = tpu.memref_slice %arg16[%mul3A_15, %dma_start3A_21] : memref<10240x128xf32, #tpu.memory_space<vmem_shared>> -> memref<640x128xf32, #tpu.memory_space<vmem_shared>>
      tpu.enqueue_dma source(%dma_start3A_22 : memref<640x128xf32, #tpu.memory_space<vmem_shared>>) target(%dma_start3A_20 : memref<640x128xf32, #tpu.memory_space<hbm>>) target_semaphore(%arg19 : memref<!tpu.dma_semaphore, #tpu.memory_space<semaphore_mem>>)
      %dma_wait3A = arith.constant 1 : i32
      %dma_wait3A_23 = arith.constant 0 : i32
      %dma_wait3A_24 = tpu.memref_slice %arg5[%dma_wait3A, %mul3A_17, %dma_wait3A_23] : memref<2x10240x128xf32, #tpu.memory_space<hbm>> -> memref<1x640x128xf32, #tpu.memory_space<hbm>>
      %dma_wait3A_25 = tpu.memref_squeeze %dma_wait3A_24 : memref<1x640x128xf32, #tpu.memory_space<hbm>> -> memref<640x128xf32, #tpu.memory_space<hbm>>
      %dma_wait3A_26 = arith.constant 0 : i32
      %dma_wait3A_27 = tpu.memref_slice %arg16[%mul3A_15, %dma_wait3A_26] : memref<10240x128xf32, #tpu.memory_space<vmem_shared>> -> memref<640x128xf32, #tpu.memory_space<vmem_shared>>
      tpu.wait_dma2 semaphore(%arg19 : memref<!tpu.dma_semaphore, #tpu.memory_space<semaphore_mem>>) src(%dma_wait3A_27 : memref<640x128xf32, #tpu.memory_space<vmem_shared>>) dst(%dma_wait3A_25 : memref<640x128xf32, #tpu.memory_space<hbm>>)
    } else {
    }
    return
  }
}

#map = affine_map<(d0, d1) -> (0)>
#map1 = affine_map<(d0, d1) -> (0, 0, 0)>
module attributes {stable_mosaic.version = 14 : i64} {
  func.func @_deg_kernel(%arg0: i32, %arg1: i32, %arg2: memref<327680xi32, #tpu.memory_space<hbm>>, %arg3: memref<2x10240x128xf32, #tpu.memory_space<hbm>>, %arg4: memref<128xi32, #tpu.memory_space<vmem>>, %arg5: memref<128xi32, #tpu.memory_space<vmem>>, %arg6: memref<128xi32, #tpu.memory_space<vmem>>, %arg7: memref<128xi32, #tpu.memory_space<vmem>>, %arg8: memref<128x128xf32, #tpu.memory_space<vmem>>, %arg9: memref<10240x128xf32, #tpu.memory_space<vmem_shared>>, %arg10: memref<!tpu.dma_semaphore, #tpu.memory_space<semaphore_mem>>, %arg11: memref<!tpu.dma_semaphore, #tpu.memory_space<semaphore_mem>>) attributes {dimension_semantics = [#tpu.dimension_semantics<core_parallel>, #tpu.dimension_semantics<subcore_parallel>], iteration_bounds = array<i64: 2, 16>, scalar_prefetch = 0 : i64, scratch_operands = 8 : i64, tpu.core_type = #tpu.core_type<sc_vector_subcore>, window_params = [{transform_indices = #map}, {transform_indices = #map1}]} {
    %mul3A = arith.constant 2 : i32
    %mul3A_0 = arith.muli %arg1, %mul3A : i32
    %add3A = arith.addi %mul3A_0, %arg0 : i32
    %mul3A_1 = arith.constant 10240 : i32
    %mul3A_2 = arith.muli %add3A, %mul3A_1 : i32
    %add3A_3 = arith.constant 0 : i32
    %add3A_4 = arith.addi %mul3A_2, %add3A_3 : i32
    %dma_start3A = tpu.memref_slice %arg2[%add3A_4] : memref<327680xi32, #tpu.memory_space<hbm>> -> memref<128xi32, #tpu.memory_space<hbm>>
    %dma_start3A_5 = tpu.memref_slice %arg2[%add3A_4] : memref<327680xi32, #tpu.memory_space<hbm>> -> memref<128xi32, #tpu.memory_space<hbm>>
    tpu.enqueue_dma source(%dma_start3A_5 : memref<128xi32, #tpu.memory_space<hbm>>) target(%arg4 : memref<128xi32, #tpu.memory_space<vmem>>) target_semaphore(%arg10 : memref<!tpu.dma_semaphore, #tpu.memory_space<semaphore_mem>>)
    %add3A_6 = arith.constant 128 : i32
    %add3A_7 = arith.addi %mul3A_2, %add3A_6 : i32
    %dma_start3A_8 = tpu.memref_slice %arg2[%add3A_7] : memref<327680xi32, #tpu.memory_space<hbm>> -> memref<128xi32, #tpu.memory_space<hbm>>
    %dma_start3A_9 = tpu.memref_slice %arg2[%add3A_7] : memref<327680xi32, #tpu.memory_space<hbm>> -> memref<128xi32, #tpu.memory_space<hbm>>
    tpu.enqueue_dma source(%dma_start3A_9 : memref<128xi32, #tpu.memory_space<hbm>>) target(%arg5 : memref<128xi32, #tpu.memory_space<vmem>>) target_semaphore(%arg10 : memref<!tpu.dma_semaphore, #tpu.memory_space<semaphore_mem>>)
    %add3A_10 = arith.constant 256 : i32
    %add3A_11 = arith.addi %mul3A_2, %add3A_10 : i32
    %dma_start3A_12 = tpu.memref_slice %arg2[%add3A_11] : memref<327680xi32, #tpu.memory_space<hbm>> -> memref<128xi32, #tpu.memory_space<hbm>>
    %dma_start3A_13 = tpu.memref_slice %arg2[%add3A_11] : memref<327680xi32, #tpu.memory_space<hbm>> -> memref<128xi32, #tpu.memory_space<hbm>>
    tpu.enqueue_dma source(%dma_start3A_13 : memref<128xi32, #tpu.memory_space<hbm>>) target(%arg6 : memref<128xi32, #tpu.memory_space<vmem>>) target_semaphore(%arg10 : memref<!tpu.dma_semaphore, #tpu.memory_space<semaphore_mem>>)
    %scan3A = arith.constant 0 : i32
    %scan3A_14 = arith.constant 128 : i32
    %scan3A_15 = arith.addi %scan3A, %scan3A_14 : i32
    %scan3A_16 = arith.constant 1 : i32
    scf.for %scan3A_177 = %scan3A to %scan3A_15 step %scan3A_16  : i32 {
      %mul3A_178 = arith.constant 1 : i32
      %mul3A_179 = arith.muli %scan3A_177, %mul3A_178 : i32
      %add3A_180 = arith.constant 0 : i32
      %add3A_181 = arith.addi %add3A_180, %mul3A_179 : i32
      %broadcast_in_dim3A = arith.constant 0.000000e+00 : f32
      %broadcast_in_dim3A_182 = vector.broadcast %broadcast_in_dim3A : f32 to vector<16xf32>
      %swap3A = arith.index_cast %add3A_181 : i32 to index
      %swap3A_183 = arith.constant 0 : index
      %swap3A_184 = tpu.vector_load %arg8[%swap3A, %swap3A_183] {strides = array<i32>} : memref<128x128xf32, #tpu.memory_space<vmem>>, vector<1x16xf32>,
      %swap3A_185 = vector.shape_cast %swap3A_184 : vector<1x16xf32> to vector<16xf32>
      %swap3A_186 = vector.shape_cast %broadcast_in_dim3A_182 : vector<16xf32> to vector<1x16xf32>
      tpu.vector_store %arg8[%swap3A, %swap3A_183], %swap3A_186 {strides = array<i32>} : memref<128x128xf32, #tpu.memory_space<vmem>>, vector<1x16xf32>,
      %broadcast_in_dim3A_187 = arith.constant 0.000000e+00 : f32
      %broadcast_in_dim3A_188 = vector.broadcast %broadcast_in_dim3A_187 : f32 to vector<16xf32>
      %swap3A_189 = arith.index_cast %add3A_181 : i32 to index
      %swap3A_190 = arith.constant 16 : index
      %swap3A_191 = tpu.vector_load %arg8[%swap3A_189, %swap3A_190] {strides = array<i32>} : memref<128x128xf32, #tpu.memory_space<vmem>>, vector<1x16xf32>,
      %swap3A_192 = vector.shape_cast %swap3A_191 : vector<1x16xf32> to vector<16xf32>
      %swap3A_193 = vector.shape_cast %broadcast_in_dim3A_188 : vector<16xf32> to vector<1x16xf32>
      tpu.vector_store %arg8[%swap3A_189, %swap3A_190], %swap3A_193 {strides = array<i32>} : memref<128x128xf32, #tpu.memory_space<vmem>>, vector<1x16xf32>,
      %broadcast_in_dim3A_194 = arith.constant 0.000000e+00 : f32
      %broadcast_in_dim3A_195 = vector.broadcast %broadcast_in_dim3A_194 : f32 to vector<16xf32>
      %swap3A_196 = arith.index_cast %add3A_181 : i32 to index
      %swap3A_197 = arith.constant 32 : index
      %swap3A_198 = tpu.vector_load %arg8[%swap3A_196, %swap3A_197] {strides = array<i32>} : memref<128x128xf32, #tpu.memory_space<vmem>>, vector<1x16xf32>,
      %swap3A_199 = vector.shape_cast %swap3A_198 : vector<1x16xf32> to vector<16xf32>
      %swap3A_200 = vector.shape_cast %broadcast_in_dim3A_195 : vector<16xf32> to vector<1x16xf32>
      tpu.vector_store %arg8[%swap3A_196, %swap3A_197], %swap3A_200 {strides = array<i32>} : memref<128x128xf32, #tpu.memory_space<vmem>>, vector<1x16xf32>,
      %broadcast_in_dim3A_201 = arith.constant 0.000000e+00 : f32
      %broadcast_in_dim3A_202 = vector.broadcast %broadcast_in_dim3A_201 : f32 to vector<16xf32>
      %swap3A_203 = arith.index_cast %add3A_181 : i32 to index
      %swap3A_204 = arith.constant 48 : index
      %swap3A_205 = tpu.vector_load %arg8[%swap3A_203, %swap3A_204] {strides = array<i32>} : memref<128x128xf32, #tpu.memory_space<vmem>>, vector<1x16xf32>,
      %swap3A_206 = vector.shape_cast %swap3A_205 : vector<1x16xf32> to vector<16xf32>
      %swap3A_207 = vector.shape_cast %broadcast_in_dim3A_202 : vector<16xf32> to vector<1x16xf32>
      tpu.vector_store %arg8[%swap3A_203, %swap3A_204], %swap3A_207 {strides = array<i32>} : memref<128x128xf32, #tpu.memory_space<vmem>>, vector<1x16xf32>,
      %broadcast_in_dim3A_208 = arith.constant 0.000000e+00 : f32
      %broadcast_in_dim3A_209 = vector.broadcast %broadcast_in_dim3A_208 : f32 to vector<16xf32>
      %swap3A_210 = arith.index_cast %add3A_181 : i32 to index
      %swap3A_211 = arith.constant 64 : index
      %swap3A_212 = tpu.vector_load %arg8[%swap3A_210, %swap3A_211] {strides = array<i32>} : memref<128x128xf32, #tpu.memory_space<vmem>>, vector<1x16xf32>,
      %swap3A_213 = vector.shape_cast %swap3A_212 : vector<1x16xf32> to vector<16xf32>
      %swap3A_214 = vector.shape_cast %broadcast_in_dim3A_209 : vector<16xf32> to vector<1x16xf32>
      tpu.vector_store %arg8[%swap3A_210, %swap3A_211], %swap3A_214 {strides = array<i32>} : memref<128x128xf32, #tpu.memory_space<vmem>>, vector<1x16xf32>,
      %broadcast_in_dim3A_215 = arith.constant 0.000000e+00 : f32
      %broadcast_in_dim3A_216 = vector.broadcast %broadcast_in_dim3A_215 : f32 to vector<16xf32>
      %swap3A_217 = arith.index_cast %add3A_181 : i32 to index
      %swap3A_218 = arith.constant 80 : index
      %swap3A_219 = tpu.vector_load %arg8[%swap3A_217, %swap3A_218] {strides = array<i32>} : memref<128x128xf32, #tpu.memory_space<vmem>>, vector<1x16xf32>,
      %swap3A_220 = vector.shape_cast %swap3A_219 : vector<1x16xf32> to vector<16xf32>
      %swap3A_221 = vector.shape_cast %broadcast_in_dim3A_216 : vector<16xf32> to vector<1x16xf32>
      tpu.vector_store %arg8[%swap3A_217, %swap3A_218], %swap3A_221 {strides = array<i32>} : memref<128x128xf32, #tpu.memory_space<vmem>>, vector<1x16xf32>,
      %broadcast_in_dim3A_222 = arith.constant 0.000000e+00 : f32
      %broadcast_in_dim3A_223 = vector.broadcast %broadcast_in_dim3A_222 : f32 to vector<16xf32>
      %swap3A_224 = arith.index_cast %add3A_181 : i32 to index
      %swap3A_225 = arith.constant 96 : index
      %swap3A_226 = tpu.vector_load %arg8[%swap3A_224, %swap3A_225] {strides = array<i32>} : memref<128x128xf32, #tpu.memory_space<vmem>>, vector<1x16xf32>,
      %swap3A_227 = vector.shape_cast %swap3A_226 : vector<1x16xf32> to vector<16xf32>
      %swap3A_228 = vector.shape_cast %broadcast_in_dim3A_223 : vector<16xf32> to vector<1x16xf32>
      tpu.vector_store %arg8[%swap3A_224, %swap3A_225], %swap3A_228 {strides = array<i32>} : memref<128x128xf32, #tpu.memory_space<vmem>>, vector<1x16xf32>,
      %broadcast_in_dim3A_229 = arith.constant 0.000000e+00 : f32
      %broadcast_in_dim3A_230 = vector.broadcast %broadcast_in_dim3A_229 : f32 to vector<16xf32>
      %swap3A_231 = arith.index_cast %add3A_181 : i32 to index
      %swap3A_232 = arith.constant 112 : index
      %swap3A_233 = tpu.vector_load %arg8[%swap3A_231, %swap3A_232] {strides = array<i32>} : memref<128x128xf32, #tpu.memory_space<vmem>>, vector<1x16xf32>,
      %swap3A_234 = vector.shape_cast %swap3A_233 : vector<1x16xf32> to vector<16xf32>
      %swap3A_235 = vector.shape_cast %broadcast_in_dim3A_230 : vector<16xf32> to vector<1x16xf32>
      tpu.vector_store %arg8[%swap3A_231, %swap3A_232], %swap3A_235 {strides = array<i32>} : memref<128x128xf32, #tpu.memory_space<vmem>>, vector<1x16xf32>,
    }
    %scan3A_17 = arith.constant 128 : i32
    %mul3A_18 = arith.constant 640 : i32
    %mul3A_19 = arith.muli %arg1, %mul3A_18 : i32
    %add3A_20 = arith.constant 0 : i32
    %add3A_21 = arith.addi %mul3A_19, %add3A_20 : i32
    %dma_start3A_22 = arith.constant 0 : i32
    %dma_start3A_23 = arith.constant 0 : i32
    %dma_start3A_24 = tpu.memref_slice %arg8[%dma_start3A_22, %dma_start3A_23] : memref<128x128xf32, #tpu.memory_space<vmem>> -> memref<128x128xf32, #tpu.memory_space<vmem>>
    %dma_start3A_25 = arith.constant 0 : i32
    %dma_start3A_26 = tpu.memref_slice %arg9[%add3A_21, %dma_start3A_25] : memref<10240x128xf32, #tpu.memory_space<vmem_shared>> -> memref<128x128xf32, #tpu.memory_space<vmem_shared>>
    %dma_start3A_27 = arith.constant 0 : i32
    %dma_start3A_28 = tpu.memref_slice %arg9[%add3A_21, %dma_start3A_27] : memref<10240x128xf32, #tpu.memory_space<vmem_shared>> -> memref<128x128xf32, #tpu.memory_space<vmem_shared>>
    %dma_start3A_29 = arith.constant 0 : i32
    %dma_start3A_30 = arith.constant 0 : i32
    %dma_start3A_31 = tpu.memref_slice %arg8[%dma_start3A_29, %dma_start3A_30] : memref<128x128xf32, #tpu.memory_space<vmem>> -> memref<128x128xf32, #tpu.memory_space<vmem>>
    tpu.enqueue_dma source(%dma_start3A_31 : memref<128x128xf32, #tpu.memory_space<vmem>>) target(%dma_start3A_28 : memref<128x128xf32, #tpu.memory_space<vmem_shared>>) target_semaphore(%arg11 : memref<!tpu.dma_semaphore, #tpu.memory_space<semaphore_mem>>)
    %mul3A_32 = arith.constant 640 : i32
    %mul3A_33 = arith.muli %arg1, %mul3A_32 : i32
    %add3A_34 = arith.constant 128 : i32
    %add3A_35 = arith.addi %mul3A_33, %add3A_34 : i32
    %dma_start3A_36 = arith.constant 0 : i32
    %dma_start3A_37 = arith.constant 0 : i32
    %dma_start3A_38 = tpu.memref_slice %arg8[%dma_start3A_36, %dma_start3A_37] : memref<128x128xf32, #tpu.memory_space<vmem>> -> memref<128x128xf32, #tpu.memory_space<vmem>>
    %dma_start3A_39 = arith.constant 0 : i32
    %dma_start3A_40 = tpu.memref_slice %arg9[%add3A_35, %dma_start3A_39] : memref<10240x128xf32, #tpu.memory_space<vmem_shared>> -> memref<128x128xf32, #tpu.memory_space<vmem_shared>>
    %dma_start3A_41 = arith.constant 0 : i32
    %dma_start3A_42 = tpu.memref_slice %arg9[%add3A_35, %dma_start3A_41] : memref<10240x128xf32, #tpu.memory_space<vmem_shared>> -> memref<128x128xf32, #tpu.memory_space<vmem_shared>>
    %dma_start3A_43 = arith.constant 0 : i32
    %dma_start3A_44 = arith.constant 0 : i32
    %dma_start3A_45 = tpu.memref_slice %arg8[%dma_start3A_43, %dma_start3A_44] : memref<128x128xf32, #tpu.memory_space<vmem>> -> memref<128x128xf32, #tpu.memory_space<vmem>>
    tpu.enqueue_dma source(%dma_start3A_45 : memref<128x128xf32, #tpu.memory_space<vmem>>) target(%dma_start3A_42 : memref<128x128xf32, #tpu.memory_space<vmem_shared>>) target_semaphore(%arg11 : memref<!tpu.dma_semaphore, #tpu.memory_space<semaphore_mem>>)
    %mul3A_46 = arith.constant 640 : i32
    %mul3A_47 = arith.muli %arg1, %mul3A_46 : i32
    %add3A_48 = arith.constant 256 : i32
    %add3A_49 = arith.addi %mul3A_47, %add3A_48 : i32
    %dma_start3A_50 = arith.constant 0 : i32
    %dma_start3A_51 = arith.constant 0 : i32
    %dma_start3A_52 = tpu.memref_slice %arg8[%dma_start3A_50, %dma_start3A_51] : memref<128x128xf32, #tpu.memory_space<vmem>> -> memref<128x128xf32, #tpu.memory_space<vmem>>
    %dma_start3A_53 = arith.constant 0 : i32
    %dma_start3A_54 = tpu.memref_slice %arg9[%add3A_49, %dma_start3A_53] : memref<10240x128xf32, #tpu.memory_space<vmem_shared>> -> memref<128x128xf32, #tpu.memory_space<vmem_shared>>
    %dma_start3A_55 = arith.constant 0 : i32
    %dma_start3A_56 = tpu.memref_slice %arg9[%add3A_49, %dma_start3A_55] : memref<10240x128xf32, #tpu.memory_space<vmem_shared>> -> memref<128x128xf32, #tpu.memory_space<vmem_shared>>
    %dma_start3A_57 = arith.constant 0 : i32
    %dma_start3A_58 = arith.constant 0 : i32
    %dma_start3A_59 = tpu.memref_slice %arg8[%dma_start3A_57, %dma_start3A_58] : memref<128x128xf32, #tpu.memory_space<vmem>> -> memref<128x128xf32, #tpu.memory_space<vmem>>
    tpu.enqueue_dma source(%dma_start3A_59 : memref<128x128xf32, #tpu.memory_space<vmem>>) target(%dma_start3A_56 : memref<128x128xf32, #tpu.memory_space<vmem_shared>>) target_semaphore(%arg11 : memref<!tpu.dma_semaphore, #tpu.memory_space<semaphore_mem>>)
    %mul3A_60 = arith.constant 640 : i32
    %mul3A_61 = arith.muli %arg1, %mul3A_60 : i32
    %add3A_62 = arith.constant 384 : i32
    %add3A_63 = arith.addi %mul3A_61, %add3A_62 : i32
    %dma_start3A_64 = arith.constant 0 : i32
    %dma_start3A_65 = arith.constant 0 : i32
    %dma_start3A_66 = tpu.memref_slice %arg8[%dma_start3A_64, %dma_start3A_65] : memref<128x128xf32, #tpu.memory_space<vmem>> -> memref<128x128xf32, #tpu.memory_space<vmem>>
    %dma_start3A_67 = arith.constant 0 : i32
    %dma_start3A_68 = tpu.memref_slice %arg9[%add3A_63, %dma_start3A_67] : memref<10240x128xf32, #tpu.memory_space<vmem_shared>> -> memref<128x128xf32, #tpu.memory_space<vmem_shared>>
    %dma_start3A_69 = arith.constant 0 : i32
    %dma_start3A_70 = tpu.memref_slice %arg9[%add3A_63, %dma_start3A_69] : memref<10240x128xf32, #tpu.memory_space<vmem_shared>> -> memref<128x128xf32, #tpu.memory_space<vmem_shared>>
    %dma_start3A_71 = arith.constant 0 : i32
    %dma_start3A_72 = arith.constant 0 : i32
    %dma_start3A_73 = tpu.memref_slice %arg8[%dma_start3A_71, %dma_start3A_72] : memref<128x128xf32, #tpu.memory_space<vmem>> -> memref<128x128xf32, #tpu.memory_space<vmem>>
    tpu.enqueue_dma source(%dma_start3A_73 : memref<128x128xf32, #tpu.memory_space<vmem>>) target(%dma_start3A_70 : memref<128x128xf32, #tpu.memory_space<vmem_shared>>) target_semaphore(%arg11 : memref<!tpu.dma_semaphore, #tpu.memory_space<semaphore_mem>>)
    %mul3A_74 = arith.constant 640 : i32
    %mul3A_75 = arith.muli %arg1, %mul3A_74 : i32
    %add3A_76 = arith.constant 512 : i32
    %add3A_77 = arith.addi %mul3A_75, %add3A_76 : i32
    %dma_start3A_78 = arith.constant 0 : i32
    %dma_start3A_79 = arith.constant 0 : i32
    %dma_start3A_80 = tpu.memref_slice %arg8[%dma_start3A_78, %dma_start3A_79] : memref<128x128xf32, #tpu.memory_space<vmem>> -> memref<128x128xf32, #tpu.memory_space<vmem>>
    %dma_start3A_81 = arith.constant 0 : i32
    %dma_start3A_82 = tpu.memref_slice %arg9[%add3A_77, %dma_start3A_81] : memref<10240x128xf32, #tpu.memory_space<vmem_shared>> -> memref<128x128xf32, #tpu.memory_space<vmem_shared>>
    %dma_start3A_83 = arith.constant 0 : i32
    %dma_start3A_84 = tpu.memref_slice %arg9[%add3A_77, %dma_start3A_83] : memref<10240x128xf32, #tpu.memory_space<vmem_shared>> -> memref<128x128xf32, #tpu.memory_space<vmem_shared>>
    %dma_start3A_85 = arith.constant 0 : i32
    %dma_start3A_86 = arith.constant 0 : i32
    %dma_start3A_87 = tpu.memref_slice %arg8[%dma_start3A_85, %dma_start3A_86] : memref<128x128xf32, #tpu.memory_space<vmem>> -> memref<128x128xf32, #tpu.memory_space<vmem>>
    tpu.enqueue_dma source(%dma_start3A_87 : memref<128x128xf32, #tpu.memory_space<vmem>>) target(%dma_start3A_84 : memref<128x128xf32, #tpu.memory_space<vmem_shared>>) target_semaphore(%arg11 : memref<!tpu.dma_semaphore, #tpu.memory_space<semaphore_mem>>)
    %mul3A_88 = arith.constant 640 : i32
    %mul3A_89 = arith.muli %arg1, %mul3A_88 : i32
    %dma_wait3A = arith.constant 0 : i32
    %dma_wait3A_90 = arith.constant 0 : i32
    %dma_wait3A_91 = tpu.memref_slice %arg8[%dma_wait3A, %dma_wait3A_90] : memref<128x128xf32, #tpu.memory_space<vmem>> -> memref<128x128xf32, #tpu.memory_space<vmem>>
    %dma_wait3A_92 = arith.constant 0 : i32
    %dma_wait3A_93 = tpu.memref_slice %arg9[%mul3A_89, %dma_wait3A_92] : memref<10240x128xf32, #tpu.memory_space<vmem_shared>> -> memref<128x128xf32, #tpu.memory_space<vmem_shared>>
    %dma_wait3A_94 = arith.constant 0 : i32
    %dma_wait3A_95 = tpu.memref_slice %arg9[%mul3A_89, %dma_wait3A_94] : memref<10240x128xf32, #tpu.memory_space<vmem_shared>> -> memref<128x128xf32, #tpu.memory_space<vmem_shared>>
    %dma_wait3A_96 = arith.constant 0 : i32
    %dma_wait3A_97 = arith.constant 0 : i32
    %dma_wait3A_98 = tpu.memref_slice %arg8[%dma_wait3A_96, %dma_wait3A_97] : memref<128x128xf32, #tpu.memory_space<vmem>> -> memref<128x128xf32, #tpu.memory_space<vmem>>
    tpu.wait_dma2 semaphore(%arg11 : memref<!tpu.dma_semaphore, #tpu.memory_space<semaphore_mem>>) src(%dma_wait3A_98 : memref<128x128xf32, #tpu.memory_space<vmem>>) dst(%dma_wait3A_95 : memref<128x128xf32, #tpu.memory_space<vmem_shared>>)
    %mul3A_99 = arith.constant 640 : i32
    %mul3A_100 = arith.muli %arg1, %mul3A_99 : i32
    %dma_wait3A_101 = arith.constant 0 : i32
    %dma_wait3A_102 = arith.constant 0 : i32
    %dma_wait3A_103 = tpu.memref_slice %arg8[%dma_wait3A_101, %dma_wait3A_102] : memref<128x128xf32, #tpu.memory_space<vmem>> -> memref<128x128xf32, #tpu.memory_space<vmem>>
    %dma_wait3A_104 = arith.constant 0 : i32
    %dma_wait3A_105 = tpu.memref_slice %arg9[%mul3A_100, %dma_wait3A_104] : memref<10240x128xf32, #tpu.memory_space<vmem_shared>> -> memref<128x128xf32, #tpu.memory_space<vmem_shared>>
    %dma_wait3A_106 = arith.constant 0 : i32
    %dma_wait3A_107 = tpu.memref_slice %arg9[%mul3A_100, %dma_wait3A_106] : memref<10240x128xf32, #tpu.memory_space<vmem_shared>> -> memref<128x128xf32, #tpu.memory_space<vmem_shared>>
    %dma_wait3A_108 = arith.constant 0 : i32
    %dma_wait3A_109 = arith.constant 0 : i32
    %dma_wait3A_110 = tpu.memref_slice %arg8[%dma_wait3A_108, %dma_wait3A_109] : memref<128x128xf32, #tpu.memory_space<vmem>> -> memref<128x128xf32, #tpu.memory_space<vmem>>
    tpu.wait_dma2 semaphore(%arg11 : memref<!tpu.dma_semaphore, #tpu.memory_space<semaphore_mem>>) src(%dma_wait3A_110 : memref<128x128xf32, #tpu.memory_space<vmem>>) dst(%dma_wait3A_107 : memref<128x128xf32, #tpu.memory_space<vmem_shared>>)
    %mul3A_111 = arith.constant 640 : i32
    %mul3A_112 = arith.muli %arg1, %mul3A_111 : i32
    %dma_wait3A_113 = arith.constant 0 : i32
    %dma_wait3A_114 = arith.constant 0 : i32
    %dma_wait3A_115 = tpu.memref_slice %arg8[%dma_wait3A_113, %dma_wait3A_114] : memref<128x128xf32, #tpu.memory_space<vmem>> -> memref<128x128xf32, #tpu.memory_space<vmem>>
    %dma_wait3A_116 = arith.constant 0 : i32
    %dma_wait3A_117 = tpu.memref_slice %arg9[%mul3A_112, %dma_wait3A_116] : memref<10240x128xf32, #tpu.memory_space<vmem_shared>> -> memref<128x128xf32, #tpu.memory_space<vmem_shared>>
    %dma_wait3A_118 = arith.constant 0 : i32
    %dma_wait3A_119 = tpu.memref_slice %arg9[%mul3A_112, %dma_wait3A_118] : memref<10240x128xf32, #tpu.memory_space<vmem_shared>> -> memref<128x128xf32, #tpu.memory_space<vmem_shared>>
    %dma_wait3A_120 = arith.constant 0 : i32
    %dma_wait3A_121 = arith.constant 0 : i32
    %dma_wait3A_122 = tpu.memref_slice %arg8[%dma_wait3A_120, %dma_wait3A_121] : memref<128x128xf32, #tpu.memory_space<vmem>> -> memref<128x128xf32, #tpu.memory_space<vmem>>
    tpu.wait_dma2 semaphore(%arg11 : memref<!tpu.dma_semaphore, #tpu.memory_space<semaphore_mem>>) src(%dma_wait3A_122 : memref<128x128xf32, #tpu.memory_space<vmem>>) dst(%dma_wait3A_119 : memref<128x128xf32, #tpu.memory_space<vmem_shared>>)
    %mul3A_123 = arith.constant 640 : i32
    %mul3A_124 = arith.muli %arg1, %mul3A_123 : i32
    %dma_wait3A_125 = arith.constant 0 : i32
    %dma_wait3A_126 = arith.constant 0 : i32
    %dma_wait3A_127 = tpu.memref_slice %arg8[%dma_wait3A_125, %dma_wait3A_126] : memref<128x128xf32, #tpu.memory_space<vmem>> -> memref<128x128xf32, #tpu.memory_space<vmem>>
    %dma_wait3A_128 = arith.constant 0 : i32
    %dma_wait3A_129 = tpu.memref_slice %arg9[%mul3A_124, %dma_wait3A_128] : memref<10240x128xf32, #tpu.memory_space<vmem_shared>> -> memref<128x128xf32, #tpu.memory_space<vmem_shared>>
    %dma_wait3A_130 = arith.constant 0 : i32
    %dma_wait3A_131 = tpu.memref_slice %arg9[%mul3A_124, %dma_wait3A_130] : memref<10240x128xf32, #tpu.memory_space<vmem_shared>> -> memref<128x128xf32, #tpu.memory_space<vmem_shared>>
    %dma_wait3A_132 = arith.constant 0 : i32
    %dma_wait3A_133 = arith.constant 0 : i32
    %dma_wait3A_134 = tpu.memref_slice %arg8[%dma_wait3A_132, %dma_wait3A_133] : memref<128x128xf32, #tpu.memory_space<vmem>> -> memref<128x128xf32, #tpu.memory_space<vmem>>
    tpu.wait_dma2 semaphore(%arg11 : memref<!tpu.dma_semaphore, #tpu.memory_space<semaphore_mem>>) src(%dma_wait3A_134 : memref<128x128xf32, #tpu.memory_space<vmem>>) dst(%dma_wait3A_131 : memref<128x128xf32, #tpu.memory_space<vmem_shared>>)
    %mul3A_135 = arith.constant 640 : i32
    %mul3A_136 = arith.muli %arg1, %mul3A_135 : i32
    %dma_wait3A_137 = arith.constant 0 : i32
    %dma_wait3A_138 = arith.constant 0 : i32
    %dma_wait3A_139 = tpu.memref_slice %arg8[%dma_wait3A_137, %dma_wait3A_138] : memref<128x128xf32, #tpu.memory_space<vmem>> -> memref<128x128xf32, #tpu.memory_space<vmem>>
    %dma_wait3A_140 = arith.constant 0 : i32
    %dma_wait3A_141 = tpu.memref_slice %arg9[%mul3A_136, %dma_wait3A_140] : memref<10240x128xf32, #tpu.memory_space<vmem_shared>> -> memref<128x128xf32, #tpu.memory_space<vmem_shared>>
    %dma_wait3A_142 = arith.constant 0 : i32
    %dma_wait3A_143 = tpu.memref_slice %arg9[%mul3A_136, %dma_wait3A_142] : memref<10240x128xf32, #tpu.memory_space<vmem_shared>> -> memref<128x128xf32, #tpu.memory_space<vmem_shared>>
    %dma_wait3A_144 = arith.constant 0 : i32
    %dma_wait3A_145 = arith.constant 0 : i32
    %dma_wait3A_146 = tpu.memref_slice %arg8[%dma_wait3A_144, %dma_wait3A_145] : memref<128x128xf32, #tpu.memory_space<vmem>> -> memref<128x128xf32, #tpu.memory_space<vmem>>
    tpu.wait_dma2 semaphore(%arg11 : memref<!tpu.dma_semaphore, #tpu.memory_space<semaphore_mem>>) src(%dma_wait3A_146 : memref<128x128xf32, #tpu.memory_space<vmem>>) dst(%dma_wait3A_143 : memref<128x128xf32, #tpu.memory_space<vmem_shared>>)
    %scan3A_147 = arith.constant 0 : i32
    %scan3A_148 = arith.constant 128 : i32
    %scan3A_149 = arith.addi %scan3A_147, %scan3A_148 : i32
    %scan3A_150 = arith.constant 1 : i32
    scf.for %scan3A_177 = %scan3A_147 to %scan3A_149 step %scan3A_150  : i32 {
      %mul3A_178 = arith.constant 1 : i32
      %mul3A_179 = arith.muli %scan3A_177, %mul3A_178 : i32
      %add3A_180 = arith.constant 0 : i32
      %add3A_181 = arith.addi %add3A_180, %mul3A_179 : i32
      %broadcast_in_dim3A = arith.constant 1.000000e+00 : f32
      %broadcast_in_dim3A_182 = vector.broadcast %broadcast_in_dim3A : f32 to vector<16xf32>
      %swap3A = arith.index_cast %add3A_181 : i32 to index
      %swap3A_183 = arith.constant 0 : index
      %swap3A_184 = tpu.vector_load %arg8[%swap3A, %swap3A_183] {strides = array<i32>} : memref<128x128xf32, #tpu.memory_space<vmem>>, vector<1x16xf32>,
      %swap3A_185 = vector.shape_cast %swap3A_184 : vector<1x16xf32> to vector<16xf32>
      %swap3A_186 = vector.shape_cast %broadcast_in_dim3A_182 : vector<16xf32> to vector<1x16xf32>
      tpu.vector_store %arg8[%swap3A, %swap3A_183], %swap3A_186 {strides = array<i32>} : memref<128x128xf32, #tpu.memory_space<vmem>>, vector<1x16xf32>,
      %broadcast_in_dim3A_187 = arith.constant 1.000000e+00 : f32
      %broadcast_in_dim3A_188 = vector.broadcast %broadcast_in_dim3A_187 : f32 to vector<16xf32>
      %swap3A_189 = arith.index_cast %add3A_181 : i32 to index
      %swap3A_190 = arith.constant 16 : index
      %swap3A_191 = tpu.vector_load %arg8[%swap3A_189, %swap3A_190] {strides = array<i32>} : memref<128x128xf32, #tpu.memory_space<vmem>>, vector<1x16xf32>,
      %swap3A_192 = vector.shape_cast %swap3A_191 : vector<1x16xf32> to vector<16xf32>
      %swap3A_193 = vector.shape_cast %broadcast_in_dim3A_188 : vector<16xf32> to vector<1x16xf32>
      tpu.vector_store %arg8[%swap3A_189, %swap3A_190], %swap3A_193 {strides = array<i32>} : memref<128x128xf32, #tpu.memory_space<vmem>>, vector<1x16xf32>,
      %broadcast_in_dim3A_194 = arith.constant 1.000000e+00 : f32
      %broadcast_in_dim3A_195 = vector.broadcast %broadcast_in_dim3A_194 : f32 to vector<16xf32>
      %swap3A_196 = arith.index_cast %add3A_181 : i32 to index
      %swap3A_197 = arith.constant 32 : index
      %swap3A_198 = tpu.vector_load %arg8[%swap3A_196, %swap3A_197] {strides = array<i32>} : memref<128x128xf32, #tpu.memory_space<vmem>>, vector<1x16xf32>,
      %swap3A_199 = vector.shape_cast %swap3A_198 : vector<1x16xf32> to vector<16xf32>
      %swap3A_200 = vector.shape_cast %broadcast_in_dim3A_195 : vector<16xf32> to vector<1x16xf32>
      tpu.vector_store %arg8[%swap3A_196, %swap3A_197], %swap3A_200 {strides = array<i32>} : memref<128x128xf32, #tpu.memory_space<vmem>>, vector<1x16xf32>,
      %broadcast_in_dim3A_201 = arith.constant 1.000000e+00 : f32
      %broadcast_in_dim3A_202 = vector.broadcast %broadcast_in_dim3A_201 : f32 to vector<16xf32>
      %swap3A_203 = arith.index_cast %add3A_181 : i32 to index
      %swap3A_204 = arith.constant 48 : index
      %swap3A_205 = tpu.vector_load %arg8[%swap3A_203, %swap3A_204] {strides = array<i32>} : memref<128x128xf32, #tpu.memory_space<vmem>>, vector<1x16xf32>,
      %swap3A_206 = vector.shape_cast %swap3A_205 : vector<1x16xf32> to vector<16xf32>
      %swap3A_207 = vector.shape_cast %broadcast_in_dim3A_202 : vector<16xf32> to vector<1x16xf32>
      tpu.vector_store %arg8[%swap3A_203, %swap3A_204], %swap3A_207 {strides = array<i32>} : memref<128x128xf32, #tpu.memory_space<vmem>>, vector<1x16xf32>,
      %broadcast_in_dim3A_208 = arith.constant 1.000000e+00 : f32
      %broadcast_in_dim3A_209 = vector.broadcast %broadcast_in_dim3A_208 : f32 to vector<16xf32>
      %swap3A_210 = arith.index_cast %add3A_181 : i32 to index
      %swap3A_211 = arith.constant 64 : index
      %swap3A_212 = tpu.vector_load %arg8[%swap3A_210, %swap3A_211] {strides = array<i32>} : memref<128x128xf32, #tpu.memory_space<vmem>>, vector<1x16xf32>,
      %swap3A_213 = vector.shape_cast %swap3A_212 : vector<1x16xf32> to vector<16xf32>
      %swap3A_214 = vector.shape_cast %broadcast_in_dim3A_209 : vector<16xf32> to vector<1x16xf32>
      tpu.vector_store %arg8[%swap3A_210, %swap3A_211], %swap3A_214 {strides = array<i32>} : memref<128x128xf32, #tpu.memory_space<vmem>>, vector<1x16xf32>,
      %broadcast_in_dim3A_215 = arith.constant 1.000000e+00 : f32
      %broadcast_in_dim3A_216 = vector.broadcast %broadcast_in_dim3A_215 : f32 to vector<16xf32>
      %swap3A_217 = arith.index_cast %add3A_181 : i32 to index
      %swap3A_218 = arith.constant 80 : index
      %swap3A_219 = tpu.vector_load %arg8[%swap3A_217, %swap3A_218] {strides = array<i32>} : memref<128x128xf32, #tpu.memory_space<vmem>>, vector<1x16xf32>,
      %swap3A_220 = vector.shape_cast %swap3A_219 : vector<1x16xf32> to vector<16xf32>
      %swap3A_221 = vector.shape_cast %broadcast_in_dim3A_216 : vector<16xf32> to vector<1x16xf32>
      tpu.vector_store %arg8[%swap3A_217, %swap3A_218], %swap3A_221 {strides = array<i32>} : memref<128x128xf32, #tpu.memory_space<vmem>>, vector<1x16xf32>,
      %broadcast_in_dim3A_222 = arith.constant 1.000000e+00 : f32
      %broadcast_in_dim3A_223 = vector.broadcast %broadcast_in_dim3A_222 : f32 to vector<16xf32>
      %swap3A_224 = arith.index_cast %add3A_181 : i32 to index
      %swap3A_225 = arith.constant 96 : index
      %swap3A_226 = tpu.vector_load %arg8[%swap3A_224, %swap3A_225] {strides = array<i32>} : memref<128x128xf32, #tpu.memory_space<vmem>>, vector<1x16xf32>,
      %swap3A_227 = vector.shape_cast %swap3A_226 : vector<1x16xf32> to vector<16xf32>
      %swap3A_228 = vector.shape_cast %broadcast_in_dim3A_223 : vector<16xf32> to vector<1x16xf32>
      tpu.vector_store %arg8[%swap3A_224, %swap3A_225], %swap3A_228 {strides = array<i32>} : memref<128x128xf32, #tpu.memory_space<vmem>>, vector<1x16xf32>,
      %broadcast_in_dim3A_229 = arith.constant 1.000000e+00 : f32
      %broadcast_in_dim3A_230 = vector.broadcast %broadcast_in_dim3A_229 : f32 to vector<16xf32>
      %swap3A_231 = arith.index_cast %add3A_181 : i32 to index
      %swap3A_232 = arith.constant 112 : index
      %swap3A_233 = tpu.vector_load %arg8[%swap3A_231, %swap3A_232] {strides = array<i32>} : memref<128x128xf32, #tpu.memory_space<vmem>>, vector<1x16xf32>,
      %swap3A_234 = vector.shape_cast %swap3A_233 : vector<1x16xf32> to vector<16xf32>
      %swap3A_235 = vector.shape_cast %broadcast_in_dim3A_230 : vector<16xf32> to vector<1x16xf32>
      tpu.vector_store %arg8[%swap3A_231, %swap3A_232], %swap3A_235 {strides = array<i32>} : memref<128x128xf32, #tpu.memory_space<vmem>>, vector<1x16xf32>,
    }
    %scan3A_151 = arith.constant 128 : i32
    %dma_wait3A_152 = tpu.memref_slice %arg2[%mul3A_2] : memref<327680xi32, #tpu.memory_space<hbm>> -> memref<128xi32, #tpu.memory_space<hbm>>
    %dma_wait3A_153 = tpu.memref_slice %arg2[%mul3A_2] : memref<327680xi32, #tpu.memory_space<hbm>> -> memref<128xi32, #tpu.memory_space<hbm>>
    tpu.wait_dma2 semaphore(%arg10 : memref<!tpu.dma_semaphore, #tpu.memory_space<semaphore_mem>>) src(%dma_wait3A_153 : memref<128xi32, #tpu.memory_space<hbm>>) dst(%arg4 : memref<128xi32, #tpu.memory_space<vmem>>)
    %barrier3A = arith.constant 0 : index
    tpu.barrier barrier_id(%barrier3A)
    %scan3A_154 = arith.constant 0 : i32
    %scan3A_155 = arith.constant 20 : i32
    %scan3A_156 = arith.addi %scan3A_154, %scan3A_155 : i32
    %scan3A_157 = arith.constant 1 : i32
    scf.for %scan3A_177 = %scan3A_154 to %scan3A_156 step %scan3A_157  : i32 {
      %mul3A_178 = arith.constant 1 : i32
      %mul3A_179 = arith.muli %scan3A_177, %mul3A_178 : i32
      %add3A_180 = arith.constant 0 : i32
      %add3A_181 = arith.addi %add3A_180, %mul3A_179 : i32
      %mul3A_182 = arith.constant 4 : i32
      %mul3A_183 = arith.muli %add3A_181, %mul3A_182 : i32
      %add3A_184 = arith.constant 0 : i32
      %add3A_185 = arith.addi %mul3A_183, %add3A_184 : i32
      %dma_start3A_186 = arith.constant 0 : i32
      %dma_start3A_187 = arith.constant 0 : i32
      %dma_start3A_188 = tpu.memref_slice %arg9[%dma_start3A_186, %dma_start3A_187] : memref<10240x128xf32, #tpu.memory_space<vmem_shared>> -> memref<10240x128xf32, #tpu.memory_space<vmem_shared>>
      tpu.enqueue_indirect_dma source(%arg8 : memref<128x128xf32, #tpu.memory_space<vmem>>) target(%dma_start3A_188 : memref<10240x128xf32, #tpu.memory_space<vmem_shared>>) offsets(%arg4 : memref<128xi32, #tpu.memory_space<vmem>>) semaphore(%arg11 : memref<!tpu.dma_semaphore, #tpu.memory_space<semaphore_mem>>) {add = true}
      %gt3A = arith.constant 0 : i32
      %gt3A_189 = arith.cmpi sgt, %add3A_181, %gt3A : i32
      %convert_element_type3A = arith.extui %gt3A_189 : i1 to i32
      %cond3A = arith.constant 0 : i32
      %cond3A_190 = arith.cmpi ne, %convert_element_type3A, %cond3A : i32
      scf.if %cond3A_190 {
        %dma_wait3A_253 = arith.constant 0 : i32
        %dma_wait3A_254 = arith.constant 0 : i32
        %dma_wait3A_255 = tpu.memref_slice %arg9[%dma_wait3A_253, %dma_wait3A_254] : memref<10240x128xf32, #tpu.memory_space<vmem_shared>> -> memref<10240x128xf32, #tpu.memory_space<vmem_shared>>
        tpu.wait_indirect_dma semaphore(%arg11 : memref<!tpu.dma_semaphore, #tpu.memory_space<semaphore_mem>>) src(%arg8 : memref<128x128xf32, #tpu.memory_space<vmem>>) dst(%dma_wait3A_255 : memref<10240x128xf32, #tpu.memory_space<vmem_shared>>)
      } else {
      }
      %add3A_191 = arith.constant 3 : i32
      %add3A_192 = arith.addi %add3A_185, %add3A_191 : i32
      %mul3A_193 = arith.constant 128 : i32
      %mul3A_194 = arith.muli %add3A_192, %mul3A_193 : i32
      %add3A_195 = arith.addi %mul3A_2, %mul3A_194 : i32
      %dma_start3A_196 = tpu.memref_slice %arg2[%add3A_195] : memref<327680xi32, #tpu.memory_space<hbm>> -> memref<128xi32, #tpu.memory_space<hbm>>
      %dma_start3A_197 = tpu.memref_slice %arg2[%add3A_195] : memref<327680xi32, #tpu.memory_space<hbm>> -> memref<128xi32, #tpu.memory_space<hbm>>
      tpu.enqueue_dma source(%dma_start3A_197 : memref<128xi32, #tpu.memory_space<hbm>>) target(%arg7 : memref<128xi32, #tpu.memory_space<vmem>>) target_semaphore(%arg10 : memref<!tpu.dma_semaphore, #tpu.memory_space<semaphore_mem>>)
      %dma_wait3A_198 = tpu.memref_slice %arg2[%mul3A_2] : memref<327680xi32, #tpu.memory_space<hbm>> -> memref<128xi32, #tpu.memory_space<hbm>>
      %dma_wait3A_199 = tpu.memref_slice %arg2[%mul3A_2] : memref<327680xi32, #tpu.memory_space<hbm>> -> memref<128xi32, #tpu.memory_space<hbm>>
      tpu.wait_dma2 semaphore(%arg10 : memref<!tpu.dma_semaphore, #tpu.memory_space<semaphore_mem>>) src(%dma_wait3A_199 : memref<128xi32, #tpu.memory_space<hbm>>) dst(%arg5 : memref<128xi32, #tpu.memory_space<vmem>>)
      %mul3A_200 = arith.constant 4 : i32
      %mul3A_201 = arith.muli %add3A_181, %mul3A_200 : i32
      %add3A_202 = arith.constant 1 : i32
      %add3A_203 = arith.addi %mul3A_201, %add3A_202 : i32
      %dma_start3A_204 = arith.constant 0 : i32
      %dma_start3A_205 = arith.constant 0 : i32
      %dma_start3A_206 = tpu.memref_slice %arg9[%dma_start3A_204, %dma_start3A_205] : memref<10240x128xf32, #tpu.memory_space<vmem_shared>> -> memref<10240x128xf32, #tpu.memory_space<vmem_shared>>
      tpu.enqueue_indirect_dma source(%arg8 : memref<128x128xf32, #tpu.memory_space<vmem>>) target(%dma_start3A_206 : memref<10240x128xf32, #tpu.memory_space<vmem_shared>>) offsets(%arg5 : memref<128xi32, #tpu.memory_space<vmem>>) semaphore(%arg11 : memref<!tpu.dma_semaphore, #tpu.memory_space<semaphore_mem>>) {add = true}
      %dma_wait3A_207 = arith.constant 0 : i32
      %dma_wait3A_208 = arith.constant 0 : i32
      %dma_wait3A_209 = tpu.memref_slice %arg9[%dma_wait3A_207, %dma_wait3A_208] : memref<10240x128xf32, #tpu.memory_space<vmem_shared>> -> memref<10240x128xf32, #tpu.memory_space<vmem_shared>>
      tpu.wait_indirect_dma semaphore(%arg11 : memref<!tpu.dma_semaphore, #tpu.memory_space<semaphore_mem>>) src(%arg8 : memref<128x128xf32, #tpu.memory_space<vmem>>) dst(%dma_wait3A_209 : memref<10240x128xf32, #tpu.memory_space<vmem_shared>>)
      %lt3A = arith.constant 19 : i32
      %lt3A_210 = arith.cmpi slt, %add3A_181, %lt3A : i32
      %convert_element_type3A_211 = arith.extui %lt3A_210 : i1 to i32
      %cond3A_212 = arith.constant 0 : i32
      %cond3A_213 = arith.cmpi ne, %convert_element_type3A_211, %cond3A_212 : i32
      scf.if %cond3A_213 {
        %add3A_253 = arith.constant 3 : i32
        %add3A_254 = arith.addi %add3A_203, %add3A_253 : i32
        %mul3A_255 = arith.constant 128 : i32
        %mul3A_256 = arith.muli %add3A_254, %mul3A_255 : i32
        %add3A_257 = arith.addi %mul3A_2, %mul3A_256 : i32
        %dma_start3A_258 = tpu.memref_slice %arg2[%add3A_257] : memref<327680xi32, #tpu.memory_space<hbm>> -> memref<128xi32, #tpu.memory_space<hbm>>
        %dma_start3A_259 = tpu.memref_slice %arg2[%add3A_257] : memref<327680xi32, #tpu.memory_space<hbm>> -> memref<128xi32, #tpu.memory_space<hbm>>
        tpu.enqueue_dma source(%dma_start3A_259 : memref<128xi32, #tpu.memory_space<hbm>>) target(%arg4 : memref<128xi32, #tpu.memory_space<vmem>>) target_semaphore(%arg10 : memref<!tpu.dma_semaphore, #tpu.memory_space<semaphore_mem>>)
      } else {
      }
      %dma_wait3A_214 = tpu.memref_slice %arg2[%mul3A_2] : memref<327680xi32, #tpu.memory_space<hbm>> -> memref<128xi32, #tpu.memory_space<hbm>>
      %dma_wait3A_215 = tpu.memref_slice %arg2[%mul3A_2] : memref<327680xi32, #tpu.memory_space<hbm>> -> memref<128xi32, #tpu.memory_space<hbm>>
      tpu.wait_dma2 semaphore(%arg10 : memref<!tpu.dma_semaphore, #tpu.memory_space<semaphore_mem>>) src(%dma_wait3A_215 : memref<128xi32, #tpu.memory_space<hbm>>) dst(%arg6 : memref<128xi32, #tpu.memory_space<vmem>>)
      %mul3A_216 = arith.constant 4 : i32
      %mul3A_217 = arith.muli %add3A_181, %mul3A_216 : i32
      %add3A_218 = arith.constant 2 : i32
      %add3A_219 = arith.addi %mul3A_217, %add3A_218 : i32
      %dma_start3A_220 = arith.constant 0 : i32
      %dma_start3A_221 = arith.constant 0 : i32
      %dma_start3A_222 = tpu.memref_slice %arg9[%dma_start3A_220, %dma_start3A_221] : memref<10240x128xf32, #tpu.memory_space<vmem_shared>> -> memref<10240x128xf32, #tpu.memory_space<vmem_shared>>
      tpu.enqueue_indirect_dma source(%arg8 : memref<128x128xf32, #tpu.memory_space<vmem>>) target(%dma_start3A_222 : memref<10240x128xf32, #tpu.memory_space<vmem_shared>>) offsets(%arg6 : memref<128xi32, #tpu.memory_space<vmem>>) semaphore(%arg11 : memref<!tpu.dma_semaphore, #tpu.memory_space<semaphore_mem>>) {add = true}
      %dma_wait3A_223 = arith.constant 0 : i32
      %dma_wait3A_224 = arith.constant 0 : i32
      %dma_wait3A_225 = tpu.memref_slice %arg9[%dma_wait3A_223, %dma_wait3A_224] : memref<10240x128xf32, #tpu.memory_space<vmem_shared>> -> memref<10240x128xf32, #tpu.memory_space<vmem_shared>>
      tpu.wait_indirect_dma semaphore(%arg11 : memref<!tpu.dma_semaphore, #tpu.memory_space<semaphore_mem>>) src(%arg8 : memref<128x128xf32, #tpu.memory_space<vmem>>) dst(%dma_wait3A_225 : memref<10240x128xf32, #tpu.memory_space<vmem_shared>>)
      %lt3A_226 = arith.constant 19 : i32
      %lt3A_227 = arith.cmpi slt, %add3A_181, %lt3A_226 : i32
      %convert_element_type3A_228 = arith.extui %lt3A_227 : i1 to i32
      %cond3A_229 = arith.constant 0 : i32
      %cond3A_230 = arith.cmpi ne, %convert_element_type3A_228, %cond3A_229 : i32
      scf.if %cond3A_230 {
        %add3A_253 = arith.constant 3 : i32
        %add3A_254 = arith.addi %add3A_219, %add3A_253 : i32
        %mul3A_255 = arith.constant 128 : i32
        %mul3A_256 = arith.muli %add3A_254, %mul3A_255 : i32
        %add3A_257 = arith.addi %mul3A_2, %mul3A_256 : i32
        %dma_start3A_258 = tpu.memref_slice %arg2[%add3A_257] : memref<327680xi32, #tpu.memory_space<hbm>> -> memref<128xi32, #tpu.memory_space<hbm>>
        %dma_start3A_259 = tpu.memref_slice %arg2[%add3A_257] : memref<327680xi32, #tpu.memory_space<hbm>> -> memref<128xi32, #tpu.memory_space<hbm>>
        tpu.enqueue_dma source(%dma_start3A_259 : memref<128xi32, #tpu.memory_space<hbm>>) target(%arg5 : memref<128xi32, #tpu.memory_space<vmem>>) target_semaphore(%arg10 : memref<!tpu.dma_semaphore, #tpu.memory_space<semaphore_mem>>)
      } else {
      }
      %dma_wait3A_231 = tpu.memref_slice %arg2[%mul3A_2] : memref<327680xi32, #tpu.memory_space<hbm>> -> memref<128xi32, #tpu.memory_space<hbm>>
      %dma_wait3A_232 = tpu.memref_slice %arg2[%mul3A_2] : memref<327680xi32, #tpu.memory_space<hbm>> -> memref<128xi32, #tpu.memory_space<hbm>>
      tpu.wait_dma2 semaphore(%arg10 : memref<!tpu.dma_semaphore, #tpu.memory_space<semaphore_mem>>) src(%dma_wait3A_232 : memref<128xi32, #tpu.memory_space<hbm>>) dst(%arg7 : memref<128xi32, #tpu.memory_space<vmem>>)
      %mul3A_233 = arith.constant 4 : i32
      %mul3A_234 = arith.muli %add3A_181, %mul3A_233 : i32
      %add3A_235 = arith.constant 3 : i32
      %add3A_236 = arith.addi %mul3A_234, %add3A_235 : i32
      %dma_start3A_237 = arith.constant 0 : i32
      %dma_start3A_238 = arith.constant 0 : i32
      %dma_start3A_239 = tpu.memref_slice %arg9[%dma_start3A_237, %dma_start3A_238] : memref<10240x128xf32, #tpu.memory_space<vmem_shared>> -> memref<10240x128xf32, #tpu.memory_space<vmem_shared>>
      tpu.enqueue_indirect_dma source(%arg8 : memref<128x128xf32, #tpu.memory_space<vmem>>) target(%dma_start3A_239 : memref<10240x128xf32, #tpu.memory_space<vmem_shared>>) offsets(%arg7 : memref<128xi32, #tpu.memory_space<vmem>>) semaphore(%arg11 : memref<!tpu.dma_semaphore, #tpu.memory_space<semaphore_mem>>) {add = true}
      %dma_wait3A_240 = arith.constant 0 : i32
      %dma_wait3A_241 = arith.constant 0 : i32
      %dma_wait3A_242 = tpu.memref_slice %arg9[%dma_wait3A_240, %dma_wait3A_241] : memref<10240x128xf32, #tpu.memory_space<vmem_shared>> -> memref<10240x128xf32, #tpu.memory_space<vmem_shared>>
      tpu.wait_indirect_dma semaphore(%arg11 : memref<!tpu.dma_semaphore, #tpu.memory_space<semaphore_mem>>) src(%arg8 : memref<128x128xf32, #tpu.memory_space<vmem>>) dst(%dma_wait3A_242 : memref<10240x128xf32, #tpu.memory_space<vmem_shared>>)
      %lt3A_243 = arith.constant 19 : i32
      %lt3A_244 = arith.cmpi slt, %add3A_181, %lt3A_243 : i32
      %convert_element_type3A_245 = arith.extui %lt3A_244 : i1 to i32
      %cond3A_246 = arith.constant 0 : i32
      %cond3A_247 = arith.cmpi ne, %convert_element_type3A_245, %cond3A_246 : i32
      scf.if %cond3A_247 {
        %add3A_253 = arith.constant 3 : i32
        %add3A_254 = arith.addi %add3A_236, %add3A_253 : i32
        %mul3A_255 = arith.constant 128 : i32
        %mul3A_256 = arith.muli %add3A_254, %mul3A_255 : i32
        %add3A_257 = arith.addi %mul3A_2, %mul3A_256 : i32
        %dma_start3A_258 = tpu.memref_slice %arg2[%add3A_257] : memref<327680xi32, #tpu.memory_space<hbm>> -> memref<128xi32, #tpu.memory_space<hbm>>
        %dma_start3A_259 = tpu.memref_slice %arg2[%add3A_257] : memref<327680xi32, #tpu.memory_space<hbm>> -> memref<128xi32, #tpu.memory_space<hbm>>
        tpu.enqueue_dma source(%dma_start3A_259 : memref<128xi32, #tpu.memory_space<hbm>>) target(%arg6 : memref<128xi32, #tpu.memory_space<vmem>>) target_semaphore(%arg10 : memref<!tpu.dma_semaphore, #tpu.memory_space<semaphore_mem>>)
      } else {
      }
      %lt3A_248 = arith.constant 19 : i32
      %lt3A_249 = arith.cmpi slt, %add3A_181, %lt3A_248 : i32
      %convert_element_type3A_250 = arith.extui %lt3A_249 : i1 to i32
      %cond3A_251 = arith.constant 0 : i32
      %cond3A_252 = arith.cmpi ne, %convert_element_type3A_250, %cond3A_251 : i32
      scf.if %cond3A_252 {
        %dma_wait3A_253 = tpu.memref_slice %arg2[%mul3A_2] : memref<327680xi32, #tpu.memory_space<hbm>> -> memref<128xi32, #tpu.memory_space<hbm>>
        %dma_wait3A_254 = tpu.memref_slice %arg2[%mul3A_2] : memref<327680xi32, #tpu.memory_space<hbm>> -> memref<128xi32, #tpu.memory_space<hbm>>
        tpu.wait_dma2 semaphore(%arg10 : memref<!tpu.dma_semaphore, #tpu.memory_space<semaphore_mem>>) src(%dma_wait3A_254 : memref<128xi32, #tpu.memory_space<hbm>>) dst(%arg4 : memref<128xi32, #tpu.memory_space<vmem>>)
      } else {
      }
    }
    %scan3A_158 = arith.constant 20 : i32
    %dma_wait3A_159 = arith.constant 0 : i32
    %dma_wait3A_160 = arith.constant 0 : i32
    %dma_wait3A_161 = tpu.memref_slice %arg9[%dma_wait3A_159, %dma_wait3A_160] : memref<10240x128xf32, #tpu.memory_space<vmem_shared>> -> memref<10240x128xf32, #tpu.memory_space<vmem_shared>>
    tpu.wait_indirect_dma semaphore(%arg11 : memref<!tpu.dma_semaphore, #tpu.memory_space<semaphore_mem>>) src(%arg8 : memref<128x128xf32, #tpu.memory_space<vmem>>) dst(%dma_wait3A_161 : memref<10240x128xf32, #tpu.memory_space<vmem_shared>>)
    %barrier3A_162 = arith.constant 0 : index
    tpu.barrier barrier_id(%barrier3A_162)
    %mul3A_163 = arith.constant 640 : i32
    %mul3A_164 = arith.muli %arg1, %mul3A_163 : i32
    %mul3A_165 = arith.constant 640 : i32
    %mul3A_166 = arith.muli %arg1, %mul3A_165 : i32
    %dma_start3A_167 = arith.constant 0 : i32
    %dma_start3A_168 = tpu.memref_slice %arg3[%arg0, %mul3A_166, %dma_start3A_167] : memref<2x10240x128xf32, #tpu.memory_space<hbm>> -> memref<1x640x128xf32, #tpu.memory_space<hbm>>
    %dma_start3A_169 = tpu.memref_squeeze %dma_start3A_168 : memref<1x640x128xf32, #tpu.memory_space<hbm>> -> memref<640x128xf32, #tpu.memory_space<hbm>>
    %dma_start3A_170 = arith.constant 0 : i32
    %dma_start3A_171 = tpu.memref_slice %arg9[%mul3A_164, %dma_start3A_170] : memref<10240x128xf32, #tpu.memory_space<vmem_shared>> -> memref<640x128xf32, #tpu.memory_space<vmem_shared>>
    tpu.enqueue_dma source(%dma_start3A_171 : memref<640x128xf32, #tpu.memory_space<vmem_shared>>) target(%dma_start3A_169 : memref<640x128xf32, #tpu.memory_space<hbm>>) target_semaphore(%arg11 : memref<!tpu.dma_semaphore, #tpu.memory_space<semaphore_mem>>)
    %dma_wait3A_172 = arith.constant 0 : i32
    %dma_wait3A_173 = tpu.memref_slice %arg3[%arg0, %mul3A_166, %dma_wait3A_172] : memref<2x10240x128xf32, #tpu.memory_space<hbm>> -> memref<1x640x128xf32, #tpu.memory_space<hbm>>
    %dma_wait3A_174 = tpu.memref_squeeze %dma_wait3A_173 : memref<1x640x128xf32, #tpu.memory_space<hbm>> -> memref<640x128xf32, #tpu.memory_space<hbm>>
    %dma_wait3A_175 = arith.constant 0 : i32
    %dma_wait3A_176 = tpu.memref_slice %arg9[%mul3A_164, %dma_wait3A_175] : memref<10240x128xf32, #tpu.memory_space<vmem_shared>> -> memref<640x128xf32, #tpu.memory_space<vmem_shared>>
    tpu.wait_dma2 semaphore(%arg11 : memref<!tpu.dma_semaphore, #tpu.memory_space<semaphore_mem>>) src(%dma_wait3A_176 : memref<640x128xf32, #tpu.memory_space<vmem_shared>>) dst(%dma_wait3A_174 : memref<640x128xf32, #tpu.memory_space<hbm>>)
    return
  }
}

#map = affine_map<(d0, d1) -> (0, 0)>
#map1 = affine_map<(d0, d1) -> (0)>
#map2 = affine_map<(d0, d1) -> (0, 0, 0)>
module attributes {stable_mosaic.version = 14 : i64} {
  func.func @_agg_kernel(%arg0: i32, %arg1: i32, %arg2: memref<10000x128xf32, #tpu.memory_space<hbm>>, %arg3: memref<327680xi32, #tpu.memory_space<hbm>>, %arg4: memref<327680xi32, #tpu.memory_space<hbm>>, %arg5: memref<2x10240x128xf32, #tpu.memory_space<hbm>>, %arg6: memref<128xi32, #tpu.memory_space<vmem>>, %arg7: memref<128xi32, #tpu.memory_space<vmem>>, %arg8: memref<128xi32, #tpu.memory_space<vmem>>, %arg9: memref<128xi32, #tpu.memory_space<vmem>>, %arg10: memref<128xi32, #tpu.memory_space<vmem>>, %arg11: memref<128xi32, #tpu.memory_space<vmem>>, %arg12: memref<128xi32, #tpu.memory_space<vmem>>, %arg13: memref<128xi32, #tpu.memory_space<vmem>>, %arg14: memref<128x128xf32, #tpu.memory_space<vmem>>, %arg15: memref<128x128xf32, #tpu.memory_space<vmem>>, %arg16: memref<10240x128xf32, #tpu.memory_space<vmem_shared>>, %arg17: memref<!tpu.dma_semaphore, #tpu.memory_space<semaphore_mem>>, %arg18: memref<!tpu.dma_semaphore, #tpu.memory_space<semaphore_mem>>, %arg19: memref<!tpu.dma_semaphore, #tpu.memory_space<semaphore_mem>>) attributes {dimension_semantics = [#tpu.dimension_semantics<core_parallel>, #tpu.dimension_semantics<subcore_parallel>], iteration_bounds = array<i64: 2, 16>, scalar_prefetch = 0 : i64, scratch_operands = 14 : i64, tpu.core_type = #tpu.core_type<sc_vector_subcore>, window_params = [{transform_indices = #map}, {transform_indices = #map1}, {transform_indices = #map1}, {transform_indices = #map2}]} {
    %mul3A = arith.constant 20480 : i32
    %mul3A_0 = arith.muli %arg1, %mul3A : i32
    %eq3A = arith.constant 1 : i32
    %eq3A_1 = arith.cmpi eq, %arg0, %eq3A : i32
    %convert_element_type3A = arith.extui %eq3A_1 : i1 to i32
    %cond3A = arith.constant 0 : i32
    %cond3A_2 = arith.cmpi ne, %convert_element_type3A, %cond3A : i32
    scf.if %cond3A_2 {
      %add3A = arith.constant 0 : i32
      %add3A_14 = arith.addi %mul3A_0, %add3A : i32
      %dma_start3A = tpu.memref_slice %arg3[%add3A_14] : memref<327680xi32, #tpu.memory_space<hbm>> -> memref<128xi32, #tpu.memory_space<hbm>>
      %dma_start3A_15 = tpu.memref_slice %arg3[%add3A_14] : memref<327680xi32, #tpu.memory_space<hbm>> -> memref<128xi32, #tpu.memory_space<hbm>>
      tpu.enqueue_dma source(%dma_start3A_15 : memref<128xi32, #tpu.memory_space<hbm>>) target(%arg6 : memref<128xi32, #tpu.memory_space<vmem>>) target_semaphore(%arg17 : memref<!tpu.dma_semaphore, #tpu.memory_space<semaphore_mem>>)
      %add3A_16 = arith.constant 0 : i32
      %add3A_17 = arith.addi %mul3A_0, %add3A_16 : i32
      %dma_start3A_18 = tpu.memref_slice %arg4[%add3A_17] : memref<327680xi32, #tpu.memory_space<hbm>> -> memref<128xi32, #tpu.memory_space<hbm>>
      %dma_start3A_19 = tpu.memref_slice %arg4[%add3A_17] : memref<327680xi32, #tpu.memory_space<hbm>> -> memref<128xi32, #tpu.memory_space<hbm>>
      tpu.enqueue_dma source(%dma_start3A_19 : memref<128xi32, #tpu.memory_space<hbm>>) target(%arg10 : memref<128xi32, #tpu.memory_space<vmem>>) target_semaphore(%arg17 : memref<!tpu.dma_semaphore, #tpu.memory_space<semaphore_mem>>)
      %add3A_20 = arith.constant 128 : i32
      %add3A_21 = arith.addi %mul3A_0, %add3A_20 : i32
      %dma_start3A_22 = tpu.memref_slice %arg3[%add3A_21] : memref<327680xi32, #tpu.memory_space<hbm>> -> memref<128xi32, #tpu.memory_space<hbm>>
      %dma_start3A_23 = tpu.memref_slice %arg3[%add3A_21] : memref<327680xi32, #tpu.memory_space<hbm>> -> memref<128xi32, #tpu.memory_space<hbm>>
      tpu.enqueue_dma source(%dma_start3A_23 : memref<128xi32, #tpu.memory_space<hbm>>) target(%arg7 : memref<128xi32, #tpu.memory_space<vmem>>) target_semaphore(%arg17 : memref<!tpu.dma_semaphore, #tpu.memory_space<semaphore_mem>>)
      %add3A_24 = arith.constant 128 : i32
      %add3A_25 = arith.addi %mul3A_0, %add3A_24 : i32
      %dma_start3A_26 = tpu.memref_slice %arg4[%add3A_25] : memref<327680xi32, #tpu.memory_space<hbm>> -> memref<128xi32, #tpu.memory_space<hbm>>
      %dma_start3A_27 = tpu.memref_slice %arg4[%add3A_25] : memref<327680xi32, #tpu.memory_space<hbm>> -> memref<128xi32, #tpu.memory_space<hbm>>
      tpu.enqueue_dma source(%dma_start3A_27 : memref<128xi32, #tpu.memory_space<hbm>>) target(%arg11 : memref<128xi32, #tpu.memory_space<vmem>>) target_semaphore(%arg17 : memref<!tpu.dma_semaphore, #tpu.memory_space<semaphore_mem>>)
      %add3A_28 = arith.constant 256 : i32
      %add3A_29 = arith.addi %mul3A_0, %add3A_28 : i32
      %dma_start3A_30 = tpu.memref_slice %arg3[%add3A_29] : memref<327680xi32, #tpu.memory_space<hbm>> -> memref<128xi32, #tpu.memory_space<hbm>>
      %dma_start3A_31 = tpu.memref_slice %arg3[%add3A_29] : memref<327680xi32, #tpu.memory_space<hbm>> -> memref<128xi32, #tpu.memory_space<hbm>>
      tpu.enqueue_dma source(%dma_start3A_31 : memref<128xi32, #tpu.memory_space<hbm>>) target(%arg8 : memref<128xi32, #tpu.memory_space<vmem>>) target_semaphore(%arg17 : memref<!tpu.dma_semaphore, #tpu.memory_space<semaphore_mem>>)
      %add3A_32 = arith.constant 256 : i32
      %add3A_33 = arith.addi %mul3A_0, %add3A_32 : i32
      %dma_start3A_34 = tpu.memref_slice %arg4[%add3A_33] : memref<327680xi32, #tpu.memory_space<hbm>> -> memref<128xi32, #tpu.memory_space<hbm>>
      %dma_start3A_35 = tpu.memref_slice %arg4[%add3A_33] : memref<327680xi32, #tpu.memory_space<hbm>> -> memref<128xi32, #tpu.memory_space<hbm>>
      tpu.enqueue_dma source(%dma_start3A_35 : memref<128xi32, #tpu.memory_space<hbm>>) target(%arg12 : memref<128xi32, #tpu.memory_space<vmem>>) target_semaphore(%arg17 : memref<!tpu.dma_semaphore, #tpu.memory_space<semaphore_mem>>)
      %scan3A = arith.constant 0 : i32
      %scan3A_36 = arith.constant 128 : i32
      %scan3A_37 = arith.addi %scan3A, %scan3A_36 : i32
      %scan3A_38 = arith.constant 1 : i32
      scf.for %scan3A_173 = %scan3A to %scan3A_37 step %scan3A_38  : i32 {
        %mul3A_174 = arith.constant 1 : i32
        %mul3A_175 = arith.muli %scan3A_173, %mul3A_174 : i32
        %add3A_176 = arith.constant 0 : i32
        %add3A_177 = arith.addi %add3A_176, %mul3A_175 : i32
        %broadcast_in_dim3A = arith.constant 0.000000e+00 : f32
        %broadcast_in_dim3A_178 = vector.broadcast %broadcast_in_dim3A : f32 to vector<16xf32>
        %swap3A = arith.index_cast %add3A_177 : i32 to index
        %swap3A_179 = arith.constant 0 : index
        %swap3A_180 = tpu.vector_load %arg14[%swap3A, %swap3A_179] {strides = array<i32>} : memref<128x128xf32, #tpu.memory_space<vmem>>, vector<1x16xf32>,
        %swap3A_181 = vector.shape_cast %swap3A_180 : vector<1x16xf32> to vector<16xf32>
        %swap3A_182 = vector.shape_cast %broadcast_in_dim3A_178 : vector<16xf32> to vector<1x16xf32>
        tpu.vector_store %arg14[%swap3A, %swap3A_179], %swap3A_182 {strides = array<i32>} : memref<128x128xf32, #tpu.memory_space<vmem>>, vector<1x16xf32>,
        %broadcast_in_dim3A_183 = arith.constant 0.000000e+00 : f32
        %broadcast_in_dim3A_184 = vector.broadcast %broadcast_in_dim3A_183 : f32 to vector<16xf32>
        %swap3A_185 = arith.index_cast %add3A_177 : i32 to index
        %swap3A_186 = arith.constant 16 : index
        %swap3A_187 = tpu.vector_load %arg14[%swap3A_185, %swap3A_186] {strides = array<i32>} : memref<128x128xf32, #tpu.memory_space<vmem>>, vector<1x16xf32>,
        %swap3A_188 = vector.shape_cast %swap3A_187 : vector<1x16xf32> to vector<16xf32>
        %swap3A_189 = vector.shape_cast %broadcast_in_dim3A_184 : vector<16xf32> to vector<1x16xf32>
        tpu.vector_store %arg14[%swap3A_185, %swap3A_186], %swap3A_189 {strides = array<i32>} : memref<128x128xf32, #tpu.memory_space<vmem>>, vector<1x16xf32>,
        %broadcast_in_dim3A_190 = arith.constant 0.000000e+00 : f32
        %broadcast_in_dim3A_191 = vector.broadcast %broadcast_in_dim3A_190 : f32 to vector<16xf32>
        %swap3A_192 = arith.index_cast %add3A_177 : i32 to index
        %swap3A_193 = arith.constant 32 : index
        %swap3A_194 = tpu.vector_load %arg14[%swap3A_192, %swap3A_193] {strides = array<i32>} : memref<128x128xf32, #tpu.memory_space<vmem>>, vector<1x16xf32>,
        %swap3A_195 = vector.shape_cast %swap3A_194 : vector<1x16xf32> to vector<16xf32>
        %swap3A_196 = vector.shape_cast %broadcast_in_dim3A_191 : vector<16xf32> to vector<1x16xf32>
        tpu.vector_store %arg14[%swap3A_192, %swap3A_193], %swap3A_196 {strides = array<i32>} : memref<128x128xf32, #tpu.memory_space<vmem>>, vector<1x16xf32>,
        %broadcast_in_dim3A_197 = arith.constant 0.000000e+00 : f32
        %broadcast_in_dim3A_198 = vector.broadcast %broadcast_in_dim3A_197 : f32 to vector<16xf32>
        %swap3A_199 = arith.index_cast %add3A_177 : i32 to index
        %swap3A_200 = arith.constant 48 : index
        %swap3A_201 = tpu.vector_load %arg14[%swap3A_199, %swap3A_200] {strides = array<i32>} : memref<128x128xf32, #tpu.memory_space<vmem>>, vector<1x16xf32>,
        %swap3A_202 = vector.shape_cast %swap3A_201 : vector<1x16xf32> to vector<16xf32>
        %swap3A_203 = vector.shape_cast %broadcast_in_dim3A_198 : vector<16xf32> to vector<1x16xf32>
        tpu.vector_store %arg14[%swap3A_199, %swap3A_200], %swap3A_203 {strides = array<i32>} : memref<128x128xf32, #tpu.memory_space<vmem>>, vector<1x16xf32>,
        %broadcast_in_dim3A_204 = arith.constant 0.000000e+00 : f32
        %broadcast_in_dim3A_205 = vector.broadcast %broadcast_in_dim3A_204 : f32 to vector<16xf32>
        %swap3A_206 = arith.index_cast %add3A_177 : i32 to index
        %swap3A_207 = arith.constant 64 : index
        %swap3A_208 = tpu.vector_load %arg14[%swap3A_206, %swap3A_207] {strides = array<i32>} : memref<128x128xf32, #tpu.memory_space<vmem>>, vector<1x16xf32>,
        %swap3A_209 = vector.shape_cast %swap3A_208 : vector<1x16xf32> to vector<16xf32>
        %swap3A_210 = vector.shape_cast %broadcast_in_dim3A_205 : vector<16xf32> to vector<1x16xf32>
        tpu.vector_store %arg14[%swap3A_206, %swap3A_207], %swap3A_210 {strides = array<i32>} : memref<128x128xf32, #tpu.memory_space<vmem>>, vector<1x16xf32>,
        %broadcast_in_dim3A_211 = arith.constant 0.000000e+00 : f32
        %broadcast_in_dim3A_212 = vector.broadcast %broadcast_in_dim3A_211 : f32 to vector<16xf32>
        %swap3A_213 = arith.index_cast %add3A_177 : i32 to index
        %swap3A_214 = arith.constant 80 : index
        %swap3A_215 = tpu.vector_load %arg14[%swap3A_213, %swap3A_214] {strides = array<i32>} : memref<128x128xf32, #tpu.memory_space<vmem>>, vector<1x16xf32>,
        %swap3A_216 = vector.shape_cast %swap3A_215 : vector<1x16xf32> to vector<16xf32>
        %swap3A_217 = vector.shape_cast %broadcast_in_dim3A_212 : vector<16xf32> to vector<1x16xf32>
        tpu.vector_store %arg14[%swap3A_213, %swap3A_214], %swap3A_217 {strides = array<i32>} : memref<128x128xf32, #tpu.memory_space<vmem>>, vector<1x16xf32>,
        %broadcast_in_dim3A_218 = arith.constant 0.000000e+00 : f32
        %broadcast_in_dim3A_219 = vector.broadcast %broadcast_in_dim3A_218 : f32 to vector<16xf32>
        %swap3A_220 = arith.index_cast %add3A_177 : i32 to index
        %swap3A_221 = arith.constant 96 : index
        %swap3A_222 = tpu.vector_load %arg14[%swap3A_220, %swap3A_221] {strides = array<i32>} : memref<128x128xf32, #tpu.memory_space<vmem>>, vector<1x16xf32>,
        %swap3A_223 = vector.shape_cast %swap3A_222 : vector<1x16xf32> to vector<16xf32>
        %swap3A_224 = vector.shape_cast %broadcast_in_dim3A_219 : vector<16xf32> to vector<1x16xf32>
        tpu.vector_store %arg14[%swap3A_220, %swap3A_221], %swap3A_224 {strides = array<i32>} : memref<128x128xf32, #tpu.memory_space<vmem>>, vector<1x16xf32>,
        %broadcast_in_dim3A_225 = arith.constant 0.000000e+00 : f32
        %broadcast_in_dim3A_226 = vector.broadcast %broadcast_in_dim3A_225 : f32 to vector<16xf32>
        %swap3A_227 = arith.index_cast %add3A_177 : i32 to index
        %swap3A_228 = arith.constant 112 : index
        %swap3A_229 = tpu.vector_load %arg14[%swap3A_227, %swap3A_228] {strides = array<i32>} : memref<128x128xf32, #tpu.memory_space<vmem>>, vector<1x16xf32>,
        %swap3A_230 = vector.shape_cast %swap3A_229 : vector<1x16xf32> to vector<16xf32>
        %swap3A_231 = vector.shape_cast %broadcast_in_dim3A_226 : vector<16xf32> to vector<1x16xf32>
        tpu.vector_store %arg14[%swap3A_227, %swap3A_228], %swap3A_231 {strides = array<i32>} : memref<128x128xf32, #tpu.memory_space<vmem>>, vector<1x16xf32>,
      }
      %scan3A_39 = arith.constant 128 : i32
      %mul3A_40 = arith.constant 640 : i32
      %mul3A_41 = arith.muli %arg1, %mul3A_40 : i32
      %add3A_42 = arith.constant 0 : i32
      %add3A_43 = arith.addi %mul3A_41, %add3A_42 : i32
      %dma_start3A_44 = arith.constant 0 : i32
      %dma_start3A_45 = arith.constant 0 : i32
      %dma_start3A_46 = tpu.memref_slice %arg14[%dma_start3A_44, %dma_start3A_45] : memref<128x128xf32, #tpu.memory_space<vmem>> -> memref<128x128xf32, #tpu.memory_space<vmem>>
      %dma_start3A_47 = arith.constant 0 : i32
      %dma_start3A_48 = tpu.memref_slice %arg16[%add3A_43, %dma_start3A_47] : memref<10240x128xf32, #tpu.memory_space<vmem_shared>> -> memref<128x128xf32, #tpu.memory_space<vmem_shared>>
      %dma_start3A_49 = arith.constant 0 : i32
      %dma_start3A_50 = tpu.memref_slice %arg16[%add3A_43, %dma_start3A_49] : memref<10240x128xf32, #tpu.memory_space<vmem_shared>> -> memref<128x128xf32, #tpu.memory_space<vmem_shared>>
      %dma_start3A_51 = arith.constant 0 : i32
      %dma_start3A_52 = arith.constant 0 : i32
      %dma_start3A_53 = tpu.memref_slice %arg14[%dma_start3A_51, %dma_start3A_52] : memref<128x128xf32, #tpu.memory_space<vmem>> -> memref<128x128xf32, #tpu.memory_space<vmem>>
      tpu.enqueue_dma source(%dma_start3A_53 : memref<128x128xf32, #tpu.memory_space<vmem>>) target(%dma_start3A_50 : memref<128x128xf32, #tpu.memory_space<vmem_shared>>) target_semaphore(%arg18 : memref<!tpu.dma_semaphore, #tpu.memory_space<semaphore_mem>>)
      %mul3A_54 = arith.constant 640 : i32
      %mul3A_55 = arith.muli %arg1, %mul3A_54 : i32
      %add3A_56 = arith.constant 128 : i32
      %add3A_57 = arith.addi %mul3A_55, %add3A_56 : i32
      %dma_start3A_58 = arith.constant 0 : i32
      %dma_start3A_59 = arith.constant 0 : i32
      %dma_start3A_60 = tpu.memref_slice %arg14[%dma_start3A_58, %dma_start3A_59] : memref<128x128xf32, #tpu.memory_space<vmem>> -> memref<128x128xf32, #tpu.memory_space<vmem>>
      %dma_start3A_61 = arith.constant 0 : i32
      %dma_start3A_62 = tpu.memref_slice %arg16[%add3A_57, %dma_start3A_61] : memref<10240x128xf32, #tpu.memory_space<vmem_shared>> -> memref<128x128xf32, #tpu.memory_space<vmem_shared>>
      %dma_start3A_63 = arith.constant 0 : i32
      %dma_start3A_64 = tpu.memref_slice %arg16[%add3A_57, %dma_start3A_63] : memref<10240x128xf32, #tpu.memory_space<vmem_shared>> -> memref<128x128xf32, #tpu.memory_space<vmem_shared>>
      %dma_start3A_65 = arith.constant 0 : i32
      %dma_start3A_66 = arith.constant 0 : i32
      %dma_start3A_67 = tpu.memref_slice %arg14[%dma_start3A_65, %dma_start3A_66] : memref<128x128xf32, #tpu.memory_space<vmem>> -> memref<128x128xf32, #tpu.memory_space<vmem>>
      tpu.enqueue_dma source(%dma_start3A_67 : memref<128x128xf32, #tpu.memory_space<vmem>>) target(%dma_start3A_64 : memref<128x128xf32, #tpu.memory_space<vmem_shared>>) target_semaphore(%arg18 : memref<!tpu.dma_semaphore, #tpu.memory_space<semaphore_mem>>)
      %mul3A_68 = arith.constant 640 : i32
      %mul3A_69 = arith.muli %arg1, %mul3A_68 : i32
      %add3A_70 = arith.constant 256 : i32
      %add3A_71 = arith.addi %mul3A_69, %add3A_70 : i32
      %dma_start3A_72 = arith.constant 0 : i32
      %dma_start3A_73 = arith.constant 0 : i32
      %dma_start3A_74 = tpu.memref_slice %arg14[%dma_start3A_72, %dma_start3A_73] : memref<128x128xf32, #tpu.memory_space<vmem>> -> memref<128x128xf32, #tpu.memory_space<vmem>>
      %dma_start3A_75 = arith.constant 0 : i32
      %dma_start3A_76 = tpu.memref_slice %arg16[%add3A_71, %dma_start3A_75] : memref<10240x128xf32, #tpu.memory_space<vmem_shared>> -> memref<128x128xf32, #tpu.memory_space<vmem_shared>>
      %dma_start3A_77 = arith.constant 0 : i32
      %dma_start3A_78 = tpu.memref_slice %arg16[%add3A_71, %dma_start3A_77] : memref<10240x128xf32, #tpu.memory_space<vmem_shared>> -> memref<128x128xf32, #tpu.memory_space<vmem_shared>>
      %dma_start3A_79 = arith.constant 0 : i32
      %dma_start3A_80 = arith.constant 0 : i32
      %dma_start3A_81 = tpu.memref_slice %arg14[%dma_start3A_79, %dma_start3A_80] : memref<128x128xf32, #tpu.memory_space<vmem>> -> memref<128x128xf32, #tpu.memory_space<vmem>>
      tpu.enqueue_dma source(%dma_start3A_81 : memref<128x128xf32, #tpu.memory_space<vmem>>) target(%dma_start3A_78 : memref<128x128xf32, #tpu.memory_space<vmem_shared>>) target_semaphore(%arg18 : memref<!tpu.dma_semaphore, #tpu.memory_space<semaphore_mem>>)
      %mul3A_82 = arith.constant 640 : i32
      %mul3A_83 = arith.muli %arg1, %mul3A_82 : i32
      %add3A_84 = arith.constant 384 : i32
      %add3A_85 = arith.addi %mul3A_83, %add3A_84 : i32
      %dma_start3A_86 = arith.constant 0 : i32
      %dma_start3A_87 = arith.constant 0 : i32
      %dma_start3A_88 = tpu.memref_slice %arg14[%dma_start3A_86, %dma_start3A_87] : memref<128x128xf32, #tpu.memory_space<vmem>> -> memref<128x128xf32, #tpu.memory_space<vmem>>
      %dma_start3A_89 = arith.constant 0 : i32
      %dma_start3A_90 = tpu.memref_slice %arg16[%add3A_85, %dma_start3A_89] : memref<10240x128xf32, #tpu.memory_space<vmem_shared>> -> memref<128x128xf32, #tpu.memory_space<vmem_shared>>
      %dma_start3A_91 = arith.constant 0 : i32
      %dma_start3A_92 = tpu.memref_slice %arg16[%add3A_85, %dma_start3A_91] : memref<10240x128xf32, #tpu.memory_space<vmem_shared>> -> memref<128x128xf32, #tpu.memory_space<vmem_shared>>
      %dma_start3A_93 = arith.constant 0 : i32
      %dma_start3A_94 = arith.constant 0 : i32
      %dma_start3A_95 = tpu.memref_slice %arg14[%dma_start3A_93, %dma_start3A_94] : memref<128x128xf32, #tpu.memory_space<vmem>> -> memref<128x128xf32, #tpu.memory_space<vmem>>
      tpu.enqueue_dma source(%dma_start3A_95 : memref<128x128xf32, #tpu.memory_space<vmem>>) target(%dma_start3A_92 : memref<128x128xf32, #tpu.memory_space<vmem_shared>>) target_semaphore(%arg18 : memref<!tpu.dma_semaphore, #tpu.memory_space<semaphore_mem>>)
      %mul3A_96 = arith.constant 640 : i32
      %mul3A_97 = arith.muli %arg1, %mul3A_96 : i32
      %add3A_98 = arith.constant 512 : i32
      %add3A_99 = arith.addi %mul3A_97, %add3A_98 : i32
      %dma_start3A_100 = arith.constant 0 : i32
      %dma_start3A_101 = arith.constant 0 : i32
      %dma_start3A_102 = tpu.memref_slice %arg14[%dma_start3A_100, %dma_start3A_101] : memref<128x128xf32, #tpu.memory_space<vmem>> -> memref<128x128xf32, #tpu.memory_space<vmem>>
      %dma_start3A_103 = arith.constant 0 : i32
      %dma_start3A_104 = tpu.memref_slice %arg16[%add3A_99, %dma_start3A_103] : memref<10240x128xf32, #tpu.memory_space<vmem_shared>> -> memref<128x128xf32, #tpu.memory_space<vmem_shared>>
      %dma_start3A_105 = arith.constant 0 : i32
      %dma_start3A_106 = tpu.memref_slice %arg16[%add3A_99, %dma_start3A_105] : memref<10240x128xf32, #tpu.memory_space<vmem_shared>> -> memref<128x128xf32, #tpu.memory_space<vmem_shared>>
      %dma_start3A_107 = arith.constant 0 : i32
      %dma_start3A_108 = arith.constant 0 : i32
      %dma_start3A_109 = tpu.memref_slice %arg14[%dma_start3A_107, %dma_start3A_108] : memref<128x128xf32, #tpu.memory_space<vmem>> -> memref<128x128xf32, #tpu.memory_space<vmem>>
      tpu.enqueue_dma source(%dma_start3A_109 : memref<128x128xf32, #tpu.memory_space<vmem>>) target(%dma_start3A_106 : memref<128x128xf32, #tpu.memory_space<vmem_shared>>) target_semaphore(%arg18 : memref<!tpu.dma_semaphore, #tpu.memory_space<semaphore_mem>>)
      %mul3A_110 = arith.constant 640 : i32
      %mul3A_111 = arith.muli %arg1, %mul3A_110 : i32
      %dma_wait3A = arith.constant 0 : i32
      %dma_wait3A_112 = arith.constant 0 : i32
      %dma_wait3A_113 = tpu.memref_slice %arg14[%dma_wait3A, %dma_wait3A_112] : memref<128x128xf32, #tpu.memory_space<vmem>> -> memref<128x128xf32, #tpu.memory_space<vmem>>
      %dma_wait3A_114 = arith.constant 0 : i32
      %dma_wait3A_115 = tpu.memref_slice %arg16[%mul3A_111, %dma_wait3A_114] : memref<10240x128xf32, #tpu.memory_space<vmem_shared>> -> memref<128x128xf32, #tpu.memory_space<vmem_shared>>
      %dma_wait3A_116 = arith.constant 0 : i32
      %dma_wait3A_117 = tpu.memref_slice %arg16[%mul3A_111, %dma_wait3A_116] : memref<10240x128xf32, #tpu.memory_space<vmem_shared>> -> memref<128x128xf32, #tpu.memory_space<vmem_shared>>
      %dma_wait3A_118 = arith.constant 0 : i32
      %dma_wait3A_119 = arith.constant 0 : i32
      %dma_wait3A_120 = tpu.memref_slice %arg14[%dma_wait3A_118, %dma_wait3A_119] : memref<128x128xf32, #tpu.memory_space<vmem>> -> memref<128x128xf32, #tpu.memory_space<vmem>>
      tpu.wait_dma2 semaphore(%arg18 : memref<!tpu.dma_semaphore, #tpu.memory_space<semaphore_mem>>) src(%dma_wait3A_120 : memref<128x128xf32, #tpu.memory_space<vmem>>) dst(%dma_wait3A_117 : memref<128x128xf32, #tpu.memory_space<vmem_shared>>)
      %mul3A_121 = arith.constant 640 : i32
      %mul3A_122 = arith.muli %arg1, %mul3A_121 : i32
      %dma_wait3A_123 = arith.constant 0 : i32
      %dma_wait3A_124 = arith.constant 0 : i32
      %dma_wait3A_125 = tpu.memref_slice %arg14[%dma_wait3A_123, %dma_wait3A_124] : memref<128x128xf32, #tpu.memory_space<vmem>> -> memref<128x128xf32, #tpu.memory_space<vmem>>
      %dma_wait3A_126 = arith.constant 0 : i32
      %dma_wait3A_127 = tpu.memref_slice %arg16[%mul3A_122, %dma_wait3A_126] : memref<10240x128xf32, #tpu.memory_space<vmem_shared>> -> memref<128x128xf32, #tpu.memory_space<vmem_shared>>
      %dma_wait3A_128 = arith.constant 0 : i32
      %dma_wait3A_129 = tpu.memref_slice %arg16[%mul3A_122, %dma_wait3A_128] : memref<10240x128xf32, #tpu.memory_space<vmem_shared>> -> memref<128x128xf32, #tpu.memory_space<vmem_shared>>
      %dma_wait3A_130 = arith.constant 0 : i32
      %dma_wait3A_131 = arith.constant 0 : i32
      %dma_wait3A_132 = tpu.memref_slice %arg14[%dma_wait3A_130, %dma_wait3A_131] : memref<128x128xf32, #tpu.memory_space<vmem>> -> memref<128x128xf32, #tpu.memory_space<vmem>>
      tpu.wait_dma2 semaphore(%arg18 : memref<!tpu.dma_semaphore, #tpu.memory_space<semaphore_mem>>) src(%dma_wait3A_132 : memref<128x128xf32, #tpu.memory_space<vmem>>) dst(%dma_wait3A_129 : memref<128x128xf32, #tpu.memory_space<vmem_shared>>)
      %mul3A_133 = arith.constant 640 : i32
      %mul3A_134 = arith.muli %arg1, %mul3A_133 : i32
      %dma_wait3A_135 = arith.constant 0 : i32
      %dma_wait3A_136 = arith.constant 0 : i32
      %dma_wait3A_137 = tpu.memref_slice %arg14[%dma_wait3A_135, %dma_wait3A_136] : memref<128x128xf32, #tpu.memory_space<vmem>> -> memref<128x128xf32, #tpu.memory_space<vmem>>
      %dma_wait3A_138 = arith.constant 0 : i32
      %dma_wait3A_139 = tpu.memref_slice %arg16[%mul3A_134, %dma_wait3A_138] : memref<10240x128xf32, #tpu.memory_space<vmem_shared>> -> memref<128x128xf32, #tpu.memory_space<vmem_shared>>
      %dma_wait3A_140 = arith.constant 0 : i32
      %dma_wait3A_141 = tpu.memref_slice %arg16[%mul3A_134, %dma_wait3A_140] : memref<10240x128xf32, #tpu.memory_space<vmem_shared>> -> memref<128x128xf32, #tpu.memory_space<vmem_shared>>
      %dma_wait3A_142 = arith.constant 0 : i32
      %dma_wait3A_143 = arith.constant 0 : i32
      %dma_wait3A_144 = tpu.memref_slice %arg14[%dma_wait3A_142, %dma_wait3A_143] : memref<128x128xf32, #tpu.memory_space<vmem>> -> memref<128x128xf32, #tpu.memory_space<vmem>>
      tpu.wait_dma2 semaphore(%arg18 : memref<!tpu.dma_semaphore, #tpu.memory_space<semaphore_mem>>) src(%dma_wait3A_144 : memref<128x128xf32, #tpu.memory_space<vmem>>) dst(%dma_wait3A_141 : memref<128x128xf32, #tpu.memory_space<vmem_shared>>)
      %mul3A_145 = arith.constant 640 : i32
      %mul3A_146 = arith.muli %arg1, %mul3A_145 : i32
      %dma_wait3A_147 = arith.constant 0 : i32
      %dma_wait3A_148 = arith.constant 0 : i32
      %dma_wait3A_149 = tpu.memref_slice %arg14[%dma_wait3A_147, %dma_wait3A_148] : memref<128x128xf32, #tpu.memory_space<vmem>> -> memref<128x128xf32, #tpu.memory_space<vmem>>
      %dma_wait3A_150 = arith.constant 0 : i32
      %dma_wait3A_151 = tpu.memref_slice %arg16[%mul3A_146, %dma_wait3A_150] : memref<10240x128xf32, #tpu.memory_space<vmem_shared>> -> memref<128x128xf32, #tpu.memory_space<vmem_shared>>
      %dma_wait3A_152 = arith.constant 0 : i32
      %dma_wait3A_153 = tpu.memref_slice %arg16[%mul3A_146, %dma_wait3A_152] : memref<10240x128xf32, #tpu.memory_space<vmem_shared>> -> memref<128x128xf32, #tpu.memory_space<vmem_shared>>
      %dma_wait3A_154 = arith.constant 0 : i32
      %dma_wait3A_155 = arith.constant 0 : i32
      %dma_wait3A_156 = tpu.memref_slice %arg14[%dma_wait3A_154, %dma_wait3A_155] : memref<128x128xf32, #tpu.memory_space<vmem>> -> memref<128x128xf32, #tpu.memory_space<vmem>>
      tpu.wait_dma2 semaphore(%arg18 : memref<!tpu.dma_semaphore, #tpu.memory_space<semaphore_mem>>) src(%dma_wait3A_156 : memref<128x128xf32, #tpu.memory_space<vmem>>) dst(%dma_wait3A_153 : memref<128x128xf32, #tpu.memory_space<vmem_shared>>)
      %mul3A_157 = arith.constant 640 : i32
      %mul3A_158 = arith.muli %arg1, %mul3A_157 : i32
      %dma_wait3A_159 = arith.constant 0 : i32
      %dma_wait3A_160 = arith.constant 0 : i32
      %dma_wait3A_161 = tpu.memref_slice %arg14[%dma_wait3A_159, %dma_wait3A_160] : memref<128x128xf32, #tpu.memory_space<vmem>> -> memref<128x128xf32, #tpu.memory_space<vmem>>
      %dma_wait3A_162 = arith.constant 0 : i32
      %dma_wait3A_163 = tpu.memref_slice %arg16[%mul3A_158, %dma_wait3A_162] : memref<10240x128xf32, #tpu.memory_space<vmem_shared>> -> memref<128x128xf32, #tpu.memory_space<vmem_shared>>
      %dma_wait3A_164 = arith.constant 0 : i32
      %dma_wait3A_165 = tpu.memref_slice %arg16[%mul3A_158, %dma_wait3A_164] : memref<10240x128xf32, #tpu.memory_space<vmem_shared>> -> memref<128x128xf32, #tpu.memory_space<vmem_shared>>
      %dma_wait3A_166 = arith.constant 0 : i32
      %dma_wait3A_167 = arith.constant 0 : i32
      %dma_wait3A_168 = tpu.memref_slice %arg14[%dma_wait3A_166, %dma_wait3A_167] : memref<128x128xf32, #tpu.memory_space<vmem>> -> memref<128x128xf32, #tpu.memory_space<vmem>>
      tpu.wait_dma2 semaphore(%arg18 : memref<!tpu.dma_semaphore, #tpu.memory_space<semaphore_mem>>) src(%dma_wait3A_168 : memref<128x128xf32, #tpu.memory_space<vmem>>) dst(%dma_wait3A_165 : memref<128x128xf32, #tpu.memory_space<vmem_shared>>)
      %dma_wait3A_169 = tpu.memref_slice %arg3[%mul3A_0] : memref<327680xi32, #tpu.memory_space<hbm>> -> memref<128xi32, #tpu.memory_space<hbm>>
      %dma_wait3A_170 = tpu.memref_slice %arg3[%mul3A_0] : memref<327680xi32, #tpu.memory_space<hbm>> -> memref<128xi32, #tpu.memory_space<hbm>>
      tpu.wait_dma2 semaphore(%arg17 : memref<!tpu.dma_semaphore, #tpu.memory_space<semaphore_mem>>) src(%dma_wait3A_170 : memref<128xi32, #tpu.memory_space<hbm>>) dst(%arg6 : memref<128xi32, #tpu.memory_space<vmem>>)
      %dma_wait3A_171 = tpu.memref_slice %arg4[%mul3A_0] : memref<327680xi32, #tpu.memory_space<hbm>> -> memref<128xi32, #tpu.memory_space<hbm>>
      %dma_wait3A_172 = tpu.memref_slice %arg4[%mul3A_0] : memref<327680xi32, #tpu.memory_space<hbm>> -> memref<128xi32, #tpu.memory_space<hbm>>
      tpu.wait_dma2 semaphore(%arg17 : memref<!tpu.dma_semaphore, #tpu.memory_space<semaphore_mem>>) src(%dma_wait3A_172 : memref<128xi32, #tpu.memory_space<hbm>>) dst(%arg10 : memref<128xi32, #tpu.memory_space<vmem>>)
    } else {
    }
    %barrier3A = arith.constant 0 : index
    tpu.barrier barrier_id(%barrier3A)
    %eq3A_3 = arith.constant 1 : i32
    %eq3A_4 = arith.cmpi eq, %arg0, %eq3A_3 : i32
    %convert_element_type3A_5 = arith.extui %eq3A_4 : i1 to i32
    %cond3A_6 = arith.constant 0 : i32
    %cond3A_7 = arith.cmpi ne, %convert_element_type3A_5, %cond3A_6 : i32
    scf.if %cond3A_7 {
      %dma_start3A = arith.constant 0 : i32
      %dma_start3A_14 = arith.constant 0 : i32
      %dma_start3A_15 = tpu.memref_slice %arg2[%dma_start3A, %dma_start3A_14] : memref<10000x128xf32, #tpu.memory_space<hbm>> -> memref<10000x128xf32, #tpu.memory_space<hbm>>
      tpu.enqueue_indirect_dma source(%dma_start3A_15 : memref<10000x128xf32, #tpu.memory_space<hbm>>) target(%arg14 : memref<128x128xf32, #tpu.memory_space<vmem>>) offsets(%arg6 : memref<128xi32, #tpu.memory_space<vmem>>) semaphore(%arg18 : memref<!tpu.dma_semaphore, #tpu.memory_space<semaphore_mem>>)
      %scan3A = arith.constant 0 : i32
      %scan3A_16 = arith.constant 40 : i32
      %scan3A_17 = arith.addi %scan3A, %scan3A_16 : i32
      %scan3A_18 = arith.constant 1 : i32
      scf.for %scan3A_22 = %scan3A to %scan3A_17 step %scan3A_18  : i32 {
        %mul3A_23 = arith.constant 1 : i32
        %mul3A_24 = arith.muli %scan3A_22, %mul3A_23 : i32
        %add3A = arith.constant 0 : i32
        %add3A_25 = arith.addi %add3A, %mul3A_24 : i32
        %mul3A_26 = arith.constant 4 : i32
        %mul3A_27 = arith.muli %add3A_25, %mul3A_26 : i32
        %add3A_28 = arith.constant 0 : i32
        %add3A_29 = arith.addi %mul3A_27, %add3A_28 : i32
        %dma_wait3A_30 = arith.constant 0 : i32
        %dma_wait3A_31 = arith.constant 0 : i32
        %dma_wait3A_32 = tpu.memref_slice %arg2[%dma_wait3A_30, %dma_wait3A_31] : memref<10000x128xf32, #tpu.memory_space<hbm>> -> memref<10000x128xf32, #tpu.memory_space<hbm>>
        tpu.wait_indirect_dma semaphore(%arg18 : memref<!tpu.dma_semaphore, #tpu.memory_space<semaphore_mem>>) src(%dma_wait3A_32 : memref<10000x128xf32, #tpu.memory_space<hbm>>) dst(%arg14 : memref<128x128xf32, #tpu.memory_space<vmem>>)
        %dma_start3A_33 = arith.constant 0 : i32
        %dma_start3A_34 = arith.constant 0 : i32
        %dma_start3A_35 = tpu.memref_slice %arg16[%dma_start3A_33, %dma_start3A_34] : memref<10240x128xf32, #tpu.memory_space<vmem_shared>> -> memref<10240x128xf32, #tpu.memory_space<vmem_shared>>
        tpu.enqueue_indirect_dma source(%arg14 : memref<128x128xf32, #tpu.memory_space<vmem>>) target(%dma_start3A_35 : memref<10240x128xf32, #tpu.memory_space<vmem_shared>>) offsets(%arg10 : memref<128xi32, #tpu.memory_space<vmem>>) semaphore(%arg19 : memref<!tpu.dma_semaphore, #tpu.memory_space<semaphore_mem>>) {add = true}
        %gt3A = arith.constant 0 : i32
        %gt3A_36 = arith.cmpi sgt, %add3A_25, %gt3A : i32
        %convert_element_type3A_37 = arith.extui %gt3A_36 : i1 to i32
        %cond3A_38 = arith.constant 0 : i32
        %cond3A_39 = arith.cmpi ne, %convert_element_type3A_37, %cond3A_38 : i32
        scf.if %cond3A_39 {
          %dma_wait3A_131 = arith.constant 0 : i32
          %dma_wait3A_132 = arith.constant 0 : i32
          %dma_wait3A_133 = tpu.memref_slice %arg16[%dma_wait3A_131, %dma_wait3A_132] : memref<10240x128xf32, #tpu.memory_space<vmem_shared>> -> memref<10240x128xf32, #tpu.memory_space<vmem_shared>>
          tpu.wait_indirect_dma semaphore(%arg19 : memref<!tpu.dma_semaphore, #tpu.memory_space<semaphore_mem>>) src(%arg15 : memref<128x128xf32, #tpu.memory_space<vmem>>) dst(%dma_wait3A_133 : memref<10240x128xf32, #tpu.memory_space<vmem_shared>>)
        } else {
        }
        %dma_wait3A_40 = tpu.memref_slice %arg3[%mul3A_0] : memref<327680xi32, #tpu.memory_space<hbm>> -> memref<128xi32, #tpu.memory_space<hbm>>
        %dma_wait3A_41 = tpu.memref_slice %arg3[%mul3A_0] : memref<327680xi32, #tpu.memory_space<hbm>> -> memref<128xi32, #tpu.memory_space<hbm>>
        tpu.wait_dma2 semaphore(%arg17 : memref<!tpu.dma_semaphore, #tpu.memory_space<semaphore_mem>>) src(%dma_wait3A_41 : memref<128xi32, #tpu.memory_space<hbm>>) dst(%arg7 : memref<128xi32, #tpu.memory_space<vmem>>)
        %dma_wait3A_42 = tpu.memref_slice %arg4[%mul3A_0] : memref<327680xi32, #tpu.memory_space<hbm>> -> memref<128xi32, #tpu.memory_space<hbm>>
        %dma_wait3A_43 = tpu.memref_slice %arg4[%mul3A_0] : memref<327680xi32, #tpu.memory_space<hbm>> -> memref<128xi32, #tpu.memory_space<hbm>>
        tpu.wait_dma2 semaphore(%arg17 : memref<!tpu.dma_semaphore, #tpu.memory_space<semaphore_mem>>) src(%dma_wait3A_43 : memref<128xi32, #tpu.memory_space<hbm>>) dst(%arg11 : memref<128xi32, #tpu.memory_space<vmem>>)
        %dma_start3A_44 = arith.constant 0 : i32
        %dma_start3A_45 = arith.constant 0 : i32
        %dma_start3A_46 = tpu.memref_slice %arg2[%dma_start3A_44, %dma_start3A_45] : memref<10000x128xf32, #tpu.memory_space<hbm>> -> memref<10000x128xf32, #tpu.memory_space<hbm>>
        tpu.enqueue_indirect_dma source(%dma_start3A_46 : memref<10000x128xf32, #tpu.memory_space<hbm>>) target(%arg15 : memref<128x128xf32, #tpu.memory_space<vmem>>) offsets(%arg7 : memref<128xi32, #tpu.memory_space<vmem>>) semaphore(%arg18 : memref<!tpu.dma_semaphore, #tpu.memory_space<semaphore_mem>>)
        %add3A_47 = arith.constant 3 : i32
        %add3A_48 = arith.addi %add3A_29, %add3A_47 : i32
        %mul3A_49 = arith.constant 128 : i32
        %mul3A_50 = arith.muli %add3A_48, %mul3A_49 : i32
        %add3A_51 = arith.addi %mul3A_0, %mul3A_50 : i32
        %dma_start3A_52 = tpu.memref_slice %arg3[%add3A_51] : memref<327680xi32, #tpu.memory_space<hbm>> -> memref<128xi32, #tpu.memory_space<hbm>>
        %dma_start3A_53 = tpu.memref_slice %arg3[%add3A_51] : memref<327680xi32, #tpu.memory_space<hbm>> -> memref<128xi32, #tpu.memory_space<hbm>>
        tpu.enqueue_dma source(%dma_start3A_53 : memref<128xi32, #tpu.memory_space<hbm>>) target(%arg9 : memref<128xi32, #tpu.memory_space<vmem>>) target_semaphore(%arg17 : memref<!tpu.dma_semaphore, #tpu.memory_space<semaphore_mem>>)
        %mul3A_54 = arith.constant 128 : i32
        %mul3A_55 = arith.muli %add3A_48, %mul3A_54 : i32
        %add3A_56 = arith.addi %mul3A_0, %mul3A_55 : i32
        %dma_start3A_57 = tpu.memref_slice %arg4[%add3A_56] : memref<327680xi32, #tpu.memory_space<hbm>> -> memref<128xi32, #tpu.memory_space<hbm>>
        %dma_start3A_58 = tpu.memref_slice %arg4[%add3A_56] : memref<327680xi32, #tpu.memory_space<hbm>> -> memref<128xi32, #tpu.memory_space<hbm>>
        tpu.enqueue_dma source(%dma_start3A_58 : memref<128xi32, #tpu.memory_space<hbm>>) target(%arg13 : memref<128xi32, #tpu.memory_space<vmem>>) target_semaphore(%arg17 : memref<!tpu.dma_semaphore, #tpu.memory_space<semaphore_mem>>)
        %mul3A_59 = arith.constant 4 : i32
        %mul3A_60 = arith.muli %add3A_25, %mul3A_59 : i32
        %add3A_61 = arith.constant 1 : i32
        %add3A_62 = arith.addi %mul3A_60, %add3A_61 : i32
        %dma_wait3A_63 = arith.constant 0 : i32
        %dma_wait3A_64 = arith.constant 0 : i32
        %dma_wait3A_65 = tpu.memref_slice %arg2[%dma_wait3A_63, %dma_wait3A_64] : memref<10000x128xf32, #tpu.memory_space<hbm>> -> memref<10000x128xf32, #tpu.memory_space<hbm>>
        tpu.wait_indirect_dma semaphore(%arg18 : memref<!tpu.dma_semaphore, #tpu.memory_space<semaphore_mem>>) src(%dma_wait3A_65 : memref<10000x128xf32, #tpu.memory_space<hbm>>) dst(%arg15 : memref<128x128xf32, #tpu.memory_space<vmem>>)
        %dma_start3A_66 = arith.constant 0 : i32
        %dma_start3A_67 = arith.constant 0 : i32
        %dma_start3A_68 = tpu.memref_slice %arg16[%dma_start3A_66, %dma_start3A_67] : memref<10240x128xf32, #tpu.memory_space<vmem_shared>> -> memref<10240x128xf32, #tpu.memory_space<vmem_shared>>
        tpu.enqueue_indirect_dma source(%arg15 : memref<128x128xf32, #tpu.memory_space<vmem>>) target(%dma_start3A_68 : memref<10240x128xf32, #tpu.memory_space<vmem_shared>>) offsets(%arg11 : memref<128xi32, #tpu.memory_space<vmem>>) semaphore(%arg19 : memref<!tpu.dma_semaphore, #tpu.memory_space<semaphore_mem>>) {add = true}
        %dma_wait3A_69 = arith.constant 0 : i32
        %dma_wait3A_70 = arith.constant 0 : i32
        %dma_wait3A_71 = tpu.memref_slice %arg16[%dma_wait3A_69, %dma_wait3A_70] : memref<10240x128xf32, #tpu.memory_space<vmem_shared>> -> memref<10240x128xf32, #tpu.memory_space<vmem_shared>>
        tpu.wait_indirect_dma semaphore(%arg19 : memref<!tpu.dma_semaphore, #tpu.memory_space<semaphore_mem>>) src(%arg14 : memref<128x128xf32, #tpu.memory_space<vmem>>) dst(%dma_wait3A_71 : memref<10240x128xf32, #tpu.memory_space<vmem_shared>>)
        %dma_wait3A_72 = tpu.memref_slice %arg3[%mul3A_0] : memref<327680xi32, #tpu.memory_space<hbm>> -> memref<128xi32, #tpu.memory_space<hbm>>
        %dma_wait3A_73 = tpu.memref_slice %arg3[%mul3A_0] : memref<327680xi32, #tpu.memory_space<hbm>> -> memref<128xi32, #tpu.memory_space<hbm>>
        tpu.wait_dma2 semaphore(%arg17 : memref<!tpu.dma_semaphore, #tpu.memory_space<semaphore_mem>>) src(%dma_wait3A_73 : memref<128xi32, #tpu.memory_space<hbm>>) dst(%arg8 : memref<128xi32, #tpu.memory_space<vmem>>)
        %dma_wait3A_74 = tpu.memref_slice %arg4[%mul3A_0] : memref<327680xi32, #tpu.memory_space<hbm>> -> memref<128xi32, #tpu.memory_space<hbm>>
        %dma_wait3A_75 = tpu.memref_slice %arg4[%mul3A_0] : memref<327680xi32, #tpu.memory_space<hbm>> -> memref<128xi32, #tpu.memory_space<hbm>>
        tpu.wait_dma2 semaphore(%arg17 : memref<!tpu.dma_semaphore, #tpu.memory_space<semaphore_mem>>) src(%dma_wait3A_75 : memref<128xi32, #tpu.memory_space<hbm>>) dst(%arg12 : memref<128xi32, #tpu.memory_space<vmem>>)
        %dma_start3A_76 = arith.constant 0 : i32
        %dma_start3A_77 = arith.constant 0 : i32
        %dma_start3A_78 = tpu.memref_slice %arg2[%dma_start3A_76, %dma_start3A_77] : memref<10000x128xf32, #tpu.memory_space<hbm>> -> memref<10000x128xf32, #tpu.memory_space<hbm>>
        tpu.enqueue_indirect_dma source(%dma_start3A_78 : memref<10000x128xf32, #tpu.memory_space<hbm>>) target(%arg14 : memref<128x128xf32, #tpu.memory_space<vmem>>) offsets(%arg8 : memref<128xi32, #tpu.memory_space<vmem>>) semaphore(%arg18 : memref<!tpu.dma_semaphore, #tpu.memory_space<semaphore_mem>>)
        %lt3A = arith.constant 39 : i32
        %lt3A_79 = arith.cmpi slt, %add3A_25, %lt3A : i32
        %convert_element_type3A_80 = arith.extui %lt3A_79 : i1 to i32
        %cond3A_81 = arith.constant 0 : i32
        %cond3A_82 = arith.cmpi ne, %convert_element_type3A_80, %cond3A_81 : i32
        scf.if %cond3A_82 {
          %add3A_131 = arith.constant 3 : i32
          %add3A_132 = arith.addi %add3A_62, %add3A_131 : i32
          %mul3A_133 = arith.constant 128 : i32
          %mul3A_134 = arith.muli %add3A_132, %mul3A_133 : i32
          %add3A_135 = arith.addi %mul3A_0, %mul3A_134 : i32
          %dma_start3A_136 = tpu.memref_slice %arg3[%add3A_135] : memref<327680xi32, #tpu.memory_space<hbm>> -> memref<128xi32, #tpu.memory_space<hbm>>
          %dma_start3A_137 = tpu.memref_slice %arg3[%add3A_135] : memref<327680xi32, #tpu.memory_space<hbm>> -> memref<128xi32, #tpu.memory_space<hbm>>
          tpu.enqueue_dma source(%dma_start3A_137 : memref<128xi32, #tpu.memory_space<hbm>>) target(%arg6 : memref<128xi32, #tpu.memory_space<vmem>>) target_semaphore(%arg17 : memref<!tpu.dma_semaphore, #tpu.memory_space<semaphore_mem>>)
          %mul3A_138 = arith.constant 128 : i32
          %mul3A_139 = arith.muli %add3A_132, %mul3A_138 : i32
          %add3A_140 = arith.addi %mul3A_0, %mul3A_139 : i32
          %dma_start3A_141 = tpu.memref_slice %arg4[%add3A_140] : memref<327680xi32, #tpu.memory_space<hbm>> -> memref<128xi32, #tpu.memory_space<hbm>>
          %dma_start3A_142 = tpu.memref_slice %arg4[%add3A_140] : memref<327680xi32, #tpu.memory_space<hbm>> -> memref<128xi32, #tpu.memory_space<hbm>>
          tpu.enqueue_dma source(%dma_start3A_142 : memref<128xi32, #tpu.memory_space<hbm>>) target(%arg10 : memref<128xi32, #tpu.memory_space<vmem>>) target_semaphore(%arg17 : memref<!tpu.dma_semaphore, #tpu.memory_space<semaphore_mem>>)
        } else {
        }
        %mul3A_83 = arith.constant 4 : i32
        %mul3A_84 = arith.muli %add3A_25, %mul3A_83 : i32
        %add3A_85 = arith.constant 2 : i32
        %add3A_86 = arith.addi %mul3A_84, %add3A_85 : i32
        %dma_wait3A_87 = arith.constant 0 : i32
        %dma_wait3A_88 = arith.constant 0 : i32
        %dma_wait3A_89 = tpu.memref_slice %arg2[%dma_wait3A_87, %dma_wait3A_88] : memref<10000x128xf32, #tpu.memory_space<hbm>> -> memref<10000x128xf32, #tpu.memory_space<hbm>>
        tpu.wait_indirect_dma semaphore(%arg18 : memref<!tpu.dma_semaphore, #tpu.memory_space<semaphore_mem>>) src(%dma_wait3A_89 : memref<10000x128xf32, #tpu.memory_space<hbm>>) dst(%arg14 : memref<128x128xf32, #tpu.memory_space<vmem>>)
        %dma_start3A_90 = arith.constant 0 : i32
        %dma_start3A_91 = arith.constant 0 : i32
        %dma_start3A_92 = tpu.memref_slice %arg16[%dma_start3A_90, %dma_start3A_91] : memref<10240x128xf32, #tpu.memory_space<vmem_shared>> -> memref<10240x128xf32, #tpu.memory_space<vmem_shared>>
        tpu.enqueue_indirect_dma source(%arg14 : memref<128x128xf32, #tpu.memory_space<vmem>>) target(%dma_start3A_92 : memref<10240x128xf32, #tpu.memory_space<vmem_shared>>) offsets(%arg12 : memref<128xi32, #tpu.memory_space<vmem>>) semaphore(%arg19 : memref<!tpu.dma_semaphore, #tpu.memory_space<semaphore_mem>>) {add = true}
        %dma_wait3A_93 = arith.constant 0 : i32
        %dma_wait3A_94 = arith.constant 0 : i32
        %dma_wait3A_95 = tpu.memref_slice %arg16[%dma_wait3A_93, %dma_wait3A_94] : memref<10240x128xf32, #tpu.memory_space<vmem_shared>> -> memref<10240x128xf32, #tpu.memory_space<vmem_shared>>
        tpu.wait_indirect_dma semaphore(%arg19 : memref<!tpu.dma_semaphore, #tpu.memory_space<semaphore_mem>>) src(%arg15 : memref<128x128xf32, #tpu.memory_space<vmem>>) dst(%dma_wait3A_95 : memref<10240x128xf32, #tpu.memory_space<vmem_shared>>)
        %dma_wait3A_96 = tpu.memref_slice %arg3[%mul3A_0] : memref<327680xi32, #tpu.memory_space<hbm>> -> memref<128xi32, #tpu.memory_space<hbm>>
        %dma_wait3A_97 = tpu.memref_slice %arg3[%mul3A_0] : memref<327680xi32, #tpu.memory_space<hbm>> -> memref<128xi32, #tpu.memory_space<hbm>>
        tpu.wait_dma2 semaphore(%arg17 : memref<!tpu.dma_semaphore, #tpu.memory_space<semaphore_mem>>) src(%dma_wait3A_97 : memref<128xi32, #tpu.memory_space<hbm>>) dst(%arg9 : memref<128xi32, #tpu.memory_space<vmem>>)
        %dma_wait3A_98 = tpu.memref_slice %arg4[%mul3A_0] : memref<327680xi32, #tpu.memory_space<hbm>> -> memref<128xi32, #tpu.memory_space<hbm>>
        %dma_wait3A_99 = tpu.memref_slice %arg4[%mul3A_0] : memref<327680xi32, #tpu.memory_space<hbm>> -> memref<128xi32, #tpu.memory_space<hbm>>
        tpu.wait_dma2 semaphore(%arg17 : memref<!tpu.dma_semaphore, #tpu.memory_space<semaphore_mem>>) src(%dma_wait3A_99 : memref<128xi32, #tpu.memory_space<hbm>>) dst(%arg13 : memref<128xi32, #tpu.memory_space<vmem>>)
        %dma_start3A_100 = arith.constant 0 : i32
        %dma_start3A_101 = arith.constant 0 : i32
        %dma_start3A_102 = tpu.memref_slice %arg2[%dma_start3A_100, %dma_start3A_101] : memref<10000x128xf32, #tpu.memory_space<hbm>> -> memref<10000x128xf32, #tpu.memory_space<hbm>>
        tpu.enqueue_indirect_dma source(%dma_start3A_102 : memref<10000x128xf32, #tpu.memory_space<hbm>>) target(%arg15 : memref<128x128xf32, #tpu.memory_space<vmem>>) offsets(%arg9 : memref<128xi32, #tpu.memory_space<vmem>>) semaphore(%arg18 : memref<!tpu.dma_semaphore, #tpu.memory_space<semaphore_mem>>)
        %lt3A_103 = arith.constant 39 : i32
        %lt3A_104 = arith.cmpi slt, %add3A_25, %lt3A_103 : i32
        %convert_element_type3A_105 = arith.extui %lt3A_104 : i1 to i32
        %cond3A_106 = arith.constant 0 : i32
        %cond3A_107 = arith.cmpi ne, %convert_element_type3A_105, %cond3A_106 : i32
        scf.if %cond3A_107 {
          %add3A_131 = arith.constant 3 : i32
          %add3A_132 = arith.addi %add3A_86, %add3A_131 : i32
          %mul3A_133 = arith.constant 128 : i32
          %mul3A_134 = arith.muli %add3A_132, %mul3A_133 : i32
          %add3A_135 = arith.addi %mul3A_0, %mul3A_134 : i32
          %dma_start3A_136 = tpu.memref_slice %arg3[%add3A_135] : memref<327680xi32, #tpu.memory_space<hbm>> -> memref<128xi32, #tpu.memory_space<hbm>>
          %dma_start3A_137 = tpu.memref_slice %arg3[%add3A_135] : memref<327680xi32, #tpu.memory_space<hbm>> -> memref<128xi32, #tpu.memory_space<hbm>>
          tpu.enqueue_dma source(%dma_start3A_137 : memref<128xi32, #tpu.memory_space<hbm>>) target(%arg7 : memref<128xi32, #tpu.memory_space<vmem>>) target_semaphore(%arg17 : memref<!tpu.dma_semaphore, #tpu.memory_space<semaphore_mem>>)
          %mul3A_138 = arith.constant 128 : i32
          %mul3A_139 = arith.muli %add3A_132, %mul3A_138 : i32
          %add3A_140 = arith.addi %mul3A_0, %mul3A_139 : i32
          %dma_start3A_141 = tpu.memref_slice %arg4[%add3A_140] : memref<327680xi32, #tpu.memory_space<hbm>> -> memref<128xi32, #tpu.memory_space<hbm>>
          %dma_start3A_142 = tpu.memref_slice %arg4[%add3A_140] : memref<327680xi32, #tpu.memory_space<hbm>> -> memref<128xi32, #tpu.memory_space<hbm>>
          tpu.enqueue_dma source(%dma_start3A_142 : memref<128xi32, #tpu.memory_space<hbm>>) target(%arg11 : memref<128xi32, #tpu.memory_space<vmem>>) target_semaphore(%arg17 : memref<!tpu.dma_semaphore, #tpu.memory_space<semaphore_mem>>)
        } else {
        }
        %mul3A_108 = arith.constant 4 : i32
        %mul3A_109 = arith.muli %add3A_25, %mul3A_108 : i32
        %add3A_110 = arith.constant 3 : i32
        %add3A_111 = arith.addi %mul3A_109, %add3A_110 : i32
        %dma_wait3A_112 = arith.constant 0 : i32
        %dma_wait3A_113 = arith.constant 0 : i32
        %dma_wait3A_114 = tpu.memref_slice %arg2[%dma_wait3A_112, %dma_wait3A_113] : memref<10000x128xf32, #tpu.memory_space<hbm>> -> memref<10000x128xf32, #tpu.memory_space<hbm>>
        tpu.wait_indirect_dma semaphore(%arg18 : memref<!tpu.dma_semaphore, #tpu.memory_space<semaphore_mem>>) src(%dma_wait3A_114 : memref<10000x128xf32, #tpu.memory_space<hbm>>) dst(%arg15 : memref<128x128xf32, #tpu.memory_space<vmem>>)
        %dma_start3A_115 = arith.constant 0 : i32
        %dma_start3A_116 = arith.constant 0 : i32
        %dma_start3A_117 = tpu.memref_slice %arg16[%dma_start3A_115, %dma_start3A_116] : memref<10240x128xf32, #tpu.memory_space<vmem_shared>> -> memref<10240x128xf32, #tpu.memory_space<vmem_shared>>
        tpu.enqueue_indirect_dma source(%arg15 : memref<128x128xf32, #tpu.memory_space<vmem>>) target(%dma_start3A_117 : memref<10240x128xf32, #tpu.memory_space<vmem_shared>>) offsets(%arg13 : memref<128xi32, #tpu.memory_space<vmem>>) semaphore(%arg19 : memref<!tpu.dma_semaphore, #tpu.memory_space<semaphore_mem>>) {add = true}
        %dma_wait3A_118 = arith.constant 0 : i32
        %dma_wait3A_119 = arith.constant 0 : i32
        %dma_wait3A_120 = tpu.memref_slice %arg16[%dma_wait3A_118, %dma_wait3A_119] : memref<10240x128xf32, #tpu.memory_space<vmem_shared>> -> memref<10240x128xf32, #tpu.memory_space<vmem_shared>>
        tpu.wait_indirect_dma semaphore(%arg19 : memref<!tpu.dma_semaphore, #tpu.memory_space<semaphore_mem>>) src(%arg14 : memref<128x128xf32, #tpu.memory_space<vmem>>) dst(%dma_wait3A_120 : memref<10240x128xf32, #tpu.memory_space<vmem_shared>>)
        %lt3A_121 = arith.constant 39 : i32
        %lt3A_122 = arith.cmpi slt, %add3A_25, %lt3A_121 : i32
        %convert_element_type3A_123 = arith.extui %lt3A_122 : i1 to i32
        %cond3A_124 = arith.constant 0 : i32
        %cond3A_125 = arith.cmpi ne, %convert_element_type3A_123, %cond3A_124 : i32
        scf.if %cond3A_125 {
          %dma_wait3A_131 = tpu.memref_slice %arg3[%mul3A_0] : memref<327680xi32, #tpu.memory_space<hbm>> -> memref<128xi32, #tpu.memory_space<hbm>>
          %dma_wait3A_132 = tpu.memref_slice %arg3[%mul3A_0] : memref<327680xi32, #tpu.memory_space<hbm>> -> memref<128xi32, #tpu.memory_space<hbm>>
          tpu.wait_dma2 semaphore(%arg17 : memref<!tpu.dma_semaphore, #tpu.memory_space<semaphore_mem>>) src(%dma_wait3A_132 : memref<128xi32, #tpu.memory_space<hbm>>) dst(%arg6 : memref<128xi32, #tpu.memory_space<vmem>>)
          %dma_wait3A_133 = tpu.memref_slice %arg4[%mul3A_0] : memref<327680xi32, #tpu.memory_space<hbm>> -> memref<128xi32, #tpu.memory_space<hbm>>
          %dma_wait3A_134 = tpu.memref_slice %arg4[%mul3A_0] : memref<327680xi32, #tpu.memory_space<hbm>> -> memref<128xi32, #tpu.memory_space<hbm>>
          tpu.wait_dma2 semaphore(%arg17 : memref<!tpu.dma_semaphore, #tpu.memory_space<semaphore_mem>>) src(%dma_wait3A_134 : memref<128xi32, #tpu.memory_space<hbm>>) dst(%arg10 : memref<128xi32, #tpu.memory_space<vmem>>)
          %dma_start3A_135 = arith.constant 0 : i32
          %dma_start3A_136 = arith.constant 0 : i32
          %dma_start3A_137 = tpu.memref_slice %arg2[%dma_start3A_135, %dma_start3A_136] : memref<10000x128xf32, #tpu.memory_space<hbm>> -> memref<10000x128xf32, #tpu.memory_space<hbm>>
          tpu.enqueue_indirect_dma source(%dma_start3A_137 : memref<10000x128xf32, #tpu.memory_space<hbm>>) target(%arg14 : memref<128x128xf32, #tpu.memory_space<vmem>>) offsets(%arg6 : memref<128xi32, #tpu.memory_space<vmem>>) semaphore(%arg18 : memref<!tpu.dma_semaphore, #tpu.memory_space<semaphore_mem>>)
        } else {
        }
        %lt3A_126 = arith.constant 39 : i32
        %lt3A_127 = arith.cmpi slt, %add3A_25, %lt3A_126 : i32
        %convert_element_type3A_128 = arith.extui %lt3A_127 : i1 to i32
        %cond3A_129 = arith.constant 0 : i32
        %cond3A_130 = arith.cmpi ne, %convert_element_type3A_128, %cond3A_129 : i32
        scf.if %cond3A_130 {
          %add3A_131 = arith.constant 3 : i32
          %add3A_132 = arith.addi %add3A_111, %add3A_131 : i32
          %mul3A_133 = arith.constant 128 : i32
          %mul3A_134 = arith.muli %add3A_132, %mul3A_133 : i32
          %add3A_135 = arith.addi %mul3A_0, %mul3A_134 : i32
          %dma_start3A_136 = tpu.memref_slice %arg3[%add3A_135] : memref<327680xi32, #tpu.memory_space<hbm>> -> memref<128xi32, #tpu.memory_space<hbm>>
          %dma_start3A_137 = tpu.memref_slice %arg3[%add3A_135] : memref<327680xi32, #tpu.memory_space<hbm>> -> memref<128xi32, #tpu.memory_space<hbm>>
          tpu.enqueue_dma source(%dma_start3A_137 : memref<128xi32, #tpu.memory_space<hbm>>) target(%arg8 : memref<128xi32, #tpu.memory_space<vmem>>) target_semaphore(%arg17 : memref<!tpu.dma_semaphore, #tpu.memory_space<semaphore_mem>>)
          %mul3A_138 = arith.constant 128 : i32
          %mul3A_139 = arith.muli %add3A_132, %mul3A_138 : i32
          %add3A_140 = arith.addi %mul3A_0, %mul3A_139 : i32
          %dma_start3A_141 = tpu.memref_slice %arg4[%add3A_140] : memref<327680xi32, #tpu.memory_space<hbm>> -> memref<128xi32, #tpu.memory_space<hbm>>
          %dma_start3A_142 = tpu.memref_slice %arg4[%add3A_140] : memref<327680xi32, #tpu.memory_space<hbm>> -> memref<128xi32, #tpu.memory_space<hbm>>
          tpu.enqueue_dma source(%dma_start3A_142 : memref<128xi32, #tpu.memory_space<hbm>>) target(%arg12 : memref<128xi32, #tpu.memory_space<vmem>>) target_semaphore(%arg17 : memref<!tpu.dma_semaphore, #tpu.memory_space<semaphore_mem>>)
        } else {
        }
      }
      %scan3A_19 = arith.constant 40 : i32
      %dma_wait3A = arith.constant 0 : i32
      %dma_wait3A_20 = arith.constant 0 : i32
      %dma_wait3A_21 = tpu.memref_slice %arg16[%dma_wait3A, %dma_wait3A_20] : memref<10240x128xf32, #tpu.memory_space<vmem_shared>> -> memref<10240x128xf32, #tpu.memory_space<vmem_shared>>
      tpu.wait_indirect_dma semaphore(%arg19 : memref<!tpu.dma_semaphore, #tpu.memory_space<semaphore_mem>>) src(%arg14 : memref<128x128xf32, #tpu.memory_space<vmem>>) dst(%dma_wait3A_21 : memref<10240x128xf32, #tpu.memory_space<vmem_shared>>)
    } else {
    }
    %barrier3A_8 = arith.constant 0 : index
    tpu.barrier barrier_id(%barrier3A_8)
    %eq3A_9 = arith.constant 1 : i32
    %eq3A_10 = arith.cmpi eq, %arg0, %eq3A_9 : i32
    %convert_element_type3A_11 = arith.extui %eq3A_10 : i1 to i32
    %cond3A_12 = arith.constant 0 : i32
    %cond3A_13 = arith.cmpi ne, %convert_element_type3A_11, %cond3A_12 : i32
    scf.if %cond3A_13 {
      %mul3A_14 = arith.constant 640 : i32
      %mul3A_15 = arith.muli %arg1, %mul3A_14 : i32
      %mul3A_16 = arith.constant 640 : i32
      %mul3A_17 = arith.muli %arg1, %mul3A_16 : i32
      %dma_start3A = arith.constant 1 : i32
      %dma_start3A_18 = arith.constant 0 : i32
      %dma_start3A_19 = tpu.memref_slice %arg5[%dma_start3A, %mul3A_17, %dma_start3A_18] : memref<2x10240x128xf32, #tpu.memory_space<hbm>> -> memref<1x640x128xf32, #tpu.memory_space<hbm>>
      %dma_start3A_20 = tpu.memref_squeeze %dma_start3A_19 : memref<1x640x128xf32, #tpu.memory_space<hbm>> -> memref<640x128xf32, #tpu.memory_space<hbm>>
      %dma_start3A_21 = arith.constant 0 : i32
      %dma_start3A_22 = tpu.memref_slice %arg16[%mul3A_15, %dma_start3A_21] : memref<10240x128xf32, #tpu.memory_space<vmem_shared>> -> memref<640x128xf32, #tpu.memory_space<vmem_shared>>
      tpu.enqueue_dma source(%dma_start3A_22 : memref<640x128xf32, #tpu.memory_space<vmem_shared>>) target(%dma_start3A_20 : memref<640x128xf32, #tpu.memory_space<hbm>>) target_semaphore(%arg19 : memref<!tpu.dma_semaphore, #tpu.memory_space<semaphore_mem>>)
      %dma_wait3A = arith.constant 1 : i32
      %dma_wait3A_23 = arith.constant 0 : i32
      %dma_wait3A_24 = tpu.memref_slice %arg5[%dma_wait3A, %mul3A_17, %dma_wait3A_23] : memref<2x10240x128xf32, #tpu.memory_space<hbm>> -> memref<1x640x128xf32, #tpu.memory_space<hbm>>
      %dma_wait3A_25 = tpu.memref_squeeze %dma_wait3A_24 : memref<1x640x128xf32, #tpu.memory_space<hbm>> -> memref<640x128xf32, #tpu.memory_space<hbm>>
      %dma_wait3A_26 = arith.constant 0 : i32
      %dma_wait3A_27 = tpu.memref_slice %arg16[%mul3A_15, %dma_wait3A_26] : memref<10240x128xf32, #tpu.memory_space<vmem_shared>> -> memref<640x128xf32, #tpu.memory_space<vmem_shared>>
      tpu.wait_dma2 semaphore(%arg19 : memref<!tpu.dma_semaphore, #tpu.memory_space<semaphore_mem>>) src(%dma_wait3A_27 : memref<640x128xf32, #tpu.memory_space<vmem_shared>>) dst(%dma_wait3A_25 : memref<640x128xf32, #tpu.memory_space<hbm>>)
    } else {
    }
    return
  }
}

#map = affine_map<(d0, d1) -> (0, 0)>
#map1 = affine_map<(d0, d1) -> (0)>
#map2 = affine_map<(d0, d1) -> (0, 0, 0)>
module attributes {stable_mosaic.version = 14 : i64} {
  func.func @_agg_kernel(%arg0: i32, %arg1: i32, %arg2: memref<10000x128xf32, #tpu.memory_space<hbm>>, %arg3: memref<327680xi32, #tpu.memory_space<hbm>>, %arg4: memref<327680xi32, #tpu.memory_space<hbm>>, %arg5: memref<2x10240x128xf32, #tpu.memory_space<hbm>>, %arg6: memref<128xi32, #tpu.memory_space<vmem>>, %arg7: memref<128xi32, #tpu.memory_space<vmem>>, %arg8: memref<128xi32, #tpu.memory_space<vmem>>, %arg9: memref<128xi32, #tpu.memory_space<vmem>>, %arg10: memref<128xi32, #tpu.memory_space<vmem>>, %arg11: memref<128xi32, #tpu.memory_space<vmem>>, %arg12: memref<128xi32, #tpu.memory_space<vmem>>, %arg13: memref<128xi32, #tpu.memory_space<vmem>>, %arg14: memref<128x128xf32, #tpu.memory_space<vmem>>, %arg15: memref<128x128xf32, #tpu.memory_space<vmem>>, %arg16: memref<10240x128xf32, #tpu.memory_space<vmem_shared>>, %arg17: memref<!tpu.dma_semaphore, #tpu.memory_space<semaphore_mem>>, %arg18: memref<!tpu.dma_semaphore, #tpu.memory_space<semaphore_mem>>, %arg19: memref<!tpu.dma_semaphore, #tpu.memory_space<semaphore_mem>>) attributes {dimension_semantics = [#tpu.dimension_semantics<core_parallel>, #tpu.dimension_semantics<subcore_parallel>], iteration_bounds = array<i64: 2, 16>, scalar_prefetch = 0 : i64, scratch_operands = 14 : i64, tpu.core_type = #tpu.core_type<sc_vector_subcore>, window_params = [{transform_indices = #map}, {transform_indices = #map1}, {transform_indices = #map1}, {transform_indices = #map2}]} {
    %mul3A = arith.constant 20480 : i32
    %mul3A_0 = arith.muli %arg1, %mul3A : i32
    %eq3A = arith.constant 1 : i32
    %eq3A_1 = arith.cmpi eq, %arg0, %eq3A : i32
    %convert_element_type3A = arith.extui %eq3A_1 : i1 to i32
    %cond3A = arith.constant 0 : i32
    %cond3A_2 = arith.cmpi ne, %convert_element_type3A, %cond3A : i32
    scf.if %cond3A_2 {
      %add3A = arith.constant 0 : i32
      %add3A_14 = arith.addi %mul3A_0, %add3A : i32
      %dma_start3A = tpu.memref_slice %arg3[%add3A_14] : memref<327680xi32, #tpu.memory_space<hbm>> -> memref<128xi32, #tpu.memory_space<hbm>>
      %dma_start3A_15 = tpu.memref_slice %arg3[%add3A_14] : memref<327680xi32, #tpu.memory_space<hbm>> -> memref<128xi32, #tpu.memory_space<hbm>>
      tpu.enqueue_dma source(%dma_start3A_15 : memref<128xi32, #tpu.memory_space<hbm>>) target(%arg6 : memref<128xi32, #tpu.memory_space<vmem>>) target_semaphore(%arg17 : memref<!tpu.dma_semaphore, #tpu.memory_space<semaphore_mem>>)
      %add3A_16 = arith.constant 0 : i32
      %add3A_17 = arith.addi %mul3A_0, %add3A_16 : i32
      %dma_start3A_18 = tpu.memref_slice %arg4[%add3A_17] : memref<327680xi32, #tpu.memory_space<hbm>> -> memref<128xi32, #tpu.memory_space<hbm>>
      %dma_start3A_19 = tpu.memref_slice %arg4[%add3A_17] : memref<327680xi32, #tpu.memory_space<hbm>> -> memref<128xi32, #tpu.memory_space<hbm>>
      tpu.enqueue_dma source(%dma_start3A_19 : memref<128xi32, #tpu.memory_space<hbm>>) target(%arg10 : memref<128xi32, #tpu.memory_space<vmem>>) target_semaphore(%arg17 : memref<!tpu.dma_semaphore, #tpu.memory_space<semaphore_mem>>)
      %add3A_20 = arith.constant 128 : i32
      %add3A_21 = arith.addi %mul3A_0, %add3A_20 : i32
      %dma_start3A_22 = tpu.memref_slice %arg3[%add3A_21] : memref<327680xi32, #tpu.memory_space<hbm>> -> memref<128xi32, #tpu.memory_space<hbm>>
      %dma_start3A_23 = tpu.memref_slice %arg3[%add3A_21] : memref<327680xi32, #tpu.memory_space<hbm>> -> memref<128xi32, #tpu.memory_space<hbm>>
      tpu.enqueue_dma source(%dma_start3A_23 : memref<128xi32, #tpu.memory_space<hbm>>) target(%arg7 : memref<128xi32, #tpu.memory_space<vmem>>) target_semaphore(%arg17 : memref<!tpu.dma_semaphore, #tpu.memory_space<semaphore_mem>>)
      %add3A_24 = arith.constant 128 : i32
      %add3A_25 = arith.addi %mul3A_0, %add3A_24 : i32
      %dma_start3A_26 = tpu.memref_slice %arg4[%add3A_25] : memref<327680xi32, #tpu.memory_space<hbm>> -> memref<128xi32, #tpu.memory_space<hbm>>
      %dma_start3A_27 = tpu.memref_slice %arg4[%add3A_25] : memref<327680xi32, #tpu.memory_space<hbm>> -> memref<128xi32, #tpu.memory_space<hbm>>
      tpu.enqueue_dma source(%dma_start3A_27 : memref<128xi32, #tpu.memory_space<hbm>>) target(%arg11 : memref<128xi32, #tpu.memory_space<vmem>>) target_semaphore(%arg17 : memref<!tpu.dma_semaphore, #tpu.memory_space<semaphore_mem>>)
      %add3A_28 = arith.constant 256 : i32
      %add3A_29 = arith.addi %mul3A_0, %add3A_28 : i32
      %dma_start3A_30 = tpu.memref_slice %arg3[%add3A_29] : memref<327680xi32, #tpu.memory_space<hbm>> -> memref<128xi32, #tpu.memory_space<hbm>>
      %dma_start3A_31 = tpu.memref_slice %arg3[%add3A_29] : memref<327680xi32, #tpu.memory_space<hbm>> -> memref<128xi32, #tpu.memory_space<hbm>>
      tpu.enqueue_dma source(%dma_start3A_31 : memref<128xi32, #tpu.memory_space<hbm>>) target(%arg8 : memref<128xi32, #tpu.memory_space<vmem>>) target_semaphore(%arg17 : memref<!tpu.dma_semaphore, #tpu.memory_space<semaphore_mem>>)
      %add3A_32 = arith.constant 256 : i32
      %add3A_33 = arith.addi %mul3A_0, %add3A_32 : i32
      %dma_start3A_34 = tpu.memref_slice %arg4[%add3A_33] : memref<327680xi32, #tpu.memory_space<hbm>> -> memref<128xi32, #tpu.memory_space<hbm>>
      %dma_start3A_35 = tpu.memref_slice %arg4[%add3A_33] : memref<327680xi32, #tpu.memory_space<hbm>> -> memref<128xi32, #tpu.memory_space<hbm>>
      tpu.enqueue_dma source(%dma_start3A_35 : memref<128xi32, #tpu.memory_space<hbm>>) target(%arg12 : memref<128xi32, #tpu.memory_space<vmem>>) target_semaphore(%arg17 : memref<!tpu.dma_semaphore, #tpu.memory_space<semaphore_mem>>)
      %scan3A = arith.constant 0 : i32
      %scan3A_36 = arith.constant 128 : i32
      %scan3A_37 = arith.addi %scan3A, %scan3A_36 : i32
      %scan3A_38 = arith.constant 1 : i32
      scf.for %scan3A_173 = %scan3A to %scan3A_37 step %scan3A_38  : i32 {
        %mul3A_174 = arith.constant 1 : i32
        %mul3A_175 = arith.muli %scan3A_173, %mul3A_174 : i32
        %add3A_176 = arith.constant 0 : i32
        %add3A_177 = arith.addi %add3A_176, %mul3A_175 : i32
        %broadcast_in_dim3A = arith.constant 0.000000e+00 : f32
        %broadcast_in_dim3A_178 = vector.broadcast %broadcast_in_dim3A : f32 to vector<16xf32>
        %swap3A = arith.index_cast %add3A_177 : i32 to index
        %swap3A_179 = arith.constant 0 : index
        %swap3A_180 = tpu.vector_load %arg14[%swap3A, %swap3A_179] {strides = array<i32>} : memref<128x128xf32, #tpu.memory_space<vmem>>, vector<1x16xf32>,
        %swap3A_181 = vector.shape_cast %swap3A_180 : vector<1x16xf32> to vector<16xf32>
        %swap3A_182 = vector.shape_cast %broadcast_in_dim3A_178 : vector<16xf32> to vector<1x16xf32>
        tpu.vector_store %arg14[%swap3A, %swap3A_179], %swap3A_182 {strides = array<i32>} : memref<128x128xf32, #tpu.memory_space<vmem>>, vector<1x16xf32>,
        %broadcast_in_dim3A_183 = arith.constant 0.000000e+00 : f32
        %broadcast_in_dim3A_184 = vector.broadcast %broadcast_in_dim3A_183 : f32 to vector<16xf32>
        %swap3A_185 = arith.index_cast %add3A_177 : i32 to index
        %swap3A_186 = arith.constant 16 : index
        %swap3A_187 = tpu.vector_load %arg14[%swap3A_185, %swap3A_186] {strides = array<i32>} : memref<128x128xf32, #tpu.memory_space<vmem>>, vector<1x16xf32>,
        %swap3A_188 = vector.shape_cast %swap3A_187 : vector<1x16xf32> to vector<16xf32>
        %swap3A_189 = vector.shape_cast %broadcast_in_dim3A_184 : vector<16xf32> to vector<1x16xf32>
        tpu.vector_store %arg14[%swap3A_185, %swap3A_186], %swap3A_189 {strides = array<i32>} : memref<128x128xf32, #tpu.memory_space<vmem>>, vector<1x16xf32>,
        %broadcast_in_dim3A_190 = arith.constant 0.000000e+00 : f32
        %broadcast_in_dim3A_191 = vector.broadcast %broadcast_in_dim3A_190 : f32 to vector<16xf32>
        %swap3A_192 = arith.index_cast %add3A_177 : i32 to index
        %swap3A_193 = arith.constant 32 : index
        %swap3A_194 = tpu.vector_load %arg14[%swap3A_192, %swap3A_193] {strides = array<i32>} : memref<128x128xf32, #tpu.memory_space<vmem>>, vector<1x16xf32>,
        %swap3A_195 = vector.shape_cast %swap3A_194 : vector<1x16xf32> to vector<16xf32>
        %swap3A_196 = vector.shape_cast %broadcast_in_dim3A_191 : vector<16xf32> to vector<1x16xf32>
        tpu.vector_store %arg14[%swap3A_192, %swap3A_193], %swap3A_196 {strides = array<i32>} : memref<128x128xf32, #tpu.memory_space<vmem>>, vector<1x16xf32>,
        %broadcast_in_dim3A_197 = arith.constant 0.000000e+00 : f32
        %broadcast_in_dim3A_198 = vector.broadcast %broadcast_in_dim3A_197 : f32 to vector<16xf32>
        %swap3A_199 = arith.index_cast %add3A_177 : i32 to index
        %swap3A_200 = arith.constant 48 : index
        %swap3A_201 = tpu.vector_load %arg14[%swap3A_199, %swap3A_200] {strides = array<i32>} : memref<128x128xf32, #tpu.memory_space<vmem>>, vector<1x16xf32>,
        %swap3A_202 = vector.shape_cast %swap3A_201 : vector<1x16xf32> to vector<16xf32>
        %swap3A_203 = vector.shape_cast %broadcast_in_dim3A_198 : vector<16xf32> to vector<1x16xf32>
        tpu.vector_store %arg14[%swap3A_199, %swap3A_200], %swap3A_203 {strides = array<i32>} : memref<128x128xf32, #tpu.memory_space<vmem>>, vector<1x16xf32>,
        %broadcast_in_dim3A_204 = arith.constant 0.000000e+00 : f32
        %broadcast_in_dim3A_205 = vector.broadcast %broadcast_in_dim3A_204 : f32 to vector<16xf32>
        %swap3A_206 = arith.index_cast %add3A_177 : i32 to index
        %swap3A_207 = arith.constant 64 : index
        %swap3A_208 = tpu.vector_load %arg14[%swap3A_206, %swap3A_207] {strides = array<i32>} : memref<128x128xf32, #tpu.memory_space<vmem>>, vector<1x16xf32>,
        %swap3A_209 = vector.shape_cast %swap3A_208 : vector<1x16xf32> to vector<16xf32>
        %swap3A_210 = vector.shape_cast %broadcast_in_dim3A_205 : vector<16xf32> to vector<1x16xf32>
        tpu.vector_store %arg14[%swap3A_206, %swap3A_207], %swap3A_210 {strides = array<i32>} : memref<128x128xf32, #tpu.memory_space<vmem>>, vector<1x16xf32>,
        %broadcast_in_dim3A_211 = arith.constant 0.000000e+00 : f32
        %broadcast_in_dim3A_212 = vector.broadcast %broadcast_in_dim3A_211 : f32 to vector<16xf32>
        %swap3A_213 = arith.index_cast %add3A_177 : i32 to index
        %swap3A_214 = arith.constant 80 : index
        %swap3A_215 = tpu.vector_load %arg14[%swap3A_213, %swap3A_214] {strides = array<i32>} : memref<128x128xf32, #tpu.memory_space<vmem>>, vector<1x16xf32>,
        %swap3A_216 = vector.shape_cast %swap3A_215 : vector<1x16xf32> to vector<16xf32>
        %swap3A_217 = vector.shape_cast %broadcast_in_dim3A_212 : vector<16xf32> to vector<1x16xf32>
        tpu.vector_store %arg14[%swap3A_213, %swap3A_214], %swap3A_217 {strides = array<i32>} : memref<128x128xf32, #tpu.memory_space<vmem>>, vector<1x16xf32>,
        %broadcast_in_dim3A_218 = arith.constant 0.000000e+00 : f32
        %broadcast_in_dim3A_219 = vector.broadcast %broadcast_in_dim3A_218 : f32 to vector<16xf32>
        %swap3A_220 = arith.index_cast %add3A_177 : i32 to index
        %swap3A_221 = arith.constant 96 : index
        %swap3A_222 = tpu.vector_load %arg14[%swap3A_220, %swap3A_221] {strides = array<i32>} : memref<128x128xf32, #tpu.memory_space<vmem>>, vector<1x16xf32>,
        %swap3A_223 = vector.shape_cast %swap3A_222 : vector<1x16xf32> to vector<16xf32>
        %swap3A_224 = vector.shape_cast %broadcast_in_dim3A_219 : vector<16xf32> to vector<1x16xf32>
        tpu.vector_store %arg14[%swap3A_220, %swap3A_221], %swap3A_224 {strides = array<i32>} : memref<128x128xf32, #tpu.memory_space<vmem>>, vector<1x16xf32>,
        %broadcast_in_dim3A_225 = arith.constant 0.000000e+00 : f32
        %broadcast_in_dim3A_226 = vector.broadcast %broadcast_in_dim3A_225 : f32 to vector<16xf32>
        %swap3A_227 = arith.index_cast %add3A_177 : i32 to index
        %swap3A_228 = arith.constant 112 : index
        %swap3A_229 = tpu.vector_load %arg14[%swap3A_227, %swap3A_228] {strides = array<i32>} : memref<128x128xf32, #tpu.memory_space<vmem>>, vector<1x16xf32>,
        %swap3A_230 = vector.shape_cast %swap3A_229 : vector<1x16xf32> to vector<16xf32>
        %swap3A_231 = vector.shape_cast %broadcast_in_dim3A_226 : vector<16xf32> to vector<1x16xf32>
        tpu.vector_store %arg14[%swap3A_227, %swap3A_228], %swap3A_231 {strides = array<i32>} : memref<128x128xf32, #tpu.memory_space<vmem>>, vector<1x16xf32>,
      }
      %scan3A_39 = arith.constant 128 : i32
      %mul3A_40 = arith.constant 640 : i32
      %mul3A_41 = arith.muli %arg1, %mul3A_40 : i32
      %add3A_42 = arith.constant 0 : i32
      %add3A_43 = arith.addi %mul3A_41, %add3A_42 : i32
      %dma_start3A_44 = arith.constant 0 : i32
      %dma_start3A_45 = arith.constant 0 : i32
      %dma_start3A_46 = tpu.memref_slice %arg14[%dma_start3A_44, %dma_start3A_45] : memref<128x128xf32, #tpu.memory_space<vmem>> -> memref<128x128xf32, #tpu.memory_space<vmem>>
      %dma_start3A_47 = arith.constant 0 : i32
      %dma_start3A_48 = tpu.memref_slice %arg16[%add3A_43, %dma_start3A_47] : memref<10240x128xf32, #tpu.memory_space<vmem_shared>> -> memref<128x128xf32, #tpu.memory_space<vmem_shared>>
      %dma_start3A_49 = arith.constant 0 : i32
      %dma_start3A_50 = tpu.memref_slice %arg16[%add3A_43, %dma_start3A_49] : memref<10240x128xf32, #tpu.memory_space<vmem_shared>> -> memref<128x128xf32, #tpu.memory_space<vmem_shared>>
      %dma_start3A_51 = arith.constant 0 : i32
      %dma_start3A_52 = arith.constant 0 : i32
      %dma_start3A_53 = tpu.memref_slice %arg14[%dma_start3A_51, %dma_start3A_52] : memref<128x128xf32, #tpu.memory_space<vmem>> -> memref<128x128xf32, #tpu.memory_space<vmem>>
      tpu.enqueue_dma source(%dma_start3A_53 : memref<128x128xf32, #tpu.memory_space<vmem>>) target(%dma_start3A_50 : memref<128x128xf32, #tpu.memory_space<vmem_shared>>) target_semaphore(%arg18 : memref<!tpu.dma_semaphore, #tpu.memory_space<semaphore_mem>>)
      %mul3A_54 = arith.constant 640 : i32
      %mul3A_55 = arith.muli %arg1, %mul3A_54 : i32
      %add3A_56 = arith.constant 128 : i32
      %add3A_57 = arith.addi %mul3A_55, %add3A_56 : i32
      %dma_start3A_58 = arith.constant 0 : i32
      %dma_start3A_59 = arith.constant 0 : i32
      %dma_start3A_60 = tpu.memref_slice %arg14[%dma_start3A_58, %dma_start3A_59] : memref<128x128xf32, #tpu.memory_space<vmem>> -> memref<128x128xf32, #tpu.memory_space<vmem>>
      %dma_start3A_61 = arith.constant 0 : i32
      %dma_start3A_62 = tpu.memref_slice %arg16[%add3A_57, %dma_start3A_61] : memref<10240x128xf32, #tpu.memory_space<vmem_shared>> -> memref<128x128xf32, #tpu.memory_space<vmem_shared>>
      %dma_start3A_63 = arith.constant 0 : i32
      %dma_start3A_64 = tpu.memref_slice %arg16[%add3A_57, %dma_start3A_63] : memref<10240x128xf32, #tpu.memory_space<vmem_shared>> -> memref<128x128xf32, #tpu.memory_space<vmem_shared>>
      %dma_start3A_65 = arith.constant 0 : i32
      %dma_start3A_66 = arith.constant 0 : i32
      %dma_start3A_67 = tpu.memref_slice %arg14[%dma_start3A_65, %dma_start3A_66] : memref<128x128xf32, #tpu.memory_space<vmem>> -> memref<128x128xf32, #tpu.memory_space<vmem>>
      tpu.enqueue_dma source(%dma_start3A_67 : memref<128x128xf32, #tpu.memory_space<vmem>>) target(%dma_start3A_64 : memref<128x128xf32, #tpu.memory_space<vmem_shared>>) target_semaphore(%arg18 : memref<!tpu.dma_semaphore, #tpu.memory_space<semaphore_mem>>)
      %mul3A_68 = arith.constant 640 : i32
      %mul3A_69 = arith.muli %arg1, %mul3A_68 : i32
      %add3A_70 = arith.constant 256 : i32
      %add3A_71 = arith.addi %mul3A_69, %add3A_70 : i32
      %dma_start3A_72 = arith.constant 0 : i32
      %dma_start3A_73 = arith.constant 0 : i32
      %dma_start3A_74 = tpu.memref_slice %arg14[%dma_start3A_72, %dma_start3A_73] : memref<128x128xf32, #tpu.memory_space<vmem>> -> memref<128x128xf32, #tpu.memory_space<vmem>>
      %dma_start3A_75 = arith.constant 0 : i32
      %dma_start3A_76 = tpu.memref_slice %arg16[%add3A_71, %dma_start3A_75] : memref<10240x128xf32, #tpu.memory_space<vmem_shared>> -> memref<128x128xf32, #tpu.memory_space<vmem_shared>>
      %dma_start3A_77 = arith.constant 0 : i32
      %dma_start3A_78 = tpu.memref_slice %arg16[%add3A_71, %dma_start3A_77] : memref<10240x128xf32, #tpu.memory_space<vmem_shared>> -> memref<128x128xf32, #tpu.memory_space<vmem_shared>>
      %dma_start3A_79 = arith.constant 0 : i32
      %dma_start3A_80 = arith.constant 0 : i32
      %dma_start3A_81 = tpu.memref_slice %arg14[%dma_start3A_79, %dma_start3A_80] : memref<128x128xf32, #tpu.memory_space<vmem>> -> memref<128x128xf32, #tpu.memory_space<vmem>>
      tpu.enqueue_dma source(%dma_start3A_81 : memref<128x128xf32, #tpu.memory_space<vmem>>) target(%dma_start3A_78 : memref<128x128xf32, #tpu.memory_space<vmem_shared>>) target_semaphore(%arg18 : memref<!tpu.dma_semaphore, #tpu.memory_space<semaphore_mem>>)
      %mul3A_82 = arith.constant 640 : i32
      %mul3A_83 = arith.muli %arg1, %mul3A_82 : i32
      %add3A_84 = arith.constant 384 : i32
      %add3A_85 = arith.addi %mul3A_83, %add3A_84 : i32
      %dma_start3A_86 = arith.constant 0 : i32
      %dma_start3A_87 = arith.constant 0 : i32
      %dma_start3A_88 = tpu.memref_slice %arg14[%dma_start3A_86, %dma_start3A_87] : memref<128x128xf32, #tpu.memory_space<vmem>> -> memref<128x128xf32, #tpu.memory_space<vmem>>
      %dma_start3A_89 = arith.constant 0 : i32
      %dma_start3A_90 = tpu.memref_slice %arg16[%add3A_85, %dma_start3A_89] : memref<10240x128xf32, #tpu.memory_space<vmem_shared>> -> memref<128x128xf32, #tpu.memory_space<vmem_shared>>
      %dma_start3A_91 = arith.constant 0 : i32
      %dma_start3A_92 = tpu.memref_slice %arg16[%add3A_85, %dma_start3A_91] : memref<10240x128xf32, #tpu.memory_space<vmem_shared>> -> memref<128x128xf32, #tpu.memory_space<vmem_shared>>
      %dma_start3A_93 = arith.constant 0 : i32
      %dma_start3A_94 = arith.constant 0 : i32
      %dma_start3A_95 = tpu.memref_slice %arg14[%dma_start3A_93, %dma_start3A_94] : memref<128x128xf32, #tpu.memory_space<vmem>> -> memref<128x128xf32, #tpu.memory_space<vmem>>
      tpu.enqueue_dma source(%dma_start3A_95 : memref<128x128xf32, #tpu.memory_space<vmem>>) target(%dma_start3A_92 : memref<128x128xf32, #tpu.memory_space<vmem_shared>>) target_semaphore(%arg18 : memref<!tpu.dma_semaphore, #tpu.memory_space<semaphore_mem>>)
      %mul3A_96 = arith.constant 640 : i32
      %mul3A_97 = arith.muli %arg1, %mul3A_96 : i32
      %add3A_98 = arith.constant 512 : i32
      %add3A_99 = arith.addi %mul3A_97, %add3A_98 : i32
      %dma_start3A_100 = arith.constant 0 : i32
      %dma_start3A_101 = arith.constant 0 : i32
      %dma_start3A_102 = tpu.memref_slice %arg14[%dma_start3A_100, %dma_start3A_101] : memref<128x128xf32, #tpu.memory_space<vmem>> -> memref<128x128xf32, #tpu.memory_space<vmem>>
      %dma_start3A_103 = arith.constant 0 : i32
      %dma_start3A_104 = tpu.memref_slice %arg16[%add3A_99, %dma_start3A_103] : memref<10240x128xf32, #tpu.memory_space<vmem_shared>> -> memref<128x128xf32, #tpu.memory_space<vmem_shared>>
      %dma_start3A_105 = arith.constant 0 : i32
      %dma_start3A_106 = tpu.memref_slice %arg16[%add3A_99, %dma_start3A_105] : memref<10240x128xf32, #tpu.memory_space<vmem_shared>> -> memref<128x128xf32, #tpu.memory_space<vmem_shared>>
      %dma_start3A_107 = arith.constant 0 : i32
      %dma_start3A_108 = arith.constant 0 : i32
      %dma_start3A_109 = tpu.memref_slice %arg14[%dma_start3A_107, %dma_start3A_108] : memref<128x128xf32, #tpu.memory_space<vmem>> -> memref<128x128xf32, #tpu.memory_space<vmem>>
      tpu.enqueue_dma source(%dma_start3A_109 : memref<128x128xf32, #tpu.memory_space<vmem>>) target(%dma_start3A_106 : memref<128x128xf32, #tpu.memory_space<vmem_shared>>) target_semaphore(%arg18 : memref<!tpu.dma_semaphore, #tpu.memory_space<semaphore_mem>>)
      %mul3A_110 = arith.constant 640 : i32
      %mul3A_111 = arith.muli %arg1, %mul3A_110 : i32
      %dma_wait3A = arith.constant 0 : i32
      %dma_wait3A_112 = arith.constant 0 : i32
      %dma_wait3A_113 = tpu.memref_slice %arg14[%dma_wait3A, %dma_wait3A_112] : memref<128x128xf32, #tpu.memory_space<vmem>> -> memref<128x128xf32, #tpu.memory_space<vmem>>
      %dma_wait3A_114 = arith.constant 0 : i32
      %dma_wait3A_115 = tpu.memref_slice %arg16[%mul3A_111, %dma_wait3A_114] : memref<10240x128xf32, #tpu.memory_space<vmem_shared>> -> memref<128x128xf32, #tpu.memory_space<vmem_shared>>
      %dma_wait3A_116 = arith.constant 0 : i32
      %dma_wait3A_117 = tpu.memref_slice %arg16[%mul3A_111, %dma_wait3A_116] : memref<10240x128xf32, #tpu.memory_space<vmem_shared>> -> memref<128x128xf32, #tpu.memory_space<vmem_shared>>
      %dma_wait3A_118 = arith.constant 0 : i32
      %dma_wait3A_119 = arith.constant 0 : i32
      %dma_wait3A_120 = tpu.memref_slice %arg14[%dma_wait3A_118, %dma_wait3A_119] : memref<128x128xf32, #tpu.memory_space<vmem>> -> memref<128x128xf32, #tpu.memory_space<vmem>>
      tpu.wait_dma2 semaphore(%arg18 : memref<!tpu.dma_semaphore, #tpu.memory_space<semaphore_mem>>) src(%dma_wait3A_120 : memref<128x128xf32, #tpu.memory_space<vmem>>) dst(%dma_wait3A_117 : memref<128x128xf32, #tpu.memory_space<vmem_shared>>)
      %mul3A_121 = arith.constant 640 : i32
      %mul3A_122 = arith.muli %arg1, %mul3A_121 : i32
      %dma_wait3A_123 = arith.constant 0 : i32
      %dma_wait3A_124 = arith.constant 0 : i32
      %dma_wait3A_125 = tpu.memref_slice %arg14[%dma_wait3A_123, %dma_wait3A_124] : memref<128x128xf32, #tpu.memory_space<vmem>> -> memref<128x128xf32, #tpu.memory_space<vmem>>
      %dma_wait3A_126 = arith.constant 0 : i32
      %dma_wait3A_127 = tpu.memref_slice %arg16[%mul3A_122, %dma_wait3A_126] : memref<10240x128xf32, #tpu.memory_space<vmem_shared>> -> memref<128x128xf32, #tpu.memory_space<vmem_shared>>
      %dma_wait3A_128 = arith.constant 0 : i32
      %dma_wait3A_129 = tpu.memref_slice %arg16[%mul3A_122, %dma_wait3A_128] : memref<10240x128xf32, #tpu.memory_space<vmem_shared>> -> memref<128x128xf32, #tpu.memory_space<vmem_shared>>
      %dma_wait3A_130 = arith.constant 0 : i32
      %dma_wait3A_131 = arith.constant 0 : i32
      %dma_wait3A_132 = tpu.memref_slice %arg14[%dma_wait3A_130, %dma_wait3A_131] : memref<128x128xf32, #tpu.memory_space<vmem>> -> memref<128x128xf32, #tpu.memory_space<vmem>>
      tpu.wait_dma2 semaphore(%arg18 : memref<!tpu.dma_semaphore, #tpu.memory_space<semaphore_mem>>) src(%dma_wait3A_132 : memref<128x128xf32, #tpu.memory_space<vmem>>) dst(%dma_wait3A_129 : memref<128x128xf32, #tpu.memory_space<vmem_shared>>)
      %mul3A_133 = arith.constant 640 : i32
      %mul3A_134 = arith.muli %arg1, %mul3A_133 : i32
      %dma_wait3A_135 = arith.constant 0 : i32
      %dma_wait3A_136 = arith.constant 0 : i32
      %dma_wait3A_137 = tpu.memref_slice %arg14[%dma_wait3A_135, %dma_wait3A_136] : memref<128x128xf32, #tpu.memory_space<vmem>> -> memref<128x128xf32, #tpu.memory_space<vmem>>
      %dma_wait3A_138 = arith.constant 0 : i32
      %dma_wait3A_139 = tpu.memref_slice %arg16[%mul3A_134, %dma_wait3A_138] : memref<10240x128xf32, #tpu.memory_space<vmem_shared>> -> memref<128x128xf32, #tpu.memory_space<vmem_shared>>
      %dma_wait3A_140 = arith.constant 0 : i32
      %dma_wait3A_141 = tpu.memref_slice %arg16[%mul3A_134, %dma_wait3A_140] : memref<10240x128xf32, #tpu.memory_space<vmem_shared>> -> memref<128x128xf32, #tpu.memory_space<vmem_shared>>
      %dma_wait3A_142 = arith.constant 0 : i32
      %dma_wait3A_143 = arith.constant 0 : i32
      %dma_wait3A_144 = tpu.memref_slice %arg14[%dma_wait3A_142, %dma_wait3A_143] : memref<128x128xf32, #tpu.memory_space<vmem>> -> memref<128x128xf32, #tpu.memory_space<vmem>>
      tpu.wait_dma2 semaphore(%arg18 : memref<!tpu.dma_semaphore, #tpu.memory_space<semaphore_mem>>) src(%dma_wait3A_144 : memref<128x128xf32, #tpu.memory_space<vmem>>) dst(%dma_wait3A_141 : memref<128x128xf32, #tpu.memory_space<vmem_shared>>)
      %mul3A_145 = arith.constant 640 : i32
      %mul3A_146 = arith.muli %arg1, %mul3A_145 : i32
      %dma_wait3A_147 = arith.constant 0 : i32
      %dma_wait3A_148 = arith.constant 0 : i32
      %dma_wait3A_149 = tpu.memref_slice %arg14[%dma_wait3A_147, %dma_wait3A_148] : memref<128x128xf32, #tpu.memory_space<vmem>> -> memref<128x128xf32, #tpu.memory_space<vmem>>
      %dma_wait3A_150 = arith.constant 0 : i32
      %dma_wait3A_151 = tpu.memref_slice %arg16[%mul3A_146, %dma_wait3A_150] : memref<10240x128xf32, #tpu.memory_space<vmem_shared>> -> memref<128x128xf32, #tpu.memory_space<vmem_shared>>
      %dma_wait3A_152 = arith.constant 0 : i32
      %dma_wait3A_153 = tpu.memref_slice %arg16[%mul3A_146, %dma_wait3A_152] : memref<10240x128xf32, #tpu.memory_space<vmem_shared>> -> memref<128x128xf32, #tpu.memory_space<vmem_shared>>
      %dma_wait3A_154 = arith.constant 0 : i32
      %dma_wait3A_155 = arith.constant 0 : i32
      %dma_wait3A_156 = tpu.memref_slice %arg14[%dma_wait3A_154, %dma_wait3A_155] : memref<128x128xf32, #tpu.memory_space<vmem>> -> memref<128x128xf32, #tpu.memory_space<vmem>>
      tpu.wait_dma2 semaphore(%arg18 : memref<!tpu.dma_semaphore, #tpu.memory_space<semaphore_mem>>) src(%dma_wait3A_156 : memref<128x128xf32, #tpu.memory_space<vmem>>) dst(%dma_wait3A_153 : memref<128x128xf32, #tpu.memory_space<vmem_shared>>)
      %mul3A_157 = arith.constant 640 : i32
      %mul3A_158 = arith.muli %arg1, %mul3A_157 : i32
      %dma_wait3A_159 = arith.constant 0 : i32
      %dma_wait3A_160 = arith.constant 0 : i32
      %dma_wait3A_161 = tpu.memref_slice %arg14[%dma_wait3A_159, %dma_wait3A_160] : memref<128x128xf32, #tpu.memory_space<vmem>> -> memref<128x128xf32, #tpu.memory_space<vmem>>
      %dma_wait3A_162 = arith.constant 0 : i32
      %dma_wait3A_163 = tpu.memref_slice %arg16[%mul3A_158, %dma_wait3A_162] : memref<10240x128xf32, #tpu.memory_space<vmem_shared>> -> memref<128x128xf32, #tpu.memory_space<vmem_shared>>
      %dma_wait3A_164 = arith.constant 0 : i32
      %dma_wait3A_165 = tpu.memref_slice %arg16[%mul3A_158, %dma_wait3A_164] : memref<10240x128xf32, #tpu.memory_space<vmem_shared>> -> memref<128x128xf32, #tpu.memory_space<vmem_shared>>
      %dma_wait3A_166 = arith.constant 0 : i32
      %dma_wait3A_167 = arith.constant 0 : i32
      %dma_wait3A_168 = tpu.memref_slice %arg14[%dma_wait3A_166, %dma_wait3A_167] : memref<128x128xf32, #tpu.memory_space<vmem>> -> memref<128x128xf32, #tpu.memory_space<vmem>>
      tpu.wait_dma2 semaphore(%arg18 : memref<!tpu.dma_semaphore, #tpu.memory_space<semaphore_mem>>) src(%dma_wait3A_168 : memref<128x128xf32, #tpu.memory_space<vmem>>) dst(%dma_wait3A_165 : memref<128x128xf32, #tpu.memory_space<vmem_shared>>)
      %dma_wait3A_169 = tpu.memref_slice %arg3[%mul3A_0] : memref<327680xi32, #tpu.memory_space<hbm>> -> memref<128xi32, #tpu.memory_space<hbm>>
      %dma_wait3A_170 = tpu.memref_slice %arg3[%mul3A_0] : memref<327680xi32, #tpu.memory_space<hbm>> -> memref<128xi32, #tpu.memory_space<hbm>>
      tpu.wait_dma2 semaphore(%arg17 : memref<!tpu.dma_semaphore, #tpu.memory_space<semaphore_mem>>) src(%dma_wait3A_170 : memref<128xi32, #tpu.memory_space<hbm>>) dst(%arg6 : memref<128xi32, #tpu.memory_space<vmem>>)
      %dma_wait3A_171 = tpu.memref_slice %arg4[%mul3A_0] : memref<327680xi32, #tpu.memory_space<hbm>> -> memref<128xi32, #tpu.memory_space<hbm>>
      %dma_wait3A_172 = tpu.memref_slice %arg4[%mul3A_0] : memref<327680xi32, #tpu.memory_space<hbm>> -> memref<128xi32, #tpu.memory_space<hbm>>
      tpu.wait_dma2 semaphore(%arg17 : memref<!tpu.dma_semaphore, #tpu.memory_space<semaphore_mem>>) src(%dma_wait3A_172 : memref<128xi32, #tpu.memory_space<hbm>>) dst(%arg10 : memref<128xi32, #tpu.memory_space<vmem>>)
    } else {
    }
    %barrier3A = arith.constant 0 : index
    tpu.barrier barrier_id(%barrier3A)
    %eq3A_3 = arith.constant 1 : i32
    %eq3A_4 = arith.cmpi eq, %arg0, %eq3A_3 : i32
    %convert_element_type3A_5 = arith.extui %eq3A_4 : i1 to i32
    %cond3A_6 = arith.constant 0 : i32
    %cond3A_7 = arith.cmpi ne, %convert_element_type3A_5, %cond3A_6 : i32
    scf.if %cond3A_7 {
      %dma_start3A = arith.constant 0 : i32
      %dma_start3A_14 = arith.constant 0 : i32
      %dma_start3A_15 = tpu.memref_slice %arg2[%dma_start3A, %dma_start3A_14] : memref<10000x128xf32, #tpu.memory_space<hbm>> -> memref<10000x128xf32, #tpu.memory_space<hbm>>
      tpu.enqueue_indirect_dma source(%dma_start3A_15 : memref<10000x128xf32, #tpu.memory_space<hbm>>) target(%arg14 : memref<128x128xf32, #tpu.memory_space<vmem>>) offsets(%arg6 : memref<128xi32, #tpu.memory_space<vmem>>) semaphore(%arg18 : memref<!tpu.dma_semaphore, #tpu.memory_space<semaphore_mem>>)
      %scan3A = arith.constant 0 : i32
      %scan3A_16 = arith.constant 40 : i32
      %scan3A_17 = arith.addi %scan3A, %scan3A_16 : i32
      %scan3A_18 = arith.constant 1 : i32
      scf.for %scan3A_22 = %scan3A to %scan3A_17 step %scan3A_18  : i32 {
        %mul3A_23 = arith.constant 1 : i32
        %mul3A_24 = arith.muli %scan3A_22, %mul3A_23 : i32
        %add3A = arith.constant 0 : i32
        %add3A_25 = arith.addi %add3A, %mul3A_24 : i32
        %mul3A_26 = arith.constant 4 : i32
        %mul3A_27 = arith.muli %add3A_25, %mul3A_26 : i32
        %add3A_28 = arith.constant 0 : i32
        %add3A_29 = arith.addi %mul3A_27, %add3A_28 : i32
        %dma_wait3A_30 = arith.constant 0 : i32
        %dma_wait3A_31 = arith.constant 0 : i32
        %dma_wait3A_32 = tpu.memref_slice %arg2[%dma_wait3A_30, %dma_wait3A_31] : memref<10000x128xf32, #tpu.memory_space<hbm>> -> memref<10000x128xf32, #tpu.memory_space<hbm>>
        tpu.wait_indirect_dma semaphore(%arg18 : memref<!tpu.dma_semaphore, #tpu.memory_space<semaphore_mem>>) src(%dma_wait3A_32 : memref<10000x128xf32, #tpu.memory_space<hbm>>) dst(%arg14 : memref<128x128xf32, #tpu.memory_space<vmem>>)
        %dma_start3A_33 = arith.constant 0 : i32
        %dma_start3A_34 = arith.constant 0 : i32
        %dma_start3A_35 = tpu.memref_slice %arg16[%dma_start3A_33, %dma_start3A_34] : memref<10240x128xf32, #tpu.memory_space<vmem_shared>> -> memref<10240x128xf32, #tpu.memory_space<vmem_shared>>
        tpu.enqueue_indirect_dma source(%arg14 : memref<128x128xf32, #tpu.memory_space<vmem>>) target(%dma_start3A_35 : memref<10240x128xf32, #tpu.memory_space<vmem_shared>>) offsets(%arg10 : memref<128xi32, #tpu.memory_space<vmem>>) semaphore(%arg19 : memref<!tpu.dma_semaphore, #tpu.memory_space<semaphore_mem>>) {add = true}
        %gt3A = arith.constant 0 : i32
        %gt3A_36 = arith.cmpi sgt, %add3A_25, %gt3A : i32
        %convert_element_type3A_37 = arith.extui %gt3A_36 : i1 to i32
        %cond3A_38 = arith.constant 0 : i32
        %cond3A_39 = arith.cmpi ne, %convert_element_type3A_37, %cond3A_38 : i32
        scf.if %cond3A_39 {
          %dma_wait3A_131 = arith.constant 0 : i32
          %dma_wait3A_132 = arith.constant 0 : i32
          %dma_wait3A_133 = tpu.memref_slice %arg16[%dma_wait3A_131, %dma_wait3A_132] : memref<10240x128xf32, #tpu.memory_space<vmem_shared>> -> memref<10240x128xf32, #tpu.memory_space<vmem_shared>>
          tpu.wait_indirect_dma semaphore(%arg19 : memref<!tpu.dma_semaphore, #tpu.memory_space<semaphore_mem>>) src(%arg15 : memref<128x128xf32, #tpu.memory_space<vmem>>) dst(%dma_wait3A_133 : memref<10240x128xf32, #tpu.memory_space<vmem_shared>>)
        } else {
        }
        %dma_wait3A_40 = tpu.memref_slice %arg3[%mul3A_0] : memref<327680xi32, #tpu.memory_space<hbm>> -> memref<128xi32, #tpu.memory_space<hbm>>
        %dma_wait3A_41 = tpu.memref_slice %arg3[%mul3A_0] : memref<327680xi32, #tpu.memory_space<hbm>> -> memref<128xi32, #tpu.memory_space<hbm>>
        tpu.wait_dma2 semaphore(%arg17 : memref<!tpu.dma_semaphore, #tpu.memory_space<semaphore_mem>>) src(%dma_wait3A_41 : memref<128xi32, #tpu.memory_space<hbm>>) dst(%arg7 : memref<128xi32, #tpu.memory_space<vmem>>)
        %dma_wait3A_42 = tpu.memref_slice %arg4[%mul3A_0] : memref<327680xi32, #tpu.memory_space<hbm>> -> memref<128xi32, #tpu.memory_space<hbm>>
        %dma_wait3A_43 = tpu.memref_slice %arg4[%mul3A_0] : memref<327680xi32, #tpu.memory_space<hbm>> -> memref<128xi32, #tpu.memory_space<hbm>>
        tpu.wait_dma2 semaphore(%arg17 : memref<!tpu.dma_semaphore, #tpu.memory_space<semaphore_mem>>) src(%dma_wait3A_43 : memref<128xi32, #tpu.memory_space<hbm>>) dst(%arg11 : memref<128xi32, #tpu.memory_space<vmem>>)
        %dma_start3A_44 = arith.constant 0 : i32
        %dma_start3A_45 = arith.constant 0 : i32
        %dma_start3A_46 = tpu.memref_slice %arg2[%dma_start3A_44, %dma_start3A_45] : memref<10000x128xf32, #tpu.memory_space<hbm>> -> memref<10000x128xf32, #tpu.memory_space<hbm>>
        tpu.enqueue_indirect_dma source(%dma_start3A_46 : memref<10000x128xf32, #tpu.memory_space<hbm>>) target(%arg15 : memref<128x128xf32, #tpu.memory_space<vmem>>) offsets(%arg7 : memref<128xi32, #tpu.memory_space<vmem>>) semaphore(%arg18 : memref<!tpu.dma_semaphore, #tpu.memory_space<semaphore_mem>>)
        %add3A_47 = arith.constant 3 : i32
        %add3A_48 = arith.addi %add3A_29, %add3A_47 : i32
        %mul3A_49 = arith.constant 128 : i32
        %mul3A_50 = arith.muli %add3A_48, %mul3A_49 : i32
        %add3A_51 = arith.addi %mul3A_0, %mul3A_50 : i32
        %dma_start3A_52 = tpu.memref_slice %arg3[%add3A_51] : memref<327680xi32, #tpu.memory_space<hbm>> -> memref<128xi32, #tpu.memory_space<hbm>>
        %dma_start3A_53 = tpu.memref_slice %arg3[%add3A_51] : memref<327680xi32, #tpu.memory_space<hbm>> -> memref<128xi32, #tpu.memory_space<hbm>>
        tpu.enqueue_dma source(%dma_start3A_53 : memref<128xi32, #tpu.memory_space<hbm>>) target(%arg9 : memref<128xi32, #tpu.memory_space<vmem>>) target_semaphore(%arg17 : memref<!tpu.dma_semaphore, #tpu.memory_space<semaphore_mem>>)
        %mul3A_54 = arith.constant 128 : i32
        %mul3A_55 = arith.muli %add3A_48, %mul3A_54 : i32
        %add3A_56 = arith.addi %mul3A_0, %mul3A_55 : i32
        %dma_start3A_57 = tpu.memref_slice %arg4[%add3A_56] : memref<327680xi32, #tpu.memory_space<hbm>> -> memref<128xi32, #tpu.memory_space<hbm>>
        %dma_start3A_58 = tpu.memref_slice %arg4[%add3A_56] : memref<327680xi32, #tpu.memory_space<hbm>> -> memref<128xi32, #tpu.memory_space<hbm>>
        tpu.enqueue_dma source(%dma_start3A_58 : memref<128xi32, #tpu.memory_space<hbm>>) target(%arg13 : memref<128xi32, #tpu.memory_space<vmem>>) target_semaphore(%arg17 : memref<!tpu.dma_semaphore, #tpu.memory_space<semaphore_mem>>)
        %mul3A_59 = arith.constant 4 : i32
        %mul3A_60 = arith.muli %add3A_25, %mul3A_59 : i32
        %add3A_61 = arith.constant 1 : i32
        %add3A_62 = arith.addi %mul3A_60, %add3A_61 : i32
        %dma_wait3A_63 = arith.constant 0 : i32
        %dma_wait3A_64 = arith.constant 0 : i32
        %dma_wait3A_65 = tpu.memref_slice %arg2[%dma_wait3A_63, %dma_wait3A_64] : memref<10000x128xf32, #tpu.memory_space<hbm>> -> memref<10000x128xf32, #tpu.memory_space<hbm>>
        tpu.wait_indirect_dma semaphore(%arg18 : memref<!tpu.dma_semaphore, #tpu.memory_space<semaphore_mem>>) src(%dma_wait3A_65 : memref<10000x128xf32, #tpu.memory_space<hbm>>) dst(%arg15 : memref<128x128xf32, #tpu.memory_space<vmem>>)
        %dma_start3A_66 = arith.constant 0 : i32
        %dma_start3A_67 = arith.constant 0 : i32
        %dma_start3A_68 = tpu.memref_slice %arg16[%dma_start3A_66, %dma_start3A_67] : memref<10240x128xf32, #tpu.memory_space<vmem_shared>> -> memref<10240x128xf32, #tpu.memory_space<vmem_shared>>
        tpu.enqueue_indirect_dma source(%arg15 : memref<128x128xf32, #tpu.memory_space<vmem>>) target(%dma_start3A_68 : memref<10240x128xf32, #tpu.memory_space<vmem_shared>>) offsets(%arg11 : memref<128xi32, #tpu.memory_space<vmem>>) semaphore(%arg19 : memref<!tpu.dma_semaphore, #tpu.memory_space<semaphore_mem>>) {add = true}
        %dma_wait3A_69 = arith.constant 0 : i32
        %dma_wait3A_70 = arith.constant 0 : i32
        %dma_wait3A_71 = tpu.memref_slice %arg16[%dma_wait3A_69, %dma_wait3A_70] : memref<10240x128xf32, #tpu.memory_space<vmem_shared>> -> memref<10240x128xf32, #tpu.memory_space<vmem_shared>>
        tpu.wait_indirect_dma semaphore(%arg19 : memref<!tpu.dma_semaphore, #tpu.memory_space<semaphore_mem>>) src(%arg14 : memref<128x128xf32, #tpu.memory_space<vmem>>) dst(%dma_wait3A_71 : memref<10240x128xf32, #tpu.memory_space<vmem_shared>>)
        %dma_wait3A_72 = tpu.memref_slice %arg3[%mul3A_0] : memref<327680xi32, #tpu.memory_space<hbm>> -> memref<128xi32, #tpu.memory_space<hbm>>
        %dma_wait3A_73 = tpu.memref_slice %arg3[%mul3A_0] : memref<327680xi32, #tpu.memory_space<hbm>> -> memref<128xi32, #tpu.memory_space<hbm>>
        tpu.wait_dma2 semaphore(%arg17 : memref<!tpu.dma_semaphore, #tpu.memory_space<semaphore_mem>>) src(%dma_wait3A_73 : memref<128xi32, #tpu.memory_space<hbm>>) dst(%arg8 : memref<128xi32, #tpu.memory_space<vmem>>)
        %dma_wait3A_74 = tpu.memref_slice %arg4[%mul3A_0] : memref<327680xi32, #tpu.memory_space<hbm>> -> memref<128xi32, #tpu.memory_space<hbm>>
        %dma_wait3A_75 = tpu.memref_slice %arg4[%mul3A_0] : memref<327680xi32, #tpu.memory_space<hbm>> -> memref<128xi32, #tpu.memory_space<hbm>>
        tpu.wait_dma2 semaphore(%arg17 : memref<!tpu.dma_semaphore, #tpu.memory_space<semaphore_mem>>) src(%dma_wait3A_75 : memref<128xi32, #tpu.memory_space<hbm>>) dst(%arg12 : memref<128xi32, #tpu.memory_space<vmem>>)
        %dma_start3A_76 = arith.constant 0 : i32
        %dma_start3A_77 = arith.constant 0 : i32
        %dma_start3A_78 = tpu.memref_slice %arg2[%dma_start3A_76, %dma_start3A_77] : memref<10000x128xf32, #tpu.memory_space<hbm>> -> memref<10000x128xf32, #tpu.memory_space<hbm>>
        tpu.enqueue_indirect_dma source(%dma_start3A_78 : memref<10000x128xf32, #tpu.memory_space<hbm>>) target(%arg14 : memref<128x128xf32, #tpu.memory_space<vmem>>) offsets(%arg8 : memref<128xi32, #tpu.memory_space<vmem>>) semaphore(%arg18 : memref<!tpu.dma_semaphore, #tpu.memory_space<semaphore_mem>>)
        %lt3A = arith.constant 39 : i32
        %lt3A_79 = arith.cmpi slt, %add3A_25, %lt3A : i32
        %convert_element_type3A_80 = arith.extui %lt3A_79 : i1 to i32
        %cond3A_81 = arith.constant 0 : i32
        %cond3A_82 = arith.cmpi ne, %convert_element_type3A_80, %cond3A_81 : i32
        scf.if %cond3A_82 {
          %add3A_131 = arith.constant 3 : i32
          %add3A_132 = arith.addi %add3A_62, %add3A_131 : i32
          %mul3A_133 = arith.constant 128 : i32
          %mul3A_134 = arith.muli %add3A_132, %mul3A_133 : i32
          %add3A_135 = arith.addi %mul3A_0, %mul3A_134 : i32
          %dma_start3A_136 = tpu.memref_slice %arg3[%add3A_135] : memref<327680xi32, #tpu.memory_space<hbm>> -> memref<128xi32, #tpu.memory_space<hbm>>
          %dma_start3A_137 = tpu.memref_slice %arg3[%add3A_135] : memref<327680xi32, #tpu.memory_space<hbm>> -> memref<128xi32, #tpu.memory_space<hbm>>
          tpu.enqueue_dma source(%dma_start3A_137 : memref<128xi32, #tpu.memory_space<hbm>>) target(%arg6 : memref<128xi32, #tpu.memory_space<vmem>>) target_semaphore(%arg17 : memref<!tpu.dma_semaphore, #tpu.memory_space<semaphore_mem>>)
          %mul3A_138 = arith.constant 128 : i32
          %mul3A_139 = arith.muli %add3A_132, %mul3A_138 : i32
          %add3A_140 = arith.addi %mul3A_0, %mul3A_139 : i32
          %dma_start3A_141 = tpu.memref_slice %arg4[%add3A_140] : memref<327680xi32, #tpu.memory_space<hbm>> -> memref<128xi32, #tpu.memory_space<hbm>>
          %dma_start3A_142 = tpu.memref_slice %arg4[%add3A_140] : memref<327680xi32, #tpu.memory_space<hbm>> -> memref<128xi32, #tpu.memory_space<hbm>>
          tpu.enqueue_dma source(%dma_start3A_142 : memref<128xi32, #tpu.memory_space<hbm>>) target(%arg10 : memref<128xi32, #tpu.memory_space<vmem>>) target_semaphore(%arg17 : memref<!tpu.dma_semaphore, #tpu.memory_space<semaphore_mem>>)
        } else {
        }
        %mul3A_83 = arith.constant 4 : i32
        %mul3A_84 = arith.muli %add3A_25, %mul3A_83 : i32
        %add3A_85 = arith.constant 2 : i32
        %add3A_86 = arith.addi %mul3A_84, %add3A_85 : i32
        %dma_wait3A_87 = arith.constant 0 : i32
        %dma_wait3A_88 = arith.constant 0 : i32
        %dma_wait3A_89 = tpu.memref_slice %arg2[%dma_wait3A_87, %dma_wait3A_88] : memref<10000x128xf32, #tpu.memory_space<hbm>> -> memref<10000x128xf32, #tpu.memory_space<hbm>>
        tpu.wait_indirect_dma semaphore(%arg18 : memref<!tpu.dma_semaphore, #tpu.memory_space<semaphore_mem>>) src(%dma_wait3A_89 : memref<10000x128xf32, #tpu.memory_space<hbm>>) dst(%arg14 : memref<128x128xf32, #tpu.memory_space<vmem>>)
        %dma_start3A_90 = arith.constant 0 : i32
        %dma_start3A_91 = arith.constant 0 : i32
        %dma_start3A_92 = tpu.memref_slice %arg16[%dma_start3A_90, %dma_start3A_91] : memref<10240x128xf32, #tpu.memory_space<vmem_shared>> -> memref<10240x128xf32, #tpu.memory_space<vmem_shared>>
        tpu.enqueue_indirect_dma source(%arg14 : memref<128x128xf32, #tpu.memory_space<vmem>>) target(%dma_start3A_92 : memref<10240x128xf32, #tpu.memory_space<vmem_shared>>) offsets(%arg12 : memref<128xi32, #tpu.memory_space<vmem>>) semaphore(%arg19 : memref<!tpu.dma_semaphore, #tpu.memory_space<semaphore_mem>>) {add = true}
        %dma_wait3A_93 = arith.constant 0 : i32
        %dma_wait3A_94 = arith.constant 0 : i32
        %dma_wait3A_95 = tpu.memref_slice %arg16[%dma_wait3A_93, %dma_wait3A_94] : memref<10240x128xf32, #tpu.memory_space<vmem_shared>> -> memref<10240x128xf32, #tpu.memory_space<vmem_shared>>
        tpu.wait_indirect_dma semaphore(%arg19 : memref<!tpu.dma_semaphore, #tpu.memory_space<semaphore_mem>>) src(%arg15 : memref<128x128xf32, #tpu.memory_space<vmem>>) dst(%dma_wait3A_95 : memref<10240x128xf32, #tpu.memory_space<vmem_shared>>)
        %dma_wait3A_96 = tpu.memref_slice %arg3[%mul3A_0] : memref<327680xi32, #tpu.memory_space<hbm>> -> memref<128xi32, #tpu.memory_space<hbm>>
        %dma_wait3A_97 = tpu.memref_slice %arg3[%mul3A_0] : memref<327680xi32, #tpu.memory_space<hbm>> -> memref<128xi32, #tpu.memory_space<hbm>>
        tpu.wait_dma2 semaphore(%arg17 : memref<!tpu.dma_semaphore, #tpu.memory_space<semaphore_mem>>) src(%dma_wait3A_97 : memref<128xi32, #tpu.memory_space<hbm>>) dst(%arg9 : memref<128xi32, #tpu.memory_space<vmem>>)
        %dma_wait3A_98 = tpu.memref_slice %arg4[%mul3A_0] : memref<327680xi32, #tpu.memory_space<hbm>> -> memref<128xi32, #tpu.memory_space<hbm>>
        %dma_wait3A_99 = tpu.memref_slice %arg4[%mul3A_0] : memref<327680xi32, #tpu.memory_space<hbm>> -> memref<128xi32, #tpu.memory_space<hbm>>
        tpu.wait_dma2 semaphore(%arg17 : memref<!tpu.dma_semaphore, #tpu.memory_space<semaphore_mem>>) src(%dma_wait3A_99 : memref<128xi32, #tpu.memory_space<hbm>>) dst(%arg13 : memref<128xi32, #tpu.memory_space<vmem>>)
        %dma_start3A_100 = arith.constant 0 : i32
        %dma_start3A_101 = arith.constant 0 : i32
        %dma_start3A_102 = tpu.memref_slice %arg2[%dma_start3A_100, %dma_start3A_101] : memref<10000x128xf32, #tpu.memory_space<hbm>> -> memref<10000x128xf32, #tpu.memory_space<hbm>>
        tpu.enqueue_indirect_dma source(%dma_start3A_102 : memref<10000x128xf32, #tpu.memory_space<hbm>>) target(%arg15 : memref<128x128xf32, #tpu.memory_space<vmem>>) offsets(%arg9 : memref<128xi32, #tpu.memory_space<vmem>>) semaphore(%arg18 : memref<!tpu.dma_semaphore, #tpu.memory_space<semaphore_mem>>)
        %lt3A_103 = arith.constant 39 : i32
        %lt3A_104 = arith.cmpi slt, %add3A_25, %lt3A_103 : i32
        %convert_element_type3A_105 = arith.extui %lt3A_104 : i1 to i32
        %cond3A_106 = arith.constant 0 : i32
        %cond3A_107 = arith.cmpi ne, %convert_element_type3A_105, %cond3A_106 : i32
        scf.if %cond3A_107 {
          %add3A_131 = arith.constant 3 : i32
          %add3A_132 = arith.addi %add3A_86, %add3A_131 : i32
          %mul3A_133 = arith.constant 128 : i32
          %mul3A_134 = arith.muli %add3A_132, %mul3A_133 : i32
          %add3A_135 = arith.addi %mul3A_0, %mul3A_134 : i32
          %dma_start3A_136 = tpu.memref_slice %arg3[%add3A_135] : memref<327680xi32, #tpu.memory_space<hbm>> -> memref<128xi32, #tpu.memory_space<hbm>>
          %dma_start3A_137 = tpu.memref_slice %arg3[%add3A_135] : memref<327680xi32, #tpu.memory_space<hbm>> -> memref<128xi32, #tpu.memory_space<hbm>>
          tpu.enqueue_dma source(%dma_start3A_137 : memref<128xi32, #tpu.memory_space<hbm>>) target(%arg7 : memref<128xi32, #tpu.memory_space<vmem>>) target_semaphore(%arg17 : memref<!tpu.dma_semaphore, #tpu.memory_space<semaphore_mem>>)
          %mul3A_138 = arith.constant 128 : i32
          %mul3A_139 = arith.muli %add3A_132, %mul3A_138 : i32
          %add3A_140 = arith.addi %mul3A_0, %mul3A_139 : i32
          %dma_start3A_141 = tpu.memref_slice %arg4[%add3A_140] : memref<327680xi32, #tpu.memory_space<hbm>> -> memref<128xi32, #tpu.memory_space<hbm>>
          %dma_start3A_142 = tpu.memref_slice %arg4[%add3A_140] : memref<327680xi32, #tpu.memory_space<hbm>> -> memref<128xi32, #tpu.memory_space<hbm>>
          tpu.enqueue_dma source(%dma_start3A_142 : memref<128xi32, #tpu.memory_space<hbm>>) target(%arg11 : memref<128xi32, #tpu.memory_space<vmem>>) target_semaphore(%arg17 : memref<!tpu.dma_semaphore, #tpu.memory_space<semaphore_mem>>)
        } else {
        }
        %mul3A_108 = arith.constant 4 : i32
        %mul3A_109 = arith.muli %add3A_25, %mul3A_108 : i32
        %add3A_110 = arith.constant 3 : i32
        %add3A_111 = arith.addi %mul3A_109, %add3A_110 : i32
        %dma_wait3A_112 = arith.constant 0 : i32
        %dma_wait3A_113 = arith.constant 0 : i32
        %dma_wait3A_114 = tpu.memref_slice %arg2[%dma_wait3A_112, %dma_wait3A_113] : memref<10000x128xf32, #tpu.memory_space<hbm>> -> memref<10000x128xf32, #tpu.memory_space<hbm>>
        tpu.wait_indirect_dma semaphore(%arg18 : memref<!tpu.dma_semaphore, #tpu.memory_space<semaphore_mem>>) src(%dma_wait3A_114 : memref<10000x128xf32, #tpu.memory_space<hbm>>) dst(%arg15 : memref<128x128xf32, #tpu.memory_space<vmem>>)
        %dma_start3A_115 = arith.constant 0 : i32
        %dma_start3A_116 = arith.constant 0 : i32
        %dma_start3A_117 = tpu.memref_slice %arg16[%dma_start3A_115, %dma_start3A_116] : memref<10240x128xf32, #tpu.memory_space<vmem_shared>> -> memref<10240x128xf32, #tpu.memory_space<vmem_shared>>
        tpu.enqueue_indirect_dma source(%arg15 : memref<128x128xf32, #tpu.memory_space<vmem>>) target(%dma_start3A_117 : memref<10240x128xf32, #tpu.memory_space<vmem_shared>>) offsets(%arg13 : memref<128xi32, #tpu.memory_space<vmem>>) semaphore(%arg19 : memref<!tpu.dma_semaphore, #tpu.memory_space<semaphore_mem>>) {add = true}
        %dma_wait3A_118 = arith.constant 0 : i32
        %dma_wait3A_119 = arith.constant 0 : i32
        %dma_wait3A_120 = tpu.memref_slice %arg16[%dma_wait3A_118, %dma_wait3A_119] : memref<10240x128xf32, #tpu.memory_space<vmem_shared>> -> memref<10240x128xf32, #tpu.memory_space<vmem_shared>>
        tpu.wait_indirect_dma semaphore(%arg19 : memref<!tpu.dma_semaphore, #tpu.memory_space<semaphore_mem>>) src(%arg14 : memref<128x128xf32, #tpu.memory_space<vmem>>) dst(%dma_wait3A_120 : memref<10240x128xf32, #tpu.memory_space<vmem_shared>>)
        %lt3A_121 = arith.constant 39 : i32
        %lt3A_122 = arith.cmpi slt, %add3A_25, %lt3A_121 : i32
        %convert_element_type3A_123 = arith.extui %lt3A_122 : i1 to i32
        %cond3A_124 = arith.constant 0 : i32
        %cond3A_125 = arith.cmpi ne, %convert_element_type3A_123, %cond3A_124 : i32
        scf.if %cond3A_125 {
          %dma_wait3A_131 = tpu.memref_slice %arg3[%mul3A_0] : memref<327680xi32, #tpu.memory_space<hbm>> -> memref<128xi32, #tpu.memory_space<hbm>>
          %dma_wait3A_132 = tpu.memref_slice %arg3[%mul3A_0] : memref<327680xi32, #tpu.memory_space<hbm>> -> memref<128xi32, #tpu.memory_space<hbm>>
          tpu.wait_dma2 semaphore(%arg17 : memref<!tpu.dma_semaphore, #tpu.memory_space<semaphore_mem>>) src(%dma_wait3A_132 : memref<128xi32, #tpu.memory_space<hbm>>) dst(%arg6 : memref<128xi32, #tpu.memory_space<vmem>>)
          %dma_wait3A_133 = tpu.memref_slice %arg4[%mul3A_0] : memref<327680xi32, #tpu.memory_space<hbm>> -> memref<128xi32, #tpu.memory_space<hbm>>
          %dma_wait3A_134 = tpu.memref_slice %arg4[%mul3A_0] : memref<327680xi32, #tpu.memory_space<hbm>> -> memref<128xi32, #tpu.memory_space<hbm>>
          tpu.wait_dma2 semaphore(%arg17 : memref<!tpu.dma_semaphore, #tpu.memory_space<semaphore_mem>>) src(%dma_wait3A_134 : memref<128xi32, #tpu.memory_space<hbm>>) dst(%arg10 : memref<128xi32, #tpu.memory_space<vmem>>)
          %dma_start3A_135 = arith.constant 0 : i32
          %dma_start3A_136 = arith.constant 0 : i32
          %dma_start3A_137 = tpu.memref_slice %arg2[%dma_start3A_135, %dma_start3A_136] : memref<10000x128xf32, #tpu.memory_space<hbm>> -> memref<10000x128xf32, #tpu.memory_space<hbm>>
          tpu.enqueue_indirect_dma source(%dma_start3A_137 : memref<10000x128xf32, #tpu.memory_space<hbm>>) target(%arg14 : memref<128x128xf32, #tpu.memory_space<vmem>>) offsets(%arg6 : memref<128xi32, #tpu.memory_space<vmem>>) semaphore(%arg18 : memref<!tpu.dma_semaphore, #tpu.memory_space<semaphore_mem>>)
        } else {
        }
        %lt3A_126 = arith.constant 39 : i32
        %lt3A_127 = arith.cmpi slt, %add3A_25, %lt3A_126 : i32
        %convert_element_type3A_128 = arith.extui %lt3A_127 : i1 to i32
        %cond3A_129 = arith.constant 0 : i32
        %cond3A_130 = arith.cmpi ne, %convert_element_type3A_128, %cond3A_129 : i32
        scf.if %cond3A_130 {
          %add3A_131 = arith.constant 3 : i32
          %add3A_132 = arith.addi %add3A_111, %add3A_131 : i32
          %mul3A_133 = arith.constant 128 : i32
          %mul3A_134 = arith.muli %add3A_132, %mul3A_133 : i32
          %add3A_135 = arith.addi %mul3A_0, %mul3A_134 : i32
          %dma_start3A_136 = tpu.memref_slice %arg3[%add3A_135] : memref<327680xi32, #tpu.memory_space<hbm>> -> memref<128xi32, #tpu.memory_space<hbm>>
          %dma_start3A_137 = tpu.memref_slice %arg3[%add3A_135] : memref<327680xi32, #tpu.memory_space<hbm>> -> memref<128xi32, #tpu.memory_space<hbm>>
          tpu.enqueue_dma source(%dma_start3A_137 : memref<128xi32, #tpu.memory_space<hbm>>) target(%arg8 : memref<128xi32, #tpu.memory_space<vmem>>) target_semaphore(%arg17 : memref<!tpu.dma_semaphore, #tpu.memory_space<semaphore_mem>>)
          %mul3A_138 = arith.constant 128 : i32
          %mul3A_139 = arith.muli %add3A_132, %mul3A_138 : i32
          %add3A_140 = arith.addi %mul3A_0, %mul3A_139 : i32
          %dma_start3A_141 = tpu.memref_slice %arg4[%add3A_140] : memref<327680xi32, #tpu.memory_space<hbm>> -> memref<128xi32, #tpu.memory_space<hbm>>
          %dma_start3A_142 = tpu.memref_slice %arg4[%add3A_140] : memref<327680xi32, #tpu.memory_space<hbm>> -> memref<128xi32, #tpu.memory_space<hbm>>
          tpu.enqueue_dma source(%dma_start3A_142 : memref<128xi32, #tpu.memory_space<hbm>>) target(%arg12 : memref<128xi32, #tpu.memory_space<vmem>>) target_semaphore(%arg17 : memref<!tpu.dma_semaphore, #tpu.memory_space<semaphore_mem>>)
        } else {
        }
      }
      %scan3A_19 = arith.constant 40 : i32
      %dma_wait3A = arith.constant 0 : i32
      %dma_wait3A_20 = arith.constant 0 : i32
      %dma_wait3A_21 = tpu.memref_slice %arg16[%dma_wait3A, %dma_wait3A_20] : memref<10240x128xf32, #tpu.memory_space<vmem_shared>> -> memref<10240x128xf32, #tpu.memory_space<vmem_shared>>
      tpu.wait_indirect_dma semaphore(%arg19 : memref<!tpu.dma_semaphore, #tpu.memory_space<semaphore_mem>>) src(%arg14 : memref<128x128xf32, #tpu.memory_space<vmem>>) dst(%dma_wait3A_21 : memref<10240x128xf32, #tpu.memory_space<vmem_shared>>)
    } else {
    }
    %barrier3A_8 = arith.constant 0 : index
    tpu.barrier barrier_id(%barrier3A_8)
    %eq3A_9 = arith.constant 1 : i32
    %eq3A_10 = arith.cmpi eq, %arg0, %eq3A_9 : i32
    %convert_element_type3A_11 = arith.extui %eq3A_10 : i1 to i32
    %cond3A_12 = arith.constant 0 : i32
    %cond3A_13 = arith.cmpi ne, %convert_element_type3A_11, %cond3A_12 : i32
    scf.if %cond3A_13 {
      %mul3A_14 = arith.constant 640 : i32
      %mul3A_15 = arith.muli %arg1, %mul3A_14 : i32
      %mul3A_16 = arith.constant 640 : i32
      %mul3A_17 = arith.muli %arg1, %mul3A_16 : i32
      %dma_start3A = arith.constant 1 : i32
      %dma_start3A_18 = arith.constant 0 : i32
      %dma_start3A_19 = tpu.memref_slice %arg5[%dma_start3A, %mul3A_17, %dma_start3A_18] : memref<2x10240x128xf32, #tpu.memory_space<hbm>> -> memref<1x640x128xf32, #tpu.memory_space<hbm>>
      %dma_start3A_20 = tpu.memref_squeeze %dma_start3A_19 : memref<1x640x128xf32, #tpu.memory_space<hbm>> -> memref<640x128xf32, #tpu.memory_space<hbm>>
      %dma_start3A_21 = arith.constant 0 : i32
      %dma_start3A_22 = tpu.memref_slice %arg16[%mul3A_15, %dma_start3A_21] : memref<10240x128xf32, #tpu.memory_space<vmem_shared>> -> memref<640x128xf32, #tpu.memory_space<vmem_shared>>
      tpu.enqueue_dma source(%dma_start3A_22 : memref<640x128xf32, #tpu.memory_space<vmem_shared>>) target(%dma_start3A_20 : memref<640x128xf32, #tpu.memory_space<hbm>>) target_semaphore(%arg19 : memref<!tpu.dma_semaphore, #tpu.memory_space<semaphore_mem>>)
      %dma_wait3A = arith.constant 1 : i32
      %dma_wait3A_23 = arith.constant 0 : i32
      %dma_wait3A_24 = tpu.memref_slice %arg5[%dma_wait3A, %mul3A_17, %dma_wait3A_23] : memref<2x10240x128xf32, #tpu.memory_space<hbm>> -> memref<1x640x128xf32, #tpu.memory_space<hbm>>
      %dma_wait3A_25 = tpu.memref_squeeze %dma_wait3A_24 : memref<1x640x128xf32, #tpu.memory_space<hbm>> -> memref<640x128xf32, #tpu.memory_space<hbm>>
      %dma_wait3A_26 = arith.constant 0 : i32
      %dma_wait3A_27 = tpu.memref_slice %arg16[%mul3A_15, %dma_wait3A_26] : memref<10240x128xf32, #tpu.memory_space<vmem_shared>> -> memref<640x128xf32, #tpu.memory_space<vmem_shared>>
      tpu.wait_dma2 semaphore(%arg19 : memref<!tpu.dma_semaphore, #tpu.memory_space<semaphore_mem>>) src(%dma_wait3A_27 : memref<640x128xf32, #tpu.memory_space<vmem_shared>>) dst(%dma_wait3A_25 : memref<640x128xf32, #tpu.memory_space<hbm>>)
    } else {
    }
    return
  }
}

#map = affine_map<(d0, d1) -> (0, 0)>
#map1 = affine_map<(d0, d1) -> (0)>
#map2 = affine_map<(d0, d1) -> (0, 0, 0)>
module attributes {stable_mosaic.version = 14 : i64} {
  func.func @_agg_kernel(%arg0: i32, %arg1: i32, %arg2: memref<10000x128xf32, #tpu.memory_space<hbm>>, %arg3: memref<327680xi32, #tpu.memory_space<hbm>>, %arg4: memref<327680xi32, #tpu.memory_space<hbm>>, %arg5: memref<2x10240x128xf32, #tpu.memory_space<hbm>>, %arg6: memref<128xi32, #tpu.memory_space<vmem>>, %arg7: memref<128xi32, #tpu.memory_space<vmem>>, %arg8: memref<128xi32, #tpu.memory_space<vmem>>, %arg9: memref<128xi32, #tpu.memory_space<vmem>>, %arg10: memref<128xi32, #tpu.memory_space<vmem>>, %arg11: memref<128xi32, #tpu.memory_space<vmem>>, %arg12: memref<128xi32, #tpu.memory_space<vmem>>, %arg13: memref<128xi32, #tpu.memory_space<vmem>>, %arg14: memref<128x128xf32, #tpu.memory_space<vmem>>, %arg15: memref<128x128xf32, #tpu.memory_space<vmem>>, %arg16: memref<10240x128xf32, #tpu.memory_space<vmem_shared>>, %arg17: memref<!tpu.dma_semaphore, #tpu.memory_space<semaphore_mem>>, %arg18: memref<!tpu.dma_semaphore, #tpu.memory_space<semaphore_mem>>, %arg19: memref<!tpu.dma_semaphore, #tpu.memory_space<semaphore_mem>>) attributes {dimension_semantics = [#tpu.dimension_semantics<core_parallel>, #tpu.dimension_semantics<subcore_parallel>], iteration_bounds = array<i64: 2, 16>, scalar_prefetch = 0 : i64, scratch_operands = 14 : i64, tpu.core_type = #tpu.core_type<sc_vector_subcore>, window_params = [{transform_indices = #map}, {transform_indices = #map1}, {transform_indices = #map1}, {transform_indices = #map2}]} {
    %mul3A = arith.constant 20480 : i32
    %mul3A_0 = arith.muli %arg1, %mul3A : i32
    %eq3A = arith.constant 1 : i32
    %eq3A_1 = arith.cmpi eq, %arg0, %eq3A : i32
    %convert_element_type3A = arith.extui %eq3A_1 : i1 to i32
    %cond3A = arith.constant 0 : i32
    %cond3A_2 = arith.cmpi ne, %convert_element_type3A, %cond3A : i32
    scf.if %cond3A_2 {
      %add3A = arith.constant 0 : i32
      %add3A_14 = arith.addi %mul3A_0, %add3A : i32
      %dma_start3A = tpu.memref_slice %arg3[%add3A_14] : memref<327680xi32, #tpu.memory_space<hbm>> -> memref<128xi32, #tpu.memory_space<hbm>>
      %dma_start3A_15 = tpu.memref_slice %arg3[%add3A_14] : memref<327680xi32, #tpu.memory_space<hbm>> -> memref<128xi32, #tpu.memory_space<hbm>>
      tpu.enqueue_dma source(%dma_start3A_15 : memref<128xi32, #tpu.memory_space<hbm>>) target(%arg6 : memref<128xi32, #tpu.memory_space<vmem>>) target_semaphore(%arg17 : memref<!tpu.dma_semaphore, #tpu.memory_space<semaphore_mem>>)
      %add3A_16 = arith.constant 0 : i32
      %add3A_17 = arith.addi %mul3A_0, %add3A_16 : i32
      %dma_start3A_18 = tpu.memref_slice %arg4[%add3A_17] : memref<327680xi32, #tpu.memory_space<hbm>> -> memref<128xi32, #tpu.memory_space<hbm>>
      %dma_start3A_19 = tpu.memref_slice %arg4[%add3A_17] : memref<327680xi32, #tpu.memory_space<hbm>> -> memref<128xi32, #tpu.memory_space<hbm>>
      tpu.enqueue_dma source(%dma_start3A_19 : memref<128xi32, #tpu.memory_space<hbm>>) target(%arg10 : memref<128xi32, #tpu.memory_space<vmem>>) target_semaphore(%arg17 : memref<!tpu.dma_semaphore, #tpu.memory_space<semaphore_mem>>)
      %add3A_20 = arith.constant 128 : i32
      %add3A_21 = arith.addi %mul3A_0, %add3A_20 : i32
      %dma_start3A_22 = tpu.memref_slice %arg3[%add3A_21] : memref<327680xi32, #tpu.memory_space<hbm>> -> memref<128xi32, #tpu.memory_space<hbm>>
      %dma_start3A_23 = tpu.memref_slice %arg3[%add3A_21] : memref<327680xi32, #tpu.memory_space<hbm>> -> memref<128xi32, #tpu.memory_space<hbm>>
      tpu.enqueue_dma source(%dma_start3A_23 : memref<128xi32, #tpu.memory_space<hbm>>) target(%arg7 : memref<128xi32, #tpu.memory_space<vmem>>) target_semaphore(%arg17 : memref<!tpu.dma_semaphore, #tpu.memory_space<semaphore_mem>>)
      %add3A_24 = arith.constant 128 : i32
      %add3A_25 = arith.addi %mul3A_0, %add3A_24 : i32
      %dma_start3A_26 = tpu.memref_slice %arg4[%add3A_25] : memref<327680xi32, #tpu.memory_space<hbm>> -> memref<128xi32, #tpu.memory_space<hbm>>
      %dma_start3A_27 = tpu.memref_slice %arg4[%add3A_25] : memref<327680xi32, #tpu.memory_space<hbm>> -> memref<128xi32, #tpu.memory_space<hbm>>
      tpu.enqueue_dma source(%dma_start3A_27 : memref<128xi32, #tpu.memory_space<hbm>>) target(%arg11 : memref<128xi32, #tpu.memory_space<vmem>>) target_semaphore(%arg17 : memref<!tpu.dma_semaphore, #tpu.memory_space<semaphore_mem>>)
      %add3A_28 = arith.constant 256 : i32
      %add3A_29 = arith.addi %mul3A_0, %add3A_28 : i32
      %dma_start3A_30 = tpu.memref_slice %arg3[%add3A_29] : memref<327680xi32, #tpu.memory_space<hbm>> -> memref<128xi32, #tpu.memory_space<hbm>>
      %dma_start3A_31 = tpu.memref_slice %arg3[%add3A_29] : memref<327680xi32, #tpu.memory_space<hbm>> -> memref<128xi32, #tpu.memory_space<hbm>>
      tpu.enqueue_dma source(%dma_start3A_31 : memref<128xi32, #tpu.memory_space<hbm>>) target(%arg8 : memref<128xi32, #tpu.memory_space<vmem>>) target_semaphore(%arg17 : memref<!tpu.dma_semaphore, #tpu.memory_space<semaphore_mem>>)
      %add3A_32 = arith.constant 256 : i32
      %add3A_33 = arith.addi %mul3A_0, %add3A_32 : i32
      %dma_start3A_34 = tpu.memref_slice %arg4[%add3A_33] : memref<327680xi32, #tpu.memory_space<hbm>> -> memref<128xi32, #tpu.memory_space<hbm>>
      %dma_start3A_35 = tpu.memref_slice %arg4[%add3A_33] : memref<327680xi32, #tpu.memory_space<hbm>> -> memref<128xi32, #tpu.memory_space<hbm>>
      tpu.enqueue_dma source(%dma_start3A_35 : memref<128xi32, #tpu.memory_space<hbm>>) target(%arg12 : memref<128xi32, #tpu.memory_space<vmem>>) target_semaphore(%arg17 : memref<!tpu.dma_semaphore, #tpu.memory_space<semaphore_mem>>)
      %scan3A = arith.constant 0 : i32
      %scan3A_36 = arith.constant 128 : i32
      %scan3A_37 = arith.addi %scan3A, %scan3A_36 : i32
      %scan3A_38 = arith.constant 1 : i32
      scf.for %scan3A_173 = %scan3A to %scan3A_37 step %scan3A_38  : i32 {
        %mul3A_174 = arith.constant 1 : i32
        %mul3A_175 = arith.muli %scan3A_173, %mul3A_174 : i32
        %add3A_176 = arith.constant 0 : i32
        %add3A_177 = arith.addi %add3A_176, %mul3A_175 : i32
        %broadcast_in_dim3A = arith.constant 0.000000e+00 : f32
        %broadcast_in_dim3A_178 = vector.broadcast %broadcast_in_dim3A : f32 to vector<16xf32>
        %swap3A = arith.index_cast %add3A_177 : i32 to index
        %swap3A_179 = arith.constant 0 : index
        %swap3A_180 = tpu.vector_load %arg14[%swap3A, %swap3A_179] {strides = array<i32>} : memref<128x128xf32, #tpu.memory_space<vmem>>, vector<1x16xf32>,
        %swap3A_181 = vector.shape_cast %swap3A_180 : vector<1x16xf32> to vector<16xf32>
        %swap3A_182 = vector.shape_cast %broadcast_in_dim3A_178 : vector<16xf32> to vector<1x16xf32>
        tpu.vector_store %arg14[%swap3A, %swap3A_179], %swap3A_182 {strides = array<i32>} : memref<128x128xf32, #tpu.memory_space<vmem>>, vector<1x16xf32>,
        %broadcast_in_dim3A_183 = arith.constant 0.000000e+00 : f32
        %broadcast_in_dim3A_184 = vector.broadcast %broadcast_in_dim3A_183 : f32 to vector<16xf32>
        %swap3A_185 = arith.index_cast %add3A_177 : i32 to index
        %swap3A_186 = arith.constant 16 : index
        %swap3A_187 = tpu.vector_load %arg14[%swap3A_185, %swap3A_186] {strides = array<i32>} : memref<128x128xf32, #tpu.memory_space<vmem>>, vector<1x16xf32>,
        %swap3A_188 = vector.shape_cast %swap3A_187 : vector<1x16xf32> to vector<16xf32>
        %swap3A_189 = vector.shape_cast %broadcast_in_dim3A_184 : vector<16xf32> to vector<1x16xf32>
        tpu.vector_store %arg14[%swap3A_185, %swap3A_186], %swap3A_189 {strides = array<i32>} : memref<128x128xf32, #tpu.memory_space<vmem>>, vector<1x16xf32>,
        %broadcast_in_dim3A_190 = arith.constant 0.000000e+00 : f32
        %broadcast_in_dim3A_191 = vector.broadcast %broadcast_in_dim3A_190 : f32 to vector<16xf32>
        %swap3A_192 = arith.index_cast %add3A_177 : i32 to index
        %swap3A_193 = arith.constant 32 : index
        %swap3A_194 = tpu.vector_load %arg14[%swap3A_192, %swap3A_193] {strides = array<i32>} : memref<128x128xf32, #tpu.memory_space<vmem>>, vector<1x16xf32>,
        %swap3A_195 = vector.shape_cast %swap3A_194 : vector<1x16xf32> to vector<16xf32>
        %swap3A_196 = vector.shape_cast %broadcast_in_dim3A_191 : vector<16xf32> to vector<1x16xf32>
        tpu.vector_store %arg14[%swap3A_192, %swap3A_193], %swap3A_196 {strides = array<i32>} : memref<128x128xf32, #tpu.memory_space<vmem>>, vector<1x16xf32>,
        %broadcast_in_dim3A_197 = arith.constant 0.000000e+00 : f32
        %broadcast_in_dim3A_198 = vector.broadcast %broadcast_in_dim3A_197 : f32 to vector<16xf32>
        %swap3A_199 = arith.index_cast %add3A_177 : i32 to index
        %swap3A_200 = arith.constant 48 : index
        %swap3A_201 = tpu.vector_load %arg14[%swap3A_199, %swap3A_200] {strides = array<i32>} : memref<128x128xf32, #tpu.memory_space<vmem>>, vector<1x16xf32>,
        %swap3A_202 = vector.shape_cast %swap3A_201 : vector<1x16xf32> to vector<16xf32>
        %swap3A_203 = vector.shape_cast %broadcast_in_dim3A_198 : vector<16xf32> to vector<1x16xf32>
        tpu.vector_store %arg14[%swap3A_199, %swap3A_200], %swap3A_203 {strides = array<i32>} : memref<128x128xf32, #tpu.memory_space<vmem>>, vector<1x16xf32>,
        %broadcast_in_dim3A_204 = arith.constant 0.000000e+00 : f32
        %broadcast_in_dim3A_205 = vector.broadcast %broadcast_in_dim3A_204 : f32 to vector<16xf32>
        %swap3A_206 = arith.index_cast %add3A_177 : i32 to index
        %swap3A_207 = arith.constant 64 : index
        %swap3A_208 = tpu.vector_load %arg14[%swap3A_206, %swap3A_207] {strides = array<i32>} : memref<128x128xf32, #tpu.memory_space<vmem>>, vector<1x16xf32>,
        %swap3A_209 = vector.shape_cast %swap3A_208 : vector<1x16xf32> to vector<16xf32>
        %swap3A_210 = vector.shape_cast %broadcast_in_dim3A_205 : vector<16xf32> to vector<1x16xf32>
        tpu.vector_store %arg14[%swap3A_206, %swap3A_207], %swap3A_210 {strides = array<i32>} : memref<128x128xf32, #tpu.memory_space<vmem>>, vector<1x16xf32>,
        %broadcast_in_dim3A_211 = arith.constant 0.000000e+00 : f32
        %broadcast_in_dim3A_212 = vector.broadcast %broadcast_in_dim3A_211 : f32 to vector<16xf32>
        %swap3A_213 = arith.index_cast %add3A_177 : i32 to index
        %swap3A_214 = arith.constant 80 : index
        %swap3A_215 = tpu.vector_load %arg14[%swap3A_213, %swap3A_214] {strides = array<i32>} : memref<128x128xf32, #tpu.memory_space<vmem>>, vector<1x16xf32>,
        %swap3A_216 = vector.shape_cast %swap3A_215 : vector<1x16xf32> to vector<16xf32>
        %swap3A_217 = vector.shape_cast %broadcast_in_dim3A_212 : vector<16xf32> to vector<1x16xf32>
        tpu.vector_store %arg14[%swap3A_213, %swap3A_214], %swap3A_217 {strides = array<i32>} : memref<128x128xf32, #tpu.memory_space<vmem>>, vector<1x16xf32>,
        %broadcast_in_dim3A_218 = arith.constant 0.000000e+00 : f32
        %broadcast_in_dim3A_219 = vector.broadcast %broadcast_in_dim3A_218 : f32 to vector<16xf32>
        %swap3A_220 = arith.index_cast %add3A_177 : i32 to index
        %swap3A_221 = arith.constant 96 : index
        %swap3A_222 = tpu.vector_load %arg14[%swap3A_220, %swap3A_221] {strides = array<i32>} : memref<128x128xf32, #tpu.memory_space<vmem>>, vector<1x16xf32>,
        %swap3A_223 = vector.shape_cast %swap3A_222 : vector<1x16xf32> to vector<16xf32>
        %swap3A_224 = vector.shape_cast %broadcast_in_dim3A_219 : vector<16xf32> to vector<1x16xf32>
        tpu.vector_store %arg14[%swap3A_220, %swap3A_221], %swap3A_224 {strides = array<i32>} : memref<128x128xf32, #tpu.memory_space<vmem>>, vector<1x16xf32>,
        %broadcast_in_dim3A_225 = arith.constant 0.000000e+00 : f32
        %broadcast_in_dim3A_226 = vector.broadcast %broadcast_in_dim3A_225 : f32 to vector<16xf32>
        %swap3A_227 = arith.index_cast %add3A_177 : i32 to index
        %swap3A_228 = arith.constant 112 : index
        %swap3A_229 = tpu.vector_load %arg14[%swap3A_227, %swap3A_228] {strides = array<i32>} : memref<128x128xf32, #tpu.memory_space<vmem>>, vector<1x16xf32>,
        %swap3A_230 = vector.shape_cast %swap3A_229 : vector<1x16xf32> to vector<16xf32>
        %swap3A_231 = vector.shape_cast %broadcast_in_dim3A_226 : vector<16xf32> to vector<1x16xf32>
        tpu.vector_store %arg14[%swap3A_227, %swap3A_228], %swap3A_231 {strides = array<i32>} : memref<128x128xf32, #tpu.memory_space<vmem>>, vector<1x16xf32>,
      }
      %scan3A_39 = arith.constant 128 : i32
      %mul3A_40 = arith.constant 640 : i32
      %mul3A_41 = arith.muli %arg1, %mul3A_40 : i32
      %add3A_42 = arith.constant 0 : i32
      %add3A_43 = arith.addi %mul3A_41, %add3A_42 : i32
      %dma_start3A_44 = arith.constant 0 : i32
      %dma_start3A_45 = arith.constant 0 : i32
      %dma_start3A_46 = tpu.memref_slice %arg14[%dma_start3A_44, %dma_start3A_45] : memref<128x128xf32, #tpu.memory_space<vmem>> -> memref<128x128xf32, #tpu.memory_space<vmem>>
      %dma_start3A_47 = arith.constant 0 : i32
      %dma_start3A_48 = tpu.memref_slice %arg16[%add3A_43, %dma_start3A_47] : memref<10240x128xf32, #tpu.memory_space<vmem_shared>> -> memref<128x128xf32, #tpu.memory_space<vmem_shared>>
      %dma_start3A_49 = arith.constant 0 : i32
      %dma_start3A_50 = tpu.memref_slice %arg16[%add3A_43, %dma_start3A_49] : memref<10240x128xf32, #tpu.memory_space<vmem_shared>> -> memref<128x128xf32, #tpu.memory_space<vmem_shared>>
      %dma_start3A_51 = arith.constant 0 : i32
      %dma_start3A_52 = arith.constant 0 : i32
      %dma_start3A_53 = tpu.memref_slice %arg14[%dma_start3A_51, %dma_start3A_52] : memref<128x128xf32, #tpu.memory_space<vmem>> -> memref<128x128xf32, #tpu.memory_space<vmem>>
      tpu.enqueue_dma source(%dma_start3A_53 : memref<128x128xf32, #tpu.memory_space<vmem>>) target(%dma_start3A_50 : memref<128x128xf32, #tpu.memory_space<vmem_shared>>) target_semaphore(%arg18 : memref<!tpu.dma_semaphore, #tpu.memory_space<semaphore_mem>>)
      %mul3A_54 = arith.constant 640 : i32
      %mul3A_55 = arith.muli %arg1, %mul3A_54 : i32
      %add3A_56 = arith.constant 128 : i32
      %add3A_57 = arith.addi %mul3A_55, %add3A_56 : i32
      %dma_start3A_58 = arith.constant 0 : i32
      %dma_start3A_59 = arith.constant 0 : i32
      %dma_start3A_60 = tpu.memref_slice %arg14[%dma_start3A_58, %dma_start3A_59] : memref<128x128xf32, #tpu.memory_space<vmem>> -> memref<128x128xf32, #tpu.memory_space<vmem>>
      %dma_start3A_61 = arith.constant 0 : i32
      %dma_start3A_62 = tpu.memref_slice %arg16[%add3A_57, %dma_start3A_61] : memref<10240x128xf32, #tpu.memory_space<vmem_shared>> -> memref<128x128xf32, #tpu.memory_space<vmem_shared>>
      %dma_start3A_63 = arith.constant 0 : i32
      %dma_start3A_64 = tpu.memref_slice %arg16[%add3A_57, %dma_start3A_63] : memref<10240x128xf32, #tpu.memory_space<vmem_shared>> -> memref<128x128xf32, #tpu.memory_space<vmem_shared>>
      %dma_start3A_65 = arith.constant 0 : i32
      %dma_start3A_66 = arith.constant 0 : i32
      %dma_start3A_67 = tpu.memref_slice %arg14[%dma_start3A_65, %dma_start3A_66] : memref<128x128xf32, #tpu.memory_space<vmem>> -> memref<128x128xf32, #tpu.memory_space<vmem>>
      tpu.enqueue_dma source(%dma_start3A_67 : memref<128x128xf32, #tpu.memory_space<vmem>>) target(%dma_start3A_64 : memref<128x128xf32, #tpu.memory_space<vmem_shared>>) target_semaphore(%arg18 : memref<!tpu.dma_semaphore, #tpu.memory_space<semaphore_mem>>)
      %mul3A_68 = arith.constant 640 : i32
      %mul3A_69 = arith.muli %arg1, %mul3A_68 : i32
      %add3A_70 = arith.constant 256 : i32
      %add3A_71 = arith.addi %mul3A_69, %add3A_70 : i32
      %dma_start3A_72 = arith.constant 0 : i32
      %dma_start3A_73 = arith.constant 0 : i32
      %dma_start3A_74 = tpu.memref_slice %arg14[%dma_start3A_72, %dma_start3A_73] : memref<128x128xf32, #tpu.memory_space<vmem>> -> memref<128x128xf32, #tpu.memory_space<vmem>>
      %dma_start3A_75 = arith.constant 0 : i32
      %dma_start3A_76 = tpu.memref_slice %arg16[%add3A_71, %dma_start3A_75] : memref<10240x128xf32, #tpu.memory_space<vmem_shared>> -> memref<128x128xf32, #tpu.memory_space<vmem_shared>>
      %dma_start3A_77 = arith.constant 0 : i32
      %dma_start3A_78 = tpu.memref_slice %arg16[%add3A_71, %dma_start3A_77] : memref<10240x128xf32, #tpu.memory_space<vmem_shared>> -> memref<128x128xf32, #tpu.memory_space<vmem_shared>>
      %dma_start3A_79 = arith.constant 0 : i32
      %dma_start3A_80 = arith.constant 0 : i32
      %dma_start3A_81 = tpu.memref_slice %arg14[%dma_start3A_79, %dma_start3A_80] : memref<128x128xf32, #tpu.memory_space<vmem>> -> memref<128x128xf32, #tpu.memory_space<vmem>>
      tpu.enqueue_dma source(%dma_start3A_81 : memref<128x128xf32, #tpu.memory_space<vmem>>) target(%dma_start3A_78 : memref<128x128xf32, #tpu.memory_space<vmem_shared>>) target_semaphore(%arg18 : memref<!tpu.dma_semaphore, #tpu.memory_space<semaphore_mem>>)
      %mul3A_82 = arith.constant 640 : i32
      %mul3A_83 = arith.muli %arg1, %mul3A_82 : i32
      %add3A_84 = arith.constant 384 : i32
      %add3A_85 = arith.addi %mul3A_83, %add3A_84 : i32
      %dma_start3A_86 = arith.constant 0 : i32
      %dma_start3A_87 = arith.constant 0 : i32
      %dma_start3A_88 = tpu.memref_slice %arg14[%dma_start3A_86, %dma_start3A_87] : memref<128x128xf32, #tpu.memory_space<vmem>> -> memref<128x128xf32, #tpu.memory_space<vmem>>
      %dma_start3A_89 = arith.constant 0 : i32
      %dma_start3A_90 = tpu.memref_slice %arg16[%add3A_85, %dma_start3A_89] : memref<10240x128xf32, #tpu.memory_space<vmem_shared>> -> memref<128x128xf32, #tpu.memory_space<vmem_shared>>
      %dma_start3A_91 = arith.constant 0 : i32
      %dma_start3A_92 = tpu.memref_slice %arg16[%add3A_85, %dma_start3A_91] : memref<10240x128xf32, #tpu.memory_space<vmem_shared>> -> memref<128x128xf32, #tpu.memory_space<vmem_shared>>
      %dma_start3A_93 = arith.constant 0 : i32
      %dma_start3A_94 = arith.constant 0 : i32
      %dma_start3A_95 = tpu.memref_slice %arg14[%dma_start3A_93, %dma_start3A_94] : memref<128x128xf32, #tpu.memory_space<vmem>> -> memref<128x128xf32, #tpu.memory_space<vmem>>
      tpu.enqueue_dma source(%dma_start3A_95 : memref<128x128xf32, #tpu.memory_space<vmem>>) target(%dma_start3A_92 : memref<128x128xf32, #tpu.memory_space<vmem_shared>>) target_semaphore(%arg18 : memref<!tpu.dma_semaphore, #tpu.memory_space<semaphore_mem>>)
      %mul3A_96 = arith.constant 640 : i32
      %mul3A_97 = arith.muli %arg1, %mul3A_96 : i32
      %add3A_98 = arith.constant 512 : i32
      %add3A_99 = arith.addi %mul3A_97, %add3A_98 : i32
      %dma_start3A_100 = arith.constant 0 : i32
      %dma_start3A_101 = arith.constant 0 : i32
      %dma_start3A_102 = tpu.memref_slice %arg14[%dma_start3A_100, %dma_start3A_101] : memref<128x128xf32, #tpu.memory_space<vmem>> -> memref<128x128xf32, #tpu.memory_space<vmem>>
      %dma_start3A_103 = arith.constant 0 : i32
      %dma_start3A_104 = tpu.memref_slice %arg16[%add3A_99, %dma_start3A_103] : memref<10240x128xf32, #tpu.memory_space<vmem_shared>> -> memref<128x128xf32, #tpu.memory_space<vmem_shared>>
      %dma_start3A_105 = arith.constant 0 : i32
      %dma_start3A_106 = tpu.memref_slice %arg16[%add3A_99, %dma_start3A_105] : memref<10240x128xf32, #tpu.memory_space<vmem_shared>> -> memref<128x128xf32, #tpu.memory_space<vmem_shared>>
      %dma_start3A_107 = arith.constant 0 : i32
      %dma_start3A_108 = arith.constant 0 : i32
      %dma_start3A_109 = tpu.memref_slice %arg14[%dma_start3A_107, %dma_start3A_108] : memref<128x128xf32, #tpu.memory_space<vmem>> -> memref<128x128xf32, #tpu.memory_space<vmem>>
      tpu.enqueue_dma source(%dma_start3A_109 : memref<128x128xf32, #tpu.memory_space<vmem>>) target(%dma_start3A_106 : memref<128x128xf32, #tpu.memory_space<vmem_shared>>) target_semaphore(%arg18 : memref<!tpu.dma_semaphore, #tpu.memory_space<semaphore_mem>>)
      %mul3A_110 = arith.constant 640 : i32
      %mul3A_111 = arith.muli %arg1, %mul3A_110 : i32
      %dma_wait3A = arith.constant 0 : i32
      %dma_wait3A_112 = arith.constant 0 : i32
      %dma_wait3A_113 = tpu.memref_slice %arg14[%dma_wait3A, %dma_wait3A_112] : memref<128x128xf32, #tpu.memory_space<vmem>> -> memref<128x128xf32, #tpu.memory_space<vmem>>
      %dma_wait3A_114 = arith.constant 0 : i32
      %dma_wait3A_115 = tpu.memref_slice %arg16[%mul3A_111, %dma_wait3A_114] : memref<10240x128xf32, #tpu.memory_space<vmem_shared>> -> memref<128x128xf32, #tpu.memory_space<vmem_shared>>
      %dma_wait3A_116 = arith.constant 0 : i32
      %dma_wait3A_117 = tpu.memref_slice %arg16[%mul3A_111, %dma_wait3A_116] : memref<10240x128xf32, #tpu.memory_space<vmem_shared>> -> memref<128x128xf32, #tpu.memory_space<vmem_shared>>
      %dma_wait3A_118 = arith.constant 0 : i32
      %dma_wait3A_119 = arith.constant 0 : i32
      %dma_wait3A_120 = tpu.memref_slice %arg14[%dma_wait3A_118, %dma_wait3A_119] : memref<128x128xf32, #tpu.memory_space<vmem>> -> memref<128x128xf32, #tpu.memory_space<vmem>>
      tpu.wait_dma2 semaphore(%arg18 : memref<!tpu.dma_semaphore, #tpu.memory_space<semaphore_mem>>) src(%dma_wait3A_120 : memref<128x128xf32, #tpu.memory_space<vmem>>) dst(%dma_wait3A_117 : memref<128x128xf32, #tpu.memory_space<vmem_shared>>)
      %mul3A_121 = arith.constant 640 : i32
      %mul3A_122 = arith.muli %arg1, %mul3A_121 : i32
      %dma_wait3A_123 = arith.constant 0 : i32
      %dma_wait3A_124 = arith.constant 0 : i32
      %dma_wait3A_125 = tpu.memref_slice %arg14[%dma_wait3A_123, %dma_wait3A_124] : memref<128x128xf32, #tpu.memory_space<vmem>> -> memref<128x128xf32, #tpu.memory_space<vmem>>
      %dma_wait3A_126 = arith.constant 0 : i32
      %dma_wait3A_127 = tpu.memref_slice %arg16[%mul3A_122, %dma_wait3A_126] : memref<10240x128xf32, #tpu.memory_space<vmem_shared>> -> memref<128x128xf32, #tpu.memory_space<vmem_shared>>
      %dma_wait3A_128 = arith.constant 0 : i32
      %dma_wait3A_129 = tpu.memref_slice %arg16[%mul3A_122, %dma_wait3A_128] : memref<10240x128xf32, #tpu.memory_space<vmem_shared>> -> memref<128x128xf32, #tpu.memory_space<vmem_shared>>
      %dma_wait3A_130 = arith.constant 0 : i32
      %dma_wait3A_131 = arith.constant 0 : i32
      %dma_wait3A_132 = tpu.memref_slice %arg14[%dma_wait3A_130, %dma_wait3A_131] : memref<128x128xf32, #tpu.memory_space<vmem>> -> memref<128x128xf32, #tpu.memory_space<vmem>>
      tpu.wait_dma2 semaphore(%arg18 : memref<!tpu.dma_semaphore, #tpu.memory_space<semaphore_mem>>) src(%dma_wait3A_132 : memref<128x128xf32, #tpu.memory_space<vmem>>) dst(%dma_wait3A_129 : memref<128x128xf32, #tpu.memory_space<vmem_shared>>)
      %mul3A_133 = arith.constant 640 : i32
      %mul3A_134 = arith.muli %arg1, %mul3A_133 : i32
      %dma_wait3A_135 = arith.constant 0 : i32
      %dma_wait3A_136 = arith.constant 0 : i32
      %dma_wait3A_137 = tpu.memref_slice %arg14[%dma_wait3A_135, %dma_wait3A_136] : memref<128x128xf32, #tpu.memory_space<vmem>> -> memref<128x128xf32, #tpu.memory_space<vmem>>
      %dma_wait3A_138 = arith.constant 0 : i32
      %dma_wait3A_139 = tpu.memref_slice %arg16[%mul3A_134, %dma_wait3A_138] : memref<10240x128xf32, #tpu.memory_space<vmem_shared>> -> memref<128x128xf32, #tpu.memory_space<vmem_shared>>
      %dma_wait3A_140 = arith.constant 0 : i32
      %dma_wait3A_141 = tpu.memref_slice %arg16[%mul3A_134, %dma_wait3A_140] : memref<10240x128xf32, #tpu.memory_space<vmem_shared>> -> memref<128x128xf32, #tpu.memory_space<vmem_shared>>
      %dma_wait3A_142 = arith.constant 0 : i32
      %dma_wait3A_143 = arith.constant 0 : i32
      %dma_wait3A_144 = tpu.memref_slice %arg14[%dma_wait3A_142, %dma_wait3A_143] : memref<128x128xf32, #tpu.memory_space<vmem>> -> memref<128x128xf32, #tpu.memory_space<vmem>>
      tpu.wait_dma2 semaphore(%arg18 : memref<!tpu.dma_semaphore, #tpu.memory_space<semaphore_mem>>) src(%dma_wait3A_144 : memref<128x128xf32, #tpu.memory_space<vmem>>) dst(%dma_wait3A_141 : memref<128x128xf32, #tpu.memory_space<vmem_shared>>)
      %mul3A_145 = arith.constant 640 : i32
      %mul3A_146 = arith.muli %arg1, %mul3A_145 : i32
      %dma_wait3A_147 = arith.constant 0 : i32
      %dma_wait3A_148 = arith.constant 0 : i32
      %dma_wait3A_149 = tpu.memref_slice %arg14[%dma_wait3A_147, %dma_wait3A_148] : memref<128x128xf32, #tpu.memory_space<vmem>> -> memref<128x128xf32, #tpu.memory_space<vmem>>
      %dma_wait3A_150 = arith.constant 0 : i32
      %dma_wait3A_151 = tpu.memref_slice %arg16[%mul3A_146, %dma_wait3A_150] : memref<10240x128xf32, #tpu.memory_space<vmem_shared>> -> memref<128x128xf32, #tpu.memory_space<vmem_shared>>
      %dma_wait3A_152 = arith.constant 0 : i32
      %dma_wait3A_153 = tpu.memref_slice %arg16[%mul3A_146, %dma_wait3A_152] : memref<10240x128xf32, #tpu.memory_space<vmem_shared>> -> memref<128x128xf32, #tpu.memory_space<vmem_shared>>
      %dma_wait3A_154 = arith.constant 0 : i32
      %dma_wait3A_155 = arith.constant 0 : i32
      %dma_wait3A_156 = tpu.memref_slice %arg14[%dma_wait3A_154, %dma_wait3A_155] : memref<128x128xf32, #tpu.memory_space<vmem>> -> memref<128x128xf32, #tpu.memory_space<vmem>>
      tpu.wait_dma2 semaphore(%arg18 : memref<!tpu.dma_semaphore, #tpu.memory_space<semaphore_mem>>) src(%dma_wait3A_156 : memref<128x128xf32, #tpu.memory_space<vmem>>) dst(%dma_wait3A_153 : memref<128x128xf32, #tpu.memory_space<vmem_shared>>)
      %mul3A_157 = arith.constant 640 : i32
      %mul3A_158 = arith.muli %arg1, %mul3A_157 : i32
      %dma_wait3A_159 = arith.constant 0 : i32
      %dma_wait3A_160 = arith.constant 0 : i32
      %dma_wait3A_161 = tpu.memref_slice %arg14[%dma_wait3A_159, %dma_wait3A_160] : memref<128x128xf32, #tpu.memory_space<vmem>> -> memref<128x128xf32, #tpu.memory_space<vmem>>
      %dma_wait3A_162 = arith.constant 0 : i32
      %dma_wait3A_163 = tpu.memref_slice %arg16[%mul3A_158, %dma_wait3A_162] : memref<10240x128xf32, #tpu.memory_space<vmem_shared>> -> memref<128x128xf32, #tpu.memory_space<vmem_shared>>
      %dma_wait3A_164 = arith.constant 0 : i32
      %dma_wait3A_165 = tpu.memref_slice %arg16[%mul3A_158, %dma_wait3A_164] : memref<10240x128xf32, #tpu.memory_space<vmem_shared>> -> memref<128x128xf32, #tpu.memory_space<vmem_shared>>
      %dma_wait3A_166 = arith.constant 0 : i32
      %dma_wait3A_167 = arith.constant 0 : i32
      %dma_wait3A_168 = tpu.memref_slice %arg14[%dma_wait3A_166, %dma_wait3A_167] : memref<128x128xf32, #tpu.memory_space<vmem>> -> memref<128x128xf32, #tpu.memory_space<vmem>>
      tpu.wait_dma2 semaphore(%arg18 : memref<!tpu.dma_semaphore, #tpu.memory_space<semaphore_mem>>) src(%dma_wait3A_168 : memref<128x128xf32, #tpu.memory_space<vmem>>) dst(%dma_wait3A_165 : memref<128x128xf32, #tpu.memory_space<vmem_shared>>)
      %dma_wait3A_169 = tpu.memref_slice %arg3[%mul3A_0] : memref<327680xi32, #tpu.memory_space<hbm>> -> memref<128xi32, #tpu.memory_space<hbm>>
      %dma_wait3A_170 = tpu.memref_slice %arg3[%mul3A_0] : memref<327680xi32, #tpu.memory_space<hbm>> -> memref<128xi32, #tpu.memory_space<hbm>>
      tpu.wait_dma2 semaphore(%arg17 : memref<!tpu.dma_semaphore, #tpu.memory_space<semaphore_mem>>) src(%dma_wait3A_170 : memref<128xi32, #tpu.memory_space<hbm>>) dst(%arg6 : memref<128xi32, #tpu.memory_space<vmem>>)
      %dma_wait3A_171 = tpu.memref_slice %arg4[%mul3A_0] : memref<327680xi32, #tpu.memory_space<hbm>> -> memref<128xi32, #tpu.memory_space<hbm>>
      %dma_wait3A_172 = tpu.memref_slice %arg4[%mul3A_0] : memref<327680xi32, #tpu.memory_space<hbm>> -> memref<128xi32, #tpu.memory_space<hbm>>
      tpu.wait_dma2 semaphore(%arg17 : memref<!tpu.dma_semaphore, #tpu.memory_space<semaphore_mem>>) src(%dma_wait3A_172 : memref<128xi32, #tpu.memory_space<hbm>>) dst(%arg10 : memref<128xi32, #tpu.memory_space<vmem>>)
    } else {
    }
    %barrier3A = arith.constant 0 : index
    tpu.barrier barrier_id(%barrier3A)
    %eq3A_3 = arith.constant 1 : i32
    %eq3A_4 = arith.cmpi eq, %arg0, %eq3A_3 : i32
    %convert_element_type3A_5 = arith.extui %eq3A_4 : i1 to i32
    %cond3A_6 = arith.constant 0 : i32
    %cond3A_7 = arith.cmpi ne, %convert_element_type3A_5, %cond3A_6 : i32
    scf.if %cond3A_7 {
      %dma_start3A = arith.constant 0 : i32
      %dma_start3A_14 = arith.constant 0 : i32
      %dma_start3A_15 = tpu.memref_slice %arg2[%dma_start3A, %dma_start3A_14] : memref<10000x128xf32, #tpu.memory_space<hbm>> -> memref<10000x128xf32, #tpu.memory_space<hbm>>
      tpu.enqueue_indirect_dma source(%dma_start3A_15 : memref<10000x128xf32, #tpu.memory_space<hbm>>) target(%arg14 : memref<128x128xf32, #tpu.memory_space<vmem>>) offsets(%arg6 : memref<128xi32, #tpu.memory_space<vmem>>) semaphore(%arg18 : memref<!tpu.dma_semaphore, #tpu.memory_space<semaphore_mem>>)
      %scan3A = arith.constant 0 : i32
      %scan3A_16 = arith.constant 40 : i32
      %scan3A_17 = arith.addi %scan3A, %scan3A_16 : i32
      %scan3A_18 = arith.constant 1 : i32
      scf.for %scan3A_22 = %scan3A to %scan3A_17 step %scan3A_18  : i32 {
        %mul3A_23 = arith.constant 1 : i32
        %mul3A_24 = arith.muli %scan3A_22, %mul3A_23 : i32
        %add3A = arith.constant 0 : i32
        %add3A_25 = arith.addi %add3A, %mul3A_24 : i32
        %mul3A_26 = arith.constant 4 : i32
        %mul3A_27 = arith.muli %add3A_25, %mul3A_26 : i32
        %add3A_28 = arith.constant 0 : i32
        %add3A_29 = arith.addi %mul3A_27, %add3A_28 : i32
        %dma_wait3A_30 = arith.constant 0 : i32
        %dma_wait3A_31 = arith.constant 0 : i32
        %dma_wait3A_32 = tpu.memref_slice %arg2[%dma_wait3A_30, %dma_wait3A_31] : memref<10000x128xf32, #tpu.memory_space<hbm>> -> memref<10000x128xf32, #tpu.memory_space<hbm>>
        tpu.wait_indirect_dma semaphore(%arg18 : memref<!tpu.dma_semaphore, #tpu.memory_space<semaphore_mem>>) src(%dma_wait3A_32 : memref<10000x128xf32, #tpu.memory_space<hbm>>) dst(%arg14 : memref<128x128xf32, #tpu.memory_space<vmem>>)
        %dma_start3A_33 = arith.constant 0 : i32
        %dma_start3A_34 = arith.constant 0 : i32
        %dma_start3A_35 = tpu.memref_slice %arg16[%dma_start3A_33, %dma_start3A_34] : memref<10240x128xf32, #tpu.memory_space<vmem_shared>> -> memref<10240x128xf32, #tpu.memory_space<vmem_shared>>
        tpu.enqueue_indirect_dma source(%arg14 : memref<128x128xf32, #tpu.memory_space<vmem>>) target(%dma_start3A_35 : memref<10240x128xf32, #tpu.memory_space<vmem_shared>>) offsets(%arg10 : memref<128xi32, #tpu.memory_space<vmem>>) semaphore(%arg19 : memref<!tpu.dma_semaphore, #tpu.memory_space<semaphore_mem>>) {add = true}
        %gt3A = arith.constant 0 : i32
        %gt3A_36 = arith.cmpi sgt, %add3A_25, %gt3A : i32
        %convert_element_type3A_37 = arith.extui %gt3A_36 : i1 to i32
        %cond3A_38 = arith.constant 0 : i32
        %cond3A_39 = arith.cmpi ne, %convert_element_type3A_37, %cond3A_38 : i32
        scf.if %cond3A_39 {
          %dma_wait3A_131 = arith.constant 0 : i32
          %dma_wait3A_132 = arith.constant 0 : i32
          %dma_wait3A_133 = tpu.memref_slice %arg16[%dma_wait3A_131, %dma_wait3A_132] : memref<10240x128xf32, #tpu.memory_space<vmem_shared>> -> memref<10240x128xf32, #tpu.memory_space<vmem_shared>>
          tpu.wait_indirect_dma semaphore(%arg19 : memref<!tpu.dma_semaphore, #tpu.memory_space<semaphore_mem>>) src(%arg15 : memref<128x128xf32, #tpu.memory_space<vmem>>) dst(%dma_wait3A_133 : memref<10240x128xf32, #tpu.memory_space<vmem_shared>>)
        } else {
        }
        %dma_wait3A_40 = tpu.memref_slice %arg3[%mul3A_0] : memref<327680xi32, #tpu.memory_space<hbm>> -> memref<128xi32, #tpu.memory_space<hbm>>
        %dma_wait3A_41 = tpu.memref_slice %arg3[%mul3A_0] : memref<327680xi32, #tpu.memory_space<hbm>> -> memref<128xi32, #tpu.memory_space<hbm>>
        tpu.wait_dma2 semaphore(%arg17 : memref<!tpu.dma_semaphore, #tpu.memory_space<semaphore_mem>>) src(%dma_wait3A_41 : memref<128xi32, #tpu.memory_space<hbm>>) dst(%arg7 : memref<128xi32, #tpu.memory_space<vmem>>)
        %dma_wait3A_42 = tpu.memref_slice %arg4[%mul3A_0] : memref<327680xi32, #tpu.memory_space<hbm>> -> memref<128xi32, #tpu.memory_space<hbm>>
        %dma_wait3A_43 = tpu.memref_slice %arg4[%mul3A_0] : memref<327680xi32, #tpu.memory_space<hbm>> -> memref<128xi32, #tpu.memory_space<hbm>>
        tpu.wait_dma2 semaphore(%arg17 : memref<!tpu.dma_semaphore, #tpu.memory_space<semaphore_mem>>) src(%dma_wait3A_43 : memref<128xi32, #tpu.memory_space<hbm>>) dst(%arg11 : memref<128xi32, #tpu.memory_space<vmem>>)
        %dma_start3A_44 = arith.constant 0 : i32
        %dma_start3A_45 = arith.constant 0 : i32
        %dma_start3A_46 = tpu.memref_slice %arg2[%dma_start3A_44, %dma_start3A_45] : memref<10000x128xf32, #tpu.memory_space<hbm>> -> memref<10000x128xf32, #tpu.memory_space<hbm>>
        tpu.enqueue_indirect_dma source(%dma_start3A_46 : memref<10000x128xf32, #tpu.memory_space<hbm>>) target(%arg15 : memref<128x128xf32, #tpu.memory_space<vmem>>) offsets(%arg7 : memref<128xi32, #tpu.memory_space<vmem>>) semaphore(%arg18 : memref<!tpu.dma_semaphore, #tpu.memory_space<semaphore_mem>>)
        %add3A_47 = arith.constant 3 : i32
        %add3A_48 = arith.addi %add3A_29, %add3A_47 : i32
        %mul3A_49 = arith.constant 128 : i32
        %mul3A_50 = arith.muli %add3A_48, %mul3A_49 : i32
        %add3A_51 = arith.addi %mul3A_0, %mul3A_50 : i32
        %dma_start3A_52 = tpu.memref_slice %arg3[%add3A_51] : memref<327680xi32, #tpu.memory_space<hbm>> -> memref<128xi32, #tpu.memory_space<hbm>>
        %dma_start3A_53 = tpu.memref_slice %arg3[%add3A_51] : memref<327680xi32, #tpu.memory_space<hbm>> -> memref<128xi32, #tpu.memory_space<hbm>>
        tpu.enqueue_dma source(%dma_start3A_53 : memref<128xi32, #tpu.memory_space<hbm>>) target(%arg9 : memref<128xi32, #tpu.memory_space<vmem>>) target_semaphore(%arg17 : memref<!tpu.dma_semaphore, #tpu.memory_space<semaphore_mem>>)
        %mul3A_54 = arith.constant 128 : i32
        %mul3A_55 = arith.muli %add3A_48, %mul3A_54 : i32
        %add3A_56 = arith.addi %mul3A_0, %mul3A_55 : i32
        %dma_start3A_57 = tpu.memref_slice %arg4[%add3A_56] : memref<327680xi32, #tpu.memory_space<hbm>> -> memref<128xi32, #tpu.memory_space<hbm>>
        %dma_start3A_58 = tpu.memref_slice %arg4[%add3A_56] : memref<327680xi32, #tpu.memory_space<hbm>> -> memref<128xi32, #tpu.memory_space<hbm>>
        tpu.enqueue_dma source(%dma_start3A_58 : memref<128xi32, #tpu.memory_space<hbm>>) target(%arg13 : memref<128xi32, #tpu.memory_space<vmem>>) target_semaphore(%arg17 : memref<!tpu.dma_semaphore, #tpu.memory_space<semaphore_mem>>)
        %mul3A_59 = arith.constant 4 : i32
        %mul3A_60 = arith.muli %add3A_25, %mul3A_59 : i32
        %add3A_61 = arith.constant 1 : i32
        %add3A_62 = arith.addi %mul3A_60, %add3A_61 : i32
        %dma_wait3A_63 = arith.constant 0 : i32
        %dma_wait3A_64 = arith.constant 0 : i32
        %dma_wait3A_65 = tpu.memref_slice %arg2[%dma_wait3A_63, %dma_wait3A_64] : memref<10000x128xf32, #tpu.memory_space<hbm>> -> memref<10000x128xf32, #tpu.memory_space<hbm>>
        tpu.wait_indirect_dma semaphore(%arg18 : memref<!tpu.dma_semaphore, #tpu.memory_space<semaphore_mem>>) src(%dma_wait3A_65 : memref<10000x128xf32, #tpu.memory_space<hbm>>) dst(%arg15 : memref<128x128xf32, #tpu.memory_space<vmem>>)
        %dma_start3A_66 = arith.constant 0 : i32
        %dma_start3A_67 = arith.constant 0 : i32
        %dma_start3A_68 = tpu.memref_slice %arg16[%dma_start3A_66, %dma_start3A_67] : memref<10240x128xf32, #tpu.memory_space<vmem_shared>> -> memref<10240x128xf32, #tpu.memory_space<vmem_shared>>
        tpu.enqueue_indirect_dma source(%arg15 : memref<128x128xf32, #tpu.memory_space<vmem>>) target(%dma_start3A_68 : memref<10240x128xf32, #tpu.memory_space<vmem_shared>>) offsets(%arg11 : memref<128xi32, #tpu.memory_space<vmem>>) semaphore(%arg19 : memref<!tpu.dma_semaphore, #tpu.memory_space<semaphore_mem>>) {add = true}
        %dma_wait3A_69 = arith.constant 0 : i32
        %dma_wait3A_70 = arith.constant 0 : i32
        %dma_wait3A_71 = tpu.memref_slice %arg16[%dma_wait3A_69, %dma_wait3A_70] : memref<10240x128xf32, #tpu.memory_space<vmem_shared>> -> memref<10240x128xf32, #tpu.memory_space<vmem_shared>>
        tpu.wait_indirect_dma semaphore(%arg19 : memref<!tpu.dma_semaphore, #tpu.memory_space<semaphore_mem>>) src(%arg14 : memref<128x128xf32, #tpu.memory_space<vmem>>) dst(%dma_wait3A_71 : memref<10240x128xf32, #tpu.memory_space<vmem_shared>>)
        %dma_wait3A_72 = tpu.memref_slice %arg3[%mul3A_0] : memref<327680xi32, #tpu.memory_space<hbm>> -> memref<128xi32, #tpu.memory_space<hbm>>
        %dma_wait3A_73 = tpu.memref_slice %arg3[%mul3A_0] : memref<327680xi32, #tpu.memory_space<hbm>> -> memref<128xi32, #tpu.memory_space<hbm>>
        tpu.wait_dma2 semaphore(%arg17 : memref<!tpu.dma_semaphore, #tpu.memory_space<semaphore_mem>>) src(%dma_wait3A_73 : memref<128xi32, #tpu.memory_space<hbm>>) dst(%arg8 : memref<128xi32, #tpu.memory_space<vmem>>)
        %dma_wait3A_74 = tpu.memref_slice %arg4[%mul3A_0] : memref<327680xi32, #tpu.memory_space<hbm>> -> memref<128xi32, #tpu.memory_space<hbm>>
        %dma_wait3A_75 = tpu.memref_slice %arg4[%mul3A_0] : memref<327680xi32, #tpu.memory_space<hbm>> -> memref<128xi32, #tpu.memory_space<hbm>>
        tpu.wait_dma2 semaphore(%arg17 : memref<!tpu.dma_semaphore, #tpu.memory_space<semaphore_mem>>) src(%dma_wait3A_75 : memref<128xi32, #tpu.memory_space<hbm>>) dst(%arg12 : memref<128xi32, #tpu.memory_space<vmem>>)
        %dma_start3A_76 = arith.constant 0 : i32
        %dma_start3A_77 = arith.constant 0 : i32
        %dma_start3A_78 = tpu.memref_slice %arg2[%dma_start3A_76, %dma_start3A_77] : memref<10000x128xf32, #tpu.memory_space<hbm>> -> memref<10000x128xf32, #tpu.memory_space<hbm>>
        tpu.enqueue_indirect_dma source(%dma_start3A_78 : memref<10000x128xf32, #tpu.memory_space<hbm>>) target(%arg14 : memref<128x128xf32, #tpu.memory_space<vmem>>) offsets(%arg8 : memref<128xi32, #tpu.memory_space<vmem>>) semaphore(%arg18 : memref<!tpu.dma_semaphore, #tpu.memory_space<semaphore_mem>>)
        %lt3A = arith.constant 39 : i32
        %lt3A_79 = arith.cmpi slt, %add3A_25, %lt3A : i32
        %convert_element_type3A_80 = arith.extui %lt3A_79 : i1 to i32
        %cond3A_81 = arith.constant 0 : i32
        %cond3A_82 = arith.cmpi ne, %convert_element_type3A_80, %cond3A_81 : i32
        scf.if %cond3A_82 {
          %add3A_131 = arith.constant 3 : i32
          %add3A_132 = arith.addi %add3A_62, %add3A_131 : i32
          %mul3A_133 = arith.constant 128 : i32
          %mul3A_134 = arith.muli %add3A_132, %mul3A_133 : i32
          %add3A_135 = arith.addi %mul3A_0, %mul3A_134 : i32
          %dma_start3A_136 = tpu.memref_slice %arg3[%add3A_135] : memref<327680xi32, #tpu.memory_space<hbm>> -> memref<128xi32, #tpu.memory_space<hbm>>
          %dma_start3A_137 = tpu.memref_slice %arg3[%add3A_135] : memref<327680xi32, #tpu.memory_space<hbm>> -> memref<128xi32, #tpu.memory_space<hbm>>
          tpu.enqueue_dma source(%dma_start3A_137 : memref<128xi32, #tpu.memory_space<hbm>>) target(%arg6 : memref<128xi32, #tpu.memory_space<vmem>>) target_semaphore(%arg17 : memref<!tpu.dma_semaphore, #tpu.memory_space<semaphore_mem>>)
          %mul3A_138 = arith.constant 128 : i32
          %mul3A_139 = arith.muli %add3A_132, %mul3A_138 : i32
          %add3A_140 = arith.addi %mul3A_0, %mul3A_139 : i32
          %dma_start3A_141 = tpu.memref_slice %arg4[%add3A_140] : memref<327680xi32, #tpu.memory_space<hbm>> -> memref<128xi32, #tpu.memory_space<hbm>>
          %dma_start3A_142 = tpu.memref_slice %arg4[%add3A_140] : memref<327680xi32, #tpu.memory_space<hbm>> -> memref<128xi32, #tpu.memory_space<hbm>>
          tpu.enqueue_dma source(%dma_start3A_142 : memref<128xi32, #tpu.memory_space<hbm>>) target(%arg10 : memref<128xi32, #tpu.memory_space<vmem>>) target_semaphore(%arg17 : memref<!tpu.dma_semaphore, #tpu.memory_space<semaphore_mem>>)
        } else {
        }
        %mul3A_83 = arith.constant 4 : i32
        %mul3A_84 = arith.muli %add3A_25, %mul3A_83 : i32
        %add3A_85 = arith.constant 2 : i32
        %add3A_86 = arith.addi %mul3A_84, %add3A_85 : i32
        %dma_wait3A_87 = arith.constant 0 : i32
        %dma_wait3A_88 = arith.constant 0 : i32
        %dma_wait3A_89 = tpu.memref_slice %arg2[%dma_wait3A_87, %dma_wait3A_88] : memref<10000x128xf32, #tpu.memory_space<hbm>> -> memref<10000x128xf32, #tpu.memory_space<hbm>>
        tpu.wait_indirect_dma semaphore(%arg18 : memref<!tpu.dma_semaphore, #tpu.memory_space<semaphore_mem>>) src(%dma_wait3A_89 : memref<10000x128xf32, #tpu.memory_space<hbm>>) dst(%arg14 : memref<128x128xf32, #tpu.memory_space<vmem>>)
        %dma_start3A_90 = arith.constant 0 : i32
        %dma_start3A_91 = arith.constant 0 : i32
        %dma_start3A_92 = tpu.memref_slice %arg16[%dma_start3A_90, %dma_start3A_91] : memref<10240x128xf32, #tpu.memory_space<vmem_shared>> -> memref<10240x128xf32, #tpu.memory_space<vmem_shared>>
        tpu.enqueue_indirect_dma source(%arg14 : memref<128x128xf32, #tpu.memory_space<vmem>>) target(%dma_start3A_92 : memref<10240x128xf32, #tpu.memory_space<vmem_shared>>) offsets(%arg12 : memref<128xi32, #tpu.memory_space<vmem>>) semaphore(%arg19 : memref<!tpu.dma_semaphore, #tpu.memory_space<semaphore_mem>>) {add = true}
        %dma_wait3A_93 = arith.constant 0 : i32
        %dma_wait3A_94 = arith.constant 0 : i32
        %dma_wait3A_95 = tpu.memref_slice %arg16[%dma_wait3A_93, %dma_wait3A_94] : memref<10240x128xf32, #tpu.memory_space<vmem_shared>> -> memref<10240x128xf32, #tpu.memory_space<vmem_shared>>
        tpu.wait_indirect_dma semaphore(%arg19 : memref<!tpu.dma_semaphore, #tpu.memory_space<semaphore_mem>>) src(%arg15 : memref<128x128xf32, #tpu.memory_space<vmem>>) dst(%dma_wait3A_95 : memref<10240x128xf32, #tpu.memory_space<vmem_shared>>)
        %dma_wait3A_96 = tpu.memref_slice %arg3[%mul3A_0] : memref<327680xi32, #tpu.memory_space<hbm>> -> memref<128xi32, #tpu.memory_space<hbm>>
        %dma_wait3A_97 = tpu.memref_slice %arg3[%mul3A_0] : memref<327680xi32, #tpu.memory_space<hbm>> -> memref<128xi32, #tpu.memory_space<hbm>>
        tpu.wait_dma2 semaphore(%arg17 : memref<!tpu.dma_semaphore, #tpu.memory_space<semaphore_mem>>) src(%dma_wait3A_97 : memref<128xi32, #tpu.memory_space<hbm>>) dst(%arg9 : memref<128xi32, #tpu.memory_space<vmem>>)
        %dma_wait3A_98 = tpu.memref_slice %arg4[%mul3A_0] : memref<327680xi32, #tpu.memory_space<hbm>> -> memref<128xi32, #tpu.memory_space<hbm>>
        %dma_wait3A_99 = tpu.memref_slice %arg4[%mul3A_0] : memref<327680xi32, #tpu.memory_space<hbm>> -> memref<128xi32, #tpu.memory_space<hbm>>
        tpu.wait_dma2 semaphore(%arg17 : memref<!tpu.dma_semaphore, #tpu.memory_space<semaphore_mem>>) src(%dma_wait3A_99 : memref<128xi32, #tpu.memory_space<hbm>>) dst(%arg13 : memref<128xi32, #tpu.memory_space<vmem>>)
        %dma_start3A_100 = arith.constant 0 : i32
        %dma_start3A_101 = arith.constant 0 : i32
        %dma_start3A_102 = tpu.memref_slice %arg2[%dma_start3A_100, %dma_start3A_101] : memref<10000x128xf32, #tpu.memory_space<hbm>> -> memref<10000x128xf32, #tpu.memory_space<hbm>>
        tpu.enqueue_indirect_dma source(%dma_start3A_102 : memref<10000x128xf32, #tpu.memory_space<hbm>>) target(%arg15 : memref<128x128xf32, #tpu.memory_space<vmem>>) offsets(%arg9 : memref<128xi32, #tpu.memory_space<vmem>>) semaphore(%arg18 : memref<!tpu.dma_semaphore, #tpu.memory_space<semaphore_mem>>)
        %lt3A_103 = arith.constant 39 : i32
        %lt3A_104 = arith.cmpi slt, %add3A_25, %lt3A_103 : i32
        %convert_element_type3A_105 = arith.extui %lt3A_104 : i1 to i32
        %cond3A_106 = arith.constant 0 : i32
        %cond3A_107 = arith.cmpi ne, %convert_element_type3A_105, %cond3A_106 : i32
        scf.if %cond3A_107 {
          %add3A_131 = arith.constant 3 : i32
          %add3A_132 = arith.addi %add3A_86, %add3A_131 : i32
          %mul3A_133 = arith.constant 128 : i32
          %mul3A_134 = arith.muli %add3A_132, %mul3A_133 : i32
          %add3A_135 = arith.addi %mul3A_0, %mul3A_134 : i32
          %dma_start3A_136 = tpu.memref_slice %arg3[%add3A_135] : memref<327680xi32, #tpu.memory_space<hbm>> -> memref<128xi32, #tpu.memory_space<hbm>>
          %dma_start3A_137 = tpu.memref_slice %arg3[%add3A_135] : memref<327680xi32, #tpu.memory_space<hbm>> -> memref<128xi32, #tpu.memory_space<hbm>>
          tpu.enqueue_dma source(%dma_start3A_137 : memref<128xi32, #tpu.memory_space<hbm>>) target(%arg7 : memref<128xi32, #tpu.memory_space<vmem>>) target_semaphore(%arg17 : memref<!tpu.dma_semaphore, #tpu.memory_space<semaphore_mem>>)
          %mul3A_138 = arith.constant 128 : i32
          %mul3A_139 = arith.muli %add3A_132, %mul3A_138 : i32
          %add3A_140 = arith.addi %mul3A_0, %mul3A_139 : i32
          %dma_start3A_141 = tpu.memref_slice %arg4[%add3A_140] : memref<327680xi32, #tpu.memory_space<hbm>> -> memref<128xi32, #tpu.memory_space<hbm>>
          %dma_start3A_142 = tpu.memref_slice %arg4[%add3A_140] : memref<327680xi32, #tpu.memory_space<hbm>> -> memref<128xi32, #tpu.memory_space<hbm>>
          tpu.enqueue_dma source(%dma_start3A_142 : memref<128xi32, #tpu.memory_space<hbm>>) target(%arg11 : memref<128xi32, #tpu.memory_space<vmem>>) target_semaphore(%arg17 : memref<!tpu.dma_semaphore, #tpu.memory_space<semaphore_mem>>)
        } else {
        }
        %mul3A_108 = arith.constant 4 : i32
        %mul3A_109 = arith.muli %add3A_25, %mul3A_108 : i32
        %add3A_110 = arith.constant 3 : i32
        %add3A_111 = arith.addi %mul3A_109, %add3A_110 : i32
        %dma_wait3A_112 = arith.constant 0 : i32
        %dma_wait3A_113 = arith.constant 0 : i32
        %dma_wait3A_114 = tpu.memref_slice %arg2[%dma_wait3A_112, %dma_wait3A_113] : memref<10000x128xf32, #tpu.memory_space<hbm>> -> memref<10000x128xf32, #tpu.memory_space<hbm>>
        tpu.wait_indirect_dma semaphore(%arg18 : memref<!tpu.dma_semaphore, #tpu.memory_space<semaphore_mem>>) src(%dma_wait3A_114 : memref<10000x128xf32, #tpu.memory_space<hbm>>) dst(%arg15 : memref<128x128xf32, #tpu.memory_space<vmem>>)
        %dma_start3A_115 = arith.constant 0 : i32
        %dma_start3A_116 = arith.constant 0 : i32
        %dma_start3A_117 = tpu.memref_slice %arg16[%dma_start3A_115, %dma_start3A_116] : memref<10240x128xf32, #tpu.memory_space<vmem_shared>> -> memref<10240x128xf32, #tpu.memory_space<vmem_shared>>
        tpu.enqueue_indirect_dma source(%arg15 : memref<128x128xf32, #tpu.memory_space<vmem>>) target(%dma_start3A_117 : memref<10240x128xf32, #tpu.memory_space<vmem_shared>>) offsets(%arg13 : memref<128xi32, #tpu.memory_space<vmem>>) semaphore(%arg19 : memref<!tpu.dma_semaphore, #tpu.memory_space<semaphore_mem>>) {add = true}
        %dma_wait3A_118 = arith.constant 0 : i32
        %dma_wait3A_119 = arith.constant 0 : i32
        %dma_wait3A_120 = tpu.memref_slice %arg16[%dma_wait3A_118, %dma_wait3A_119] : memref<10240x128xf32, #tpu.memory_space<vmem_shared>> -> memref<10240x128xf32, #tpu.memory_space<vmem_shared>>
        tpu.wait_indirect_dma semaphore(%arg19 : memref<!tpu.dma_semaphore, #tpu.memory_space<semaphore_mem>>) src(%arg14 : memref<128x128xf32, #tpu.memory_space<vmem>>) dst(%dma_wait3A_120 : memref<10240x128xf32, #tpu.memory_space<vmem_shared>>)
        %lt3A_121 = arith.constant 39 : i32
        %lt3A_122 = arith.cmpi slt, %add3A_25, %lt3A_121 : i32
        %convert_element_type3A_123 = arith.extui %lt3A_122 : i1 to i32
        %cond3A_124 = arith.constant 0 : i32
        %cond3A_125 = arith.cmpi ne, %convert_element_type3A_123, %cond3A_124 : i32
        scf.if %cond3A_125 {
          %dma_wait3A_131 = tpu.memref_slice %arg3[%mul3A_0] : memref<327680xi32, #tpu.memory_space<hbm>> -> memref<128xi32, #tpu.memory_space<hbm>>
          %dma_wait3A_132 = tpu.memref_slice %arg3[%mul3A_0] : memref<327680xi32, #tpu.memory_space<hbm>> -> memref<128xi32, #tpu.memory_space<hbm>>
          tpu.wait_dma2 semaphore(%arg17 : memref<!tpu.dma_semaphore, #tpu.memory_space<semaphore_mem>>) src(%dma_wait3A_132 : memref<128xi32, #tpu.memory_space<hbm>>) dst(%arg6 : memref<128xi32, #tpu.memory_space<vmem>>)
          %dma_wait3A_133 = tpu.memref_slice %arg4[%mul3A_0] : memref<327680xi32, #tpu.memory_space<hbm>> -> memref<128xi32, #tpu.memory_space<hbm>>
          %dma_wait3A_134 = tpu.memref_slice %arg4[%mul3A_0] : memref<327680xi32, #tpu.memory_space<hbm>> -> memref<128xi32, #tpu.memory_space<hbm>>
          tpu.wait_dma2 semaphore(%arg17 : memref<!tpu.dma_semaphore, #tpu.memory_space<semaphore_mem>>) src(%dma_wait3A_134 : memref<128xi32, #tpu.memory_space<hbm>>) dst(%arg10 : memref<128xi32, #tpu.memory_space<vmem>>)
          %dma_start3A_135 = arith.constant 0 : i32
          %dma_start3A_136 = arith.constant 0 : i32
          %dma_start3A_137 = tpu.memref_slice %arg2[%dma_start3A_135, %dma_start3A_136] : memref<10000x128xf32, #tpu.memory_space<hbm>> -> memref<10000x128xf32, #tpu.memory_space<hbm>>
          tpu.enqueue_indirect_dma source(%dma_start3A_137 : memref<10000x128xf32, #tpu.memory_space<hbm>>) target(%arg14 : memref<128x128xf32, #tpu.memory_space<vmem>>) offsets(%arg6 : memref<128xi32, #tpu.memory_space<vmem>>) semaphore(%arg18 : memref<!tpu.dma_semaphore, #tpu.memory_space<semaphore_mem>>)
        } else {
        }
        %lt3A_126 = arith.constant 39 : i32
        %lt3A_127 = arith.cmpi slt, %add3A_25, %lt3A_126 : i32
        %convert_element_type3A_128 = arith.extui %lt3A_127 : i1 to i32
        %cond3A_129 = arith.constant 0 : i32
        %cond3A_130 = arith.cmpi ne, %convert_element_type3A_128, %cond3A_129 : i32
        scf.if %cond3A_130 {
          %add3A_131 = arith.constant 3 : i32
          %add3A_132 = arith.addi %add3A_111, %add3A_131 : i32
          %mul3A_133 = arith.constant 128 : i32
          %mul3A_134 = arith.muli %add3A_132, %mul3A_133 : i32
          %add3A_135 = arith.addi %mul3A_0, %mul3A_134 : i32
          %dma_start3A_136 = tpu.memref_slice %arg3[%add3A_135] : memref<327680xi32, #tpu.memory_space<hbm>> -> memref<128xi32, #tpu.memory_space<hbm>>
          %dma_start3A_137 = tpu.memref_slice %arg3[%add3A_135] : memref<327680xi32, #tpu.memory_space<hbm>> -> memref<128xi32, #tpu.memory_space<hbm>>
          tpu.enqueue_dma source(%dma_start3A_137 : memref<128xi32, #tpu.memory_space<hbm>>) target(%arg8 : memref<128xi32, #tpu.memory_space<vmem>>) target_semaphore(%arg17 : memref<!tpu.dma_semaphore, #tpu.memory_space<semaphore_mem>>)
          %mul3A_138 = arith.constant 128 : i32
          %mul3A_139 = arith.muli %add3A_132, %mul3A_138 : i32
          %add3A_140 = arith.addi %mul3A_0, %mul3A_139 : i32
          %dma_start3A_141 = tpu.memref_slice %arg4[%add3A_140] : memref<327680xi32, #tpu.memory_space<hbm>> -> memref<128xi32, #tpu.memory_space<hbm>>
          %dma_start3A_142 = tpu.memref_slice %arg4[%add3A_140] : memref<327680xi32, #tpu.memory_space<hbm>> -> memref<128xi32, #tpu.memory_space<hbm>>
          tpu.enqueue_dma source(%dma_start3A_142 : memref<128xi32, #tpu.memory_space<hbm>>) target(%arg12 : memref<128xi32, #tpu.memory_space<vmem>>) target_semaphore(%arg17 : memref<!tpu.dma_semaphore, #tpu.memory_space<semaphore_mem>>)
        } else {
        }
      }
      %scan3A_19 = arith.constant 40 : i32
      %dma_wait3A = arith.constant 0 : i32
      %dma_wait3A_20 = arith.constant 0 : i32
      %dma_wait3A_21 = tpu.memref_slice %arg16[%dma_wait3A, %dma_wait3A_20] : memref<10240x128xf32, #tpu.memory_space<vmem_shared>> -> memref<10240x128xf32, #tpu.memory_space<vmem_shared>>
      tpu.wait_indirect_dma semaphore(%arg19 : memref<!tpu.dma_semaphore, #tpu.memory_space<semaphore_mem>>) src(%arg14 : memref<128x128xf32, #tpu.memory_space<vmem>>) dst(%dma_wait3A_21 : memref<10240x128xf32, #tpu.memory_space<vmem_shared>>)
    } else {
    }
    %barrier3A_8 = arith.constant 0 : index
    tpu.barrier barrier_id(%barrier3A_8)
    %eq3A_9 = arith.constant 1 : i32
    %eq3A_10 = arith.cmpi eq, %arg0, %eq3A_9 : i32
    %convert_element_type3A_11 = arith.extui %eq3A_10 : i1 to i32
    %cond3A_12 = arith.constant 0 : i32
    %cond3A_13 = arith.cmpi ne, %convert_element_type3A_11, %cond3A_12 : i32
    scf.if %cond3A_13 {
      %mul3A_14 = arith.constant 640 : i32
      %mul3A_15 = arith.muli %arg1, %mul3A_14 : i32
      %mul3A_16 = arith.constant 640 : i32
      %mul3A_17 = arith.muli %arg1, %mul3A_16 : i32
      %dma_start3A = arith.constant 1 : i32
      %dma_start3A_18 = arith.constant 0 : i32
      %dma_start3A_19 = tpu.memref_slice %arg5[%dma_start3A, %mul3A_17, %dma_start3A_18] : memref<2x10240x128xf32, #tpu.memory_space<hbm>> -> memref<1x640x128xf32, #tpu.memory_space<hbm>>
      %dma_start3A_20 = tpu.memref_squeeze %dma_start3A_19 : memref<1x640x128xf32, #tpu.memory_space<hbm>> -> memref<640x128xf32, #tpu.memory_space<hbm>>
      %dma_start3A_21 = arith.constant 0 : i32
      %dma_start3A_22 = tpu.memref_slice %arg16[%mul3A_15, %dma_start3A_21] : memref<10240x128xf32, #tpu.memory_space<vmem_shared>> -> memref<640x128xf32, #tpu.memory_space<vmem_shared>>
      tpu.enqueue_dma source(%dma_start3A_22 : memref<640x128xf32, #tpu.memory_space<vmem_shared>>) target(%dma_start3A_20 : memref<640x128xf32, #tpu.memory_space<hbm>>) target_semaphore(%arg19 : memref<!tpu.dma_semaphore, #tpu.memory_space<semaphore_mem>>)
      %dma_wait3A = arith.constant 1 : i32
      %dma_wait3A_23 = arith.constant 0 : i32
      %dma_wait3A_24 = tpu.memref_slice %arg5[%dma_wait3A, %mul3A_17, %dma_wait3A_23] : memref<2x10240x128xf32, #tpu.memory_space<hbm>> -> memref<1x640x128xf32, #tpu.memory_space<hbm>>
      %dma_wait3A_25 = tpu.memref_squeeze %dma_wait3A_24 : memref<1x640x128xf32, #tpu.memory_space<hbm>> -> memref<640x128xf32, #tpu.memory_space<hbm>>
      %dma_wait3A_26 = arith.constant 0 : i32
      %dma_wait3A_27 = tpu.memref_slice %arg16[%mul3A_15, %dma_wait3A_26] : memref<10240x128xf32, #tpu.memory_space<vmem_shared>> -> memref<640x128xf32, #tpu.memory_space<vmem_shared>>
      tpu.wait_dma2 semaphore(%arg19 : memref<!tpu.dma_semaphore, #tpu.memory_space<semaphore_mem>>) src(%dma_wait3A_27 : memref<640x128xf32, #tpu.memory_space<vmem_shared>>) dst(%dma_wait3A_25 : memref<640x128xf32, #tpu.memory_space<hbm>>)
    } else {
    }
    return
  }
}

#map = affine_map<(d0, d1) -> (0, 0)>
#map1 = affine_map<(d0, d1) -> (0)>
#map2 = affine_map<(d0, d1) -> (0, 0, 0)>
module attributes {stable_mosaic.version = 14 : i64} {
  func.func @_agg_kernel(%arg0: i32, %arg1: i32, %arg2: memref<10000x128xf32, #tpu.memory_space<hbm>>, %arg3: memref<327680xi32, #tpu.memory_space<hbm>>, %arg4: memref<327680xi32, #tpu.memory_space<hbm>>, %arg5: memref<2x10240x128xf32, #tpu.memory_space<hbm>>, %arg6: memref<128xi32, #tpu.memory_space<vmem>>, %arg7: memref<128xi32, #tpu.memory_space<vmem>>, %arg8: memref<128xi32, #tpu.memory_space<vmem>>, %arg9: memref<128xi32, #tpu.memory_space<vmem>>, %arg10: memref<128xi32, #tpu.memory_space<vmem>>, %arg11: memref<128xi32, #tpu.memory_space<vmem>>, %arg12: memref<128xi32, #tpu.memory_space<vmem>>, %arg13: memref<128xi32, #tpu.memory_space<vmem>>, %arg14: memref<128x128xf32, #tpu.memory_space<vmem>>, %arg15: memref<128x128xf32, #tpu.memory_space<vmem>>, %arg16: memref<10240x128xf32, #tpu.memory_space<vmem_shared>>, %arg17: memref<!tpu.dma_semaphore, #tpu.memory_space<semaphore_mem>>, %arg18: memref<!tpu.dma_semaphore, #tpu.memory_space<semaphore_mem>>, %arg19: memref<!tpu.dma_semaphore, #tpu.memory_space<semaphore_mem>>) attributes {dimension_semantics = [#tpu.dimension_semantics<core_parallel>, #tpu.dimension_semantics<subcore_parallel>], iteration_bounds = array<i64: 2, 16>, scalar_prefetch = 0 : i64, scratch_operands = 14 : i64, tpu.core_type = #tpu.core_type<sc_vector_subcore>, window_params = [{transform_indices = #map}, {transform_indices = #map1}, {transform_indices = #map1}, {transform_indices = #map2}]} {
    %mul3A = arith.constant 20480 : i32
    %mul3A_0 = arith.muli %arg1, %mul3A : i32
    %eq3A = arith.constant 1 : i32
    %eq3A_1 = arith.cmpi eq, %arg0, %eq3A : i32
    %convert_element_type3A = arith.extui %eq3A_1 : i1 to i32
    %cond3A = arith.constant 0 : i32
    %cond3A_2 = arith.cmpi ne, %convert_element_type3A, %cond3A : i32
    scf.if %cond3A_2 {
      %add3A = arith.constant 0 : i32
      %add3A_14 = arith.addi %mul3A_0, %add3A : i32
      %dma_start3A = tpu.memref_slice %arg3[%add3A_14] : memref<327680xi32, #tpu.memory_space<hbm>> -> memref<128xi32, #tpu.memory_space<hbm>>
      %dma_start3A_15 = tpu.memref_slice %arg3[%add3A_14] : memref<327680xi32, #tpu.memory_space<hbm>> -> memref<128xi32, #tpu.memory_space<hbm>>
      tpu.enqueue_dma source(%dma_start3A_15 : memref<128xi32, #tpu.memory_space<hbm>>) target(%arg6 : memref<128xi32, #tpu.memory_space<vmem>>) target_semaphore(%arg17 : memref<!tpu.dma_semaphore, #tpu.memory_space<semaphore_mem>>)
      %add3A_16 = arith.constant 0 : i32
      %add3A_17 = arith.addi %mul3A_0, %add3A_16 : i32
      %dma_start3A_18 = tpu.memref_slice %arg4[%add3A_17] : memref<327680xi32, #tpu.memory_space<hbm>> -> memref<128xi32, #tpu.memory_space<hbm>>
      %dma_start3A_19 = tpu.memref_slice %arg4[%add3A_17] : memref<327680xi32, #tpu.memory_space<hbm>> -> memref<128xi32, #tpu.memory_space<hbm>>
      tpu.enqueue_dma source(%dma_start3A_19 : memref<128xi32, #tpu.memory_space<hbm>>) target(%arg10 : memref<128xi32, #tpu.memory_space<vmem>>) target_semaphore(%arg17 : memref<!tpu.dma_semaphore, #tpu.memory_space<semaphore_mem>>)
      %add3A_20 = arith.constant 128 : i32
      %add3A_21 = arith.addi %mul3A_0, %add3A_20 : i32
      %dma_start3A_22 = tpu.memref_slice %arg3[%add3A_21] : memref<327680xi32, #tpu.memory_space<hbm>> -> memref<128xi32, #tpu.memory_space<hbm>>
      %dma_start3A_23 = tpu.memref_slice %arg3[%add3A_21] : memref<327680xi32, #tpu.memory_space<hbm>> -> memref<128xi32, #tpu.memory_space<hbm>>
      tpu.enqueue_dma source(%dma_start3A_23 : memref<128xi32, #tpu.memory_space<hbm>>) target(%arg7 : memref<128xi32, #tpu.memory_space<vmem>>) target_semaphore(%arg17 : memref<!tpu.dma_semaphore, #tpu.memory_space<semaphore_mem>>)
      %add3A_24 = arith.constant 128 : i32
      %add3A_25 = arith.addi %mul3A_0, %add3A_24 : i32
      %dma_start3A_26 = tpu.memref_slice %arg4[%add3A_25] : memref<327680xi32, #tpu.memory_space<hbm>> -> memref<128xi32, #tpu.memory_space<hbm>>
      %dma_start3A_27 = tpu.memref_slice %arg4[%add3A_25] : memref<327680xi32, #tpu.memory_space<hbm>> -> memref<128xi32, #tpu.memory_space<hbm>>
      tpu.enqueue_dma source(%dma_start3A_27 : memref<128xi32, #tpu.memory_space<hbm>>) target(%arg11 : memref<128xi32, #tpu.memory_space<vmem>>) target_semaphore(%arg17 : memref<!tpu.dma_semaphore, #tpu.memory_space<semaphore_mem>>)
      %add3A_28 = arith.constant 256 : i32
      %add3A_29 = arith.addi %mul3A_0, %add3A_28 : i32
      %dma_start3A_30 = tpu.memref_slice %arg3[%add3A_29] : memref<327680xi32, #tpu.memory_space<hbm>> -> memref<128xi32, #tpu.memory_space<hbm>>
      %dma_start3A_31 = tpu.memref_slice %arg3[%add3A_29] : memref<327680xi32, #tpu.memory_space<hbm>> -> memref<128xi32, #tpu.memory_space<hbm>>
      tpu.enqueue_dma source(%dma_start3A_31 : memref<128xi32, #tpu.memory_space<hbm>>) target(%arg8 : memref<128xi32, #tpu.memory_space<vmem>>) target_semaphore(%arg17 : memref<!tpu.dma_semaphore, #tpu.memory_space<semaphore_mem>>)
      %add3A_32 = arith.constant 256 : i32
      %add3A_33 = arith.addi %mul3A_0, %add3A_32 : i32
      %dma_start3A_34 = tpu.memref_slice %arg4[%add3A_33] : memref<327680xi32, #tpu.memory_space<hbm>> -> memref<128xi32, #tpu.memory_space<hbm>>
      %dma_start3A_35 = tpu.memref_slice %arg4[%add3A_33] : memref<327680xi32, #tpu.memory_space<hbm>> -> memref<128xi32, #tpu.memory_space<hbm>>
      tpu.enqueue_dma source(%dma_start3A_35 : memref<128xi32, #tpu.memory_space<hbm>>) target(%arg12 : memref<128xi32, #tpu.memory_space<vmem>>) target_semaphore(%arg17 : memref<!tpu.dma_semaphore, #tpu.memory_space<semaphore_mem>>)
      %scan3A = arith.constant 0 : i32
      %scan3A_36 = arith.constant 128 : i32
      %scan3A_37 = arith.addi %scan3A, %scan3A_36 : i32
      %scan3A_38 = arith.constant 1 : i32
      scf.for %scan3A_173 = %scan3A to %scan3A_37 step %scan3A_38  : i32 {
        %mul3A_174 = arith.constant 1 : i32
        %mul3A_175 = arith.muli %scan3A_173, %mul3A_174 : i32
        %add3A_176 = arith.constant 0 : i32
        %add3A_177 = arith.addi %add3A_176, %mul3A_175 : i32
        %broadcast_in_dim3A = arith.constant 0.000000e+00 : f32
        %broadcast_in_dim3A_178 = vector.broadcast %broadcast_in_dim3A : f32 to vector<16xf32>
        %swap3A = arith.index_cast %add3A_177 : i32 to index
        %swap3A_179 = arith.constant 0 : index
        %swap3A_180 = tpu.vector_load %arg14[%swap3A, %swap3A_179] {strides = array<i32>} : memref<128x128xf32, #tpu.memory_space<vmem>>, vector<1x16xf32>,
        %swap3A_181 = vector.shape_cast %swap3A_180 : vector<1x16xf32> to vector<16xf32>
        %swap3A_182 = vector.shape_cast %broadcast_in_dim3A_178 : vector<16xf32> to vector<1x16xf32>
        tpu.vector_store %arg14[%swap3A, %swap3A_179], %swap3A_182 {strides = array<i32>} : memref<128x128xf32, #tpu.memory_space<vmem>>, vector<1x16xf32>,
        %broadcast_in_dim3A_183 = arith.constant 0.000000e+00 : f32
        %broadcast_in_dim3A_184 = vector.broadcast %broadcast_in_dim3A_183 : f32 to vector<16xf32>
        %swap3A_185 = arith.index_cast %add3A_177 : i32 to index
        %swap3A_186 = arith.constant 16 : index
        %swap3A_187 = tpu.vector_load %arg14[%swap3A_185, %swap3A_186] {strides = array<i32>} : memref<128x128xf32, #tpu.memory_space<vmem>>, vector<1x16xf32>,
        %swap3A_188 = vector.shape_cast %swap3A_187 : vector<1x16xf32> to vector<16xf32>
        %swap3A_189 = vector.shape_cast %broadcast_in_dim3A_184 : vector<16xf32> to vector<1x16xf32>
        tpu.vector_store %arg14[%swap3A_185, %swap3A_186], %swap3A_189 {strides = array<i32>} : memref<128x128xf32, #tpu.memory_space<vmem>>, vector<1x16xf32>,
        %broadcast_in_dim3A_190 = arith.constant 0.000000e+00 : f32
        %broadcast_in_dim3A_191 = vector.broadcast %broadcast_in_dim3A_190 : f32 to vector<16xf32>
        %swap3A_192 = arith.index_cast %add3A_177 : i32 to index
        %swap3A_193 = arith.constant 32 : index
        %swap3A_194 = tpu.vector_load %arg14[%swap3A_192, %swap3A_193] {strides = array<i32>} : memref<128x128xf32, #tpu.memory_space<vmem>>, vector<1x16xf32>,
        %swap3A_195 = vector.shape_cast %swap3A_194 : vector<1x16xf32> to vector<16xf32>
        %swap3A_196 = vector.shape_cast %broadcast_in_dim3A_191 : vector<16xf32> to vector<1x16xf32>
        tpu.vector_store %arg14[%swap3A_192, %swap3A_193], %swap3A_196 {strides = array<i32>} : memref<128x128xf32, #tpu.memory_space<vmem>>, vector<1x16xf32>,
        %broadcast_in_dim3A_197 = arith.constant 0.000000e+00 : f32
        %broadcast_in_dim3A_198 = vector.broadcast %broadcast_in_dim3A_197 : f32 to vector<16xf32>
        %swap3A_199 = arith.index_cast %add3A_177 : i32 to index
        %swap3A_200 = arith.constant 48 : index
        %swap3A_201 = tpu.vector_load %arg14[%swap3A_199, %swap3A_200] {strides = array<i32>} : memref<128x128xf32, #tpu.memory_space<vmem>>, vector<1x16xf32>,
        %swap3A_202 = vector.shape_cast %swap3A_201 : vector<1x16xf32> to vector<16xf32>
        %swap3A_203 = vector.shape_cast %broadcast_in_dim3A_198 : vector<16xf32> to vector<1x16xf32>
        tpu.vector_store %arg14[%swap3A_199, %swap3A_200], %swap3A_203 {strides = array<i32>} : memref<128x128xf32, #tpu.memory_space<vmem>>, vector<1x16xf32>,
        %broadcast_in_dim3A_204 = arith.constant 0.000000e+00 : f32
        %broadcast_in_dim3A_205 = vector.broadcast %broadcast_in_dim3A_204 : f32 to vector<16xf32>
        %swap3A_206 = arith.index_cast %add3A_177 : i32 to index
        %swap3A_207 = arith.constant 64 : index
        %swap3A_208 = tpu.vector_load %arg14[%swap3A_206, %swap3A_207] {strides = array<i32>} : memref<128x128xf32, #tpu.memory_space<vmem>>, vector<1x16xf32>,
        %swap3A_209 = vector.shape_cast %swap3A_208 : vector<1x16xf32> to vector<16xf32>
        %swap3A_210 = vector.shape_cast %broadcast_in_dim3A_205 : vector<16xf32> to vector<1x16xf32>
        tpu.vector_store %arg14[%swap3A_206, %swap3A_207], %swap3A_210 {strides = array<i32>} : memref<128x128xf32, #tpu.memory_space<vmem>>, vector<1x16xf32>,
        %broadcast_in_dim3A_211 = arith.constant 0.000000e+00 : f32
        %broadcast_in_dim3A_212 = vector.broadcast %broadcast_in_dim3A_211 : f32 to vector<16xf32>
        %swap3A_213 = arith.index_cast %add3A_177 : i32 to index
        %swap3A_214 = arith.constant 80 : index
        %swap3A_215 = tpu.vector_load %arg14[%swap3A_213, %swap3A_214] {strides = array<i32>} : memref<128x128xf32, #tpu.memory_space<vmem>>, vector<1x16xf32>,
        %swap3A_216 = vector.shape_cast %swap3A_215 : vector<1x16xf32> to vector<16xf32>
        %swap3A_217 = vector.shape_cast %broadcast_in_dim3A_212 : vector<16xf32> to vector<1x16xf32>
        tpu.vector_store %arg14[%swap3A_213, %swap3A_214], %swap3A_217 {strides = array<i32>} : memref<128x128xf32, #tpu.memory_space<vmem>>, vector<1x16xf32>,
        %broadcast_in_dim3A_218 = arith.constant 0.000000e+00 : f32
        %broadcast_in_dim3A_219 = vector.broadcast %broadcast_in_dim3A_218 : f32 to vector<16xf32>
        %swap3A_220 = arith.index_cast %add3A_177 : i32 to index
        %swap3A_221 = arith.constant 96 : index
        %swap3A_222 = tpu.vector_load %arg14[%swap3A_220, %swap3A_221] {strides = array<i32>} : memref<128x128xf32, #tpu.memory_space<vmem>>, vector<1x16xf32>,
        %swap3A_223 = vector.shape_cast %swap3A_222 : vector<1x16xf32> to vector<16xf32>
        %swap3A_224 = vector.shape_cast %broadcast_in_dim3A_219 : vector<16xf32> to vector<1x16xf32>
        tpu.vector_store %arg14[%swap3A_220, %swap3A_221], %swap3A_224 {strides = array<i32>} : memref<128x128xf32, #tpu.memory_space<vmem>>, vector<1x16xf32>,
        %broadcast_in_dim3A_225 = arith.constant 0.000000e+00 : f32
        %broadcast_in_dim3A_226 = vector.broadcast %broadcast_in_dim3A_225 : f32 to vector<16xf32>
        %swap3A_227 = arith.index_cast %add3A_177 : i32 to index
        %swap3A_228 = arith.constant 112 : index
        %swap3A_229 = tpu.vector_load %arg14[%swap3A_227, %swap3A_228] {strides = array<i32>} : memref<128x128xf32, #tpu.memory_space<vmem>>, vector<1x16xf32>,
        %swap3A_230 = vector.shape_cast %swap3A_229 : vector<1x16xf32> to vector<16xf32>
        %swap3A_231 = vector.shape_cast %broadcast_in_dim3A_226 : vector<16xf32> to vector<1x16xf32>
        tpu.vector_store %arg14[%swap3A_227, %swap3A_228], %swap3A_231 {strides = array<i32>} : memref<128x128xf32, #tpu.memory_space<vmem>>, vector<1x16xf32>,
      }
      %scan3A_39 = arith.constant 128 : i32
      %mul3A_40 = arith.constant 640 : i32
      %mul3A_41 = arith.muli %arg1, %mul3A_40 : i32
      %add3A_42 = arith.constant 0 : i32
      %add3A_43 = arith.addi %mul3A_41, %add3A_42 : i32
      %dma_start3A_44 = arith.constant 0 : i32
      %dma_start3A_45 = arith.constant 0 : i32
      %dma_start3A_46 = tpu.memref_slice %arg14[%dma_start3A_44, %dma_start3A_45] : memref<128x128xf32, #tpu.memory_space<vmem>> -> memref<128x128xf32, #tpu.memory_space<vmem>>
      %dma_start3A_47 = arith.constant 0 : i32
      %dma_start3A_48 = tpu.memref_slice %arg16[%add3A_43, %dma_start3A_47] : memref<10240x128xf32, #tpu.memory_space<vmem_shared>> -> memref<128x128xf32, #tpu.memory_space<vmem_shared>>
      %dma_start3A_49 = arith.constant 0 : i32
      %dma_start3A_50 = tpu.memref_slice %arg16[%add3A_43, %dma_start3A_49] : memref<10240x128xf32, #tpu.memory_space<vmem_shared>> -> memref<128x128xf32, #tpu.memory_space<vmem_shared>>
      %dma_start3A_51 = arith.constant 0 : i32
      %dma_start3A_52 = arith.constant 0 : i32
      %dma_start3A_53 = tpu.memref_slice %arg14[%dma_start3A_51, %dma_start3A_52] : memref<128x128xf32, #tpu.memory_space<vmem>> -> memref<128x128xf32, #tpu.memory_space<vmem>>
      tpu.enqueue_dma source(%dma_start3A_53 : memref<128x128xf32, #tpu.memory_space<vmem>>) target(%dma_start3A_50 : memref<128x128xf32, #tpu.memory_space<vmem_shared>>) target_semaphore(%arg18 : memref<!tpu.dma_semaphore, #tpu.memory_space<semaphore_mem>>)
      %mul3A_54 = arith.constant 640 : i32
      %mul3A_55 = arith.muli %arg1, %mul3A_54 : i32
      %add3A_56 = arith.constant 128 : i32
      %add3A_57 = arith.addi %mul3A_55, %add3A_56 : i32
      %dma_start3A_58 = arith.constant 0 : i32
      %dma_start3A_59 = arith.constant 0 : i32
      %dma_start3A_60 = tpu.memref_slice %arg14[%dma_start3A_58, %dma_start3A_59] : memref<128x128xf32, #tpu.memory_space<vmem>> -> memref<128x128xf32, #tpu.memory_space<vmem>>
      %dma_start3A_61 = arith.constant 0 : i32
      %dma_start3A_62 = tpu.memref_slice %arg16[%add3A_57, %dma_start3A_61] : memref<10240x128xf32, #tpu.memory_space<vmem_shared>> -> memref<128x128xf32, #tpu.memory_space<vmem_shared>>
      %dma_start3A_63 = arith.constant 0 : i32
      %dma_start3A_64 = tpu.memref_slice %arg16[%add3A_57, %dma_start3A_63] : memref<10240x128xf32, #tpu.memory_space<vmem_shared>> -> memref<128x128xf32, #tpu.memory_space<vmem_shared>>
      %dma_start3A_65 = arith.constant 0 : i32
      %dma_start3A_66 = arith.constant 0 : i32
      %dma_start3A_67 = tpu.memref_slice %arg14[%dma_start3A_65, %dma_start3A_66] : memref<128x128xf32, #tpu.memory_space<vmem>> -> memref<128x128xf32, #tpu.memory_space<vmem>>
      tpu.enqueue_dma source(%dma_start3A_67 : memref<128x128xf32, #tpu.memory_space<vmem>>) target(%dma_start3A_64 : memref<128x128xf32, #tpu.memory_space<vmem_shared>>) target_semaphore(%arg18 : memref<!tpu.dma_semaphore, #tpu.memory_space<semaphore_mem>>)
      %mul3A_68 = arith.constant 640 : i32
      %mul3A_69 = arith.muli %arg1, %mul3A_68 : i32
      %add3A_70 = arith.constant 256 : i32
      %add3A_71 = arith.addi %mul3A_69, %add3A_70 : i32
      %dma_start3A_72 = arith.constant 0 : i32
      %dma_start3A_73 = arith.constant 0 : i32
      %dma_start3A_74 = tpu.memref_slice %arg14[%dma_start3A_72, %dma_start3A_73] : memref<128x128xf32, #tpu.memory_space<vmem>> -> memref<128x128xf32, #tpu.memory_space<vmem>>
      %dma_start3A_75 = arith.constant 0 : i32
      %dma_start3A_76 = tpu.memref_slice %arg16[%add3A_71, %dma_start3A_75] : memref<10240x128xf32, #tpu.memory_space<vmem_shared>> -> memref<128x128xf32, #tpu.memory_space<vmem_shared>>
      %dma_start3A_77 = arith.constant 0 : i32
      %dma_start3A_78 = tpu.memref_slice %arg16[%add3A_71, %dma_start3A_77] : memref<10240x128xf32, #tpu.memory_space<vmem_shared>> -> memref<128x128xf32, #tpu.memory_space<vmem_shared>>
      %dma_start3A_79 = arith.constant 0 : i32
      %dma_start3A_80 = arith.constant 0 : i32
      %dma_start3A_81 = tpu.memref_slice %arg14[%dma_start3A_79, %dma_start3A_80] : memref<128x128xf32, #tpu.memory_space<vmem>> -> memref<128x128xf32, #tpu.memory_space<vmem>>
      tpu.enqueue_dma source(%dma_start3A_81 : memref<128x128xf32, #tpu.memory_space<vmem>>) target(%dma_start3A_78 : memref<128x128xf32, #tpu.memory_space<vmem_shared>>) target_semaphore(%arg18 : memref<!tpu.dma_semaphore, #tpu.memory_space<semaphore_mem>>)
      %mul3A_82 = arith.constant 640 : i32
      %mul3A_83 = arith.muli %arg1, %mul3A_82 : i32
      %add3A_84 = arith.constant 384 : i32
      %add3A_85 = arith.addi %mul3A_83, %add3A_84 : i32
      %dma_start3A_86 = arith.constant 0 : i32
      %dma_start3A_87 = arith.constant 0 : i32
      %dma_start3A_88 = tpu.memref_slice %arg14[%dma_start3A_86, %dma_start3A_87] : memref<128x128xf32, #tpu.memory_space<vmem>> -> memref<128x128xf32, #tpu.memory_space<vmem>>
      %dma_start3A_89 = arith.constant 0 : i32
      %dma_start3A_90 = tpu.memref_slice %arg16[%add3A_85, %dma_start3A_89] : memref<10240x128xf32, #tpu.memory_space<vmem_shared>> -> memref<128x128xf32, #tpu.memory_space<vmem_shared>>
      %dma_start3A_91 = arith.constant 0 : i32
      %dma_start3A_92 = tpu.memref_slice %arg16[%add3A_85, %dma_start3A_91] : memref<10240x128xf32, #tpu.memory_space<vmem_shared>> -> memref<128x128xf32, #tpu.memory_space<vmem_shared>>
      %dma_start3A_93 = arith.constant 0 : i32
      %dma_start3A_94 = arith.constant 0 : i32
      %dma_start3A_95 = tpu.memref_slice %arg14[%dma_start3A_93, %dma_start3A_94] : memref<128x128xf32, #tpu.memory_space<vmem>> -> memref<128x128xf32, #tpu.memory_space<vmem>>
      tpu.enqueue_dma source(%dma_start3A_95 : memref<128x128xf32, #tpu.memory_space<vmem>>) target(%dma_start3A_92 : memref<128x128xf32, #tpu.memory_space<vmem_shared>>) target_semaphore(%arg18 : memref<!tpu.dma_semaphore, #tpu.memory_space<semaphore_mem>>)
      %mul3A_96 = arith.constant 640 : i32
      %mul3A_97 = arith.muli %arg1, %mul3A_96 : i32
      %add3A_98 = arith.constant 512 : i32
      %add3A_99 = arith.addi %mul3A_97, %add3A_98 : i32
      %dma_start3A_100 = arith.constant 0 : i32
      %dma_start3A_101 = arith.constant 0 : i32
      %dma_start3A_102 = tpu.memref_slice %arg14[%dma_start3A_100, %dma_start3A_101] : memref<128x128xf32, #tpu.memory_space<vmem>> -> memref<128x128xf32, #tpu.memory_space<vmem>>
      %dma_start3A_103 = arith.constant 0 : i32
      %dma_start3A_104 = tpu.memref_slice %arg16[%add3A_99, %dma_start3A_103] : memref<10240x128xf32, #tpu.memory_space<vmem_shared>> -> memref<128x128xf32, #tpu.memory_space<vmem_shared>>
      %dma_start3A_105 = arith.constant 0 : i32
      %dma_start3A_106 = tpu.memref_slice %arg16[%add3A_99, %dma_start3A_105] : memref<10240x128xf32, #tpu.memory_space<vmem_shared>> -> memref<128x128xf32, #tpu.memory_space<vmem_shared>>
      %dma_start3A_107 = arith.constant 0 : i32
      %dma_start3A_108 = arith.constant 0 : i32
      %dma_start3A_109 = tpu.memref_slice %arg14[%dma_start3A_107, %dma_start3A_108] : memref<128x128xf32, #tpu.memory_space<vmem>> -> memref<128x128xf32, #tpu.memory_space<vmem>>
      tpu.enqueue_dma source(%dma_start3A_109 : memref<128x128xf32, #tpu.memory_space<vmem>>) target(%dma_start3A_106 : memref<128x128xf32, #tpu.memory_space<vmem_shared>>) target_semaphore(%arg18 : memref<!tpu.dma_semaphore, #tpu.memory_space<semaphore_mem>>)
      %mul3A_110 = arith.constant 640 : i32
      %mul3A_111 = arith.muli %arg1, %mul3A_110 : i32
      %dma_wait3A = arith.constant 0 : i32
      %dma_wait3A_112 = arith.constant 0 : i32
      %dma_wait3A_113 = tpu.memref_slice %arg14[%dma_wait3A, %dma_wait3A_112] : memref<128x128xf32, #tpu.memory_space<vmem>> -> memref<128x128xf32, #tpu.memory_space<vmem>>
      %dma_wait3A_114 = arith.constant 0 : i32
      %dma_wait3A_115 = tpu.memref_slice %arg16[%mul3A_111, %dma_wait3A_114] : memref<10240x128xf32, #tpu.memory_space<vmem_shared>> -> memref<128x128xf32, #tpu.memory_space<vmem_shared>>
      %dma_wait3A_116 = arith.constant 0 : i32
      %dma_wait3A_117 = tpu.memref_slice %arg16[%mul3A_111, %dma_wait3A_116] : memref<10240x128xf32, #tpu.memory_space<vmem_shared>> -> memref<128x128xf32, #tpu.memory_space<vmem_shared>>
      %dma_wait3A_118 = arith.constant 0 : i32
      %dma_wait3A_119 = arith.constant 0 : i32
      %dma_wait3A_120 = tpu.memref_slice %arg14[%dma_wait3A_118, %dma_wait3A_119] : memref<128x128xf32, #tpu.memory_space<vmem>> -> memref<128x128xf32, #tpu.memory_space<vmem>>
      tpu.wait_dma2 semaphore(%arg18 : memref<!tpu.dma_semaphore, #tpu.memory_space<semaphore_mem>>) src(%dma_wait3A_120 : memref<128x128xf32, #tpu.memory_space<vmem>>) dst(%dma_wait3A_117 : memref<128x128xf32, #tpu.memory_space<vmem_shared>>)
      %mul3A_121 = arith.constant 640 : i32
      %mul3A_122 = arith.muli %arg1, %mul3A_121 : i32
      %dma_wait3A_123 = arith.constant 0 : i32
      %dma_wait3A_124 = arith.constant 0 : i32
      %dma_wait3A_125 = tpu.memref_slice %arg14[%dma_wait3A_123, %dma_wait3A_124] : memref<128x128xf32, #tpu.memory_space<vmem>> -> memref<128x128xf32, #tpu.memory_space<vmem>>
      %dma_wait3A_126 = arith.constant 0 : i32
      %dma_wait3A_127 = tpu.memref_slice %arg16[%mul3A_122, %dma_wait3A_126] : memref<10240x128xf32, #tpu.memory_space<vmem_shared>> -> memref<128x128xf32, #tpu.memory_space<vmem_shared>>
      %dma_wait3A_128 = arith.constant 0 : i32
      %dma_wait3A_129 = tpu.memref_slice %arg16[%mul3A_122, %dma_wait3A_128] : memref<10240x128xf32, #tpu.memory_space<vmem_shared>> -> memref<128x128xf32, #tpu.memory_space<vmem_shared>>
      %dma_wait3A_130 = arith.constant 0 : i32
      %dma_wait3A_131 = arith.constant 0 : i32
      %dma_wait3A_132 = tpu.memref_slice %arg14[%dma_wait3A_130, %dma_wait3A_131] : memref<128x128xf32, #tpu.memory_space<vmem>> -> memref<128x128xf32, #tpu.memory_space<vmem>>
      tpu.wait_dma2 semaphore(%arg18 : memref<!tpu.dma_semaphore, #tpu.memory_space<semaphore_mem>>) src(%dma_wait3A_132 : memref<128x128xf32, #tpu.memory_space<vmem>>) dst(%dma_wait3A_129 : memref<128x128xf32, #tpu.memory_space<vmem_shared>>)
      %mul3A_133 = arith.constant 640 : i32
      %mul3A_134 = arith.muli %arg1, %mul3A_133 : i32
      %dma_wait3A_135 = arith.constant 0 : i32
      %dma_wait3A_136 = arith.constant 0 : i32
      %dma_wait3A_137 = tpu.memref_slice %arg14[%dma_wait3A_135, %dma_wait3A_136] : memref<128x128xf32, #tpu.memory_space<vmem>> -> memref<128x128xf32, #tpu.memory_space<vmem>>
      %dma_wait3A_138 = arith.constant 0 : i32
      %dma_wait3A_139 = tpu.memref_slice %arg16[%mul3A_134, %dma_wait3A_138] : memref<10240x128xf32, #tpu.memory_space<vmem_shared>> -> memref<128x128xf32, #tpu.memory_space<vmem_shared>>
      %dma_wait3A_140 = arith.constant 0 : i32
      %dma_wait3A_141 = tpu.memref_slice %arg16[%mul3A_134, %dma_wait3A_140] : memref<10240x128xf32, #tpu.memory_space<vmem_shared>> -> memref<128x128xf32, #tpu.memory_space<vmem_shared>>
      %dma_wait3A_142 = arith.constant 0 : i32
      %dma_wait3A_143 = arith.constant 0 : i32
      %dma_wait3A_144 = tpu.memref_slice %arg14[%dma_wait3A_142, %dma_wait3A_143] : memref<128x128xf32, #tpu.memory_space<vmem>> -> memref<128x128xf32, #tpu.memory_space<vmem>>
      tpu.wait_dma2 semaphore(%arg18 : memref<!tpu.dma_semaphore, #tpu.memory_space<semaphore_mem>>) src(%dma_wait3A_144 : memref<128x128xf32, #tpu.memory_space<vmem>>) dst(%dma_wait3A_141 : memref<128x128xf32, #tpu.memory_space<vmem_shared>>)
      %mul3A_145 = arith.constant 640 : i32
      %mul3A_146 = arith.muli %arg1, %mul3A_145 : i32
      %dma_wait3A_147 = arith.constant 0 : i32
      %dma_wait3A_148 = arith.constant 0 : i32
      %dma_wait3A_149 = tpu.memref_slice %arg14[%dma_wait3A_147, %dma_wait3A_148] : memref<128x128xf32, #tpu.memory_space<vmem>> -> memref<128x128xf32, #tpu.memory_space<vmem>>
      %dma_wait3A_150 = arith.constant 0 : i32
      %dma_wait3A_151 = tpu.memref_slice %arg16[%mul3A_146, %dma_wait3A_150] : memref<10240x128xf32, #tpu.memory_space<vmem_shared>> -> memref<128x128xf32, #tpu.memory_space<vmem_shared>>
      %dma_wait3A_152 = arith.constant 0 : i32
      %dma_wait3A_153 = tpu.memref_slice %arg16[%mul3A_146, %dma_wait3A_152] : memref<10240x128xf32, #tpu.memory_space<vmem_shared>> -> memref<128x128xf32, #tpu.memory_space<vmem_shared>>
      %dma_wait3A_154 = arith.constant 0 : i32
      %dma_wait3A_155 = arith.constant 0 : i32
      %dma_wait3A_156 = tpu.memref_slice %arg14[%dma_wait3A_154, %dma_wait3A_155] : memref<128x128xf32, #tpu.memory_space<vmem>> -> memref<128x128xf32, #tpu.memory_space<vmem>>
      tpu.wait_dma2 semaphore(%arg18 : memref<!tpu.dma_semaphore, #tpu.memory_space<semaphore_mem>>) src(%dma_wait3A_156 : memref<128x128xf32, #tpu.memory_space<vmem>>) dst(%dma_wait3A_153 : memref<128x128xf32, #tpu.memory_space<vmem_shared>>)
      %mul3A_157 = arith.constant 640 : i32
      %mul3A_158 = arith.muli %arg1, %mul3A_157 : i32
      %dma_wait3A_159 = arith.constant 0 : i32
      %dma_wait3A_160 = arith.constant 0 : i32
      %dma_wait3A_161 = tpu.memref_slice %arg14[%dma_wait3A_159, %dma_wait3A_160] : memref<128x128xf32, #tpu.memory_space<vmem>> -> memref<128x128xf32, #tpu.memory_space<vmem>>
      %dma_wait3A_162 = arith.constant 0 : i32
      %dma_wait3A_163 = tpu.memref_slice %arg16[%mul3A_158, %dma_wait3A_162] : memref<10240x128xf32, #tpu.memory_space<vmem_shared>> -> memref<128x128xf32, #tpu.memory_space<vmem_shared>>
      %dma_wait3A_164 = arith.constant 0 : i32
      %dma_wait3A_165 = tpu.memref_slice %arg16[%mul3A_158, %dma_wait3A_164] : memref<10240x128xf32, #tpu.memory_space<vmem_shared>> -> memref<128x128xf32, #tpu.memory_space<vmem_shared>>
      %dma_wait3A_166 = arith.constant 0 : i32
      %dma_wait3A_167 = arith.constant 0 : i32
      %dma_wait3A_168 = tpu.memref_slice %arg14[%dma_wait3A_166, %dma_wait3A_167] : memref<128x128xf32, #tpu.memory_space<vmem>> -> memref<128x128xf32, #tpu.memory_space<vmem>>
      tpu.wait_dma2 semaphore(%arg18 : memref<!tpu.dma_semaphore, #tpu.memory_space<semaphore_mem>>) src(%dma_wait3A_168 : memref<128x128xf32, #tpu.memory_space<vmem>>) dst(%dma_wait3A_165 : memref<128x128xf32, #tpu.memory_space<vmem_shared>>)
      %dma_wait3A_169 = tpu.memref_slice %arg3[%mul3A_0] : memref<327680xi32, #tpu.memory_space<hbm>> -> memref<128xi32, #tpu.memory_space<hbm>>
      %dma_wait3A_170 = tpu.memref_slice %arg3[%mul3A_0] : memref<327680xi32, #tpu.memory_space<hbm>> -> memref<128xi32, #tpu.memory_space<hbm>>
      tpu.wait_dma2 semaphore(%arg17 : memref<!tpu.dma_semaphore, #tpu.memory_space<semaphore_mem>>) src(%dma_wait3A_170 : memref<128xi32, #tpu.memory_space<hbm>>) dst(%arg6 : memref<128xi32, #tpu.memory_space<vmem>>)
      %dma_wait3A_171 = tpu.memref_slice %arg4[%mul3A_0] : memref<327680xi32, #tpu.memory_space<hbm>> -> memref<128xi32, #tpu.memory_space<hbm>>
      %dma_wait3A_172 = tpu.memref_slice %arg4[%mul3A_0] : memref<327680xi32, #tpu.memory_space<hbm>> -> memref<128xi32, #tpu.memory_space<hbm>>
      tpu.wait_dma2 semaphore(%arg17 : memref<!tpu.dma_semaphore, #tpu.memory_space<semaphore_mem>>) src(%dma_wait3A_172 : memref<128xi32, #tpu.memory_space<hbm>>) dst(%arg10 : memref<128xi32, #tpu.memory_space<vmem>>)
    } else {
    }
    %barrier3A = arith.constant 0 : index
    tpu.barrier barrier_id(%barrier3A)
    %eq3A_3 = arith.constant 1 : i32
    %eq3A_4 = arith.cmpi eq, %arg0, %eq3A_3 : i32
    %convert_element_type3A_5 = arith.extui %eq3A_4 : i1 to i32
    %cond3A_6 = arith.constant 0 : i32
    %cond3A_7 = arith.cmpi ne, %convert_element_type3A_5, %cond3A_6 : i32
    scf.if %cond3A_7 {
      %dma_start3A = arith.constant 0 : i32
      %dma_start3A_14 = arith.constant 0 : i32
      %dma_start3A_15 = tpu.memref_slice %arg2[%dma_start3A, %dma_start3A_14] : memref<10000x128xf32, #tpu.memory_space<hbm>> -> memref<10000x128xf32, #tpu.memory_space<hbm>>
      tpu.enqueue_indirect_dma source(%dma_start3A_15 : memref<10000x128xf32, #tpu.memory_space<hbm>>) target(%arg14 : memref<128x128xf32, #tpu.memory_space<vmem>>) offsets(%arg6 : memref<128xi32, #tpu.memory_space<vmem>>) semaphore(%arg18 : memref<!tpu.dma_semaphore, #tpu.memory_space<semaphore_mem>>)
      %scan3A = arith.constant 0 : i32
      %scan3A_16 = arith.constant 40 : i32
      %scan3A_17 = arith.addi %scan3A, %scan3A_16 : i32
      %scan3A_18 = arith.constant 1 : i32
      scf.for %scan3A_22 = %scan3A to %scan3A_17 step %scan3A_18  : i32 {
        %mul3A_23 = arith.constant 1 : i32
        %mul3A_24 = arith.muli %scan3A_22, %mul3A_23 : i32
        %add3A = arith.constant 0 : i32
        %add3A_25 = arith.addi %add3A, %mul3A_24 : i32
        %mul3A_26 = arith.constant 4 : i32
        %mul3A_27 = arith.muli %add3A_25, %mul3A_26 : i32
        %add3A_28 = arith.constant 0 : i32
        %add3A_29 = arith.addi %mul3A_27, %add3A_28 : i32
        %dma_wait3A_30 = arith.constant 0 : i32
        %dma_wait3A_31 = arith.constant 0 : i32
        %dma_wait3A_32 = tpu.memref_slice %arg2[%dma_wait3A_30, %dma_wait3A_31] : memref<10000x128xf32, #tpu.memory_space<hbm>> -> memref<10000x128xf32, #tpu.memory_space<hbm>>
        tpu.wait_indirect_dma semaphore(%arg18 : memref<!tpu.dma_semaphore, #tpu.memory_space<semaphore_mem>>) src(%dma_wait3A_32 : memref<10000x128xf32, #tpu.memory_space<hbm>>) dst(%arg14 : memref<128x128xf32, #tpu.memory_space<vmem>>)
        %dma_start3A_33 = arith.constant 0 : i32
        %dma_start3A_34 = arith.constant 0 : i32
        %dma_start3A_35 = tpu.memref_slice %arg16[%dma_start3A_33, %dma_start3A_34] : memref<10240x128xf32, #tpu.memory_space<vmem_shared>> -> memref<10240x128xf32, #tpu.memory_space<vmem_shared>>
        tpu.enqueue_indirect_dma source(%arg14 : memref<128x128xf32, #tpu.memory_space<vmem>>) target(%dma_start3A_35 : memref<10240x128xf32, #tpu.memory_space<vmem_shared>>) offsets(%arg10 : memref<128xi32, #tpu.memory_space<vmem>>) semaphore(%arg19 : memref<!tpu.dma_semaphore, #tpu.memory_space<semaphore_mem>>) {add = true}
        %gt3A = arith.constant 0 : i32
        %gt3A_36 = arith.cmpi sgt, %add3A_25, %gt3A : i32
        %convert_element_type3A_37 = arith.extui %gt3A_36 : i1 to i32
        %cond3A_38 = arith.constant 0 : i32
        %cond3A_39 = arith.cmpi ne, %convert_element_type3A_37, %cond3A_38 : i32
        scf.if %cond3A_39 {
          %dma_wait3A_131 = arith.constant 0 : i32
          %dma_wait3A_132 = arith.constant 0 : i32
          %dma_wait3A_133 = tpu.memref_slice %arg16[%dma_wait3A_131, %dma_wait3A_132] : memref<10240x128xf32, #tpu.memory_space<vmem_shared>> -> memref<10240x128xf32, #tpu.memory_space<vmem_shared>>
          tpu.wait_indirect_dma semaphore(%arg19 : memref<!tpu.dma_semaphore, #tpu.memory_space<semaphore_mem>>) src(%arg15 : memref<128x128xf32, #tpu.memory_space<vmem>>) dst(%dma_wait3A_133 : memref<10240x128xf32, #tpu.memory_space<vmem_shared>>)
        } else {
        }
        %dma_wait3A_40 = tpu.memref_slice %arg3[%mul3A_0] : memref<327680xi32, #tpu.memory_space<hbm>> -> memref<128xi32, #tpu.memory_space<hbm>>
        %dma_wait3A_41 = tpu.memref_slice %arg3[%mul3A_0] : memref<327680xi32, #tpu.memory_space<hbm>> -> memref<128xi32, #tpu.memory_space<hbm>>
        tpu.wait_dma2 semaphore(%arg17 : memref<!tpu.dma_semaphore, #tpu.memory_space<semaphore_mem>>) src(%dma_wait3A_41 : memref<128xi32, #tpu.memory_space<hbm>>) dst(%arg7 : memref<128xi32, #tpu.memory_space<vmem>>)
        %dma_wait3A_42 = tpu.memref_slice %arg4[%mul3A_0] : memref<327680xi32, #tpu.memory_space<hbm>> -> memref<128xi32, #tpu.memory_space<hbm>>
        %dma_wait3A_43 = tpu.memref_slice %arg4[%mul3A_0] : memref<327680xi32, #tpu.memory_space<hbm>> -> memref<128xi32, #tpu.memory_space<hbm>>
        tpu.wait_dma2 semaphore(%arg17 : memref<!tpu.dma_semaphore, #tpu.memory_space<semaphore_mem>>) src(%dma_wait3A_43 : memref<128xi32, #tpu.memory_space<hbm>>) dst(%arg11 : memref<128xi32, #tpu.memory_space<vmem>>)
        %dma_start3A_44 = arith.constant 0 : i32
        %dma_start3A_45 = arith.constant 0 : i32
        %dma_start3A_46 = tpu.memref_slice %arg2[%dma_start3A_44, %dma_start3A_45] : memref<10000x128xf32, #tpu.memory_space<hbm>> -> memref<10000x128xf32, #tpu.memory_space<hbm>>
        tpu.enqueue_indirect_dma source(%dma_start3A_46 : memref<10000x128xf32, #tpu.memory_space<hbm>>) target(%arg15 : memref<128x128xf32, #tpu.memory_space<vmem>>) offsets(%arg7 : memref<128xi32, #tpu.memory_space<vmem>>) semaphore(%arg18 : memref<!tpu.dma_semaphore, #tpu.memory_space<semaphore_mem>>)
        %add3A_47 = arith.constant 3 : i32
        %add3A_48 = arith.addi %add3A_29, %add3A_47 : i32
        %mul3A_49 = arith.constant 128 : i32
        %mul3A_50 = arith.muli %add3A_48, %mul3A_49 : i32
        %add3A_51 = arith.addi %mul3A_0, %mul3A_50 : i32
        %dma_start3A_52 = tpu.memref_slice %arg3[%add3A_51] : memref<327680xi32, #tpu.memory_space<hbm>> -> memref<128xi32, #tpu.memory_space<hbm>>
        %dma_start3A_53 = tpu.memref_slice %arg3[%add3A_51] : memref<327680xi32, #tpu.memory_space<hbm>> -> memref<128xi32, #tpu.memory_space<hbm>>
        tpu.enqueue_dma source(%dma_start3A_53 : memref<128xi32, #tpu.memory_space<hbm>>) target(%arg9 : memref<128xi32, #tpu.memory_space<vmem>>) target_semaphore(%arg17 : memref<!tpu.dma_semaphore, #tpu.memory_space<semaphore_mem>>)
        %mul3A_54 = arith.constant 128 : i32
        %mul3A_55 = arith.muli %add3A_48, %mul3A_54 : i32
        %add3A_56 = arith.addi %mul3A_0, %mul3A_55 : i32
        %dma_start3A_57 = tpu.memref_slice %arg4[%add3A_56] : memref<327680xi32, #tpu.memory_space<hbm>> -> memref<128xi32, #tpu.memory_space<hbm>>
        %dma_start3A_58 = tpu.memref_slice %arg4[%add3A_56] : memref<327680xi32, #tpu.memory_space<hbm>> -> memref<128xi32, #tpu.memory_space<hbm>>
        tpu.enqueue_dma source(%dma_start3A_58 : memref<128xi32, #tpu.memory_space<hbm>>) target(%arg13 : memref<128xi32, #tpu.memory_space<vmem>>) target_semaphore(%arg17 : memref<!tpu.dma_semaphore, #tpu.memory_space<semaphore_mem>>)
        %mul3A_59 = arith.constant 4 : i32
        %mul3A_60 = arith.muli %add3A_25, %mul3A_59 : i32
        %add3A_61 = arith.constant 1 : i32
        %add3A_62 = arith.addi %mul3A_60, %add3A_61 : i32
        %dma_wait3A_63 = arith.constant 0 : i32
        %dma_wait3A_64 = arith.constant 0 : i32
        %dma_wait3A_65 = tpu.memref_slice %arg2[%dma_wait3A_63, %dma_wait3A_64] : memref<10000x128xf32, #tpu.memory_space<hbm>> -> memref<10000x128xf32, #tpu.memory_space<hbm>>
        tpu.wait_indirect_dma semaphore(%arg18 : memref<!tpu.dma_semaphore, #tpu.memory_space<semaphore_mem>>) src(%dma_wait3A_65 : memref<10000x128xf32, #tpu.memory_space<hbm>>) dst(%arg15 : memref<128x128xf32, #tpu.memory_space<vmem>>)
        %dma_start3A_66 = arith.constant 0 : i32
        %dma_start3A_67 = arith.constant 0 : i32
        %dma_start3A_68 = tpu.memref_slice %arg16[%dma_start3A_66, %dma_start3A_67] : memref<10240x128xf32, #tpu.memory_space<vmem_shared>> -> memref<10240x128xf32, #tpu.memory_space<vmem_shared>>
        tpu.enqueue_indirect_dma source(%arg15 : memref<128x128xf32, #tpu.memory_space<vmem>>) target(%dma_start3A_68 : memref<10240x128xf32, #tpu.memory_space<vmem_shared>>) offsets(%arg11 : memref<128xi32, #tpu.memory_space<vmem>>) semaphore(%arg19 : memref<!tpu.dma_semaphore, #tpu.memory_space<semaphore_mem>>) {add = true}
        %dma_wait3A_69 = arith.constant 0 : i32
        %dma_wait3A_70 = arith.constant 0 : i32
        %dma_wait3A_71 = tpu.memref_slice %arg16[%dma_wait3A_69, %dma_wait3A_70] : memref<10240x128xf32, #tpu.memory_space<vmem_shared>> -> memref<10240x128xf32, #tpu.memory_space<vmem_shared>>
        tpu.wait_indirect_dma semaphore(%arg19 : memref<!tpu.dma_semaphore, #tpu.memory_space<semaphore_mem>>) src(%arg14 : memref<128x128xf32, #tpu.memory_space<vmem>>) dst(%dma_wait3A_71 : memref<10240x128xf32, #tpu.memory_space<vmem_shared>>)
        %dma_wait3A_72 = tpu.memref_slice %arg3[%mul3A_0] : memref<327680xi32, #tpu.memory_space<hbm>> -> memref<128xi32, #tpu.memory_space<hbm>>
        %dma_wait3A_73 = tpu.memref_slice %arg3[%mul3A_0] : memref<327680xi32, #tpu.memory_space<hbm>> -> memref<128xi32, #tpu.memory_space<hbm>>
        tpu.wait_dma2 semaphore(%arg17 : memref<!tpu.dma_semaphore, #tpu.memory_space<semaphore_mem>>) src(%dma_wait3A_73 : memref<128xi32, #tpu.memory_space<hbm>>) dst(%arg8 : memref<128xi32, #tpu.memory_space<vmem>>)
        %dma_wait3A_74 = tpu.memref_slice %arg4[%mul3A_0] : memref<327680xi32, #tpu.memory_space<hbm>> -> memref<128xi32, #tpu.memory_space<hbm>>
        %dma_wait3A_75 = tpu.memref_slice %arg4[%mul3A_0] : memref<327680xi32, #tpu.memory_space<hbm>> -> memref<128xi32, #tpu.memory_space<hbm>>
        tpu.wait_dma2 semaphore(%arg17 : memref<!tpu.dma_semaphore, #tpu.memory_space<semaphore_mem>>) src(%dma_wait3A_75 : memref<128xi32, #tpu.memory_space<hbm>>) dst(%arg12 : memref<128xi32, #tpu.memory_space<vmem>>)
        %dma_start3A_76 = arith.constant 0 : i32
        %dma_start3A_77 = arith.constant 0 : i32
        %dma_start3A_78 = tpu.memref_slice %arg2[%dma_start3A_76, %dma_start3A_77] : memref<10000x128xf32, #tpu.memory_space<hbm>> -> memref<10000x128xf32, #tpu.memory_space<hbm>>
        tpu.enqueue_indirect_dma source(%dma_start3A_78 : memref<10000x128xf32, #tpu.memory_space<hbm>>) target(%arg14 : memref<128x128xf32, #tpu.memory_space<vmem>>) offsets(%arg8 : memref<128xi32, #tpu.memory_space<vmem>>) semaphore(%arg18 : memref<!tpu.dma_semaphore, #tpu.memory_space<semaphore_mem>>)
        %lt3A = arith.constant 39 : i32
        %lt3A_79 = arith.cmpi slt, %add3A_25, %lt3A : i32
        %convert_element_type3A_80 = arith.extui %lt3A_79 : i1 to i32
        %cond3A_81 = arith.constant 0 : i32
        %cond3A_82 = arith.cmpi ne, %convert_element_type3A_80, %cond3A_81 : i32
        scf.if %cond3A_82 {
          %add3A_131 = arith.constant 3 : i32
          %add3A_132 = arith.addi %add3A_62, %add3A_131 : i32
          %mul3A_133 = arith.constant 128 : i32
          %mul3A_134 = arith.muli %add3A_132, %mul3A_133 : i32
          %add3A_135 = arith.addi %mul3A_0, %mul3A_134 : i32
          %dma_start3A_136 = tpu.memref_slice %arg3[%add3A_135] : memref<327680xi32, #tpu.memory_space<hbm>> -> memref<128xi32, #tpu.memory_space<hbm>>
          %dma_start3A_137 = tpu.memref_slice %arg3[%add3A_135] : memref<327680xi32, #tpu.memory_space<hbm>> -> memref<128xi32, #tpu.memory_space<hbm>>
          tpu.enqueue_dma source(%dma_start3A_137 : memref<128xi32, #tpu.memory_space<hbm>>) target(%arg6 : memref<128xi32, #tpu.memory_space<vmem>>) target_semaphore(%arg17 : memref<!tpu.dma_semaphore, #tpu.memory_space<semaphore_mem>>)
          %mul3A_138 = arith.constant 128 : i32
          %mul3A_139 = arith.muli %add3A_132, %mul3A_138 : i32
          %add3A_140 = arith.addi %mul3A_0, %mul3A_139 : i32
          %dma_start3A_141 = tpu.memref_slice %arg4[%add3A_140] : memref<327680xi32, #tpu.memory_space<hbm>> -> memref<128xi32, #tpu.memory_space<hbm>>
          %dma_start3A_142 = tpu.memref_slice %arg4[%add3A_140] : memref<327680xi32, #tpu.memory_space<hbm>> -> memref<128xi32, #tpu.memory_space<hbm>>
          tpu.enqueue_dma source(%dma_start3A_142 : memref<128xi32, #tpu.memory_space<hbm>>) target(%arg10 : memref<128xi32, #tpu.memory_space<vmem>>) target_semaphore(%arg17 : memref<!tpu.dma_semaphore, #tpu.memory_space<semaphore_mem>>)
        } else {
        }
        %mul3A_83 = arith.constant 4 : i32
        %mul3A_84 = arith.muli %add3A_25, %mul3A_83 : i32
        %add3A_85 = arith.constant 2 : i32
        %add3A_86 = arith.addi %mul3A_84, %add3A_85 : i32
        %dma_wait3A_87 = arith.constant 0 : i32
        %dma_wait3A_88 = arith.constant 0 : i32
        %dma_wait3A_89 = tpu.memref_slice %arg2[%dma_wait3A_87, %dma_wait3A_88] : memref<10000x128xf32, #tpu.memory_space<hbm>> -> memref<10000x128xf32, #tpu.memory_space<hbm>>
        tpu.wait_indirect_dma semaphore(%arg18 : memref<!tpu.dma_semaphore, #tpu.memory_space<semaphore_mem>>) src(%dma_wait3A_89 : memref<10000x128xf32, #tpu.memory_space<hbm>>) dst(%arg14 : memref<128x128xf32, #tpu.memory_space<vmem>>)
        %dma_start3A_90 = arith.constant 0 : i32
        %dma_start3A_91 = arith.constant 0 : i32
        %dma_start3A_92 = tpu.memref_slice %arg16[%dma_start3A_90, %dma_start3A_91] : memref<10240x128xf32, #tpu.memory_space<vmem_shared>> -> memref<10240x128xf32, #tpu.memory_space<vmem_shared>>
        tpu.enqueue_indirect_dma source(%arg14 : memref<128x128xf32, #tpu.memory_space<vmem>>) target(%dma_start3A_92 : memref<10240x128xf32, #tpu.memory_space<vmem_shared>>) offsets(%arg12 : memref<128xi32, #tpu.memory_space<vmem>>) semaphore(%arg19 : memref<!tpu.dma_semaphore, #tpu.memory_space<semaphore_mem>>) {add = true}
        %dma_wait3A_93 = arith.constant 0 : i32
        %dma_wait3A_94 = arith.constant 0 : i32
        %dma_wait3A_95 = tpu.memref_slice %arg16[%dma_wait3A_93, %dma_wait3A_94] : memref<10240x128xf32, #tpu.memory_space<vmem_shared>> -> memref<10240x128xf32, #tpu.memory_space<vmem_shared>>
        tpu.wait_indirect_dma semaphore(%arg19 : memref<!tpu.dma_semaphore, #tpu.memory_space<semaphore_mem>>) src(%arg15 : memref<128x128xf32, #tpu.memory_space<vmem>>) dst(%dma_wait3A_95 : memref<10240x128xf32, #tpu.memory_space<vmem_shared>>)
        %dma_wait3A_96 = tpu.memref_slice %arg3[%mul3A_0] : memref<327680xi32, #tpu.memory_space<hbm>> -> memref<128xi32, #tpu.memory_space<hbm>>
        %dma_wait3A_97 = tpu.memref_slice %arg3[%mul3A_0] : memref<327680xi32, #tpu.memory_space<hbm>> -> memref<128xi32, #tpu.memory_space<hbm>>
        tpu.wait_dma2 semaphore(%arg17 : memref<!tpu.dma_semaphore, #tpu.memory_space<semaphore_mem>>) src(%dma_wait3A_97 : memref<128xi32, #tpu.memory_space<hbm>>) dst(%arg9 : memref<128xi32, #tpu.memory_space<vmem>>)
        %dma_wait3A_98 = tpu.memref_slice %arg4[%mul3A_0] : memref<327680xi32, #tpu.memory_space<hbm>> -> memref<128xi32, #tpu.memory_space<hbm>>
        %dma_wait3A_99 = tpu.memref_slice %arg4[%mul3A_0] : memref<327680xi32, #tpu.memory_space<hbm>> -> memref<128xi32, #tpu.memory_space<hbm>>
        tpu.wait_dma2 semaphore(%arg17 : memref<!tpu.dma_semaphore, #tpu.memory_space<semaphore_mem>>) src(%dma_wait3A_99 : memref<128xi32, #tpu.memory_space<hbm>>) dst(%arg13 : memref<128xi32, #tpu.memory_space<vmem>>)
        %dma_start3A_100 = arith.constant 0 : i32
        %dma_start3A_101 = arith.constant 0 : i32
        %dma_start3A_102 = tpu.memref_slice %arg2[%dma_start3A_100, %dma_start3A_101] : memref<10000x128xf32, #tpu.memory_space<hbm>> -> memref<10000x128xf32, #tpu.memory_space<hbm>>
        tpu.enqueue_indirect_dma source(%dma_start3A_102 : memref<10000x128xf32, #tpu.memory_space<hbm>>) target(%arg15 : memref<128x128xf32, #tpu.memory_space<vmem>>) offsets(%arg9 : memref<128xi32, #tpu.memory_space<vmem>>) semaphore(%arg18 : memref<!tpu.dma_semaphore, #tpu.memory_space<semaphore_mem>>)
        %lt3A_103 = arith.constant 39 : i32
        %lt3A_104 = arith.cmpi slt, %add3A_25, %lt3A_103 : i32
        %convert_element_type3A_105 = arith.extui %lt3A_104 : i1 to i32
        %cond3A_106 = arith.constant 0 : i32
        %cond3A_107 = arith.cmpi ne, %convert_element_type3A_105, %cond3A_106 : i32
        scf.if %cond3A_107 {
          %add3A_131 = arith.constant 3 : i32
          %add3A_132 = arith.addi %add3A_86, %add3A_131 : i32
          %mul3A_133 = arith.constant 128 : i32
          %mul3A_134 = arith.muli %add3A_132, %mul3A_133 : i32
          %add3A_135 = arith.addi %mul3A_0, %mul3A_134 : i32
          %dma_start3A_136 = tpu.memref_slice %arg3[%add3A_135] : memref<327680xi32, #tpu.memory_space<hbm>> -> memref<128xi32, #tpu.memory_space<hbm>>
          %dma_start3A_137 = tpu.memref_slice %arg3[%add3A_135] : memref<327680xi32, #tpu.memory_space<hbm>> -> memref<128xi32, #tpu.memory_space<hbm>>
          tpu.enqueue_dma source(%dma_start3A_137 : memref<128xi32, #tpu.memory_space<hbm>>) target(%arg7 : memref<128xi32, #tpu.memory_space<vmem>>) target_semaphore(%arg17 : memref<!tpu.dma_semaphore, #tpu.memory_space<semaphore_mem>>)
          %mul3A_138 = arith.constant 128 : i32
          %mul3A_139 = arith.muli %add3A_132, %mul3A_138 : i32
          %add3A_140 = arith.addi %mul3A_0, %mul3A_139 : i32
          %dma_start3A_141 = tpu.memref_slice %arg4[%add3A_140] : memref<327680xi32, #tpu.memory_space<hbm>> -> memref<128xi32, #tpu.memory_space<hbm>>
          %dma_start3A_142 = tpu.memref_slice %arg4[%add3A_140] : memref<327680xi32, #tpu.memory_space<hbm>> -> memref<128xi32, #tpu.memory_space<hbm>>
          tpu.enqueue_dma source(%dma_start3A_142 : memref<128xi32, #tpu.memory_space<hbm>>) target(%arg11 : memref<128xi32, #tpu.memory_space<vmem>>) target_semaphore(%arg17 : memref<!tpu.dma_semaphore, #tpu.memory_space<semaphore_mem>>)
        } else {
        }
        %mul3A_108 = arith.constant 4 : i32
        %mul3A_109 = arith.muli %add3A_25, %mul3A_108 : i32
        %add3A_110 = arith.constant 3 : i32
        %add3A_111 = arith.addi %mul3A_109, %add3A_110 : i32
        %dma_wait3A_112 = arith.constant 0 : i32
        %dma_wait3A_113 = arith.constant 0 : i32
        %dma_wait3A_114 = tpu.memref_slice %arg2[%dma_wait3A_112, %dma_wait3A_113] : memref<10000x128xf32, #tpu.memory_space<hbm>> -> memref<10000x128xf32, #tpu.memory_space<hbm>>
        tpu.wait_indirect_dma semaphore(%arg18 : memref<!tpu.dma_semaphore, #tpu.memory_space<semaphore_mem>>) src(%dma_wait3A_114 : memref<10000x128xf32, #tpu.memory_space<hbm>>) dst(%arg15 : memref<128x128xf32, #tpu.memory_space<vmem>>)
        %dma_start3A_115 = arith.constant 0 : i32
        %dma_start3A_116 = arith.constant 0 : i32
        %dma_start3A_117 = tpu.memref_slice %arg16[%dma_start3A_115, %dma_start3A_116] : memref<10240x128xf32, #tpu.memory_space<vmem_shared>> -> memref<10240x128xf32, #tpu.memory_space<vmem_shared>>
        tpu.enqueue_indirect_dma source(%arg15 : memref<128x128xf32, #tpu.memory_space<vmem>>) target(%dma_start3A_117 : memref<10240x128xf32, #tpu.memory_space<vmem_shared>>) offsets(%arg13 : memref<128xi32, #tpu.memory_space<vmem>>) semaphore(%arg19 : memref<!tpu.dma_semaphore, #tpu.memory_space<semaphore_mem>>) {add = true}
        %dma_wait3A_118 = arith.constant 0 : i32
        %dma_wait3A_119 = arith.constant 0 : i32
        %dma_wait3A_120 = tpu.memref_slice %arg16[%dma_wait3A_118, %dma_wait3A_119] : memref<10240x128xf32, #tpu.memory_space<vmem_shared>> -> memref<10240x128xf32, #tpu.memory_space<vmem_shared>>
        tpu.wait_indirect_dma semaphore(%arg19 : memref<!tpu.dma_semaphore, #tpu.memory_space<semaphore_mem>>) src(%arg14 : memref<128x128xf32, #tpu.memory_space<vmem>>) dst(%dma_wait3A_120 : memref<10240x128xf32, #tpu.memory_space<vmem_shared>>)
        %lt3A_121 = arith.constant 39 : i32
        %lt3A_122 = arith.cmpi slt, %add3A_25, %lt3A_121 : i32
        %convert_element_type3A_123 = arith.extui %lt3A_122 : i1 to i32
        %cond3A_124 = arith.constant 0 : i32
        %cond3A_125 = arith.cmpi ne, %convert_element_type3A_123, %cond3A_124 : i32
        scf.if %cond3A_125 {
          %dma_wait3A_131 = tpu.memref_slice %arg3[%mul3A_0] : memref<327680xi32, #tpu.memory_space<hbm>> -> memref<128xi32, #tpu.memory_space<hbm>>
          %dma_wait3A_132 = tpu.memref_slice %arg3[%mul3A_0] : memref<327680xi32, #tpu.memory_space<hbm>> -> memref<128xi32, #tpu.memory_space<hbm>>
          tpu.wait_dma2 semaphore(%arg17 : memref<!tpu.dma_semaphore, #tpu.memory_space<semaphore_mem>>) src(%dma_wait3A_132 : memref<128xi32, #tpu.memory_space<hbm>>) dst(%arg6 : memref<128xi32, #tpu.memory_space<vmem>>)
          %dma_wait3A_133 = tpu.memref_slice %arg4[%mul3A_0] : memref<327680xi32, #tpu.memory_space<hbm>> -> memref<128xi32, #tpu.memory_space<hbm>>
          %dma_wait3A_134 = tpu.memref_slice %arg4[%mul3A_0] : memref<327680xi32, #tpu.memory_space<hbm>> -> memref<128xi32, #tpu.memory_space<hbm>>
          tpu.wait_dma2 semaphore(%arg17 : memref<!tpu.dma_semaphore, #tpu.memory_space<semaphore_mem>>) src(%dma_wait3A_134 : memref<128xi32, #tpu.memory_space<hbm>>) dst(%arg10 : memref<128xi32, #tpu.memory_space<vmem>>)
          %dma_start3A_135 = arith.constant 0 : i32
          %dma_start3A_136 = arith.constant 0 : i32
          %dma_start3A_137 = tpu.memref_slice %arg2[%dma_start3A_135, %dma_start3A_136] : memref<10000x128xf32, #tpu.memory_space<hbm>> -> memref<10000x128xf32, #tpu.memory_space<hbm>>
          tpu.enqueue_indirect_dma source(%dma_start3A_137 : memref<10000x128xf32, #tpu.memory_space<hbm>>) target(%arg14 : memref<128x128xf32, #tpu.memory_space<vmem>>) offsets(%arg6 : memref<128xi32, #tpu.memory_space<vmem>>) semaphore(%arg18 : memref<!tpu.dma_semaphore, #tpu.memory_space<semaphore_mem>>)
        } else {
        }
        %lt3A_126 = arith.constant 39 : i32
        %lt3A_127 = arith.cmpi slt, %add3A_25, %lt3A_126 : i32
        %convert_element_type3A_128 = arith.extui %lt3A_127 : i1 to i32
        %cond3A_129 = arith.constant 0 : i32
        %cond3A_130 = arith.cmpi ne, %convert_element_type3A_128, %cond3A_129 : i32
        scf.if %cond3A_130 {
          %add3A_131 = arith.constant 3 : i32
          %add3A_132 = arith.addi %add3A_111, %add3A_131 : i32
          %mul3A_133 = arith.constant 128 : i32
          %mul3A_134 = arith.muli %add3A_132, %mul3A_133 : i32
          %add3A_135 = arith.addi %mul3A_0, %mul3A_134 : i32
          %dma_start3A_136 = tpu.memref_slice %arg3[%add3A_135] : memref<327680xi32, #tpu.memory_space<hbm>> -> memref<128xi32, #tpu.memory_space<hbm>>
          %dma_start3A_137 = tpu.memref_slice %arg3[%add3A_135] : memref<327680xi32, #tpu.memory_space<hbm>> -> memref<128xi32, #tpu.memory_space<hbm>>
          tpu.enqueue_dma source(%dma_start3A_137 : memref<128xi32, #tpu.memory_space<hbm>>) target(%arg8 : memref<128xi32, #tpu.memory_space<vmem>>) target_semaphore(%arg17 : memref<!tpu.dma_semaphore, #tpu.memory_space<semaphore_mem>>)
          %mul3A_138 = arith.constant 128 : i32
          %mul3A_139 = arith.muli %add3A_132, %mul3A_138 : i32
          %add3A_140 = arith.addi %mul3A_0, %mul3A_139 : i32
          %dma_start3A_141 = tpu.memref_slice %arg4[%add3A_140] : memref<327680xi32, #tpu.memory_space<hbm>> -> memref<128xi32, #tpu.memory_space<hbm>>
          %dma_start3A_142 = tpu.memref_slice %arg4[%add3A_140] : memref<327680xi32, #tpu.memory_space<hbm>> -> memref<128xi32, #tpu.memory_space<hbm>>
          tpu.enqueue_dma source(%dma_start3A_142 : memref<128xi32, #tpu.memory_space<hbm>>) target(%arg12 : memref<128xi32, #tpu.memory_space<vmem>>) target_semaphore(%arg17 : memref<!tpu.dma_semaphore, #tpu.memory_space<semaphore_mem>>)
        } else {
        }
      }
      %scan3A_19 = arith.constant 40 : i32
      %dma_wait3A = arith.constant 0 : i32
      %dma_wait3A_20 = arith.constant 0 : i32
      %dma_wait3A_21 = tpu.memref_slice %arg16[%dma_wait3A, %dma_wait3A_20] : memref<10240x128xf32, #tpu.memory_space<vmem_shared>> -> memref<10240x128xf32, #tpu.memory_space<vmem_shared>>
      tpu.wait_indirect_dma semaphore(%arg19 : memref<!tpu.dma_semaphore, #tpu.memory_space<semaphore_mem>>) src(%arg14 : memref<128x128xf32, #tpu.memory_space<vmem>>) dst(%dma_wait3A_21 : memref<10240x128xf32, #tpu.memory_space<vmem_shared>>)
    } else {
    }
    %barrier3A_8 = arith.constant 0 : index
    tpu.barrier barrier_id(%barrier3A_8)
    %eq3A_9 = arith.constant 1 : i32
    %eq3A_10 = arith.cmpi eq, %arg0, %eq3A_9 : i32
    %convert_element_type3A_11 = arith.extui %eq3A_10 : i1 to i32
    %cond3A_12 = arith.constant 0 : i32
    %cond3A_13 = arith.cmpi ne, %convert_element_type3A_11, %cond3A_12 : i32
    scf.if %cond3A_13 {
      %mul3A_14 = arith.constant 640 : i32
      %mul3A_15 = arith.muli %arg1, %mul3A_14 : i32
      %mul3A_16 = arith.constant 640 : i32
      %mul3A_17 = arith.muli %arg1, %mul3A_16 : i32
      %dma_start3A = arith.constant 1 : i32
      %dma_start3A_18 = arith.constant 0 : i32
      %dma_start3A_19 = tpu.memref_slice %arg5[%dma_start3A, %mul3A_17, %dma_start3A_18] : memref<2x10240x128xf32, #tpu.memory_space<hbm>> -> memref<1x640x128xf32, #tpu.memory_space<hbm>>
      %dma_start3A_20 = tpu.memref_squeeze %dma_start3A_19 : memref<1x640x128xf32, #tpu.memory_space<hbm>> -> memref<640x128xf32, #tpu.memory_space<hbm>>
      %dma_start3A_21 = arith.constant 0 : i32
      %dma_start3A_22 = tpu.memref_slice %arg16[%mul3A_15, %dma_start3A_21] : memref<10240x128xf32, #tpu.memory_space<vmem_shared>> -> memref<640x128xf32, #tpu.memory_space<vmem_shared>>
      tpu.enqueue_dma source(%dma_start3A_22 : memref<640x128xf32, #tpu.memory_space<vmem_shared>>) target(%dma_start3A_20 : memref<640x128xf32, #tpu.memory_space<hbm>>) target_semaphore(%arg19 : memref<!tpu.dma_semaphore, #tpu.memory_space<semaphore_mem>>)
      %dma_wait3A = arith.constant 1 : i32
      %dma_wait3A_23 = arith.constant 0 : i32
      %dma_wait3A_24 = tpu.memref_slice %arg5[%dma_wait3A, %mul3A_17, %dma_wait3A_23] : memref<2x10240x128xf32, #tpu.memory_space<hbm>> -> memref<1x640x128xf32, #tpu.memory_space<hbm>>
      %dma_wait3A_25 = tpu.memref_squeeze %dma_wait3A_24 : memref<1x640x128xf32, #tpu.memory_space<hbm>> -> memref<640x128xf32, #tpu.memory_space<hbm>>
      %dma_wait3A_26 = arith.constant 0 : i32
      %dma_wait3A_27 = tpu.memref_slice %arg16[%mul3A_15, %dma_wait3A_26] : memref<10240x128xf32, #tpu.memory_space<vmem_shared>> -> memref<640x128xf32, #tpu.memory_space<vmem_shared>>
      tpu.wait_dma2 semaphore(%arg19 : memref<!tpu.dma_semaphore, #tpu.memory_space<semaphore_mem>>) src(%dma_wait3A_27 : memref<640x128xf32, #tpu.memory_space<vmem_shared>>) dst(%dma_wait3A_25 : memref<640x128xf32, #tpu.memory_space<hbm>>)
    } else {
    }
    return
  }
}

module attributes {stable_mosaic.version = 14 : i64} {
  func.func @_first_body(%arg0: i32, %arg1: memref<1000x128xf32, #tpu.memory_space<vmem>>, %arg2: memref<128x128xf32, #tpu.memory_space<vmem>>, %arg3: memref<1x1000x128xf32, #tpu.memory_space<vmem>>, %arg4: memref<1x1000x128xf32, #tpu.memory_space<vmem>>, %arg5: memref<1000x128xf32, #tpu.memory_space<vmem>>, %arg6: memref<1000x1xf32, #tpu.memory_space<vmem>>) attributes {dimension_semantics = [#tpu.dimension_semantics<arbitrary>], iteration_bounds = array<i64: 10>, scalar_prefetch = 0 : i64, scratch_operands = 0 : i64, tpu.core_type = #tpu.core_type<tc>, window_params = [{transform_indices = @transform_0, window_bounds = array<i64: 1000, 128>}, {pipeline_mode = #tpu.pipeline_mode<synchronous>, transform_indices = @transform_1, window_bounds = array<i64: 128, 128>}, {transform_indices = @transform_2, window_bounds = array<i64: 1, 1000, 128>}, {transform_indices = @transform_3, window_bounds = array<i64: 1, 1000, 128>}, {transform_indices = @transform_4, window_bounds = array<i64: 1000, 128>}, {transform_indices = @transform_5, window_bounds = array<i64: 1000, 1>}]} {
    %get3A = arith.constant 0 : index
    %get3A_0 = arith.constant 0 : index
    %get3A_1 = arith.constant 0 : index
    %get3A_2 = vector.load %arg3[%get3A, %get3A_0, %get3A_1] : memref<1x1000x128xf32, #tpu.memory_space<vmem>>, vector<1x1000x1xf32>
    %get3A_3 = vector.shape_cast %get3A_2 : vector<1x1000x1xf32> to vector<1000x1xf32>
    %get3A_4 = arith.constant 0 : index
    %get3A_5 = arith.constant 0 : index
    %get3A_6 = arith.constant 0 : index
    %get3A_7 = vector.load %arg4[%get3A_4, %get3A_5, %get3A_6] : memref<1x1000x128xf32, #tpu.memory_space<vmem>>, vector<1x1000x1xf32>
    %get3A_8 = vector.shape_cast %get3A_7 : vector<1x1000x1xf32> to vector<1000x1xf32>
    %add3A = arith.addf %get3A_3, %get3A_8 : vector<1000x1xf32>
    %add3A_9 = arith.constant 1.000000e+00 : f32
    %add3A_10 = vector.broadcast %add3A_9 : f32 to vector<1000x1xf32>
    %add3A_11 = arith.addf %add3A, %add3A_10 : vector<1000x1xf32>
    %rsqrt3A = math.rsqrt %add3A_11 : vector<1000x1xf32>
    %swap3A = arith.constant 0 : index
    %swap3A_12 = arith.constant 0 : index
    %swap3A_13 = vector.load %arg6[%swap3A, %swap3A_12] : memref<1000x1xf32, #tpu.memory_space<vmem>>, vector<1000x1xf32>
    tpu.vector_store %arg6[%swap3A, %swap3A_12], %rsqrt3A {strides = array<i32>} : memref<1000x1xf32, #tpu.memory_space<vmem>>, vector<1000x1xf32>,
    %get3A_14 = arith.constant 0 : index
    %get3A_15 = arith.constant 0 : index
    %get3A_16 = vector.load %arg1[%get3A_14, %get3A_15] : memref<1000x128xf32, #tpu.memory_space<vmem>>, vector<1000x128xf32>
    %get3A_17 = arith.constant 0 : index
    %get3A_18 = arith.constant 0 : index
    %get3A_19 = vector.load %arg2[%get3A_17, %get3A_18] : memref<128x128xf32, #tpu.memory_space<vmem>>, vector<128x128xf32>
    %dot_general3A = arith.constant dense<0.000000e+00> : vector<1000x128xf32>
    %dot_general3A_20 = tpu.matmul %get3A_16, %get3A_19, %dot_general3A {dimension_numbers = #tpu.dot_dimension_numbers<[1], [0], [0], [1], [0, 0, 1, 1], [], []>, transpose_lhs_hint = false} : vector<1000x128xf32>, vector<128x128xf32>, vector<1000x128xf32> -> vector<1000x128xf32>
    %mul3A = vector.broadcast %rsqrt3A : vector<1000x1xf32> to vector<1000x128xf32>
    %mul3A_21 = arith.mulf %dot_general3A_20, %mul3A : vector<1000x128xf32>
    %swap3A_22 = arith.constant 0 : index
    %swap3A_23 = arith.constant 0 : index
    %swap3A_24 = vector.load %arg5[%swap3A_22, %swap3A_23] : memref<1000x128xf32, #tpu.memory_space<vmem>>, vector<1000x128xf32>
    tpu.vector_store %arg5[%swap3A_22, %swap3A_23], %mul3A_21 {strides = array<i32>} : memref<1000x128xf32, #tpu.memory_space<vmem>>, vector<1000x128xf32>,
    return
  }
  func.func @transform_0(%arg0: i32) -> (i32, i32) {
    %c0_i32 = arith.constant 0 : i32
    %c0_i32_0 = arith.constant 0 : i32
    return %arg0, %c0_i32 : i32, i32
  }
  func.func @transform_1(%arg0: i32) -> (i32, i32) {
    %c0_i32 = arith.constant 0 : i32
    %c0_i32_0 = arith.constant 0 : i32
    %c0_i32_1 = arith.constant 0 : i32
    return %c0_i32, %c0_i32_0 : i32, i32
  }
  func.func @transform_2(%arg0: i32) -> (i32, i32, i32) {
    %c0_i32 = arith.constant 0 : i32
    %c0_i32_0 = arith.constant 0 : i32
    %c0_i32_1 = arith.constant 0 : i32
    return %c0_i32, %arg0, %c0_i32_0 : i32, i32, i32
  }
  func.func @transform_3(%arg0: i32) -> (i32, i32, i32) {
    %c1_i32 = arith.constant 1 : i32
    %c0_i32 = arith.constant 0 : i32
    %c0_i32_0 = arith.constant 0 : i32
    return %c1_i32, %arg0, %c0_i32 : i32, i32, i32
  }
  func.func @transform_4(%arg0: i32) -> (i32, i32) {
    %c0_i32 = arith.constant 0 : i32
    %c0_i32_0 = arith.constant 0 : i32
    return %arg0, %c0_i32 : i32, i32
  }
  func.func @transform_5(%arg0: i32) -> (i32, i32) {
    %c0_i32 = arith.constant 0 : i32
    %c0_i32_0 = arith.constant 0 : i32
    return %arg0, %c0_i32 : i32, i32
  }
}

module attributes {stable_mosaic.version = 14 : i64} {
  func.func @_layer_body(%arg0: i32, %arg1: memref<1x1000x128xf32, #tpu.memory_space<vmem>>, %arg2: memref<1000x128xf32, #tpu.memory_space<vmem>>, %arg3: memref<1000x1xf32, #tpu.memory_space<vmem>>, %arg4: memref<1000x1xi32, #tpu.memory_space<vmem>>, %arg5: memref<1x128xf32, #tpu.memory_space<vmem>>, %arg6: memref<128x128xf32, #tpu.memory_space<vmem>>, %arg7: memref<1000x128xf32, #tpu.memory_space<vmem>>, %arg8: memref<64x128xf32, #tpu.memory_space<vmem>>) attributes {dimension_semantics = [#tpu.dimension_semantics<arbitrary>], iteration_bounds = array<i64: 10>, scalar_prefetch = 0 : i64, scratch_operands = 0 : i64, tpu.core_type = #tpu.core_type<tc>, window_params = [{transform_indices = @transform_0, window_bounds = array<i64: 1, 1000, 128>}, {transform_indices = @transform_1, window_bounds = array<i64: 1000, 128>}, {transform_indices = @transform_2, window_bounds = array<i64: 1000, 1>}, {transform_indices = @transform_3, window_bounds = array<i64: 1000, 1>}, {pipeline_mode = #tpu.pipeline_mode<synchronous>, transform_indices = @transform_4, window_bounds = array<i64: 1, 128>}, {pipeline_mode = #tpu.pipeline_mode<synchronous>, transform_indices = @transform_5, window_bounds = array<i64: 128, 128>}, {transform_indices = @transform_6, window_bounds = array<i64: 1000, 128>}, {pipeline_mode = #tpu.pipeline_mode<synchronous>, transform_indices = @transform_7, window_bounds = array<i64: 64, 128>}]} {
    %get3A = arith.constant 0 : index
    %get3A_0 = arith.constant 0 : index
    %get3A_1 = vector.load %arg3[%get3A, %get3A_0] : memref<1000x1xf32, #tpu.memory_space<vmem>>, vector<1000x1xf32>
    %get3A_2 = arith.constant 0 : index
    %get3A_3 = arith.constant 0 : index
    %get3A_4 = arith.constant 0 : index
    %get3A_5 = vector.load %arg1[%get3A_2, %get3A_3, %get3A_4] : memref<1x1000x128xf32, #tpu.memory_space<vmem>>, vector<1x1000x128xf32>
    %get3A_6 = vector.shape_cast %get3A_5 : vector<1x1000x128xf32> to vector<1000x128xf32>
    %get3A_7 = arith.constant 0 : index
    %get3A_8 = arith.constant 0 : index
    %get3A_9 = vector.load %arg2[%get3A_7, %get3A_8] : memref<1000x128xf32, #tpu.memory_space<vmem>>, vector<1000x128xf32>
    %add3A = arith.addf %get3A_6, %get3A_9 : vector<1000x128xf32>
    %mul3A = vector.broadcast %get3A_1 : vector<1000x1xf32> to vector<1000x128xf32>
    %mul3A_10 = arith.mulf %add3A, %mul3A : vector<1000x128xf32>
    %get3A_11 = arith.constant 0 : index
    %get3A_12 = arith.constant 0 : index
    %get3A_13 = vector.load %arg5[%get3A_11, %get3A_12] : memref<1x128xf32, #tpu.memory_space<vmem>>, vector<1x128xf32>
    %add3A_14 = vector.broadcast %get3A_13 : vector<1x128xf32> to vector<1000x128xf32>
    %add3A_15 = arith.addf %mul3A_10, %add3A_14 : vector<1000x128xf32>
    %max3A = arith.constant 0.000000e+00 : f32
    %max3A_16 = vector.broadcast %max3A : f32 to vector<1000x128xf32>
    %max3A_17 = arith.maximumf %add3A_15, %max3A_16 : vector<1000x128xf32>
    %get3A_18 = arith.constant 0 : index
    %get3A_19 = arith.constant 0 : index
    %get3A_20 = vector.load %arg4[%get3A_18, %get3A_19] : memref<1000x1xi32, #tpu.memory_space<vmem>>, vector<1000x1xi32>
    %iota3A = tpu.iota {dimensions = array<i32: 1>} : vector<1000x64xi32>
    %eq3A = vector.broadcast %get3A_20 : vector<1000x1xi32> to vector<1000x64xi32>
    %eq3A_21 = arith.cmpi eq, %eq3A, %iota3A : vector<1000x64xi32>
    %convert_element_type3A = arith.extui %eq3A_21 : vector<1000x64xi1> to vector<1000x64xi32>
    %convert_element_type3A_22 = arith.sitofp %convert_element_type3A : vector<1000x64xi32> to vector<1000x64xf32>
    %dot_general3A = arith.constant dense<0.000000e+00> : vector<64x128xf32>
    %dot_general3A_23 = tpu.matmul %convert_element_type3A_22, %max3A_17, %dot_general3A {dimension_numbers = #tpu.dot_dimension_numbers<[0], [0], [1], [1], [0, 1, 1, 1], [], []>, transpose_lhs_hint = false} : vector<1000x64xf32>, vector<1000x128xf32>, vector<64x128xf32> -> vector<64x128xf32>
    %eq3A_24 = arith.constant 0 : i32
    %eq3A_25 = arith.cmpi eq, %arg0, %eq3A_24 : i32
    %convert_element_type3A_26 = arith.extui %eq3A_25 : i1 to i32
    %cond3A = arith.constant 0 : i32
    %cond3A_27 = arith.cmpi ne, %convert_element_type3A_26, %cond3A : i32
    scf.if %cond3A_27 {
      %broadcast_in_dim3A = arith.constant 0.000000e+00 : f32
      %broadcast_in_dim3A_44 = vector.broadcast %broadcast_in_dim3A : f32 to vector<64x128xf32>
      %swap3A_45 = arith.constant 0 : index
      %swap3A_46 = arith.constant 0 : index
      %swap3A_47 = vector.load %arg8[%swap3A_45, %swap3A_46] : memref<64x128xf32, #tpu.memory_space<vmem>>, vector<64x128xf32>
      tpu.vector_store %arg8[%swap3A_45, %swap3A_46], %broadcast_in_dim3A_44 {strides = array<i32>} : memref<64x128xf32, #tpu.memory_space<vmem>>, vector<64x128xf32>,
    } else {
    }
    %get3A_28 = arith.constant 0 : index
    %get3A_29 = arith.constant 0 : index
    %get3A_30 = vector.load %arg8[%get3A_28, %get3A_29] : memref<64x128xf32, #tpu.memory_space<vmem>>, vector<64x128xf32>
    %add3A_31 = arith.addf %get3A_30, %dot_general3A_23 : vector<64x128xf32>
    %swap3A = arith.constant 0 : index
    %swap3A_32 = arith.constant 0 : index
    %swap3A_33 = vector.load %arg8[%swap3A, %swap3A_32] : memref<64x128xf32, #tpu.memory_space<vmem>>, vector<64x128xf32>
    tpu.vector_store %arg8[%swap3A, %swap3A_32], %add3A_31 {strides = array<i32>} : memref<64x128xf32, #tpu.memory_space<vmem>>, vector<64x128xf32>,
    %get3A_34 = arith.constant 0 : index
    %get3A_35 = arith.constant 0 : index
    %get3A_36 = vector.load %arg6[%get3A_34, %get3A_35] : memref<128x128xf32, #tpu.memory_space<vmem>>, vector<128x128xf32>
    %dot_general3A_37 = arith.constant dense<0.000000e+00> : vector<1000x128xf32>
    %dot_general3A_38 = tpu.matmul %max3A_17, %get3A_36, %dot_general3A_37 {dimension_numbers = #tpu.dot_dimension_numbers<[1], [0], [0], [1], [0, 0, 1, 1], [], []>, transpose_lhs_hint = false} : vector<1000x128xf32>, vector<128x128xf32>, vector<1000x128xf32> -> vector<1000x128xf32>
    %mul3A_39 = vector.broadcast %get3A_1 : vector<1000x1xf32> to vector<1000x128xf32>
    %mul3A_40 = arith.mulf %dot_general3A_38, %mul3A_39 : vector<1000x128xf32>
    %swap3A_41 = arith.constant 0 : index
    %swap3A_42 = arith.constant 0 : index
    %swap3A_43 = vector.load %arg7[%swap3A_41, %swap3A_42] : memref<1000x128xf32, #tpu.memory_space<vmem>>, vector<1000x128xf32>
    tpu.vector_store %arg7[%swap3A_41, %swap3A_42], %mul3A_40 {strides = array<i32>} : memref<1000x128xf32, #tpu.memory_space<vmem>>, vector<1000x128xf32>,
    return
  }
  func.func @transform_0(%arg0: i32) -> (i32, i32, i32) {
    %c1_i32 = arith.constant 1 : i32
    %c0_i32 = arith.constant 0 : i32
    %c0_i32_0 = arith.constant 0 : i32
    return %c1_i32, %arg0, %c0_i32 : i32, i32, i32
  }
  func.func @transform_1(%arg0: i32) -> (i32, i32) {
    %c0_i32 = arith.constant 0 : i32
    %c0_i32_0 = arith.constant 0 : i32
    return %arg0, %c0_i32 : i32, i32
  }
  func.func @transform_2(%arg0: i32) -> (i32, i32) {
    %c0_i32 = arith.constant 0 : i32
    %c0_i32_0 = arith.constant 0 : i32
    return %arg0, %c0_i32 : i32, i32
  }
  func.func @transform_3(%arg0: i32) -> (i32, i32) {
    %c0_i32 = arith.constant 0 : i32
    %c0_i32_0 = arith.constant 0 : i32
    return %arg0, %c0_i32 : i32, i32
  }
  func.func @transform_4(%arg0: i32) -> (i32, i32) {
    %c0_i32 = arith.constant 0 : i32
    %c0_i32_0 = arith.constant 0 : i32
    %c0_i32_1 = arith.constant 0 : i32
    return %c0_i32, %c0_i32_0 : i32, i32
  }
  func.func @transform_5(%arg0: i32) -> (i32, i32) {
    %c0_i32 = arith.constant 0 : i32
    %c0_i32_0 = arith.constant 0 : i32
    %c0_i32_1 = arith.constant 0 : i32
    return %c0_i32, %c0_i32_0 : i32, i32
  }
  func.func @transform_6(%arg0: i32) -> (i32, i32) {
    %c0_i32 = arith.constant 0 : i32
    %c0_i32_0 = arith.constant 0 : i32
    return %arg0, %c0_i32 : i32, i32
  }
  func.func @transform_7(%arg0: i32) -> (i32, i32) {
    %c0_i32 = arith.constant 0 : i32
    %c0_i32_0 = arith.constant 0 : i32
    %c0_i32_1 = arith.constant 0 : i32
    return %c0_i32, %c0_i32_0 : i32, i32
  }
}

module attributes {stable_mosaic.version = 14 : i64} {
  func.func @_last_body(%arg0: i32, %arg1: memref<1x1000x128xf32, #tpu.memory_space<vmem>>, %arg2: memref<1000x128xf32, #tpu.memory_space<vmem>>, %arg3: memref<1000x1xf32, #tpu.memory_space<vmem>>, %arg4: memref<1000x1xi32, #tpu.memory_space<vmem>>, %arg5: memref<1x128xf32, #tpu.memory_space<vmem>>, %arg6: memref<64x128xf32, #tpu.memory_space<vmem>>) attributes {dimension_semantics = [#tpu.dimension_semantics<arbitrary>], iteration_bounds = array<i64: 10>, scalar_prefetch = 0 : i64, scratch_operands = 0 : i64, tpu.core_type = #tpu.core_type<tc>, window_params = [{transform_indices = @transform_0, window_bounds = array<i64: 1, 1000, 128>}, {transform_indices = @transform_1, window_bounds = array<i64: 1000, 128>}, {transform_indices = @transform_2, window_bounds = array<i64: 1000, 1>}, {transform_indices = @transform_3, window_bounds = array<i64: 1000, 1>}, {pipeline_mode = #tpu.pipeline_mode<synchronous>, transform_indices = @transform_4, window_bounds = array<i64: 1, 128>}, {pipeline_mode = #tpu.pipeline_mode<synchronous>, transform_indices = @transform_5, window_bounds = array<i64: 64, 128>}]} {
    %get3A = arith.constant 0 : index
    %get3A_0 = arith.constant 0 : index
    %get3A_1 = arith.constant 0 : index
    %get3A_2 = vector.load %arg1[%get3A, %get3A_0, %get3A_1] : memref<1x1000x128xf32, #tpu.memory_space<vmem>>, vector<1x1000x128xf32>
    %get3A_3 = vector.shape_cast %get3A_2 : vector<1x1000x128xf32> to vector<1000x128xf32>
    %get3A_4 = arith.constant 0 : index
    %get3A_5 = arith.constant 0 : index
    %get3A_6 = vector.load %arg2[%get3A_4, %get3A_5] : memref<1000x128xf32, #tpu.memory_space<vmem>>, vector<1000x128xf32>
    %add3A = arith.addf %get3A_3, %get3A_6 : vector<1000x128xf32>
    %get3A_7 = arith.constant 0 : index
    %get3A_8 = arith.constant 0 : index
    %get3A_9 = vector.load %arg3[%get3A_7, %get3A_8] : memref<1000x1xf32, #tpu.memory_space<vmem>>, vector<1000x1xf32>
    %mul3A = vector.broadcast %get3A_9 : vector<1000x1xf32> to vector<1000x128xf32>
    %mul3A_10 = arith.mulf %add3A, %mul3A : vector<1000x128xf32>
    %get3A_11 = arith.constant 0 : index
    %get3A_12 = arith.constant 0 : index
    %get3A_13 = vector.load %arg5[%get3A_11, %get3A_12] : memref<1x128xf32, #tpu.memory_space<vmem>>, vector<1x128xf32>
    %add3A_14 = vector.broadcast %get3A_13 : vector<1x128xf32> to vector<1000x128xf32>
    %add3A_15 = arith.addf %mul3A_10, %add3A_14 : vector<1000x128xf32>
    %max3A = arith.constant 0.000000e+00 : f32
    %max3A_16 = vector.broadcast %max3A : f32 to vector<1000x128xf32>
    %max3A_17 = arith.maximumf %add3A_15, %max3A_16 : vector<1000x128xf32>
    %get3A_18 = arith.constant 0 : index
    %get3A_19 = arith.constant 0 : index
    %get3A_20 = vector.load %arg4[%get3A_18, %get3A_19] : memref<1000x1xi32, #tpu.memory_space<vmem>>, vector<1000x1xi32>
    %iota3A = tpu.iota {dimensions = array<i32: 1>} : vector<1000x64xi32>
    %eq3A = vector.broadcast %get3A_20 : vector<1000x1xi32> to vector<1000x64xi32>
    %eq3A_21 = arith.cmpi eq, %eq3A, %iota3A : vector<1000x64xi32>
    %convert_element_type3A = arith.extui %eq3A_21 : vector<1000x64xi1> to vector<1000x64xi32>
    %convert_element_type3A_22 = arith.sitofp %convert_element_type3A : vector<1000x64xi32> to vector<1000x64xf32>
    %dot_general3A = arith.constant dense<0.000000e+00> : vector<64x128xf32>
    %dot_general3A_23 = tpu.matmul %convert_element_type3A_22, %max3A_17, %dot_general3A {dimension_numbers = #tpu.dot_dimension_numbers<[0], [0], [1], [1], [0, 1, 1, 1], [], []>, transpose_lhs_hint = false} : vector<1000x64xf32>, vector<1000x128xf32>, vector<64x128xf32> -> vector<64x128xf32>
    %eq3A_24 = arith.constant 0 : i32
    %eq3A_25 = arith.cmpi eq, %arg0, %eq3A_24 : i32
    %convert_element_type3A_26 = arith.extui %eq3A_25 : i1 to i32
    %cond3A = arith.constant 0 : i32
    %cond3A_27 = arith.cmpi ne, %convert_element_type3A_26, %cond3A : i32
    scf.if %cond3A_27 {
      %broadcast_in_dim3A = arith.constant 0.000000e+00 : f32
      %broadcast_in_dim3A_34 = vector.broadcast %broadcast_in_dim3A : f32 to vector<64x128xf32>
      %swap3A_35 = arith.constant 0 : index
      %swap3A_36 = arith.constant 0 : index
      %swap3A_37 = vector.load %arg6[%swap3A_35, %swap3A_36] : memref<64x128xf32, #tpu.memory_space<vmem>>, vector<64x128xf32>
      tpu.vector_store %arg6[%swap3A_35, %swap3A_36], %broadcast_in_dim3A_34 {strides = array<i32>} : memref<64x128xf32, #tpu.memory_space<vmem>>, vector<64x128xf32>,
    } else {
    }
    %get3A_28 = arith.constant 0 : index
    %get3A_29 = arith.constant 0 : index
    %get3A_30 = vector.load %arg6[%get3A_28, %get3A_29] : memref<64x128xf32, #tpu.memory_space<vmem>>, vector<64x128xf32>
    %add3A_31 = arith.addf %get3A_30, %dot_general3A_23 : vector<64x128xf32>
    %swap3A = arith.constant 0 : index
    %swap3A_32 = arith.constant 0 : index
    %swap3A_33 = vector.load %arg6[%swap3A, %swap3A_32] : memref<64x128xf32, #tpu.memory_space<vmem>>, vector<64x128xf32>
    tpu.vector_store %arg6[%swap3A, %swap3A_32], %add3A_31 {strides = array<i32>} : memref<64x128xf32, #tpu.memory_space<vmem>>, vector<64x128xf32>,
    return
  }
  func.func @transform_0(%arg0: i32) -> (i32, i32, i32) {
    %c1_i32 = arith.constant 1 : i32
    %c0_i32 = arith.constant 0 : i32
    %c0_i32_0 = arith.constant 0 : i32
    return %c1_i32, %arg0, %c0_i32 : i32, i32, i32
  }
  func.func @transform_1(%arg0: i32) -> (i32, i32) {
    %c0_i32 = arith.constant 0 : i32
    %c0_i32_0 = arith.constant 0 : i32
    return %arg0, %c0_i32 : i32, i32
  }
  func.func @transform_2(%arg0: i32) -> (i32, i32) {
    %c0_i32 = arith.constant 0 : i32
    %c0_i32_0 = arith.constant 0 : i32
    return %arg0, %c0_i32 : i32, i32
  }
  func.func @transform_3(%arg0: i32) -> (i32, i32) {
    %c0_i32 = arith.constant 0 : i32
    %c0_i32_0 = arith.constant 0 : i32
    return %arg0, %c0_i32 : i32, i32
  }
  func.func @transform_4(%arg0: i32) -> (i32, i32) {
    %c0_i32 = arith.constant 0 : i32
    %c0_i32_0 = arith.constant 0 : i32
    %c0_i32_1 = arith.constant 0 : i32
    return %c0_i32, %c0_i32_0 : i32, i32
  }
  func.func @transform_5(%arg0: i32) -> (i32, i32) {
    %c0_i32 = arith.constant 0 : i32
    %c0_i32_0 = arith.constant 0 : i32
    %c0_i32_1 = arith.constant 0 : i32
    return %c0_i32, %c0_i32_0 : i32, i32
  }
}

</mosaic_0001>

<sc_bundles>
// kernel: kernel.14.cloned.1.call-start
scs
__scs_entry_jumppad:
0x0: {  	(pc) =	sbr.rel $0x88, $3  }
0x1: {  	(tag) =	ssettag $0x0;
	lr =	simm.s32 $0x1  }
0x2: {  	[smem:$0x3F9C] =	sst lr;
	_ =	strace $0xD0000000  }
0x3: {  	_ = 	snop  }
0x4: {  	_ = 	snop  }
0x5: {  	_ = 	snop  }
0x6: {  	_ = 	snop  }
0x7: {  	_ = 	snop  }
__scs_overlays_trampoline_lowered:
0x8: {  	[smem:$0x3FAB] =	sst s0  }
0x9: {  	[smem:$0x3FAC] =	sst s1  }
0xa: {  	[smem:$0x3FAD] =	sst s2  }
0xb: {  	[smem:$0x3FAE] =	sst s3  }
0xc: {  	[smem:$0x3FAF] =	sst s4  }
0xd: {  	[smem:$0x3FB0] =	sst s5  }
0xe: {  	[smem:$0x3FB1] =	sst s6  }
0xf: {  	[smem:$0x3FB2] =	sst s7  }
0x10: {  	[smem:$0x3FB3] =	sst s8  }
0x11: {  	[smem:$0x3FB4] =	sst s9;
	s0 =	simm.s32 @!p0 $0x0  }
0x12: {  	s1 =	sld [smem:$0x3F9A];
	s0 =	simm.s32 @p0 $0x1  }
0x13: {  	[smem:$0x3FB5] =	sst s0;
	s0 =	simm.s32 @!p1 $0x0  }
0x14: {  	s2 =	sld [smem:$0x3F99];
	s0 =	simm.s32 @p1 $0x1  }
0x15: {  	[smem:$0x3FB6] =	sst s0;
	s0 =	simm.s32 @!p2 $0x0  }
0x16: {  	s3 =	sld [smem:$0x3FDB];
	s0 =	simm.s32 @p2 $0x1  }
0x17: {  	s4 =	simm.s32 $0x1BF5;
	[smem:$0x3FB8] =	sst s0  }
0x18: {  	s0 =	sld [smem:$0x3F9B];
	_ =	swait.ge [sflag:s4], $0x0  }
0x19: {  	s7 =	sld [smem:$0x3F9C]  }
0x1a: {  	s8 =	sadd.s32 $0xFFFFE003, lr  }
0x1b: {  	s9 =	sadd.s32 $0xFFFFFEF7, lr;
	s5 =	simm.s32 $0xFFFFFFFF;
	p2 =	slt.u32 s8, $0xFFFFF086  }
0x1c: {  	p1 =	slt.u32 s9, $0xF7A;
	s5 =	simm.s32 @!p2 $0x0  }
0x1d: {  	s5 =	simm.s32 @p1 $0x1;
	p0 =	seq.s32 s7, s2  }
0x1e: {  	s7 =	smul.u32 @!p0 $0xF7A, s2;
	p2 =	seq.s32 @!p0 s5, $0x0  }
0x1f: {  	s9 =	smul.u32 $0xF7A, s1;
	s8 =	simm.s32 @!p0 $0x1BF5;
	p2 =	por !p2, p0  }
0x20: {  	[sflag:s8] =	ssyncset.s32 @!p0 $0xFFFFF086;
	s6 =	sadd.s32 @!p0 s3, s7;
	s7 =	simm.s32 @!p0 $0x108  }
0x21: {  	s3 =	sadd.s32 s3, s9;
	s6 =	sadd.s32 @!p0 $0x88, s6;
	s7 =	simm.s32 @p2 $0x1082  }
0x22: {  	[simem:s7], [sflag:s8] =	dma.local @!p0 [hbm:s6], $0xF7A  }
0x23: {  	s9 =	sor.u32 $0xD0000000, s2;
	s6 =	simm.s32 $0x108;
	_ =	swait.ge @!p0 [sflag:s8], $0x0  }
0x24: {  	s3 =	sadd.s32 $0x88, s3;
	s6 =	simm.s32 @!p1 $0x1082;
	[sflag:s4] =	ssyncset.s32 $0xFFFFF086  }
0x25: {  	[simem:s6], [sflag:s4] =	dma.local [hbm:s3], $0xF7A  }
0x26: {  	[smem:$0x3F9C] =	sst s1;
	(tag) =	ssettag s2;
	_ =	strace s9  }
0x27: {  	s1 =	sld [smem:$0x3FAC]  }
0x28: {  	s2 =	sld [smem:$0x3FAD]  }
0x29: {  	s4 =	sld [smem:$0x3FAF]  }
0x2a: {  	p0 =	seq.s32 s5, $0x0;
	s5 =	sld [smem:$0x3FB0]  }
0x2b: {  	s6 =	sld [smem:$0x3FB1]  }
0x2c: {  	s7 =	sld [smem:$0x3FB2]  }
0x2d: {  	s3 =	simm.s32 $0x108;
	s8 =	sld [smem:$0x3FB3]  }
0x2e: {  	s3 =	simm.s32 @!p0 $0x1082;
	s9 =	sld [smem:$0x3FB4]  }
0x2f: {  	lr =	sadd.s32 s0, s3;
	s0 =	sld [smem:$0x3FAB]  }
0x30: {  	s3 =	sld [smem:$0x3FAE]  }
0x31: {  	[smem:$0x3FB7] =	sst s10  }
0x32: {  	s10 =	sld [smem:$0x3FB5];
	_ =	sdelay $0x3  }
0x33: {  	p0 =	seq.s32 s10, $0x1;
	s10 =	sld [smem:$0x3FB7];
	_ =	sdelay $0x3  }
0x34: {  	[smem:$0x3FB7] =	sst s10  }
0x35: {  	s10 =	sld [smem:$0x3FB6];
	_ =	sdelay $0x3  }
0x36: {  	p1 =	seq.s32 s10, $0x1;
	s10 =	sld [smem:$0x3FB7];
	_ =	sdelay $0x3  }
0x37: {  	[smem:$0x3FB7] =	sst s10  }
0x38: {  	s10 =	sld [smem:$0x3FB8]  }
0x39: {  	_ = 	snop;
	(pc) =	sbr.ind lr, $3  }
0x3a: {  	_ = 	snop  }
0x3b: {  	_ = 	snop  }
0x3c: {  	p2 =	seq.s32 s10, $0x1;
	s10 =	sld [smem:$0x3FB7]  }
0x3d: {  	_ =	shalt  }
0x3e: {  	_ =	shalt  }
0x3f: {  	_ =	shalt  }
0x40: {  	_ =	shalt  }
0x41: {  	_ =	shalt  }
0x42: {  	_ =	shalt  }
0x43: {  	_ =	shalt  }
0x44: {  	_ =	shalt  }
0x45: {  	_ =	shalt  }
0x46: {  	_ =	shalt  }
0x47: {  	_ =	shalt  }
0x48: {  	_ =	shalt  }
0x49: {  	_ =	shalt  }
0x4a: {  	_ =	shalt  }
0x4b: {  	_ =	shalt  }
0x4c: {  	_ =	shalt  }
0x4d: {  	_ =	shalt  }
0x4e: {  	_ =	shalt  }
0x4f: {  	_ =	shalt  }
0x50: {  	_ =	shalt  }
0x51: {  	_ =	shalt  }
0x52: {  	_ =	shalt  }
0x53: {  	_ =	shalt  }
0x54: {  	_ =	shalt  }
0x55: {  	_ =	shalt  }
0x56: {  	_ =	shalt  }
0x57: {  	_ =	shalt  }
0x58: {  	_ =	shalt  }
0x59: {  	_ =	shalt  }
0x5a: {  	_ =	shalt  }
0x5b: {  	_ =	shalt  }
0x5c: {  	_ =	shalt  }
0x5d: {  	_ =	shalt  }
0x5e: {  	_ =	shalt  }
0x5f: {  	_ =	shalt  }
0x60: {  	_ =	shalt  }
0x61: {  	_ =	shalt  }
0x62: {  	_ =	shalt  }
0x63: {  	_ =	shalt  }
0x64: {  	_ =	shalt  }
0x65: {  	_ =	shalt  }
0x66: {  	_ =	shalt  }
0x67: {  	_ =	shalt  }
0x68: {  	_ =	shalt  }
0x69: {  	_ =	shalt  }
0x6a: {  	_ =	shalt  }
0x6b: {  	_ =	shalt  }
0x6c: {  	_ =	shalt  }
0x6d: {  	_ =	shalt  }
0x6e: {  	_ =	shalt  }
0x6f: {  	_ =	shalt  }
0x70: {  	_ =	shalt  }
0x71: {  	_ =	shalt  }
0x72: {  	_ =	shalt  }
0x73: {  	_ =	shalt  }
0x74: {  	_ =	shalt  }
0x75: {  	_ =	shalt  }
0x76: {  	_ =	shalt  }
0x77: {  	_ =	shalt  }
0x78: {  	_ =	shalt  }
0x79: {  	_ =	shalt  }
0x7a: {  	_ =	shalt  }
0x7b: {  	_ =	shalt  }
0x7c: {  	_ =	shalt  }
0x7d: {  	_ =	shalt  }
0x7e: {  	_ =	shalt  }
0x7f: {  	_ =	shalt  }
0x80: {  	_ =	shalt  }
0x81: {  	_ =	shalt  }
0x82: {  	_ =	shalt  }
0x83: {  	_ =	shalt  }
0x84: {  	_ =	shalt  }
0x85: {  	_ =	shalt  }
0x86: {  	_ =	shalt  }
0x87: {  	_ =	shalt  }
.Lfunc_end0:
.L_simem_size_0:
called_computation_lowered:
.L_overlay_start_0:
0x88: {  	s2 =	sld [smem:$0x3FD9]  }
0x89: {  	s3 =	sld [smem:$0x3FFE];
	_ =	sdelay $0x1  }
0x8a: {  	s1 =	srdreg.scid  }
0x8b: {  	s0 =	sand.u32 $0x1, s1  }
0x8c: {  	s16 =	sshll.u32 s0, $0xA;
	s2 =	sadd.s32 s3, s2  }
0x8d: {  	s2 =	sadd.s32 s2, s16  }
0x8e: {  	[smem:$0x3FC3] =	sst s2  }
0x8f: {  	_ = 	snop  }
0x90: {  	(tm) =	ssettm $0x1  }
0x91: {  	s17 =	sld [smem:$0x3FFB];
	_ =	sdelay $0x3  }
0x92: {  	_ =	strace s17  }
0x93: {  	s2 =	sld [smem:$0x3FFC];
	_ =	sdelay $0x3  }
0x94: {  	_ =	strace s2  }
0x95: {  	s2 =	sld [smem:$0x3FFD];
	_ =	sdelay $0x3  }
0x96: {  	_ =	strace s2  }
0x97: {  	_ =	strace $0x8FFFFFFF  }
0x98: {  	s18 =	sld [smem:$0x3FDB];
	_ =	sdelay $0x1  }
0x99: {  	s19 =	simm.s32 $_scs_section_size  }
0x9a: {  	s4 =	simm.s32 $_size__tile_overlayer_lowered;
	s5 =	simm.s32 $_tile_overlayer_lowered  }
0x9b: {  	s22 =	simm.s32 $0x1BFF;
	s21 =	sshll.u32 s5, $0x1;
	s2 =	sadd.s32 s19, s18  }
0x9c: {  	s6 =	simm.s32 $0x0;
	s20 =	sshll.u32 s4, $0x1;
	s4 =	sadd.s32 s21, s2  }
0x9d: {  	[timem:s6], [sflag:s22] =	dma.local [hbm:s4], s20  }
0x9e: {  	_ =	swait.ge [sflag:s22], s20  }
0x9f: {  	s3 =	ssub.s32 $0x0, s20;
	[sflag:s22] =	ssyncset.done $0x0  }
0xa0: {  	[sflag:s22] =	ssyncadd.s32 s3;
	_ =	sdelay $0x1  }
0xa1: {  	s23 =	simm.s32 $0x1B8B  }
0xa2: {  	_ =	swait.ge [sflag:s23], $0x1  }
0xa3: {  	[sflag:s23] =	ssyncset.done $0x0  }
0xa4: {  	s25 =	simm.s32 $0x1B8E;
	s24 =	sld [smem:$0x3FFE];
	[sflag:s23] =	ssyncadd.s32 $0xFFFFFFFF  }
0xa5: {  	s26 =	simm.s32 $execute0_lowered;
	[smem:$0x3FD2] =	sst s25  }
0xa6: {  	s4 =	sshll.u32 s26, $0x1;
	_ =	strace $0x80000046;
	[dreg:$0x1] =	wrdreg $0xFFFFFFFF  }
0xa7: {  	s28 =	simm.s32 $_size_execute0_lowered;
	s2 =	sadd.s32 s2, s4;
	[dreg:$0x0] =	wrdreg $0x0  }
0xa8: {  	s4 =	sshll.u32 s28, $0x1;
	[dreg:$0x2] =	wrdreg s2  }
0xa9: {  	[dreg:$0x3] =	wrdreg s4  }
0xaa: {  	[dreg:$0x4] =	wrdreg $0xC0  }
0xab: {  	_ =	task [dreg:s6], $0x5FFFF  }
0xac: {  	[dreg:$0x1] =	wrdreg $0xFFFFFFFF  }
0xad: {  	[dreg:$0x0] =	wrdreg $0x60  }
0xae: {  	[dreg:$0x2] =	wrdreg s24  }
0xaf: {  	[dreg:$0x3] =	wrdreg $0x42000  }
0xb0: {  	[dreg:$0x4] =	wrdreg $0x9  }
0xb1: {  	_ =	task.clear_ibuf [dreg:s6], $0x5FFFF;
	_ =	strace $0x90000046  }
0xb2: {  	s29 =	simm.s32 $0x9;
	_ =	strace $0x80000048  }
0xb3: {  	_ =	swait.ge [sflag:s29], $0x1  }
0xb4: {  	[sflag:s29] =	ssyncadd.s32 $0xFFFFFFFF  }
0xb5: {  	_ =	strace $0x90000048  }
0xb6: {  	_ =	sfence  }
0xb7: {  	s30 =	sld [smem:$0x0];
	_ =	sdelay $0x2  }
0xb8: {  	s31 =	sshll.u32 s1, $0xD;
	s1 =	sshrl.u32 s1, $0x2  }
0xb9: {  	s3 =	sand.u32 $0x4000, s31;
	s1 =	sadd.s32 s1, s30  }
0xba: {  	s0 =	sor.u32 s3, s0;
	s1 =	sshll.u32 s1, $0x11  }
0xbb: {  	s0 =	sor.u32 s1, s0  }
0xbc: {  	s0 =	sadd.s32 $0x8F2B, s0  }
0xbd: {  	[sflag:s0] =	ssyncadd.remote.s32 $0x1  }
0xbe: {  	_ =	sfence.sel $0xFFFF  }
0xbf: {  	[dreg:$0x0] =	wrdreg $0xFFFFFFFF;
	(pc) =	sbr.abs _section_cstart, $3  }
0xc0: {  	[dreg:$0x1] =	wrdreg $0xFFFFFFFF  }
0xc1: {  	_ =	task.clear_ibuf [dreg:s6], $0x2FFFF;
	_ =	strace $0x9FFFFFFF  }
0xc2: {  	(tm) =	ssettm $0x7FFFFFFF  }
0xc3: {  	_ =	shalt  }
tec
execute0_lowered:
.L_overlay_start_1:
0x0: {  	(tag) =	ssettag $0x1  }
0x1: {  	s0 =	srdreg.scid  }
0x2: {  	s4 =	rddreg [dreg:$0x0];
	s31 =	stileid.u32  }
0x3: {  	s2 =	rddreg [dreg:$0x1];
	s3 =	simm.s32 $0x0;
	s6 =	smul.u32 $0x14000, s31  }
0x4: {  	s28 =	simm.s32 $0x180;
	s29 =	simm.s32 $0x0;
	s10 =	smul.u32 $0x50000, s31  }
0x5: {  	s12 =	sand.u32 $0x1, s0;
	s7 =	sshll.u32 s31, $0x1;
	s18 =	smul.u32 $0x5000, s31  }
0x6: {  	[smem:$0x7FF] =	sst s3;
	s21 =	sadd.s32 $0x4200, s4;
	s5 =	smul.u32 $0x140000, s12  }
0x7: {  	s7 =	sor.u32 s12, s7;
	s11 =	ssub.s32 $0x2, s12;
	s22 =	smul.u32 $0x2800, s12  }
0x8: {  	_ =	strace $0x80000047;
	s13 =	smul.u32 $0x2800, s7;
	s15 =	sshrl.u32 s11, $0x1  }
0x9: {  	s5 =	sadd.s32 s6, s5;
	s6 =	sshrl.u32 s10, $0x2;
	s15 =	ssub.s32 s11, s15  }
0xa: {  	s22 =	sadd.s32 s22, s18;
	s5 =	sshrl.u32 s5, $0x3;
	s7 =	sshrl.u32 s13, $0x3  }
0xb: {  	s16 =	sor.u32 $0x180, s13;
	s17 =	sor.u32 $0x200, s13;
	s19 =	sor.u32 $0x280, s13  }
0xc: {  	s20 =	sor.u32 $0x300, s13;
	s13 =	smax.u32 s15, $0x1;
	s24 =	sor.u32 $0x500, s22  }
0xd: {  	s30 =	sor.u32 $0x480, s22;
	s31 =	sor.u32 $0x400, s22;
	s22 =	sor.u32 $0x380, s22  }
0xe: {  	s14 =	sadd.s32 s5, s4;
	s4 =	sadd.s32 s21, s7;
	s5 =	sadd.s32 s6, s2  }
0xf: {  	s16 =	sshrl.u32 s16, $0x3;
	s17 =	sshrl.u32 s17, $0x3;
	s23 =	sshrl.u32 s19, $0x3  }
0x10: {  	s25 =	sshrl.u32 s20, $0x3;
	s26 =	sshrl.u32 s24, $0x3;
	s19 =	sshrl.u32 s30, $0x3  }
0x11: {  	s20 =	sshrl.u32 s31, $0x3;
	s22 =	sshrl.u32 s22, $0x3;
	s24 =	simm.s32 $0x200  }
0x12: {  	s1 =	sadd.s32 $0x10, s4;
	s7 =	sadd.s32 $0x20, s4;
	s8 =	sadd.s32 $0x4000, s5  }
0x13: {  	s9 =	sadd.s32 $0x8000, s5;
	s10 =	sadd.s32 $0xC000, s5;
	s11 =	sadd.s32 $0x10000, s5  }
.Ltmp0:
0x14: {  	s12 =	sadd.s32 $0xE200, s14;
	s14 =	sadd.s32 s21, s16;
	(pc) =	sbr.rel .LBB2_1-.Ltmp0, $4  }
0x15: {  	s15 =	sadd.s32 s21, s17;
	s16 =	sadd.s32 s21, s23;
	s17 =	sadd.s32 s21, s25  }
0x16: {  	s18 =	sadd.s32 s26, s21;
	s19 =	sadd.s32 s19, s21;
	s20 =	sadd.s32 s20, s21  }
0x17: {  	s21 =	sadd.s32 s22, s21;
	s22 =	simm.s32 $0x80;
	s23 =	simm.s32 $0x100  }
0x18: {  	v0 =	vimm.f32 $0.0e+00;
	v1 =	vimm.f32 $1.000000000e+00;
	s25 =	simm.s32 $0x2;
	s26 =	simm.s32 $0x1;
	[dreg:$0x3] =	wrdreg s1  }
.LBB2_8:
0x19: {  	_ =	swait.ge [sflag:s25], $0x4000;
	s0 =	stileid.u32  }
0x1a: {  	s1 =	sshrl.u32 s5, $0x3;
	s29 =	sadd.s32 $0x1, s29;
	[sflag:s25] =	ssyncset.done $0x0  }
0x1b: {  	s0 =	sshll.u32 s0, $0x6;
	p0 =	sne.s32 s29, s13;
	[sflag:s25] =	ssyncadd.s32 $0xFFFFC000  }
.Ltmp1:
0x1c: {  	s0 =	sor.u32 $0x1C02, s0;
	[bflag:$0x0] =	sbarrier.arrive $0xFFFF;
	(pc) =	sbr.rel @!p0 .LBB2_9-.Ltmp1, $4  }
0x1d: {  	[hbm:s12], [sflag:s0] =	dma.local [spmem:s1], $0x2800  }
0x1e: {  	_ =	swait.ge [sflag:s25], $0x2800  }
0x1f: {  	[sflag:s25] =	ssyncset.done $0x0  }
0x20: {  	[sflag:s25] =	ssyncadd.s32 $0xFFFFD800  }
.LBB2_1:
0x21: {  	[tilespmem:s3], [sflag:$0x1] =	stream.linear.gather [hbm4b:s4+s3], $0x80, $0x38;
	[tilespmem:$0x18200] =	vst v63  }
0x22: {  	s0 =	rddreg [dreg:$0x3]  }
0x23: {  	[tilespmem:s22], [sflag:$0x1] =	stream.linear.gather [hbm4b:s0+s3], $0x80, $0x38;
	[tilespmem:$0x18200] =	vst v63  }
0x24: {  	s30 =	simm.s32 $0x0;
	s31 =	simm.s32 $0x200  }
0x25: {  	[tilespmem:s23], [sflag:$0x1] =	stream.linear.gather [hbm4b:s7+s3], $0x80, $0x38;
	[tilespmem:$0x18200] =	vst v63  }
.LBB2_2:
0x26: {  	p0 =	sne.s32 s31, $0xFE00;
	[tilespmem:s30+$0x270] =	vst v0  }
0x27: {  	[tilespmem:s30+$0x200] =	vst v0  }
0x28: {  	[tilespmem:s30+$0x210] =	vst v0  }
.Ltmp2:
0x29: {  	[tilespmem:s30+$0x220] =	vst v0;
	(pc) =	sbr.rel @p0 .LBB2_2-.Ltmp2, $4  }
0x2a: {  	[tilespmem:s30+$0x230] =	vst v0  }
0x2b: {  	[tilespmem:s30+$0x240] =	vst v0  }
0x2c: {  	[tilespmem:s30+$0x250] =	vst v0  }
0x2d: {  	[tilespmem:s30+$0x260] =	vst v0;
	s30 =	sshra.s32 s31, $0x2;
	s31 =	sadd.s32 $0x200, s31  }
0x2e: {  	[tilespmem:s30+$0x270] =	vst v0  }
0x2f: {  	[tilespmem:s30+$0x200] =	vst v0  }
0x30: {  	[tilespmem:s30+$0x210] =	vst v0  }
0x31: {  	[tilespmem:s30+$0x220] =	vst v0  }
0x32: {  	[tilespmem:s30+$0x230] =	vst v0  }
0x33: {  	[tilespmem:s30+$0x240] =	vst v0  }
0x34: {  	[tilespmem:s30+$0x250] =	vst v0  }
0x35: {  	[tilespmem:s30+$0x260] =	vst v0  }
0x36: {  	[spmem:s5] =	stream.linear.scatter [tilespmem:s24], [sflag:$0x2], $0x4000, $0x38;
	[tilespmem:$0x18200] =	vst v63  }
0x37: {  	_ = 	snop  }
0x38: {  	[spmem:s8] =	stream.linear.scatter [tilespmem:s24], [sflag:$0x2], $0x4000, $0x38;
	[tilespmem:$0x18200] =	vst v63  }
0x39: {  	_ = 	snop  }
0x3a: {  	[spmem:s9] =	stream.linear.scatter [tilespmem:s24], [sflag:$0x2], $0x4000, $0x38;
	[tilespmem:$0x18200] =	vst v63  }
0x3b: {  	_ = 	snop  }
0x3c: {  	[spmem:s10] =	stream.linear.scatter [tilespmem:s24], [sflag:$0x2], $0x4000, $0x38;
	[tilespmem:$0x18200] =	vst v63  }
0x3d: {  	_ = 	snop  }
0x3e: {  	[spmem:s11] =	stream.linear.scatter [tilespmem:s24], [sflag:$0x2], $0x4000, $0x38;
	[tilespmem:$0x18200] =	vst v63  }
0x3f: {  	_ =	swait.ge [sflag:s25], $0x4000  }
0x40: {  	[sflag:s25] =	ssyncset.done $0x0  }
0x41: {  	[sflag:s25] =	ssyncadd.s32 $0xFFFFC000  }
0x42: {  	_ =	swait.ge [sflag:s25], $0x4000  }
0x43: {  	[sflag:s25] =	ssyncset.done $0x0  }
0x44: {  	[sflag:s25] =	ssyncadd.s32 $0xFFFFC000  }
0x45: {  	_ =	swait.ge [sflag:s25], $0x4000  }
0x46: {  	[sflag:s25] =	ssyncset.done $0x0  }
0x47: {  	[sflag:s25] =	ssyncadd.s32 $0xFFFFC000  }
0x48: {  	_ =	swait.ge [sflag:s25], $0x4000  }
0x49: {  	[sflag:s25] =	ssyncset.done $0x0  }
0x4a: {  	[sflag:s25] =	ssyncadd.s32 $0xFFFFC000  }
0x4b: {  	_ =	swait.ge [sflag:s25], $0x4000  }
0x4c: {  	[sflag:s25] =	ssyncset.done $0x0  }
0x4d: {  	s30 =	simm.s32 $0x0;
	s31 =	simm.s32 $0x200;
	[sflag:s25] =	ssyncadd.s32 $0xFFFFC000  }
.LBB2_4:
0x4e: {  	p0 =	sne.s32 s31, $0xFE00;
	[tilespmem:s30+$0x270] =	vst v1  }
0x4f: {  	[tilespmem:s30+$0x200] =	vst v1  }
0x50: {  	[tilespmem:s30+$0x210] =	vst v1  }
.Ltmp3:
0x51: {  	[tilespmem:s30+$0x220] =	vst v1;
	(pc) =	sbr.rel @p0 .LBB2_4-.Ltmp3, $4  }
0x52: {  	[tilespmem:s30+$0x230] =	vst v1  }
0x53: {  	[tilespmem:s30+$0x240] =	vst v1  }
0x54: {  	[tilespmem:s30+$0x250] =	vst v1  }
0x55: {  	[tilespmem:s30+$0x260] =	vst v1;
	s30 =	sshra.s32 s31, $0x2;
	s31 =	sadd.s32 $0x200, s31  }
0x56: {  	[tilespmem:s30+$0x270] =	vst v1  }
0x57: {  	[tilespmem:s30+$0x200] =	vst v1  }
0x58: {  	[tilespmem:s30+$0x210] =	vst v1  }
0x59: {  	[tilespmem:s30+$0x220] =	vst v1  }
0x5a: {  	[tilespmem:s30+$0x230] =	vst v1  }
0x5b: {  	[tilespmem:s30+$0x240] =	vst v1  }
0x5c: {  	[tilespmem:s30+$0x250] =	vst v1  }
0x5d: {  	[tilespmem:s30+$0x260] =	vst v1  }
0x5e: {  	_ =	swait.ge [sflag:s26], $0x80  }
0x5f: {  	[sflag:s26] =	ssyncset.done $0x0  }
0x60: {  	[sflag:s26] =	ssyncadd.s32 $0xFFFFFF80  }
0x61: {  	s30 =	simm.s32 $0x0;
	[bflag:$0x0] =	sbarrier.arrive $0xFFFF  }
0x62: {  	[spmem:s2] =	stream.indirect.scatter.add.f32 [tilespmem:s24], [sflag:$0x2], $0x80, s30, s22, $0xb8;
	[tilespmem:$0x18200] =	vst v63  }
0x63: {  	_ = 	snop  }
0x64: {  	[tilespmem:s28], [sflag:$0x1] =	stream.linear.gather [hbm4b:s14+s30], $0x80, $0x38;
	[tilespmem:$0x18200] =	vst v63  }
0x65: {  	_ =	swait.ge [sflag:s26], $0x80  }
0x66: {  	[sflag:s26] =	ssyncset.done $0x0  }
0x67: {  	[sflag:s26] =	ssyncadd.s32 $0xFFFFFF80  }
0x68: {  	[spmem:s2] =	stream.indirect.scatter.add.f32 [tilespmem:s24], [sflag:$0x2], $0x80, s22, s22, $0xb8;
	[tilespmem:$0x18200] =	vst v63  }
0x69: {  	_ =	swait.ge [sflag:s25], $0x4000  }
0x6a: {  	[sflag:s25] =	ssyncset.done $0x0  }
0x6b: {  	[sflag:s25] =	ssyncadd.s32 $0xFFFFC000  }
0x6c: {  	[tilespmem:s30], [sflag:$0x1] =	stream.linear.gather [hbm4b:s15+s30], $0x80, $0x38;
	[tilespmem:$0x18200] =	vst v63  }
0x6d: {  	_ =	swait.ge [sflag:s26], $0x80  }
0x6e: {  	[sflag:s26] =	ssyncset.done $0x0  }
0x6f: {  	[sflag:s26] =	ssyncadd.s32 $0xFFFFFF80  }
0x70: {  	[spmem:s2] =	stream.indirect.scatter.add.f32 [tilespmem:s24], [sflag:$0x2], $0x80, s23, s22, $0xb8;
	[tilespmem:$0x18200] =	vst v63  }
0x71: {  	_ =	swait.ge [sflag:s25], $0x4000  }
0x72: {  	[sflag:s25] =	ssyncset.done $0x0  }
0x73: {  	[sflag:s25] =	ssyncadd.s32 $0xFFFFC000  }
0x74: {  	[tilespmem:s22], [sflag:$0x1] =	stream.linear.gather [hbm4b:s16+s30], $0x80, $0x38;
	[tilespmem:$0x18200] =	vst v63  }
0x75: {  	_ =	swait.ge [sflag:s26], $0x80  }
0x76: {  	[sflag:s26] =	ssyncset.done $0x0  }
0x77: {  	[sflag:s26] =	ssyncadd.s32 $0xFFFFFF80  }
0x78: {  	[spmem:s2] =	stream.indirect.scatter.add.f32 [tilespmem:s24], [sflag:$0x2], $0x80, s28, s22, $0xb8;
	[tilespmem:$0x18200] =	vst v63  }
0x79: {  	_ =	swait.ge [sflag:s25], $0x4000  }
0x7a: {  	[sflag:s25] =	ssyncset.done $0x0  }
0x7b: {  	[sflag:s25] =	ssyncadd.s32 $0xFFFFC000  }
0x7c: {  	[tilespmem:s23], [sflag:$0x1] =	stream.linear.gather [hbm4b:s17+s30], $0x80, $0x38;
	[tilespmem:$0x18200] =	vst v63  }
0x7d: {  	_ =	swait.ge [sflag:s26], $0x80  }
0x7e: {  	[sflag:s26] =	ssyncset.done $0x0  }
0x7f: {  	[sflag:s26] =	ssyncadd.s32 $0xFFFFFF80  }
.LBB2_6:
0x80: {  	[spmem:s2] =	stream.indirect.scatter.add.f32 [tilespmem:s24], [sflag:$0x2], $0x80, s3, s22, $0xb8;
	[tilespmem:$0x18200] =	vst v63  }
0x81: {  	_ =	swait.ge [sflag:s25], $0x4000  }
0x82: {  	[sflag:s25] =	ssyncset.done $0x0  }
0x83: {  	s31 =	sadd.s32 s30, s21;
	[sflag:s25] =	ssyncadd.s32 $0xFFFFC000  }
0x84: {  	[tilespmem:s28], [sflag:$0x1] =	stream.linear.gather [hbm4b:s31+s3], $0x80, $0x38;
	[tilespmem:$0x18200] =	vst v63  }
0x85: {  	_ =	swait.ge [sflag:s26], $0x80  }
0x86: {  	[sflag:s26] =	ssyncset.done $0x0  }
0x87: {  	[sflag:s26] =	ssyncadd.s32 $0xFFFFFF80  }
0x88: {  	[spmem:s2] =	stream.indirect.scatter.add.f32 [tilespmem:s24], [sflag:$0x2], $0x80, s22, s22, $0xb8;
	[tilespmem:$0x18200] =	vst v63  }
0x89: {  	_ =	swait.ge [sflag:s25], $0x4000  }
0x8a: {  	p0 =	seq.s32 s30, $0x480;
	[sflag:s25] =	ssyncset.done $0x0  }
0x8b: {  	s31 =	simm.s32 @p0 $0x1;
	[sflag:s25] =	ssyncadd.s32 $0xFFFFC000  }
0x8c: {  	_ =	swait.ge @p0 [sflag:s31], $0x80  }
0x8d: {  	s1 =	simm.s32 @p0 $0x100;
	[sflag:s31] =	ssyncset.done @p0 $0x0  }
0x8e: {  	s0 =	simm.s32 @p0 $0x200;
	[sflag:s31] =	ssyncadd.s32 @p0 $0xFFFFFF80;
	s31 =	simm.s32 @p0 $0x80  }
0x8f: {  	[spmem:s2] =	stream.indirect.scatter.add.f32 @p0 [tilespmem:s0], [sflag:$0x2], $0x80, s1, s31, $0xb8;
	[tilespmem:$0x18200] =	vst v63  }
0x90: {  	s0 =	simm.s32 @p0 $0x2  }
0x91: {  	_ =	swait.ge @p0 [sflag:s0], $0x4000  }
0x92: {  	[sflag:s0] =	ssyncset.done @p0 $0x0  }
0x93: {  	s1 =	simm.s32 @!p0 $0x0;
	[sflag:s0] =	ssyncadd.s32 @p0 $0xFFFFC000;
	s0 =	sadd.s32 @!p0 s30, s20  }
0x94: {  	[tilespmem:s1], [sflag:$0x1] =	stream.linear.gather @!p0 [hbm4b:s0+s1], $0x80, $0x38;
	[tilespmem:$0x18200] =	vst v63  }
0x95: {  	s0 =	simm.s32 @!p0 $0x1  }
0x96: {  	_ =	swait.ge @!p0 [sflag:s0], $0x80  }
0x97: {  	s6 =	simm.s32 @!p0 $0x200;
	[sflag:s0] =	ssyncset.done @!p0 $0x0  }
0x98: {  	s31 =	simm.s32 @!p0 $0x100;
	[sflag:s0] =	ssyncadd.s32 @!p0 $0xFFFFFF80;
	s0 =	simm.s32 @!p0 $0x80  }
0x99: {  	[spmem:s2] =	stream.indirect.scatter.add.f32 @!p0 [tilespmem:s6], [sflag:$0x2], $0x80, s31, s0, $0xb8;
	[tilespmem:$0x18200] =	vst v63  }
0x9a: {  	s6 =	simm.s32 @!p0 $0x2  }
0x9b: {  	_ =	swait.ge @!p0 [sflag:s6], $0x4000  }
0x9c: {  	[sflag:s6] =	ssyncset.done @!p0 $0x0  }
0x9d: {  	[sflag:s6] =	ssyncadd.s32 @!p0 $0xFFFFC000;
	s6 =	sadd.s32 @!p0 s30, s19  }
0x9e: {  	[tilespmem:s0], [sflag:$0x1] =	stream.linear.gather @!p0 [hbm4b:s6+s1], $0x80, $0x38;
	[tilespmem:$0x18200] =	vst v63  }
0x9f: {  	_ =	swait.ge [sflag:s26], $0x80  }
0xa0: {  	[sflag:s26] =	ssyncset.done $0x0  }
.Ltmp4:
0xa1: {  	[sflag:s26] =	ssyncadd.s32 $0xFFFFFF80;
	(pc) =	sbr.rel @p0 .LBB2_8-.Ltmp4, $4  }
0xa2: {  	[spmem:s2] =	stream.indirect.scatter.add.f32 [tilespmem:s24], [sflag:$0x2], $0x80, s28, s22, $0xb8;
	[tilespmem:$0x18200] =	vst v63  }
0xa3: {  	_ =	swait.ge [sflag:s25], $0x4000  }
0xa4: {  	[sflag:s25] =	ssyncset.done $0x0  }
0xa5: {  	[sflag:s25] =	ssyncadd.s32 $0xFFFFC000  }
.Ltmp5:
0xa6: {  	s0 =	sadd.s32 s30, s18;
	(pc) =	sbr.rel .LBB2_6-.Ltmp5, $4  }
0xa7: {  	[tilespmem:s23], [sflag:$0x1] =	stream.linear.gather [hbm4b:s0+s3], $0x80, $0x38;
	[tilespmem:$0x18200] =	vst v63  }
0xa8: {  	_ =	swait.ge [sflag:s26], $0x80  }
0xa9: {  	[sflag:s26] =	ssyncset.done $0x0  }
0xaa: {  	s30 =	sadd.s32 $0x40, s30;
	[sflag:s26] =	ssyncadd.s32 $0xFFFFFF80  }
.LBB2_9:
0xab: {  	_ =	sfence.sel $0x180000  }
0xac: {  	[bflag:$0x0] =	sbarrier.arrive $0xFFFF  }
0xad: {  	_ =	strace $0x90000047  }
0xae: {  	s0 =	stileid.u32;
	[bflag:$0x2] =	sbarrier.arrive $0xFFFF  }
0xaf: {  	p0 =	sne.s32 s0, $0x0;
	s0 =	rddreg [dreg:$0x2]  }
0xb0: {  	s0 =	sadd.s32 @!p0 $0x100000, s0  }
0xb1: {  	[sflag:s0] =	ssyncadd.tile.s32 @!p0 $0x1;
	_ =	shalt  }
.Lfunc_end2:
_tile_overlayer_lowered:
.L_overlay_start_2:
0xb2: {  	(tag) =	ssettag $0x2  }
0xb3: {  	s0 =	rddreg [dreg:$0x0];
	s2 =	stileid.u32  }
0xb4: {  	s1 =	rddreg [dreg:$0x1];
	p0 =	sne.s32 s2, $0x0  }
0xb5: {  	s3 =	rddreg [dreg:$0x2];
	[bflag:$0x3] =	sbarrier.arrive $0xFFFF;
	s2 =	simm.s32 @!p0 $0x1C03  }
0xb6: {  	[timem:s3], [sflag:s2] =	dma.local @!p0 [hbm:s0], s1  }
0xb7: {  	s0 =	simm.s32 @!p0 $0x3  }
0xb8: {  	_ =	swait.ge @!p0 [sflag:s0], s1  }
0xb9: {  	s1 =	ssub.s32 @!p0 $0x0, s1;
	[sflag:s0] =	ssyncset.done @!p0 $0x0  }
0xba: {  	[sflag:s0] =	ssyncadd.s32 @!p0 s1  }
0xbb: {  	[bflag:$0x3] =	sbarrier.arrive $0xFFFF  }
0xbc: {  	_ =	shalt  }

// kernel: kernel.17.cloned.1.call-start
scs
__scs_entry_jumppad:
0x0: {  	(pc) =	sbr.rel $0x88, $3  }
0x1: {  	(tag) =	ssettag $0x0;
	lr =	simm.s32 $0x1  }
0x2: {  	[smem:$0x3F9C] =	sst lr;
	_ =	strace $0xD0000000  }
0x3: {  	_ = 	snop  }
0x4: {  	_ = 	snop  }
0x5: {  	_ = 	snop  }
0x6: {  	_ = 	snop  }
0x7: {  	_ = 	snop  }
__scs_overlays_trampoline_lowered:
0x8: {  	[smem:$0x3FAB] =	sst s0  }
0x9: {  	[smem:$0x3FAC] =	sst s1  }
0xa: {  	[smem:$0x3FAD] =	sst s2  }
0xb: {  	[smem:$0x3FAE] =	sst s3  }
0xc: {  	[smem:$0x3FAF] =	sst s4  }
0xd: {  	[smem:$0x3FB0] =	sst s5  }
0xe: {  	[smem:$0x3FB1] =	sst s6  }
0xf: {  	[smem:$0x3FB2] =	sst s7  }
0x10: {  	[smem:$0x3FB3] =	sst s8  }
0x11: {  	[smem:$0x3FB4] =	sst s9;
	s0 =	simm.s32 @!p0 $0x0  }
0x12: {  	s1 =	sld [smem:$0x3F9A];
	s0 =	simm.s32 @p0 $0x1  }
0x13: {  	[smem:$0x3FB5] =	sst s0;
	s0 =	simm.s32 @!p1 $0x0  }
0x14: {  	s2 =	sld [smem:$0x3F99];
	s0 =	simm.s32 @p1 $0x1  }
0x15: {  	[smem:$0x3FB6] =	sst s0;
	s0 =	simm.s32 @!p2 $0x0  }
0x16: {  	s3 =	sld [smem:$0x3FDB];
	s0 =	simm.s32 @p2 $0x1  }
0x17: {  	s4 =	simm.s32 $0x1BF5;
	[smem:$0x3FB8] =	sst s0  }
0x18: {  	s0 =	sld [smem:$0x3F9B];
	_ =	swait.ge [sflag:s4], $0x0  }
0x19: {  	s7 =	sld [smem:$0x3F9C]  }
0x1a: {  	s8 =	sadd.s32 $0xFFFFE003, lr  }
0x1b: {  	s9 =	sadd.s32 $0xFFFFFEF7, lr;
	s5 =	simm.s32 $0xFFFFFFFF;
	p2 =	slt.u32 s8, $0xFFFFF086  }
0x1c: {  	p1 =	slt.u32 s9, $0xF7A;
	s5 =	simm.s32 @!p2 $0x0  }
0x1d: {  	s5 =	simm.s32 @p1 $0x1;
	p0 =	seq.s32 s7, s2  }
0x1e: {  	s7 =	smul.u32 @!p0 $0xF7A, s2;
	p2 =	seq.s32 @!p0 s5, $0x0  }
0x1f: {  	s9 =	smul.u32 $0xF7A, s1;
	s8 =	simm.s32 @!p0 $0x1BF5;
	p2 =	por !p2, p0  }
0x20: {  	[sflag:s8] =	ssyncset.s32 @!p0 $0xFFFFF086;
	s6 =	sadd.s32 @!p0 s3, s7;
	s7 =	simm.s32 @!p0 $0x108  }
0x21: {  	s3 =	sadd.s32 s3, s9;
	s6 =	sadd.s32 @!p0 $0x88, s6;
	s7 =	simm.s32 @p2 $0x1082  }
0x22: {  	[simem:s7], [sflag:s8] =	dma.local @!p0 [hbm:s6], $0xF7A  }
0x23: {  	s9 =	sor.u32 $0xD0000000, s2;
	s6 =	simm.s32 $0x108;
	_ =	swait.ge @!p0 [sflag:s8], $0x0  }
0x24: {  	s3 =	sadd.s32 $0x88, s3;
	s6 =	simm.s32 @!p1 $0x1082;
	[sflag:s4] =	ssyncset.s32 $0xFFFFF086  }
0x25: {  	[simem:s6], [sflag:s4] =	dma.local [hbm:s3], $0xF7A  }
0x26: {  	[smem:$0x3F9C] =	sst s1;
	(tag) =	ssettag s2;
	_ =	strace s9  }
0x27: {  	s1 =	sld [smem:$0x3FAC]  }
0x28: {  	s2 =	sld [smem:$0x3FAD]  }
0x29: {  	s4 =	sld [smem:$0x3FAF]  }
0x2a: {  	p0 =	seq.s32 s5, $0x0;
	s5 =	sld [smem:$0x3FB0]  }
0x2b: {  	s6 =	sld [smem:$0x3FB1]  }
0x2c: {  	s7 =	sld [smem:$0x3FB2]  }
0x2d: {  	s3 =	simm.s32 $0x108;
	s8 =	sld [smem:$0x3FB3]  }
0x2e: {  	s3 =	simm.s32 @!p0 $0x1082;
	s9 =	sld [smem:$0x3FB4]  }
0x2f: {  	lr =	sadd.s32 s0, s3;
	s0 =	sld [smem:$0x3FAB]  }
0x30: {  	s3 =	sld [smem:$0x3FAE]  }
0x31: {  	[smem:$0x3FB7] =	sst s10  }
0x32: {  	s10 =	sld [smem:$0x3FB5];
	_ =	sdelay $0x3  }
0x33: {  	p0 =	seq.s32 s10, $0x1;
	s10 =	sld [smem:$0x3FB7];
	_ =	sdelay $0x3  }
0x34: {  	[smem:$0x3FB7] =	sst s10  }
0x35: {  	s10 =	sld [smem:$0x3FB6];
	_ =	sdelay $0x3  }
0x36: {  	p1 =	seq.s32 s10, $0x1;
	s10 =	sld [smem:$0x3FB7];
	_ =	sdelay $0x3  }
0x37: {  	[smem:$0x3FB7] =	sst s10  }
0x38: {  	s10 =	sld [smem:$0x3FB8]  }
0x39: {  	_ = 	snop;
	(pc) =	sbr.ind lr, $3  }
0x3a: {  	_ = 	snop  }
0x3b: {  	_ = 	snop  }
0x3c: {  	p2 =	seq.s32 s10, $0x1;
	s10 =	sld [smem:$0x3FB7]  }
0x3d: {  	_ =	shalt  }
0x3e: {  	_ =	shalt  }
0x3f: {  	_ =	shalt  }
0x40: {  	_ =	shalt  }
0x41: {  	_ =	shalt  }
0x42: {  	_ =	shalt  }
0x43: {  	_ =	shalt  }
0x44: {  	_ =	shalt  }
0x45: {  	_ =	shalt  }
0x46: {  	_ =	shalt  }
0x47: {  	_ =	shalt  }
0x48: {  	_ =	shalt  }
0x49: {  	_ =	shalt  }
0x4a: {  	_ =	shalt  }
0x4b: {  	_ =	shalt  }
0x4c: {  	_ =	shalt  }
0x4d: {  	_ =	shalt  }
0x4e: {  	_ =	shalt  }
0x4f: {  	_ =	shalt  }
0x50: {  	_ =	shalt  }
0x51: {  	_ =	shalt  }
0x52: {  	_ =	shalt  }
0x53: {  	_ =	shalt  }
0x54: {  	_ =	shalt  }
0x55: {  	_ =	shalt  }
0x56: {  	_ =	shalt  }
0x57: {  	_ =	shalt  }
0x58: {  	_ =	shalt  }
0x59: {  	_ =	shalt  }
0x5a: {  	_ =	shalt  }
0x5b: {  	_ =	shalt  }
0x5c: {  	_ =	shalt  }
0x5d: {  	_ =	shalt  }
0x5e: {  	_ =	shalt  }
0x5f: {  	_ =	shalt  }
0x60: {  	_ =	shalt  }
0x61: {  	_ =	shalt  }
0x62: {  	_ =	shalt  }
0x63: {  	_ =	shalt  }
0x64: {  	_ =	shalt  }
0x65: {  	_ =	shalt  }
0x66: {  	_ =	shalt  }
0x67: {  	_ =	shalt  }
0x68: {  	_ =	shalt  }
0x69: {  	_ =	shalt  }
0x6a: {  	_ =	shalt  }
0x6b: {  	_ =	shalt  }
0x6c: {  	_ =	shalt  }
0x6d: {  	_ =	shalt  }
0x6e: {  	_ =	shalt  }
0x6f: {  	_ =	shalt  }
0x70: {  	_ =	shalt  }
0x71: {  	_ =	shalt  }
0x72: {  	_ =	shalt  }
0x73: {  	_ =	shalt  }
0x74: {  	_ =	shalt  }
0x75: {  	_ =	shalt  }
0x76: {  	_ =	shalt  }
0x77: {  	_ =	shalt  }
0x78: {  	_ =	shalt  }
0x79: {  	_ =	shalt  }
0x7a: {  	_ =	shalt  }
0x7b: {  	_ =	shalt  }
0x7c: {  	_ =	shalt  }
0x7d: {  	_ =	shalt  }
0x7e: {  	_ =	shalt  }
0x7f: {  	_ =	shalt  }
0x80: {  	_ =	shalt  }
0x81: {  	_ =	shalt  }
0x82: {  	_ =	shalt  }
0x83: {  	_ =	shalt  }
0x84: {  	_ =	shalt  }
0x85: {  	_ =	shalt  }
0x86: {  	_ =	shalt  }
0x87: {  	_ =	shalt  }
.Lfunc_end0:
.L_simem_size_0:
called_computation.1_lowered:
.L_overlay_start_0:
0x88: {  	s2 =	sld [smem:$0x3FD9]  }
0x89: {  	s3 =	sld [smem:$0x3FFE];
	_ =	sdelay $0x1  }
0x8a: {  	s1 =	srdreg.scid  }
0x8b: {  	s0 =	sand.u32 $0x1, s1  }
0x8c: {  	s16 =	sshll.u32 s0, $0xA;
	s2 =	sadd.s32 s3, s2  }
0x8d: {  	s2 =	sadd.s32 s2, s16  }
0x8e: {  	[smem:$0x3FC3] =	sst s2  }
0x8f: {  	_ = 	snop  }
0x90: {  	(tm) =	ssettm $0x1  }
0x91: {  	s17 =	sld [smem:$0x3FFB];
	_ =	sdelay $0x3  }
0x92: {  	_ =	strace s17  }
0x93: {  	s2 =	sld [smem:$0x3FFC];
	_ =	sdelay $0x3  }
0x94: {  	_ =	strace s2  }
0x95: {  	s2 =	sld [smem:$0x3FFD];
	_ =	sdelay $0x3  }
0x96: {  	_ =	strace s2  }
0x97: {  	_ =	strace $0x8FFFFFFF  }
0x98: {  	s18 =	sld [smem:$0x3FDB];
	_ =	sdelay $0x1  }
0x99: {  	s19 =	simm.s32 $_scs_section_size  }
0x9a: {  	s4 =	simm.s32 $_size__tile_overlayer_lowered;
	s5 =	simm.s32 $_tile_overlayer_lowered  }
0x9b: {  	s22 =	simm.s32 $0x1BFF;
	s21 =	sshll.u32 s5, $0x1;
	s2 =	sadd.s32 s19, s18  }
0x9c: {  	s6 =	simm.s32 $0x0;
	s20 =	sshll.u32 s4, $0x1;
	s4 =	sadd.s32 s21, s2  }
0x9d: {  	[timem:s6], [sflag:s22] =	dma.local [hbm:s4], s20  }
0x9e: {  	_ =	swait.ge [sflag:s22], s20  }
0x9f: {  	s3 =	ssub.s32 $0x0, s20;
	[sflag:s22] =	ssyncset.done $0x0  }
0xa0: {  	[sflag:s22] =	ssyncadd.s32 s3;
	_ =	sdelay $0x1  }
0xa1: {  	s23 =	simm.s32 $0x1B8B  }
0xa2: {  	_ =	swait.ge [sflag:s23], $0x1  }
0xa3: {  	[sflag:s23] =	ssyncset.done $0x0  }
0xa4: {  	s25 =	simm.s32 $0x1B8E;
	s24 =	sld [smem:$0x3FFE];
	[sflag:s23] =	ssyncadd.s32 $0xFFFFFFFF  }
0xa5: {  	s26 =	simm.s32 $execute0_lowered;
	[smem:$0x3FD2] =	sst s25  }
0xa6: {  	s4 =	sshll.u32 s26, $0x1;
	_ =	strace $0x80000049;
	[dreg:$0x1] =	wrdreg $0xFFFFFFFF  }
0xa7: {  	s28 =	simm.s32 $_size_execute0_lowered;
	s2 =	sadd.s32 s2, s4;
	[dreg:$0x0] =	wrdreg $0x0  }
0xa8: {  	s4 =	sshll.u32 s28, $0x1;
	[dreg:$0x2] =	wrdreg s2  }
0xa9: {  	[dreg:$0x3] =	wrdreg s4  }
0xaa: {  	[dreg:$0x4] =	wrdreg $0xC0  }
0xab: {  	_ =	task [dreg:s6], $0x5FFFF  }
0xac: {  	[dreg:$0x1] =	wrdreg $0xFFFFFFFF  }
0xad: {  	[dreg:$0x0] =	wrdreg $0x60  }
0xae: {  	[dreg:$0x2] =	wrdreg s24  }
0xaf: {  	[dreg:$0x3] =	wrdreg $0x84000  }
0xb0: {  	[dreg:$0x4] =	wrdreg $0x9  }
0xb1: {  	_ =	task.clear_ibuf [dreg:s6], $0x5FFFF;
	_ =	strace $0x90000049  }
0xb2: {  	s29 =	simm.s32 $0x9;
	_ =	strace $0x8000004B  }
0xb3: {  	_ =	swait.ge [sflag:s29], $0x1  }
0xb4: {  	[sflag:s29] =	ssyncadd.s32 $0xFFFFFFFF  }
0xb5: {  	_ =	strace $0x9000004B  }
0xb6: {  	_ =	sfence  }
0xb7: {  	s30 =	sld [smem:$0x0];
	_ =	sdelay $0x2  }
0xb8: {  	s31 =	sshll.u32 s1, $0xD;
	s1 =	sshrl.u32 s1, $0x2  }
0xb9: {  	s3 =	sand.u32 $0x4000, s31;
	s1 =	sadd.s32 s1, s30  }
0xba: {  	s0 =	sor.u32 s3, s0;
	s1 =	sshll.u32 s1, $0x11  }
0xbb: {  	s0 =	sor.u32 s1, s0  }
0xbc: {  	s0 =	sadd.s32 $0x8F2B, s0  }
0xbd: {  	[sflag:s0] =	ssyncadd.remote.s32 $0x1  }
0xbe: {  	_ =	sfence.sel $0xFFFF  }
0xbf: {  	[dreg:$0x0] =	wrdreg $0xFFFFFFFF;
	(pc) =	sbr.abs _section_cstart, $3  }
0xc0: {  	[dreg:$0x1] =	wrdreg $0xFFFFFFFF  }
0xc1: {  	_ =	task.clear_ibuf [dreg:s6], $0x2FFFF;
	_ =	strace $0x9FFFFFFF  }
0xc2: {  	(tm) =	ssettm $0x7FFFFFFF  }
0xc3: {  	_ =	shalt  }
tec
execute0_lowered:
.L_overlay_start_1:
0x0: {  	(tag) =	ssettag $0x1  }
0x1: {  	s0 =	rddreg [dreg:$0x0]  }
0x2: {  	s1 =	rddreg [dreg:$0x1];
	s3 =	simm.s32 $0x0  }
0x3: {  	s2 =	srdreg.scid;
	s10 =	stileid.u32;
	s20 =	simm.s32 $0x200  }
0x4: {  	s21 =	simm.s32 $0x80;
	s28 =	simm.s32 $0x1;
	s29 =	simm.s32 $0x4400  }
0x5: {  	s30 =	simm.s32 $0x180;
	s31 =	simm.s32 $0x380;
	s6 =	smul.u32 $0x5000, s10  }
0x6: {  	[smem:$0x7FF] =	sst s3;
	s2 =	sand.u32 $0x1, s2;
	s9 =	smul.u32 $0x50000, s10  }
0x7: {  	s4 =	sadd.s32 $0xE200, s0;
	s7 =	sadd.s32 $0x5E200, s0;
	s14 =	smul.u32 $0x14000, s10  }
0x8: {  	s18 =	sadd.s32 $0x4200, s0;
	s19 =	smul.u32 $0xA00, s10;
	_ =	strace $0x8000004A  }
0x9: {  	s5 =	ssub.s32 $0x2, s2;
	p0 =	seq.s32 s2, $0x0;
	s2 =	simm.s32 $0x0  }
0xa: {  	s8 =	sshrl.u32 s5, $0x1;
	s6 =	sshrl.u32 s6, $0x3;
	s9 =	sshrl.u32 s9, $0x2  }
0xb: {  	s26 =	sshrl.u32 s14, $0x3;
	s5 =	ssub.s32 s5, s8;
	s22 =	sadd.s32 s7, s6  }
0xc: {  	s23 =	sadd.s32 s18, s6;
	s24 =	sor.u32 $0x10, s6;
	s6 =	sor.u32 $0x20, s6  }
0xd: {  	s9 =	sadd.s32 s9, s1;
	s0 =	sadd.s32 s0, s26;
	[dreg:$0x3] =	wrdreg s22  }
0xe: {  	s26 =	simm.s32 $0x2;
	[dreg:$0x4] =	wrdreg s23;
	s11 =	sadd.s32 s7, s24  }
0xf: {  	s8 =	sadd.s32 s18, s24;
	s25 =	sadd.s32 s7, s6;
	s6 =	sadd.s32 s18, s6  }
0x10: {  	s12 =	sadd.s32 $0x4000, s9;
	s13 =	sadd.s32 $0x8000, s9;
	s14 =	sadd.s32 $0xC000, s9  }
.Ltmp0:
0x11: {  	s15 =	sadd.s32 $0x10000, s9;
	s16 =	sadd.s32 $0x90200, s0;
	(pc) =	sbr.rel .LBB2_1-.Ltmp0, $4  }
0x12: {  	s17 =	smax.u32 s5, $0x1;
	s18 =	sadd.s32 s19, s18;
	[dreg:$0x5] =	wrdreg s11  }
0x13: {  	s19 =	sadd.s32 s19, s7;
	s22 =	simm.s32 $0x280;
	[dreg:$0x6] =	wrdreg s8  }
0x14: {  	s23 =	simm.s32 $0x100;
	s24 =	simm.s32 $0x300;
	[dreg:$0x7] =	wrdreg s25  }
0x15: {  	v0 =	vimm.f32 $0.0e+00;
	s0 =	simm.s32 $0x3;
	[dreg:$0x8] =	wrdreg s6;
	s25 =	simm.s32 $0x400  }
.LBB2_8:
0x16: {  	_ =	swait.ge [sflag:s26], $0x4000  }
0x17: {  	[sflag:s26] =	ssyncset.done $0x0  }
0x18: {  	[sflag:s26] =	ssyncadd.s32 $0xFFFFC000  }
0x19: {  	[spmem:s1] =	stream.indirect.scatter.add.f32 [tilespmem:s29], [sflag:$0x3], $0x80, s31, s21, $0xb8;
	[tilespmem:$0x1C400] =	vst v63  }
0x1a: {  	_ =	swait.ge [sflag:s0], $0x4000  }
0x1b: {  	[sflag:s0] =	ssyncset.done $0x0  }
0x1c: {  	[sflag:s0] =	ssyncadd.s32 $0xFFFFC000  }
0x1d: {  	_ =	swait.ge [sflag:s0], $0x4000  }
0x1e: {  	s5 =	stileid.u32;
	[sflag:s0] =	ssyncset.done $0x0  }
0x1f: {  	s5 =	sshll.u32 s5, $0x6;
	[sflag:s0] =	ssyncadd.s32 $0xFFFFC000  }
0x20: {  	s6 =	sshrl.u32 s9, $0x3;
	s5 =	sor.u32 $0x1C03, s5;
	[bflag:$0x0] =	sbarrier.arrive $0xFFFF  }
0x21: {  	[hbm:s16], [sflag:s5] =	dma.local [spmem:s6], $0x2800  }
0x22: {  	_ =	swait.ge [sflag:s0], $0x2800  }
0x23: {  	[sflag:s0] =	ssyncset.done $0x0  }
0x24: {  	[sflag:s0] =	ssyncadd.s32 $0xFFFFD800  }
.LBB2_9:
0x25: {  	s2 =	sadd.s32 $0x1, s2  }
0x26: {  	p1 =	sne.s32 s2, s17  }
.Ltmp1:
0x27: {  	_ = 	snop;
	(pc) =	sbr.rel @!p1 .LBB2_10-.Ltmp1, $1  }
0x28: {  	_ =	sdelay $0x3  }
.LBB2_1:
.Ltmp2:
0x29: {  	(pc) =	sbr.rel @!p0 .LBB2_2-.Ltmp2, $1  }
0x2a: {  	_ =	sdelay $0x3  }
.Ltmp3:
0x2b: {  	(pc) =	sbr.rel .LBB2_9-.Ltmp3, $3  }
0x2c: {  	_ = 	snop  }
0x2d: {  	[bflag:$0x0] =	sbarrier.arrive $0xFFFF  }
0x2e: {  	[bflag:$0x0] =	sbarrier.arrive $0xFFFF;
	_ =	sdelay $0x1  }
.LBB2_2:
0x2f: {  	s5 =	simm.s32 $0x0;
	s6 =	rddreg [dreg:$0x3]  }
0x30: {  	[tilespmem:s5], [sflag:$0x1] =	stream.linear.gather [hbm4b:s6+s5], $0x80, $0x38;
	[tilespmem:$0x1C400] =	vst v63  }
0x31: {  	s11 =	rddreg [dreg:$0x4]  }
0x32: {  	[tilespmem:s20], [sflag:$0x1] =	stream.linear.gather [hbm4b:s11+s5], $0x80, $0x38;
	[tilespmem:$0x1C400] =	vst v63  }
0x33: {  	s7 =	rddreg [dreg:$0x5]  }
0x34: {  	[tilespmem:s21], [sflag:$0x1] =	stream.linear.gather [hbm4b:s7+s5], $0x80, $0x38;
	[tilespmem:$0x1C400] =	vst v63  }
0x35: {  	s8 =	rddreg [dreg:$0x6]  }
0x36: {  	[tilespmem:s22], [sflag:$0x1] =	stream.linear.gather [hbm4b:s8+s5], $0x80, $0x38;
	[tilespmem:$0x1C400] =	vst v63  }
0x37: {  	s10 =	rddreg [dreg:$0x7]  }
0x38: {  	[tilespmem:s23], [sflag:$0x1] =	stream.linear.gather [hbm4b:s10+s5], $0x80, $0x38;
	[tilespmem:$0x1C400] =	vst v63  }
0x39: {  	s11 =	rddreg [dreg:$0x8]  }
0x3a: {  	[tilespmem:s24], [sflag:$0x1] =	stream.linear.gather [hbm4b:s11+s5], $0x80, $0x38;
	[tilespmem:$0x1C400] =	vst v63  }
0x3b: {  	s6 =	simm.s32 $0x200;
	s5 =	simm.s32 $0x0  }
.LBB2_3:
0x3c: {  	p1 =	sne.s32 s6, $0xFE00;
	[tilespmem:s5+$0x470] =	vst v0  }
0x3d: {  	[tilespmem:s5+$0x400] =	vst v0  }
0x3e: {  	[tilespmem:s5+$0x410] =	vst v0  }
.Ltmp4:
0x3f: {  	[tilespmem:s5+$0x420] =	vst v0;
	(pc) =	sbr.rel @p1 .LBB2_3-.Ltmp4, $4  }
0x40: {  	[tilespmem:s5+$0x430] =	vst v0  }
0x41: {  	[tilespmem:s5+$0x440] =	vst v0  }
0x42: {  	[tilespmem:s5+$0x450] =	vst v0  }
0x43: {  	[tilespmem:s5+$0x460] =	vst v0;
	s5 =	sshra.s32 s6, $0x2;
	s6 =	sadd.s32 $0x200, s6  }
0x44: {  	[tilespmem:s5+$0x470] =	vst v0  }
0x45: {  	[tilespmem:s5+$0x400] =	vst v0  }
0x46: {  	[tilespmem:s5+$0x410] =	vst v0  }
0x47: {  	[tilespmem:s5+$0x420] =	vst v0  }
0x48: {  	[tilespmem:s5+$0x430] =	vst v0  }
0x49: {  	[tilespmem:s5+$0x440] =	vst v0  }
0x4a: {  	[tilespmem:s5+$0x450] =	vst v0  }
0x4b: {  	[tilespmem:s5+$0x460] =	vst v0  }
0x4c: {  	[spmem:s9] =	stream.linear.scatter [tilespmem:s25], [sflag:$0x2], $0x4000, $0x38;
	[tilespmem:$0x1C400] =	vst v63  }
0x4d: {  	_ = 	snop  }
0x4e: {  	[spmem:s12] =	stream.linear.scatter [tilespmem:s25], [sflag:$0x2], $0x4000, $0x38;
	[tilespmem:$0x1C400] =	vst v63  }
0x4f: {  	_ = 	snop  }
0x50: {  	[spmem:s13] =	stream.linear.scatter [tilespmem:s25], [sflag:$0x2], $0x4000, $0x38;
	[tilespmem:$0x1C400] =	vst v63  }
0x51: {  	_ = 	snop  }
0x52: {  	[spmem:s14] =	stream.linear.scatter [tilespmem:s25], [sflag:$0x2], $0x4000, $0x38;
	[tilespmem:$0x1C400] =	vst v63  }
0x53: {  	_ = 	snop  }
0x54: {  	[spmem:s15] =	stream.linear.scatter [tilespmem:s25], [sflag:$0x2], $0x4000, $0x38;
	[tilespmem:$0x1C400] =	vst v63  }
0x55: {  	_ =	swait.ge [sflag:s26], $0x4000  }
0x56: {  	[sflag:s26] =	ssyncset.done $0x0  }
0x57: {  	[sflag:s26] =	ssyncadd.s32 $0xFFFFC000  }
0x58: {  	_ =	swait.ge [sflag:s26], $0x4000  }
0x59: {  	[sflag:s26] =	ssyncset.done $0x0  }
0x5a: {  	[sflag:s26] =	ssyncadd.s32 $0xFFFFC000  }
0x5b: {  	_ =	swait.ge [sflag:s26], $0x4000  }
0x5c: {  	[sflag:s26] =	ssyncset.done $0x0  }
0x5d: {  	[sflag:s26] =	ssyncadd.s32 $0xFFFFC000  }
0x5e: {  	_ =	swait.ge [sflag:s26], $0x4000  }
0x5f: {  	[sflag:s26] =	ssyncset.done $0x0  }
0x60: {  	[sflag:s26] =	ssyncadd.s32 $0xFFFFC000  }
0x61: {  	_ =	swait.ge [sflag:s26], $0x4000  }
0x62: {  	[sflag:s26] =	ssyncset.done $0x0  }
0x63: {  	[sflag:s26] =	ssyncadd.s32 $0xFFFFC000  }
0x64: {  	_ =	swait.ge [sflag:s28], $0x80  }
0x65: {  	[sflag:s28] =	ssyncset.done $0x0  }
0x66: {  	[sflag:s28] =	ssyncadd.s32 $0xFFFFFF80  }
0x67: {  	_ =	swait.ge [sflag:s28], $0x80  }
0x68: {  	[sflag:s28] =	ssyncset.done $0x0  }
0x69: {  	[sflag:s28] =	ssyncadd.s32 $0xFFFFFF80  }
0x6a: {  	s5 =	simm.s32 $0x0;
	[bflag:$0x0] =	sbarrier.arrive $0xFFFF  }
0x6b: {  	[tilespmem:s25], [sflag:$0x2] =	stream.indirect.gather [hbm4b:s4+s21], $0x80, s5, s21, $0xb8;
	[tilespmem:$0x1C400] =	vst v63  }
.LBB2_5:
0x6c: {  	_ =	swait.ge [sflag:s26], $0x4000  }
0x6d: {  	p1 =	seq.s32 s5, $0x0;
	[sflag:s26] =	ssyncset.done $0x0  }
0x6e: {  	s6 =	simm.s32 @!p1 $0x3;
	[sflag:s26] =	ssyncadd.s32 $0xFFFFC000  }
0x6f: {  	[spmem:s1] =	stream.indirect.scatter.add.f32 [tilespmem:s25], [sflag:$0x3], $0x80, s20, s21, $0xb8;
	[tilespmem:$0x1C400] =	vst v63  }
0x70: {  	_ =	swait.ge @!p1 [sflag:s6], $0x4000  }
0x71: {  	[sflag:s6] =	ssyncset.done @!p1 $0x0  }
0x72: {  	[sflag:s6] =	ssyncadd.s32 @!p1 $0xFFFFC000  }
0x73: {  	_ =	swait.ge [sflag:s28], $0x80  }
0x74: {  	[sflag:s28] =	ssyncset.done $0x0  }
0x75: {  	[sflag:s28] =	ssyncadd.s32 $0xFFFFFF80  }
0x76: {  	_ =	swait.ge [sflag:s28], $0x80  }
0x77: {  	[sflag:s28] =	ssyncset.done $0x0  }
0x78: {  	s6 =	sadd.s32 s5, s19;
	[sflag:s28] =	ssyncadd.s32 $0xFFFFFF80  }
0x79: {  	[tilespmem:s29], [sflag:$0x2] =	stream.indirect.gather [hbm4b:s4+s21], $0x80, s21, s21, $0xb8;
	[tilespmem:$0x1C400] =	vst v63  }
0x7a: {  	s7 =	sadd.s32 $0x30, s6  }
0x7b: {  	[tilespmem:s30], [sflag:$0x1] =	stream.linear.gather [hbm4b:s7+s3], $0x80, $0x38;
	[tilespmem:$0x1C400] =	vst v63  }
0x7c: {  	s7 =	sadd.s32 s5, s18  }
0x7d: {  	s8 =	sadd.s32 $0x30, s7  }
0x7e: {  	[tilespmem:s31], [sflag:$0x1] =	stream.linear.gather [hbm4b:s8+s3], $0x80, $0x38;
	[tilespmem:$0x1C400] =	vst v63  }
0x7f: {  	_ =	swait.ge [sflag:s26], $0x4000  }
0x80: {  	[sflag:s26] =	ssyncset.done $0x0  }
0x81: {  	[sflag:s26] =	ssyncadd.s32 $0xFFFFC000  }
0x82: {  	[spmem:s1] =	stream.indirect.scatter.add.f32 [tilespmem:s29], [sflag:$0x3], $0x80, s22, s21, $0xb8;
	[tilespmem:$0x1C400] =	vst v63  }
0x83: {  	_ =	swait.ge [sflag:s0], $0x4000  }
0x84: {  	[sflag:s0] =	ssyncset.done $0x0  }
0x85: {  	[sflag:s0] =	ssyncadd.s32 $0xFFFFC000  }
0x86: {  	_ =	swait.ge [sflag:s28], $0x80  }
0x87: {  	[sflag:s28] =	ssyncset.done $0x0  }
0x88: {  	[sflag:s28] =	ssyncadd.s32 $0xFFFFFF80  }
0x89: {  	_ =	swait.ge [sflag:s28], $0x80  }
0x8a: {  	p1 =	seq.s32 s5, $0x9C0;
	[sflag:s28] =	ssyncset.done $0x0  }
0x8b: {  	s8 =	sadd.s32 @!p1 s5, s19;
	[sflag:s28] =	ssyncadd.s32 $0xFFFFFF80  }
0x8c: {  	[tilespmem:s25], [sflag:$0x2] =	stream.indirect.gather [hbm4b:s4+s21], $0x80, s23, s21, $0xb8;
	[tilespmem:$0x1C400] =	vst v63  }
0x8d: {  	s10 =	simm.s32 @!p1 $0x0;
	s8 =	sadd.s32 @!p1 $0x40, s8  }
0x8e: {  	[tilespmem:s10], [sflag:$0x1] =	stream.linear.gather @!p1 [hbm4b:s8+s10], $0x80, $0x38;
	[tilespmem:$0x1C400] =	vst v63  }
0x8f: {  	s8 =	sadd.s32 @!p1 s5, s18  }
0x90: {  	s11 =	simm.s32 @!p1 $0x200;
	s8 =	sadd.s32 @!p1 $0x40, s8  }
0x91: {  	[tilespmem:s11], [sflag:$0x1] =	stream.linear.gather @!p1 [hbm4b:s8+s10], $0x80, $0x38;
	[tilespmem:$0x1C400] =	vst v63  }
0x92: {  	_ =	swait.ge [sflag:s26], $0x4000  }
0x93: {  	[sflag:s26] =	ssyncset.done $0x0  }
0x94: {  	[sflag:s26] =	ssyncadd.s32 $0xFFFFC000  }
0x95: {  	[spmem:s1] =	stream.indirect.scatter.add.f32 [tilespmem:s25], [sflag:$0x3], $0x80, s24, s21, $0xb8;
	[tilespmem:$0x1C400] =	vst v63  }
0x96: {  	_ =	swait.ge [sflag:s0], $0x4000  }
0x97: {  	[sflag:s0] =	ssyncset.done $0x0  }
0x98: {  	[sflag:s0] =	ssyncadd.s32 $0xFFFFC000  }
0x99: {  	_ =	swait.ge [sflag:s28], $0x80  }
0x9a: {  	[sflag:s28] =	ssyncset.done $0x0  }
.Ltmp5:
0x9b: {  	[sflag:s28] =	ssyncadd.s32 $0xFFFFFF80;
	(pc) =	sbr.rel @p1 .LBB2_8-.Ltmp5, $4  }
0x9c: {  	_ =	swait.ge [sflag:s28], $0x80  }
0x9d: {  	[sflag:s28] =	ssyncset.done $0x0  }
0x9e: {  	[sflag:s28] =	ssyncadd.s32 $0xFFFFFF80  }
0x9f: {  	[tilespmem:s29], [sflag:$0x2] =	stream.indirect.gather [hbm4b:s4+s21], $0x80, s30, s21, $0xb8;
	[tilespmem:$0x1C400] =	vst v63  }
0xa0: {  	s8 =	sadd.s32 $0x50, s6  }
0xa1: {  	[tilespmem:s21], [sflag:$0x1] =	stream.linear.gather [hbm4b:s8+s3], $0x80, $0x38;
	[tilespmem:$0x1C400] =	vst v63  }
0xa2: {  	s11 =	sadd.s32 $0x50, s7  }
0xa3: {  	[tilespmem:s22], [sflag:$0x1] =	stream.linear.gather [hbm4b:s11+s3], $0x80, $0x38;
	[tilespmem:$0x1C400] =	vst v63  }
0xa4: {  	_ =	swait.ge [sflag:s26], $0x4000  }
0xa5: {  	[sflag:s26] =	ssyncset.done $0x0  }
0xa6: {  	[sflag:s26] =	ssyncadd.s32 $0xFFFFC000  }
0xa7: {  	[spmem:s1] =	stream.indirect.scatter.add.f32 [tilespmem:s29], [sflag:$0x3], $0x80, s31, s21, $0xb8;
	[tilespmem:$0x1C400] =	vst v63  }
0xa8: {  	_ =	swait.ge [sflag:s0], $0x4000  }
0xa9: {  	[sflag:s0] =	ssyncset.done $0x0  }
0xaa: {  	[sflag:s0] =	ssyncadd.s32 $0xFFFFC000  }
0xab: {  	_ =	swait.ge [sflag:s28], $0x80  }
0xac: {  	[sflag:s28] =	ssyncset.done $0x0  }
0xad: {  	[sflag:s28] =	ssyncadd.s32 $0xFFFFFF80  }
0xae: {  	_ =	swait.ge [sflag:s28], $0x80  }
0xaf: {  	[sflag:s28] =	ssyncset.done $0x0  }
0xb0: {  	[sflag:s28] =	ssyncadd.s32 $0xFFFFFF80  }
0xb1: {  	[tilespmem:s25], [sflag:$0x2] =	stream.indirect.gather [hbm4b:s4+s21], $0x80, s3, s21, $0xb8;
	[tilespmem:$0x1C400] =	vst v63  }
.Ltmp6:
0xb2: {  	_ = 	snop;
	(pc) =	sbr.rel .LBB2_5-.Ltmp6, $4  }
0xb3: {  	s10 =	sadd.s32 $0x60, s6  }
0xb4: {  	[tilespmem:s23], [sflag:$0x1] =	stream.linear.gather [hbm4b:s10+s3], $0x80, $0x38;
	[tilespmem:$0x1C400] =	vst v63  }
0xb5: {  	s5 =	sadd.s32 $0x40, s5;
	s11 =	sadd.s32 $0x60, s7  }
0xb6: {  	[tilespmem:s24], [sflag:$0x1] =	stream.linear.gather [hbm4b:s11+s3], $0x80, $0x38;
	[tilespmem:$0x1C400] =	vst v63  }
.LBB2_10:
0xb7: {  	_ =	sfence.sel $0x180000  }
0xb8: {  	[bflag:$0x0] =	sbarrier.arrive $0xFFFF  }
0xb9: {  	_ =	strace $0x9000004A  }
0xba: {  	s0 =	stileid.u32;
	[bflag:$0x2] =	sbarrier.arrive $0xFFFF  }
0xbb: {  	p0 =	sne.s32 s0, $0x0;
	s0 =	rddreg [dreg:$0x2]  }
0xbc: {  	s0 =	sadd.s32 @!p0 $0x100000, s0  }
0xbd: {  	[sflag:s0] =	ssyncadd.tile.s32 @!p0 $0x1;
	_ =	shalt  }
.Lfunc_end2:
_tile_overlayer_lowered:
.L_overlay_start_2:
0xbe: {  	(tag) =	ssettag $0x2  }
0xbf: {  	s0 =	rddreg [dreg:$0x0];
	s2 =	stileid.u32  }
0xc0: {  	s1 =	rddreg [dreg:$0x1];
	p0 =	sne.s32 s2, $0x0  }
0xc1: {  	s3 =	rddreg [dreg:$0x2];
	[bflag:$0x3] =	sbarrier.arrive $0xFFFF;
	s2 =	simm.s32 @!p0 $0x1C04  }
0xc2: {  	[timem:s3], [sflag:s2] =	dma.local @!p0 [hbm:s0], s1  }
0xc3: {  	s0 =	simm.s32 @!p0 $0x4  }
0xc4: {  	_ =	swait.ge @!p0 [sflag:s0], s1  }
0xc5: {  	s1 =	ssub.s32 @!p0 $0x0, s1;
	[sflag:s0] =	ssyncset.done @!p0 $0x0  }
0xc6: {  	[sflag:s0] =	ssyncadd.s32 @!p0 s1  }
0xc7: {  	[bflag:$0x3] =	sbarrier.arrive $0xFFFF  }
0xc8: {  	_ =	shalt  }

// kernel: kernel.20.cloned.1.call-start
scs
__scs_entry_jumppad:
0x0: {  	(pc) =	sbr.rel $0x88, $3  }
0x1: {  	(tag) =	ssettag $0x0;
	lr =	simm.s32 $0x1  }
0x2: {  	[smem:$0x3F9C] =	sst lr;
	_ =	strace $0xD0000000  }
0x3: {  	_ = 	snop  }
0x4: {  	_ = 	snop  }
0x5: {  	_ = 	snop  }
0x6: {  	_ = 	snop  }
0x7: {  	_ = 	snop  }
__scs_overlays_trampoline_lowered:
0x8: {  	[smem:$0x3FAB] =	sst s0  }
0x9: {  	[smem:$0x3FAC] =	sst s1  }
0xa: {  	[smem:$0x3FAD] =	sst s2  }
0xb: {  	[smem:$0x3FAE] =	sst s3  }
0xc: {  	[smem:$0x3FAF] =	sst s4  }
0xd: {  	[smem:$0x3FB0] =	sst s5  }
0xe: {  	[smem:$0x3FB1] =	sst s6  }
0xf: {  	[smem:$0x3FB2] =	sst s7  }
0x10: {  	[smem:$0x3FB3] =	sst s8  }
0x11: {  	[smem:$0x3FB4] =	sst s9;
	s0 =	simm.s32 @!p0 $0x0  }
0x12: {  	s1 =	sld [smem:$0x3F9A];
	s0 =	simm.s32 @p0 $0x1  }
0x13: {  	[smem:$0x3FB5] =	sst s0;
	s0 =	simm.s32 @!p1 $0x0  }
0x14: {  	s2 =	sld [smem:$0x3F99];
	s0 =	simm.s32 @p1 $0x1  }
0x15: {  	[smem:$0x3FB6] =	sst s0;
	s0 =	simm.s32 @!p2 $0x0  }
0x16: {  	s3 =	sld [smem:$0x3FDB];
	s0 =	simm.s32 @p2 $0x1  }
0x17: {  	s4 =	simm.s32 $0x1BF5;
	[smem:$0x3FB8] =	sst s0  }
0x18: {  	s0 =	sld [smem:$0x3F9B];
	_ =	swait.ge [sflag:s4], $0x0  }
0x19: {  	s7 =	sld [smem:$0x3F9C]  }
0x1a: {  	s8 =	sadd.s32 $0xFFFFE003, lr  }
0x1b: {  	s9 =	sadd.s32 $0xFFFFFEF7, lr;
	s5 =	simm.s32 $0xFFFFFFFF;
	p2 =	slt.u32 s8, $0xFFFFF086  }
0x1c: {  	p1 =	slt.u32 s9, $0xF7A;
	s5 =	simm.s32 @!p2 $0x0  }
0x1d: {  	s5 =	simm.s32 @p1 $0x1;
	p0 =	seq.s32 s7, s2  }
0x1e: {  	s7 =	smul.u32 @!p0 $0xF7A, s2;
	p2 =	seq.s32 @!p0 s5, $0x0  }
0x1f: {  	s9 =	smul.u32 $0xF7A, s1;
	s8 =	simm.s32 @!p0 $0x1BF5;
	p2 =	por !p2, p0  }
0x20: {  	[sflag:s8] =	ssyncset.s32 @!p0 $0xFFFFF086;
	s6 =	sadd.s32 @!p0 s3, s7;
	s7 =	simm.s32 @!p0 $0x108  }
0x21: {  	s3 =	sadd.s32 s3, s9;
	s6 =	sadd.s32 @!p0 $0x88, s6;
	s7 =	simm.s32 @p2 $0x1082  }
0x22: {  	[simem:s7], [sflag:s8] =	dma.local @!p0 [hbm:s6], $0xF7A  }
0x23: {  	s9 =	sor.u32 $0xD0000000, s2;
	s6 =	simm.s32 $0x108;
	_ =	swait.ge @!p0 [sflag:s8], $0x0  }
0x24: {  	s3 =	sadd.s32 $0x88, s3;
	s6 =	simm.s32 @!p1 $0x1082;
	[sflag:s4] =	ssyncset.s32 $0xFFFFF086  }
0x25: {  	[simem:s6], [sflag:s4] =	dma.local [hbm:s3], $0xF7A  }
0x26: {  	[smem:$0x3F9C] =	sst s1;
	(tag) =	ssettag s2;
	_ =	strace s9  }
0x27: {  	s1 =	sld [smem:$0x3FAC]  }
0x28: {  	s2 =	sld [smem:$0x3FAD]  }
0x29: {  	s4 =	sld [smem:$0x3FAF]  }
0x2a: {  	p0 =	seq.s32 s5, $0x0;
	s5 =	sld [smem:$0x3FB0]  }
0x2b: {  	s6 =	sld [smem:$0x3FB1]  }
0x2c: {  	s7 =	sld [smem:$0x3FB2]  }
0x2d: {  	s3 =	simm.s32 $0x108;
	s8 =	sld [smem:$0x3FB3]  }
0x2e: {  	s3 =	simm.s32 @!p0 $0x1082;
	s9 =	sld [smem:$0x3FB4]  }
0x2f: {  	lr =	sadd.s32 s0, s3;
	s0 =	sld [smem:$0x3FAB]  }
0x30: {  	s3 =	sld [smem:$0x3FAE]  }
0x31: {  	[smem:$0x3FB7] =	sst s10  }
0x32: {  	s10 =	sld [smem:$0x3FB5];
	_ =	sdelay $0x3  }
0x33: {  	p0 =	seq.s32 s10, $0x1;
	s10 =	sld [smem:$0x3FB7];
	_ =	sdelay $0x3  }
0x34: {  	[smem:$0x3FB7] =	sst s10  }
0x35: {  	s10 =	sld [smem:$0x3FB6];
	_ =	sdelay $0x3  }
0x36: {  	p1 =	seq.s32 s10, $0x1;
	s10 =	sld [smem:$0x3FB7];
	_ =	sdelay $0x3  }
0x37: {  	[smem:$0x3FB7] =	sst s10  }
0x38: {  	s10 =	sld [smem:$0x3FB8]  }
0x39: {  	_ = 	snop;
	(pc) =	sbr.ind lr, $3  }
0x3a: {  	_ = 	snop  }
0x3b: {  	_ = 	snop  }
0x3c: {  	p2 =	seq.s32 s10, $0x1;
	s10 =	sld [smem:$0x3FB7]  }
0x3d: {  	_ =	shalt  }
0x3e: {  	_ =	shalt  }
0x3f: {  	_ =	shalt  }
0x40: {  	_ =	shalt  }
0x41: {  	_ =	shalt  }
0x42: {  	_ =	shalt  }
0x43: {  	_ =	shalt  }
0x44: {  	_ =	shalt  }
0x45: {  	_ =	shalt  }
0x46: {  	_ =	shalt  }
0x47: {  	_ =	shalt  }
0x48: {  	_ =	shalt  }
0x49: {  	_ =	shalt  }
0x4a: {  	_ =	shalt  }
0x4b: {  	_ =	shalt  }
0x4c: {  	_ =	shalt  }
0x4d: {  	_ =	shalt  }
0x4e: {  	_ =	shalt  }
0x4f: {  	_ =	shalt  }
0x50: {  	_ =	shalt  }
0x51: {  	_ =	shalt  }
0x52: {  	_ =	shalt  }
0x53: {  	_ =	shalt  }
0x54: {  	_ =	shalt  }
0x55: {  	_ =	shalt  }
0x56: {  	_ =	shalt  }
0x57: {  	_ =	shalt  }
0x58: {  	_ =	shalt  }
0x59: {  	_ =	shalt  }
0x5a: {  	_ =	shalt  }
0x5b: {  	_ =	shalt  }
0x5c: {  	_ =	shalt  }
0x5d: {  	_ =	shalt  }
0x5e: {  	_ =	shalt  }
0x5f: {  	_ =	shalt  }
0x60: {  	_ =	shalt  }
0x61: {  	_ =	shalt  }
0x62: {  	_ =	shalt  }
0x63: {  	_ =	shalt  }
0x64: {  	_ =	shalt  }
0x65: {  	_ =	shalt  }
0x66: {  	_ =	shalt  }
0x67: {  	_ =	shalt  }
0x68: {  	_ =	shalt  }
0x69: {  	_ =	shalt  }
0x6a: {  	_ =	shalt  }
0x6b: {  	_ =	shalt  }
0x6c: {  	_ =	shalt  }
0x6d: {  	_ =	shalt  }
0x6e: {  	_ =	shalt  }
0x6f: {  	_ =	shalt  }
0x70: {  	_ =	shalt  }
0x71: {  	_ =	shalt  }
0x72: {  	_ =	shalt  }
0x73: {  	_ =	shalt  }
0x74: {  	_ =	shalt  }
0x75: {  	_ =	shalt  }
0x76: {  	_ =	shalt  }
0x77: {  	_ =	shalt  }
0x78: {  	_ =	shalt  }
0x79: {  	_ =	shalt  }
0x7a: {  	_ =	shalt  }
0x7b: {  	_ =	shalt  }
0x7c: {  	_ =	shalt  }
0x7d: {  	_ =	shalt  }
0x7e: {  	_ =	shalt  }
0x7f: {  	_ =	shalt  }
0x80: {  	_ =	shalt  }
0x81: {  	_ =	shalt  }
0x82: {  	_ =	shalt  }
0x83: {  	_ =	shalt  }
0x84: {  	_ =	shalt  }
0x85: {  	_ =	shalt  }
0x86: {  	_ =	shalt  }
0x87: {  	_ =	shalt  }
.Lfunc_end0:
.L_simem_size_0:
called_computation.2_lowered:
.L_overlay_start_0:
0x88: {  	s2 =	sld [smem:$0x3FD9]  }
0x89: {  	s3 =	sld [smem:$0x3FFE];
	_ =	sdelay $0x1  }
0x8a: {  	s1 =	srdreg.scid  }
0x8b: {  	s0 =	sand.u32 $0x1, s1  }
0x8c: {  	s16 =	sshll.u32 s0, $0xA;
	s2 =	sadd.s32 s3, s2  }
0x8d: {  	s2 =	sadd.s32 s2, s16  }
0x8e: {  	[smem:$0x3FC3] =	sst s2  }
0x8f: {  	_ = 	snop  }
0x90: {  	(tm) =	ssettm $0x1  }
0x91: {  	s17 =	sld [smem:$0x3FFB];
	_ =	sdelay $0x3  }
0x92: {  	_ =	strace s17  }
0x93: {  	s2 =	sld [smem:$0x3FFC];
	_ =	sdelay $0x3  }
0x94: {  	_ =	strace s2  }
0x95: {  	s2 =	sld [smem:$0x3FFD];
	_ =	sdelay $0x3  }
0x96: {  	_ =	strace s2  }
0x97: {  	_ =	strace $0x8FFFFFFF  }
0x98: {  	s18 =	sld [smem:$0x3FDB];
	_ =	sdelay $0x1  }
0x99: {  	s19 =	simm.s32 $_scs_section_size  }
0x9a: {  	s4 =	simm.s32 $_size__tile_overlayer_lowered;
	s5 =	simm.s32 $_tile_overlayer_lowered  }
0x9b: {  	s22 =	simm.s32 $0x1BFF;
	s21 =	sshll.u32 s5, $0x1;
	s2 =	sadd.s32 s19, s18  }
0x9c: {  	s6 =	simm.s32 $0x0;
	s20 =	sshll.u32 s4, $0x1;
	s4 =	sadd.s32 s21, s2  }
0x9d: {  	[timem:s6], [sflag:s22] =	dma.local [hbm:s4], s20  }
0x9e: {  	_ =	swait.ge [sflag:s22], s20  }
0x9f: {  	s3 =	ssub.s32 $0x0, s20;
	[sflag:s22] =	ssyncset.done $0x0  }
0xa0: {  	[sflag:s22] =	ssyncadd.s32 s3;
	_ =	sdelay $0x1  }
0xa1: {  	s23 =	simm.s32 $0x1B8B  }
0xa2: {  	_ =	swait.ge [sflag:s23], $0x1  }
0xa3: {  	[sflag:s23] =	ssyncset.done $0x0  }
0xa4: {  	s25 =	simm.s32 $0x1B8E;
	s24 =	sld [smem:$0x3FFE];
	[sflag:s23] =	ssyncadd.s32 $0xFFFFFFFF  }
0xa5: {  	s26 =	simm.s32 $execute0_lowered;
	[smem:$0x3FD2] =	sst s25  }
0xa6: {  	s4 =	sshll.u32 s26, $0x1;
	_ =	strace $0x8000004C;
	[dreg:$0x1] =	wrdreg $0xFFFFFFFF  }
0xa7: {  	s28 =	simm.s32 $_size_execute0_lowered;
	s2 =	sadd.s32 s2, s4;
	[dreg:$0x0] =	wrdreg $0x0  }
0xa8: {  	s4 =	sshll.u32 s28, $0x1;
	[dreg:$0x2] =	wrdreg s2  }
0xa9: {  	[dreg:$0x3] =	wrdreg s4  }
0xaa: {  	[dreg:$0x4] =	wrdreg $0xC0  }
0xab: {  	_ =	task [dreg:s6], $0x5FFFF  }
0xac: {  	[dreg:$0x1] =	wrdreg $0xFFFFFFFF  }
0xad: {  	[dreg:$0x0] =	wrdreg $0x60  }
0xae: {  	[dreg:$0x2] =	wrdreg s24  }
0xaf: {  	[dreg:$0x3] =	wrdreg $0x84000  }
0xb0: {  	[dreg:$0x4] =	wrdreg $0x9  }
0xb1: {  	_ =	task.clear_ibuf [dreg:s6], $0x5FFFF;
	_ =	strace $0x9000004C  }
0xb2: {  	s29 =	simm.s32 $0x9;
	_ =	strace $0x8000004E  }
0xb3: {  	_ =	swait.ge [sflag:s29], $0x1  }
0xb4: {  	[sflag:s29] =	ssyncadd.s32 $0xFFFFFFFF  }
0xb5: {  	_ =	strace $0x9000004E  }
0xb6: {  	_ =	sfence  }
0xb7: {  	s30 =	sld [smem:$0x0];
	_ =	sdelay $0x2  }
0xb8: {  	s31 =	sshll.u32 s1, $0xD;
	s1 =	sshrl.u32 s1, $0x2  }
0xb9: {  	s3 =	sand.u32 $0x4000, s31;
	s1 =	sadd.s32 s1, s30  }
0xba: {  	s0 =	sor.u32 s3, s0;
	s1 =	sshll.u32 s1, $0x11  }
0xbb: {  	s0 =	sor.u32 s1, s0  }
0xbc: {  	s0 =	sadd.s32 $0x8F2B, s0  }
0xbd: {  	[sflag:s0] =	ssyncadd.remote.s32 $0x1  }
0xbe: {  	_ =	sfence.sel $0xFFFF  }
0xbf: {  	[dreg:$0x0] =	wrdreg $0xFFFFFFFF;
	(pc) =	sbr.abs _section_cstart, $3  }
0xc0: {  	[dreg:$0x1] =	wrdreg $0xFFFFFFFF  }
0xc1: {  	_ =	task.clear_ibuf [dreg:s6], $0x2FFFF;
	_ =	strace $0x9FFFFFFF  }
0xc2: {  	(tm) =	ssettm $0x7FFFFFFF  }
0xc3: {  	_ =	shalt  }
tec
execute0_lowered:
.L_overlay_start_1:
0x0: {  	(tag) =	ssettag $0x1  }
0x1: {  	s0 =	rddreg [dreg:$0x0]  }
0x2: {  	s1 =	rddreg [dreg:$0x1];
	s3 =	simm.s32 $0x0  }
0x3: {  	s2 =	srdreg.scid;
	s10 =	stileid.u32;
	s20 =	simm.s32 $0x200  }
0x4: {  	s21 =	simm.s32 $0x80;
	s28 =	simm.s32 $0x1;
	s29 =	simm.s32 $0x4400  }
0x5: {  	s30 =	simm.s32 $0x180;
	s31 =	simm.s32 $0x380;
	s6 =	smul.u32 $0x5000, s10  }
0x6: {  	[smem:$0x7FF] =	sst s3;
	s2 =	sand.u32 $0x1, s2;
	s9 =	smul.u32 $0x50000, s10  }
0x7: {  	s4 =	sadd.s32 $0xE200, s0;
	s7 =	sadd.s32 $0x5E200, s0;
	s14 =	smul.u32 $0x14000, s10  }
0x8: {  	s18 =	sadd.s32 $0x4200, s0;
	s19 =	smul.u32 $0xA00, s10;
	_ =	strace $0x8000004D  }
0x9: {  	s5 =	ssub.s32 $0x2, s2;
	p0 =	seq.s32 s2, $0x0;
	s2 =	simm.s32 $0x0  }
0xa: {  	s8 =	sshrl.u32 s5, $0x1;
	s6 =	sshrl.u32 s6, $0x3;
	s9 =	sshrl.u32 s9, $0x2  }
0xb: {  	s26 =	sshrl.u32 s14, $0x3;
	s5 =	ssub.s32 s5, s8;
	s22 =	sadd.s32 s7, s6  }
0xc: {  	s23 =	sadd.s32 s18, s6;
	s24 =	sor.u32 $0x10, s6;
	s6 =	sor.u32 $0x20, s6  }
0xd: {  	s9 =	sadd.s32 s9, s1;
	s0 =	sadd.s32 s0, s26;
	[dreg:$0x3] =	wrdreg s22  }
0xe: {  	s26 =	simm.s32 $0x2;
	[dreg:$0x4] =	wrdreg s23;
	s11 =	sadd.s32 s7, s24  }
0xf: {  	s8 =	sadd.s32 s18, s24;
	s25 =	sadd.s32 s7, s6;
	s6 =	sadd.s32 s18, s6  }
0x10: {  	s12 =	sadd.s32 $0x4000, s9;
	s13 =	sadd.s32 $0x8000, s9;
	s14 =	sadd.s32 $0xC000, s9  }
.Ltmp0:
0x11: {  	s15 =	sadd.s32 $0x10000, s9;
	s16 =	sadd.s32 $0x90200, s0;
	(pc) =	sbr.rel .LBB2_1-.Ltmp0, $4  }
0x12: {  	s17 =	smax.u32 s5, $0x1;
	s18 =	sadd.s32 s19, s18;
	[dreg:$0x5] =	wrdreg s11  }
0x13: {  	s19 =	sadd.s32 s19, s7;
	s22 =	simm.s32 $0x280;
	[dreg:$0x6] =	wrdreg s8  }
0x14: {  	s23 =	simm.s32 $0x100;
	s24 =	simm.s32 $0x300;
	[dreg:$0x7] =	wrdreg s25  }
0x15: {  	v0 =	vimm.f32 $0.0e+00;
	s0 =	simm.s32 $0x3;
	[dreg:$0x8] =	wrdreg s6;
	s25 =	simm.s32 $0x400  }
.LBB2_8:
0x16: {  	_ =	swait.ge [sflag:s26], $0x4000  }
0x17: {  	[sflag:s26] =	ssyncset.done $0x0  }
0x18: {  	[sflag:s26] =	ssyncadd.s32 $0xFFFFC000  }
0x19: {  	[spmem:s1] =	stream.indirect.scatter.add.f32 [tilespmem:s29], [sflag:$0x3], $0x80, s31, s21, $0xb8;
	[tilespmem:$0x1C400] =	vst v63  }
0x1a: {  	_ =	swait.ge [sflag:s0], $0x4000  }
0x1b: {  	[sflag:s0] =	ssyncset.done $0x0  }
0x1c: {  	[sflag:s0] =	ssyncadd.s32 $0xFFFFC000  }
0x1d: {  	_ =	swait.ge [sflag:s0], $0x4000  }
0x1e: {  	s5 =	stileid.u32;
	[sflag:s0] =	ssyncset.done $0x0  }
0x1f: {  	s5 =	sshll.u32 s5, $0x6;
	[sflag:s0] =	ssyncadd.s32 $0xFFFFC000  }
0x20: {  	s6 =	sshrl.u32 s9, $0x3;
	s5 =	sor.u32 $0x1C03, s5;
	[bflag:$0x0] =	sbarrier.arrive $0xFFFF  }
0x21: {  	[hbm:s16], [sflag:s5] =	dma.local [spmem:s6], $0x2800  }
0x22: {  	_ =	swait.ge [sflag:s0], $0x2800  }
0x23: {  	[sflag:s0] =	ssyncset.done $0x0  }
0x24: {  	[sflag:s0] =	ssyncadd.s32 $0xFFFFD800  }
.LBB2_9:
0x25: {  	s2 =	sadd.s32 $0x1, s2  }
0x26: {  	p1 =	sne.s32 s2, s17  }
.Ltmp1:
0x27: {  	_ = 	snop;
	(pc) =	sbr.rel @!p1 .LBB2_10-.Ltmp1, $1  }
0x28: {  	_ =	sdelay $0x3  }
.LBB2_1:
.Ltmp2:
0x29: {  	(pc) =	sbr.rel @!p0 .LBB2_2-.Ltmp2, $1  }
0x2a: {  	_ =	sdelay $0x3  }
.Ltmp3:
0x2b: {  	(pc) =	sbr.rel .LBB2_9-.Ltmp3, $3  }
0x2c: {  	_ = 	snop  }
0x2d: {  	[bflag:$0x0] =	sbarrier.arrive $0xFFFF  }
0x2e: {  	[bflag:$0x0] =	sbarrier.arrive $0xFFFF;
	_ =	sdelay $0x1  }
.LBB2_2:
0x2f: {  	s5 =	simm.s32 $0x0;
	s6 =	rddreg [dreg:$0x3]  }
0x30: {  	[tilespmem:s5], [sflag:$0x1] =	stream.linear.gather [hbm4b:s6+s5], $0x80, $0x38;
	[tilespmem:$0x1C400] =	vst v63  }
0x31: {  	s11 =	rddreg [dreg:$0x4]  }
0x32: {  	[tilespmem:s20], [sflag:$0x1] =	stream.linear.gather [hbm4b:s11+s5], $0x80, $0x38;
	[tilespmem:$0x1C400] =	vst v63  }
0x33: {  	s7 =	rddreg [dreg:$0x5]  }
0x34: {  	[tilespmem:s21], [sflag:$0x1] =	stream.linear.gather [hbm4b:s7+s5], $0x80, $0x38;
	[tilespmem:$0x1C400] =	vst v63  }
0x35: {  	s8 =	rddreg [dreg:$0x6]  }
0x36: {  	[tilespmem:s22], [sflag:$0x1] =	stream.linear.gather [hbm4b:s8+s5], $0x80, $0x38;
	[tilespmem:$0x1C400] =	vst v63  }
0x37: {  	s10 =	rddreg [dreg:$0x7]  }
0x38: {  	[tilespmem:s23], [sflag:$0x1] =	stream.linear.gather [hbm4b:s10+s5], $0x80, $0x38;
	[tilespmem:$0x1C400] =	vst v63  }
0x39: {  	s11 =	rddreg [dreg:$0x8]  }
0x3a: {  	[tilespmem:s24], [sflag:$0x1] =	stream.linear.gather [hbm4b:s11+s5], $0x80, $0x38;
	[tilespmem:$0x1C400] =	vst v63  }
0x3b: {  	s6 =	simm.s32 $0x200;
	s5 =	simm.s32 $0x0  }
.LBB2_3:
0x3c: {  	p1 =	sne.s32 s6, $0xFE00;
	[tilespmem:s5+$0x470] =	vst v0  }
0x3d: {  	[tilespmem:s5+$0x400] =	vst v0  }
0x3e: {  	[tilespmem:s5+$0x410] =	vst v0  }
.Ltmp4:
0x3f: {  	[tilespmem:s5+$0x420] =	vst v0;
	(pc) =	sbr.rel @p1 .LBB2_3-.Ltmp4, $4  }
0x40: {  	[tilespmem:s5+$0x430] =	vst v0  }
0x41: {  	[tilespmem:s5+$0x440] =	vst v0  }
0x42: {  	[tilespmem:s5+$0x450] =	vst v0  }
0x43: {  	[tilespmem:s5+$0x460] =	vst v0;
	s5 =	sshra.s32 s6, $0x2;
	s6 =	sadd.s32 $0x200, s6  }
0x44: {  	[tilespmem:s5+$0x470] =	vst v0  }
0x45: {  	[tilespmem:s5+$0x400] =	vst v0  }
0x46: {  	[tilespmem:s5+$0x410] =	vst v0  }
0x47: {  	[tilespmem:s5+$0x420] =	vst v0  }
0x48: {  	[tilespmem:s5+$0x430] =	vst v0  }
0x49: {  	[tilespmem:s5+$0x440] =	vst v0  }
0x4a: {  	[tilespmem:s5+$0x450] =	vst v0  }
0x4b: {  	[tilespmem:s5+$0x460] =	vst v0  }
0x4c: {  	[spmem:s9] =	stream.linear.scatter [tilespmem:s25], [sflag:$0x2], $0x4000, $0x38;
	[tilespmem:$0x1C400] =	vst v63  }
0x4d: {  	_ = 	snop  }
0x4e: {  	[spmem:s12] =	stream.linear.scatter [tilespmem:s25], [sflag:$0x2], $0x4000, $0x38;
	[tilespmem:$0x1C400] =	vst v63  }
0x4f: {  	_ = 	snop  }
0x50: {  	[spmem:s13] =	stream.linear.scatter [tilespmem:s25], [sflag:$0x2], $0x4000, $0x38;
	[tilespmem:$0x1C400] =	vst v63  }
0x51: {  	_ = 	snop  }
0x52: {  	[spmem:s14] =	stream.linear.scatter [tilespmem:s25], [sflag:$0x2], $0x4000, $0x38;
	[tilespmem:$0x1C400] =	vst v63  }
0x53: {  	_ = 	snop  }
0x54: {  	[spmem:s15] =	stream.linear.scatter [tilespmem:s25], [sflag:$0x2], $0x4000, $0x38;
	[tilespmem:$0x1C400] =	vst v63  }
0x55: {  	_ =	swait.ge [sflag:s26], $0x4000  }
0x56: {  	[sflag:s26] =	ssyncset.done $0x0  }
0x57: {  	[sflag:s26] =	ssyncadd.s32 $0xFFFFC000  }
0x58: {  	_ =	swait.ge [sflag:s26], $0x4000  }
0x59: {  	[sflag:s26] =	ssyncset.done $0x0  }
0x5a: {  	[sflag:s26] =	ssyncadd.s32 $0xFFFFC000  }
0x5b: {  	_ =	swait.ge [sflag:s26], $0x4000  }
0x5c: {  	[sflag:s26] =	ssyncset.done $0x0  }
0x5d: {  	[sflag:s26] =	ssyncadd.s32 $0xFFFFC000  }
0x5e: {  	_ =	swait.ge [sflag:s26], $0x4000  }
0x5f: {  	[sflag:s26] =	ssyncset.done $0x0  }
0x60: {  	[sflag:s26] =	ssyncadd.s32 $0xFFFFC000  }
0x61: {  	_ =	swait.ge [sflag:s26], $0x4000  }
0x62: {  	[sflag:s26] =	ssyncset.done $0x0  }
0x63: {  	[sflag:s26] =	ssyncadd.s32 $0xFFFFC000  }
0x64: {  	_ =	swait.ge [sflag:s28], $0x80  }
0x65: {  	[sflag:s28] =	ssyncset.done $0x0  }
0x66: {  	[sflag:s28] =	ssyncadd.s32 $0xFFFFFF80  }
0x67: {  	_ =	swait.ge [sflag:s28], $0x80  }
0x68: {  	[sflag:s28] =	ssyncset.done $0x0  }
0x69: {  	[sflag:s28] =	ssyncadd.s32 $0xFFFFFF80  }
0x6a: {  	s5 =	simm.s32 $0x0;
	[bflag:$0x0] =	sbarrier.arrive $0xFFFF  }
0x6b: {  	[tilespmem:s25], [sflag:$0x2] =	stream.indirect.gather [hbm4b:s4+s21], $0x80, s5, s21, $0xb8;
	[tilespmem:$0x1C400] =	vst v63  }
.LBB2_5:
0x6c: {  	_ =	swait.ge [sflag:s26], $0x4000  }
0x6d: {  	p1 =	seq.s32 s5, $0x0;
	[sflag:s26] =	ssyncset.done $0x0  }
0x6e: {  	s6 =	simm.s32 @!p1 $0x3;
	[sflag:s26] =	ssyncadd.s32 $0xFFFFC000  }
0x6f: {  	[spmem:s1] =	stream.indirect.scatter.add.f32 [tilespmem:s25], [sflag:$0x3], $0x80, s20, s21, $0xb8;
	[tilespmem:$0x1C400] =	vst v63  }
0x70: {  	_ =	swait.ge @!p1 [sflag:s6], $0x4000  }
0x71: {  	[sflag:s6] =	ssyncset.done @!p1 $0x0  }
0x72: {  	[sflag:s6] =	ssyncadd.s32 @!p1 $0xFFFFC000  }
0x73: {  	_ =	swait.ge [sflag:s28], $0x80  }
0x74: {  	[sflag:s28] =	ssyncset.done $0x0  }
0x75: {  	[sflag:s28] =	ssyncadd.s32 $0xFFFFFF80  }
0x76: {  	_ =	swait.ge [sflag:s28], $0x80  }
0x77: {  	[sflag:s28] =	ssyncset.done $0x0  }
0x78: {  	s6 =	sadd.s32 s5, s19;
	[sflag:s28] =	ssyncadd.s32 $0xFFFFFF80  }
0x79: {  	[tilespmem:s29], [sflag:$0x2] =	stream.indirect.gather [hbm4b:s4+s21], $0x80, s21, s21, $0xb8;
	[tilespmem:$0x1C400] =	vst v63  }
0x7a: {  	s7 =	sadd.s32 $0x30, s6  }
0x7b: {  	[tilespmem:s30], [sflag:$0x1] =	stream.linear.gather [hbm4b:s7+s3], $0x80, $0x38;
	[tilespmem:$0x1C400] =	vst v63  }
0x7c: {  	s7 =	sadd.s32 s5, s18  }
0x7d: {  	s8 =	sadd.s32 $0x30, s7  }
0x7e: {  	[tilespmem:s31], [sflag:$0x1] =	stream.linear.gather [hbm4b:s8+s3], $0x80, $0x38;
	[tilespmem:$0x1C400] =	vst v63  }
0x7f: {  	_ =	swait.ge [sflag:s26], $0x4000  }
0x80: {  	[sflag:s26] =	ssyncset.done $0x0  }
0x81: {  	[sflag:s26] =	ssyncadd.s32 $0xFFFFC000  }
0x82: {  	[spmem:s1] =	stream.indirect.scatter.add.f32 [tilespmem:s29], [sflag:$0x3], $0x80, s22, s21, $0xb8;
	[tilespmem:$0x1C400] =	vst v63  }
0x83: {  	_ =	swait.ge [sflag:s0], $0x4000  }
0x84: {  	[sflag:s0] =	ssyncset.done $0x0  }
0x85: {  	[sflag:s0] =	ssyncadd.s32 $0xFFFFC000  }
0x86: {  	_ =	swait.ge [sflag:s28], $0x80  }
0x87: {  	[sflag:s28] =	ssyncset.done $0x0  }
0x88: {  	[sflag:s28] =	ssyncadd.s32 $0xFFFFFF80  }
0x89: {  	_ =	swait.ge [sflag:s28], $0x80  }
0x8a: {  	p1 =	seq.s32 s5, $0x9C0;
	[sflag:s28] =	ssyncset.done $0x0  }
0x8b: {  	s8 =	sadd.s32 @!p1 s5, s19;
	[sflag:s28] =	ssyncadd.s32 $0xFFFFFF80  }
0x8c: {  	[tilespmem:s25], [sflag:$0x2] =	stream.indirect.gather [hbm4b:s4+s21], $0x80, s23, s21, $0xb8;
	[tilespmem:$0x1C400] =	vst v63  }
0x8d: {  	s10 =	simm.s32 @!p1 $0x0;
	s8 =	sadd.s32 @!p1 $0x40, s8  }
0x8e: {  	[tilespmem:s10], [sflag:$0x1] =	stream.linear.gather @!p1 [hbm4b:s8+s10], $0x80, $0x38;
	[tilespmem:$0x1C400] =	vst v63  }
0x8f: {  	s8 =	sadd.s32 @!p1 s5, s18  }
0x90: {  	s11 =	simm.s32 @!p1 $0x200;
	s8 =	sadd.s32 @!p1 $0x40, s8  }
0x91: {  	[tilespmem:s11], [sflag:$0x1] =	stream.linear.gather @!p1 [hbm4b:s8+s10], $0x80, $0x38;
	[tilespmem:$0x1C400] =	vst v63  }
0x92: {  	_ =	swait.ge [sflag:s26], $0x4000  }
0x93: {  	[sflag:s26] =	ssyncset.done $0x0  }
0x94: {  	[sflag:s26] =	ssyncadd.s32 $0xFFFFC000  }
0x95: {  	[spmem:s1] =	stream.indirect.scatter.add.f32 [tilespmem:s25], [sflag:$0x3], $0x80, s24, s21, $0xb8;
	[tilespmem:$0x1C400] =	vst v63  }
0x96: {  	_ =	swait.ge [sflag:s0], $0x4000  }
0x97: {  	[sflag:s0] =	ssyncset.done $0x0  }
0x98: {  	[sflag:s0] =	ssyncadd.s32 $0xFFFFC000  }
0x99: {  	_ =	swait.ge [sflag:s28], $0x80  }
0x9a: {  	[sflag:s28] =	ssyncset.done $0x0  }
.Ltmp5:
0x9b: {  	[sflag:s28] =	ssyncadd.s32 $0xFFFFFF80;
	(pc) =	sbr.rel @p1 .LBB2_8-.Ltmp5, $4  }
0x9c: {  	_ =	swait.ge [sflag:s28], $0x80  }
0x9d: {  	[sflag:s28] =	ssyncset.done $0x0  }
0x9e: {  	[sflag:s28] =	ssyncadd.s32 $0xFFFFFF80  }
0x9f: {  	[tilespmem:s29], [sflag:$0x2] =	stream.indirect.gather [hbm4b:s4+s21], $0x80, s30, s21, $0xb8;
	[tilespmem:$0x1C400] =	vst v63  }
0xa0: {  	s8 =	sadd.s32 $0x50, s6  }
0xa1: {  	[tilespmem:s21], [sflag:$0x1] =	stream.linear.gather [hbm4b:s8+s3], $0x80, $0x38;
	[tilespmem:$0x1C400] =	vst v63  }
0xa2: {  	s11 =	sadd.s32 $0x50, s7  }
0xa3: {  	[tilespmem:s22], [sflag:$0x1] =	stream.linear.gather [hbm4b:s11+s3], $0x80, $0x38;
	[tilespmem:$0x1C400] =	vst v63  }
0xa4: {  	_ =	swait.ge [sflag:s26], $0x4000  }
0xa5: {  	[sflag:s26] =	ssyncset.done $0x0  }
0xa6: {  	[sflag:s26] =	ssyncadd.s32 $0xFFFFC000  }
0xa7: {  	[spmem:s1] =	stream.indirect.scatter.add.f32 [tilespmem:s29], [sflag:$0x3], $0x80, s31, s21, $0xb8;
	[tilespmem:$0x1C400] =	vst v63  }
0xa8: {  	_ =	swait.ge [sflag:s0], $0x4000  }
0xa9: {  	[sflag:s0] =	ssyncset.done $0x0  }
0xaa: {  	[sflag:s0] =	ssyncadd.s32 $0xFFFFC000  }
0xab: {  	_ =	swait.ge [sflag:s28], $0x80  }
0xac: {  	[sflag:s28] =	ssyncset.done $0x0  }
0xad: {  	[sflag:s28] =	ssyncadd.s32 $0xFFFFFF80  }
0xae: {  	_ =	swait.ge [sflag:s28], $0x80  }
0xaf: {  	[sflag:s28] =	ssyncset.done $0x0  }
0xb0: {  	[sflag:s28] =	ssyncadd.s32 $0xFFFFFF80  }
0xb1: {  	[tilespmem:s25], [sflag:$0x2] =	stream.indirect.gather [hbm4b:s4+s21], $0x80, s3, s21, $0xb8;
	[tilespmem:$0x1C400] =	vst v63  }
.Ltmp6:
0xb2: {  	_ = 	snop;
	(pc) =	sbr.rel .LBB2_5-.Ltmp6, $4  }
0xb3: {  	s10 =	sadd.s32 $0x60, s6  }
0xb4: {  	[tilespmem:s23], [sflag:$0x1] =	stream.linear.gather [hbm4b:s10+s3], $0x80, $0x38;
	[tilespmem:$0x1C400] =	vst v63  }
0xb5: {  	s5 =	sadd.s32 $0x40, s5;
	s11 =	sadd.s32 $0x60, s7  }
0xb6: {  	[tilespmem:s24], [sflag:$0x1] =	stream.linear.gather [hbm4b:s11+s3], $0x80, $0x38;
	[tilespmem:$0x1C400] =	vst v63  }
.LBB2_10:
0xb7: {  	_ =	sfence.sel $0x180000  }
0xb8: {  	[bflag:$0x0] =	sbarrier.arrive $0xFFFF  }
0xb9: {  	_ =	strace $0x9000004D  }
0xba: {  	s0 =	stileid.u32;
	[bflag:$0x2] =	sbarrier.arrive $0xFFFF  }
0xbb: {  	p0 =	sne.s32 s0, $0x0;
	s0 =	rddreg [dreg:$0x2]  }
0xbc: {  	s0 =	sadd.s32 @!p0 $0x100000, s0  }
0xbd: {  	[sflag:s0] =	ssyncadd.tile.s32 @!p0 $0x1;
	_ =	shalt  }
.Lfunc_end2:
_tile_overlayer_lowered:
.L_overlay_start_2:
0xbe: {  	(tag) =	ssettag $0x2  }
0xbf: {  	s0 =	rddreg [dreg:$0x0];
	s2 =	stileid.u32  }
0xc0: {  	s1 =	rddreg [dreg:$0x1];
	p0 =	sne.s32 s2, $0x0  }
0xc1: {  	s3 =	rddreg [dreg:$0x2];
	[bflag:$0x3] =	sbarrier.arrive $0xFFFF;
	s2 =	simm.s32 @!p0 $0x1C04  }
0xc2: {  	[timem:s3], [sflag:s2] =	dma.local @!p0 [hbm:s0], s1  }
0xc3: {  	s0 =	simm.s32 @!p0 $0x4  }
0xc4: {  	_ =	swait.ge @!p0 [sflag:s0], s1  }
0xc5: {  	s1 =	ssub.s32 @!p0 $0x0, s1;
	[sflag:s0] =	ssyncset.done @!p0 $0x0  }
0xc6: {  	[sflag:s0] =	ssyncadd.s32 @!p0 s1  }
0xc7: {  	[bflag:$0x3] =	sbarrier.arrive $0xFFFF  }
0xc8: {  	_ =	shalt  }

// kernel: kernel.23.cloned.1.call-start
scs
__scs_entry_jumppad:
0x0: {  	(pc) =	sbr.rel $0x88, $3  }
0x1: {  	(tag) =	ssettag $0x0;
	lr =	simm.s32 $0x1  }
0x2: {  	[smem:$0x3F9C] =	sst lr;
	_ =	strace $0xD0000000  }
0x3: {  	_ = 	snop  }
0x4: {  	_ = 	snop  }
0x5: {  	_ = 	snop  }
0x6: {  	_ = 	snop  }
0x7: {  	_ = 	snop  }
__scs_overlays_trampoline_lowered:
0x8: {  	[smem:$0x3FAB] =	sst s0  }
0x9: {  	[smem:$0x3FAC] =	sst s1  }
0xa: {  	[smem:$0x3FAD] =	sst s2  }
0xb: {  	[smem:$0x3FAE] =	sst s3  }
0xc: {  	[smem:$0x3FAF] =	sst s4  }
0xd: {  	[smem:$0x3FB0] =	sst s5  }
0xe: {  	[smem:$0x3FB1] =	sst s6  }
0xf: {  	[smem:$0x3FB2] =	sst s7  }
0x10: {  	[smem:$0x3FB3] =	sst s8  }
0x11: {  	[smem:$0x3FB4] =	sst s9;
	s0 =	simm.s32 @!p0 $0x0  }
0x12: {  	s1 =	sld [smem:$0x3F9A];
	s0 =	simm.s32 @p0 $0x1  }
0x13: {  	[smem:$0x3FB5] =	sst s0;
	s0 =	simm.s32 @!p1 $0x0  }
0x14: {  	s2 =	sld [smem:$0x3F99];
	s0 =	simm.s32 @p1 $0x1  }
0x15: {  	[smem:$0x3FB6] =	sst s0;
	s0 =	simm.s32 @!p2 $0x0  }
0x16: {  	s3 =	sld [smem:$0x3FDB];
	s0 =	simm.s32 @p2 $0x1  }
0x17: {  	s4 =	simm.s32 $0x1BF5;
	[smem:$0x3FB8] =	sst s0  }
0x18: {  	s0 =	sld [smem:$0x3F9B];
	_ =	swait.ge [sflag:s4], $0x0  }
0x19: {  	s7 =	sld [smem:$0x3F9C]  }
0x1a: {  	s8 =	sadd.s32 $0xFFFFE003, lr  }
0x1b: {  	s9 =	sadd.s32 $0xFFFFFEF7, lr;
	s5 =	simm.s32 $0xFFFFFFFF;
	p2 =	slt.u32 s8, $0xFFFFF086  }
0x1c: {  	p1 =	slt.u32 s9, $0xF7A;
	s5 =	simm.s32 @!p2 $0x0  }
0x1d: {  	s5 =	simm.s32 @p1 $0x1;
	p0 =	seq.s32 s7, s2  }
0x1e: {  	s7 =	smul.u32 @!p0 $0xF7A, s2;
	p2 =	seq.s32 @!p0 s5, $0x0  }
0x1f: {  	s9 =	smul.u32 $0xF7A, s1;
	s8 =	simm.s32 @!p0 $0x1BF5;
	p2 =	por !p2, p0  }
0x20: {  	[sflag:s8] =	ssyncset.s32 @!p0 $0xFFFFF086;
	s6 =	sadd.s32 @!p0 s3, s7;
	s7 =	simm.s32 @!p0 $0x108  }
0x21: {  	s3 =	sadd.s32 s3, s9;
	s6 =	sadd.s32 @!p0 $0x88, s6;
	s7 =	simm.s32 @p2 $0x1082  }
0x22: {  	[simem:s7], [sflag:s8] =	dma.local @!p0 [hbm:s6], $0xF7A  }
0x23: {  	s9 =	sor.u32 $0xD0000000, s2;
	s6 =	simm.s32 $0x108;
	_ =	swait.ge @!p0 [sflag:s8], $0x0  }
0x24: {  	s3 =	sadd.s32 $0x88, s3;
	s6 =	simm.s32 @!p1 $0x1082;
	[sflag:s4] =	ssyncset.s32 $0xFFFFF086  }
0x25: {  	[simem:s6], [sflag:s4] =	dma.local [hbm:s3], $0xF7A  }
0x26: {  	[smem:$0x3F9C] =	sst s1;
	(tag) =	ssettag s2;
	_ =	strace s9  }
0x27: {  	s1 =	sld [smem:$0x3FAC]  }
0x28: {  	s2 =	sld [smem:$0x3FAD]  }
0x29: {  	s4 =	sld [smem:$0x3FAF]  }
0x2a: {  	p0 =	seq.s32 s5, $0x0;
	s5 =	sld [smem:$0x3FB0]  }
0x2b: {  	s6 =	sld [smem:$0x3FB1]  }
0x2c: {  	s7 =	sld [smem:$0x3FB2]  }
0x2d: {  	s3 =	simm.s32 $0x108;
	s8 =	sld [smem:$0x3FB3]  }
0x2e: {  	s3 =	simm.s32 @!p0 $0x1082;
	s9 =	sld [smem:$0x3FB4]  }
0x2f: {  	lr =	sadd.s32 s0, s3;
	s0 =	sld [smem:$0x3FAB]  }
0x30: {  	s3 =	sld [smem:$0x3FAE]  }
0x31: {  	[smem:$0x3FB7] =	sst s10  }
0x32: {  	s10 =	sld [smem:$0x3FB5];
	_ =	sdelay $0x3  }
0x33: {  	p0 =	seq.s32 s10, $0x1;
	s10 =	sld [smem:$0x3FB7];
	_ =	sdelay $0x3  }
0x34: {  	[smem:$0x3FB7] =	sst s10  }
0x35: {  	s10 =	sld [smem:$0x3FB6];
	_ =	sdelay $0x3  }
0x36: {  	p1 =	seq.s32 s10, $0x1;
	s10 =	sld [smem:$0x3FB7];
	_ =	sdelay $0x3  }
0x37: {  	[smem:$0x3FB7] =	sst s10  }
0x38: {  	s10 =	sld [smem:$0x3FB8]  }
0x39: {  	_ = 	snop;
	(pc) =	sbr.ind lr, $3  }
0x3a: {  	_ = 	snop  }
0x3b: {  	_ = 	snop  }
0x3c: {  	p2 =	seq.s32 s10, $0x1;
	s10 =	sld [smem:$0x3FB7]  }
0x3d: {  	_ =	shalt  }
0x3e: {  	_ =	shalt  }
0x3f: {  	_ =	shalt  }
0x40: {  	_ =	shalt  }
0x41: {  	_ =	shalt  }
0x42: {  	_ =	shalt  }
0x43: {  	_ =	shalt  }
0x44: {  	_ =	shalt  }
0x45: {  	_ =	shalt  }
0x46: {  	_ =	shalt  }
0x47: {  	_ =	shalt  }
0x48: {  	_ =	shalt  }
0x49: {  	_ =	shalt  }
0x4a: {  	_ =	shalt  }
0x4b: {  	_ =	shalt  }
0x4c: {  	_ =	shalt  }
0x4d: {  	_ =	shalt  }
0x4e: {  	_ =	shalt  }
0x4f: {  	_ =	shalt  }
0x50: {  	_ =	shalt  }
0x51: {  	_ =	shalt  }
0x52: {  	_ =	shalt  }
0x53: {  	_ =	shalt  }
0x54: {  	_ =	shalt  }
0x55: {  	_ =	shalt  }
0x56: {  	_ =	shalt  }
0x57: {  	_ =	shalt  }
0x58: {  	_ =	shalt  }
0x59: {  	_ =	shalt  }
0x5a: {  	_ =	shalt  }
0x5b: {  	_ =	shalt  }
0x5c: {  	_ =	shalt  }
0x5d: {  	_ =	shalt  }
0x5e: {  	_ =	shalt  }
0x5f: {  	_ =	shalt  }
0x60: {  	_ =	shalt  }
0x61: {  	_ =	shalt  }
0x62: {  	_ =	shalt  }
0x63: {  	_ =	shalt  }
0x64: {  	_ =	shalt  }
0x65: {  	_ =	shalt  }
0x66: {  	_ =	shalt  }
0x67: {  	_ =	shalt  }
0x68: {  	_ =	shalt  }
0x69: {  	_ =	shalt  }
0x6a: {  	_ =	shalt  }
0x6b: {  	_ =	shalt  }
0x6c: {  	_ =	shalt  }
0x6d: {  	_ =	shalt  }
0x6e: {  	_ =	shalt  }
0x6f: {  	_ =	shalt  }
0x70: {  	_ =	shalt  }
0x71: {  	_ =	shalt  }
0x72: {  	_ =	shalt  }
0x73: {  	_ =	shalt  }
0x74: {  	_ =	shalt  }
0x75: {  	_ =	shalt  }
0x76: {  	_ =	shalt  }
0x77: {  	_ =	shalt  }
0x78: {  	_ =	shalt  }
0x79: {  	_ =	shalt  }
0x7a: {  	_ =	shalt  }
0x7b: {  	_ =	shalt  }
0x7c: {  	_ =	shalt  }
0x7d: {  	_ =	shalt  }
0x7e: {  	_ =	shalt  }
0x7f: {  	_ =	shalt  }
0x80: {  	_ =	shalt  }
0x81: {  	_ =	shalt  }
0x82: {  	_ =	shalt  }
0x83: {  	_ =	shalt  }
0x84: {  	_ =	shalt  }
0x85: {  	_ =	shalt  }
0x86: {  	_ =	shalt  }
0x87: {  	_ =	shalt  }
.Lfunc_end0:
.L_simem_size_0:
called_computation.3_lowered:
.L_overlay_start_0:
0x88: {  	s2 =	sld [smem:$0x3FD9]  }
0x89: {  	s3 =	sld [smem:$0x3FFE];
	_ =	sdelay $0x1  }
0x8a: {  	s1 =	srdreg.scid  }
0x8b: {  	s0 =	sand.u32 $0x1, s1  }
0x8c: {  	s16 =	sshll.u32 s0, $0xA;
	s2 =	sadd.s32 s3, s2  }
0x8d: {  	s2 =	sadd.s32 s2, s16  }
0x8e: {  	[smem:$0x3FC3] =	sst s2  }
0x8f: {  	_ = 	snop  }
0x90: {  	(tm) =	ssettm $0x1  }
0x91: {  	s17 =	sld [smem:$0x3FFB];
	_ =	sdelay $0x3  }
0x92: {  	_ =	strace s17  }
0x93: {  	s2 =	sld [smem:$0x3FFC];
	_ =	sdelay $0x3  }
0x94: {  	_ =	strace s2  }
0x95: {  	s2 =	sld [smem:$0x3FFD];
	_ =	sdelay $0x3  }
0x96: {  	_ =	strace s2  }
0x97: {  	_ =	strace $0x8FFFFFFF  }
0x98: {  	s18 =	sld [smem:$0x3FDB];
	_ =	sdelay $0x1  }
0x99: {  	s19 =	simm.s32 $_scs_section_size  }
0x9a: {  	s4 =	simm.s32 $_size__tile_overlayer_lowered;
	s5 =	simm.s32 $_tile_overlayer_lowered  }
0x9b: {  	s22 =	simm.s32 $0x1BFF;
	s21 =	sshll.u32 s5, $0x1;
	s2 =	sadd.s32 s19, s18  }
0x9c: {  	s6 =	simm.s32 $0x0;
	s20 =	sshll.u32 s4, $0x1;
	s4 =	sadd.s32 s21, s2  }
0x9d: {  	[timem:s6], [sflag:s22] =	dma.local [hbm:s4], s20  }
0x9e: {  	_ =	swait.ge [sflag:s22], s20  }
0x9f: {  	s3 =	ssub.s32 $0x0, s20;
	[sflag:s22] =	ssyncset.done $0x0  }
0xa0: {  	[sflag:s22] =	ssyncadd.s32 s3;
	_ =	sdelay $0x1  }
0xa1: {  	s23 =	simm.s32 $0x1B8B  }
0xa2: {  	_ =	swait.ge [sflag:s23], $0x1  }
0xa3: {  	[sflag:s23] =	ssyncset.done $0x0  }
0xa4: {  	s25 =	simm.s32 $0x1B8E;
	s24 =	sld [smem:$0x3FFE];
	[sflag:s23] =	ssyncadd.s32 $0xFFFFFFFF  }
0xa5: {  	s26 =	simm.s32 $execute0_lowered;
	[smem:$0x3FD2] =	sst s25  }
0xa6: {  	s4 =	sshll.u32 s26, $0x1;
	_ =	strace $0x8000004F;
	[dreg:$0x1] =	wrdreg $0xFFFFFFFF  }
0xa7: {  	s28 =	simm.s32 $_size_execute0_lowered;
	s2 =	sadd.s32 s2, s4;
	[dreg:$0x0] =	wrdreg $0x0  }
0xa8: {  	s4 =	sshll.u32 s28, $0x1;
	[dreg:$0x2] =	wrdreg s2  }
0xa9: {  	[dreg:$0x3] =	wrdreg s4  }
0xaa: {  	[dreg:$0x4] =	wrdreg $0xC0  }
0xab: {  	_ =	task [dreg:s6], $0x5FFFF  }
0xac: {  	[dreg:$0x1] =	wrdreg $0xFFFFFFFF  }
0xad: {  	[dreg:$0x0] =	wrdreg $0x60  }
0xae: {  	[dreg:$0x2] =	wrdreg s24  }
0xaf: {  	[dreg:$0x3] =	wrdreg $0x84000  }
0xb0: {  	[dreg:$0x4] =	wrdreg $0x9  }
0xb1: {  	_ =	task.clear_ibuf [dreg:s6], $0x5FFFF;
	_ =	strace $0x9000004F  }
0xb2: {  	s29 =	simm.s32 $0x9;
	_ =	strace $0x80000051  }
0xb3: {  	_ =	swait.ge [sflag:s29], $0x1  }
0xb4: {  	[sflag:s29] =	ssyncadd.s32 $0xFFFFFFFF  }
0xb5: {  	_ =	strace $0x90000051  }
0xb6: {  	_ =	sfence  }
0xb7: {  	s30 =	sld [smem:$0x0];
	_ =	sdelay $0x2  }
0xb8: {  	s31 =	sshll.u32 s1, $0xD;
	s1 =	sshrl.u32 s1, $0x2  }
0xb9: {  	s3 =	sand.u32 $0x4000, s31;
	s1 =	sadd.s32 s1, s30  }
0xba: {  	s0 =	sor.u32 s3, s0;
	s1 =	sshll.u32 s1, $0x11  }
0xbb: {  	s0 =	sor.u32 s1, s0  }
0xbc: {  	s0 =	sadd.s32 $0x8F2B, s0  }
0xbd: {  	[sflag:s0] =	ssyncadd.remote.s32 $0x1  }
0xbe: {  	_ =	sfence.sel $0xFFFF  }
0xbf: {  	[dreg:$0x0] =	wrdreg $0xFFFFFFFF;
	(pc) =	sbr.abs _section_cstart, $3  }
0xc0: {  	[dreg:$0x1] =	wrdreg $0xFFFFFFFF  }
0xc1: {  	_ =	task.clear_ibuf [dreg:s6], $0x2FFFF;
	_ =	strace $0x9FFFFFFF  }
0xc2: {  	(tm) =	ssettm $0x7FFFFFFF  }
0xc3: {  	_ =	shalt  }
tec
execute0_lowered:
.L_overlay_start_1:
0x0: {  	(tag) =	ssettag $0x1  }
0x1: {  	s0 =	rddreg [dreg:$0x0]  }
0x2: {  	s1 =	rddreg [dreg:$0x1];
	s3 =	simm.s32 $0x0  }
0x3: {  	s2 =	srdreg.scid;
	s10 =	stileid.u32;
	s20 =	simm.s32 $0x200  }
0x4: {  	s21 =	simm.s32 $0x80;
	s28 =	simm.s32 $0x1;
	s29 =	simm.s32 $0x4400  }
0x5: {  	s30 =	simm.s32 $0x180;
	s31 =	simm.s32 $0x380;
	s6 =	smul.u32 $0x5000, s10  }
0x6: {  	[smem:$0x7FF] =	sst s3;
	s2 =	sand.u32 $0x1, s2;
	s9 =	smul.u32 $0x50000, s10  }
0x7: {  	s4 =	sadd.s32 $0xE200, s0;
	s7 =	sadd.s32 $0x5E200, s0;
	s14 =	smul.u32 $0x14000, s10  }
0x8: {  	s18 =	sadd.s32 $0x4200, s0;
	s19 =	smul.u32 $0xA00, s10;
	_ =	strace $0x80000050  }
0x9: {  	s5 =	ssub.s32 $0x2, s2;
	p0 =	seq.s32 s2, $0x0;
	s2 =	simm.s32 $0x0  }
0xa: {  	s8 =	sshrl.u32 s5, $0x1;
	s6 =	sshrl.u32 s6, $0x3;
	s9 =	sshrl.u32 s9, $0x2  }
0xb: {  	s26 =	sshrl.u32 s14, $0x3;
	s5 =	ssub.s32 s5, s8;
	s22 =	sadd.s32 s7, s6  }
0xc: {  	s23 =	sadd.s32 s18, s6;
	s24 =	sor.u32 $0x10, s6;
	s6 =	sor.u32 $0x20, s6  }
0xd: {  	s9 =	sadd.s32 s9, s1;
	s0 =	sadd.s32 s0, s26;
	[dreg:$0x3] =	wrdreg s22  }
0xe: {  	s26 =	simm.s32 $0x2;
	[dreg:$0x4] =	wrdreg s23;
	s11 =	sadd.s32 s7, s24  }
0xf: {  	s8 =	sadd.s32 s18, s24;
	s25 =	sadd.s32 s7, s6;
	s6 =	sadd.s32 s18, s6  }
0x10: {  	s12 =	sadd.s32 $0x4000, s9;
	s13 =	sadd.s32 $0x8000, s9;
	s14 =	sadd.s32 $0xC000, s9  }
.Ltmp0:
0x11: {  	s15 =	sadd.s32 $0x10000, s9;
	s16 =	sadd.s32 $0x90200, s0;
	(pc) =	sbr.rel .LBB2_1-.Ltmp0, $4  }
0x12: {  	s17 =	smax.u32 s5, $0x1;
	s18 =	sadd.s32 s19, s18;
	[dreg:$0x5] =	wrdreg s11  }
0x13: {  	s19 =	sadd.s32 s19, s7;
	s22 =	simm.s32 $0x280;
	[dreg:$0x6] =	wrdreg s8  }
0x14: {  	s23 =	simm.s32 $0x100;
	s24 =	simm.s32 $0x300;
	[dreg:$0x7] =	wrdreg s25  }
0x15: {  	v0 =	vimm.f32 $0.0e+00;
	s0 =	simm.s32 $0x3;
	[dreg:$0x8] =	wrdreg s6;
	s25 =	simm.s32 $0x400  }
.LBB2_8:
0x16: {  	_ =	swait.ge [sflag:s26], $0x4000  }
0x17: {  	[sflag:s26] =	ssyncset.done $0x0  }
0x18: {  	[sflag:s26] =	ssyncadd.s32 $0xFFFFC000  }
0x19: {  	[spmem:s1] =	stream.indirect.scatter.add.f32 [tilespmem:s29], [sflag:$0x3], $0x80, s31, s21, $0xb8;
	[tilespmem:$0x1C400] =	vst v63  }
0x1a: {  	_ =	swait.ge [sflag:s0], $0x4000  }
0x1b: {  	[sflag:s0] =	ssyncset.done $0x0  }
0x1c: {  	[sflag:s0] =	ssyncadd.s32 $0xFFFFC000  }
0x1d: {  	_ =	swait.ge [sflag:s0], $0x4000  }
0x1e: {  	s5 =	stileid.u32;
	[sflag:s0] =	ssyncset.done $0x0  }
0x1f: {  	s5 =	sshll.u32 s5, $0x6;
	[sflag:s0] =	ssyncadd.s32 $0xFFFFC000  }
0x20: {  	s6 =	sshrl.u32 s9, $0x3;
	s5 =	sor.u32 $0x1C03, s5;
	[bflag:$0x0] =	sbarrier.arrive $0xFFFF  }
0x21: {  	[hbm:s16], [sflag:s5] =	dma.local [spmem:s6], $0x2800  }
0x22: {  	_ =	swait.ge [sflag:s0], $0x2800  }
0x23: {  	[sflag:s0] =	ssyncset.done $0x0  }
0x24: {  	[sflag:s0] =	ssyncadd.s32 $0xFFFFD800  }
.LBB2_9:
0x25: {  	s2 =	sadd.s32 $0x1, s2  }
0x26: {  	p1 =	sne.s32 s2, s17  }
.Ltmp1:
0x27: {  	_ = 	snop;
	(pc) =	sbr.rel @!p1 .LBB2_10-.Ltmp1, $1  }
0x28: {  	_ =	sdelay $0x3  }
.LBB2_1:
.Ltmp2:
0x29: {  	(pc) =	sbr.rel @!p0 .LBB2_2-.Ltmp2, $1  }
0x2a: {  	_ =	sdelay $0x3  }
.Ltmp3:
0x2b: {  	(pc) =	sbr.rel .LBB2_9-.Ltmp3, $3  }
0x2c: {  	_ = 	snop  }
0x2d: {  	[bflag:$0x0] =	sbarrier.arrive $0xFFFF  }
0x2e: {  	[bflag:$0x0] =	sbarrier.arrive $0xFFFF;
	_ =	sdelay $0x1  }
.LBB2_2:
0x2f: {  	s5 =	simm.s32 $0x0;
	s6 =	rddreg [dreg:$0x3]  }
0x30: {  	[tilespmem:s5], [sflag:$0x1] =	stream.linear.gather [hbm4b:s6+s5], $0x80, $0x38;
	[tilespmem:$0x1C400] =	vst v63  }
0x31: {  	s11 =	rddreg [dreg:$0x4]  }
0x32: {  	[tilespmem:s20], [sflag:$0x1] =	stream.linear.gather [hbm4b:s11+s5], $0x80, $0x38;
	[tilespmem:$0x1C400] =	vst v63  }
0x33: {  	s7 =	rddreg [dreg:$0x5]  }
0x34: {  	[tilespmem:s21], [sflag:$0x1] =	stream.linear.gather [hbm4b:s7+s5], $0x80, $0x38;
	[tilespmem:$0x1C400] =	vst v63  }
0x35: {  	s8 =	rddreg [dreg:$0x6]  }
0x36: {  	[tilespmem:s22], [sflag:$0x1] =	stream.linear.gather [hbm4b:s8+s5], $0x80, $0x38;
	[tilespmem:$0x1C400] =	vst v63  }
0x37: {  	s10 =	rddreg [dreg:$0x7]  }
0x38: {  	[tilespmem:s23], [sflag:$0x1] =	stream.linear.gather [hbm4b:s10+s5], $0x80, $0x38;
	[tilespmem:$0x1C400] =	vst v63  }
0x39: {  	s11 =	rddreg [dreg:$0x8]  }
0x3a: {  	[tilespmem:s24], [sflag:$0x1] =	stream.linear.gather [hbm4b:s11+s5], $0x80, $0x38;
	[tilespmem:$0x1C400] =	vst v63  }
0x3b: {  	s6 =	simm.s32 $0x200;
	s5 =	simm.s32 $0x0  }
.LBB2_3:
0x3c: {  	p1 =	sne.s32 s6, $0xFE00;
	[tilespmem:s5+$0x470] =	vst v0  }
0x3d: {  	[tilespmem:s5+$0x400] =	vst v0  }
0x3e: {  	[tilespmem:s5+$0x410] =	vst v0  }
.Ltmp4:
0x3f: {  	[tilespmem:s5+$0x420] =	vst v0;
	(pc) =	sbr.rel @p1 .LBB2_3-.Ltmp4, $4  }
0x40: {  	[tilespmem:s5+$0x430] =	vst v0  }
0x41: {  	[tilespmem:s5+$0x440] =	vst v0  }
0x42: {  	[tilespmem:s5+$0x450] =	vst v0  }
0x43: {  	[tilespmem:s5+$0x460] =	vst v0;
	s5 =	sshra.s32 s6, $0x2;
	s6 =	sadd.s32 $0x200, s6  }
0x44: {  	[tilespmem:s5+$0x470] =	vst v0  }
0x45: {  	[tilespmem:s5+$0x400] =	vst v0  }
0x46: {  	[tilespmem:s5+$0x410] =	vst v0  }
0x47: {  	[tilespmem:s5+$0x420] =	vst v0  }
0x48: {  	[tilespmem:s5+$0x430] =	vst v0  }
0x49: {  	[tilespmem:s5+$0x440] =	vst v0  }
0x4a: {  	[tilespmem:s5+$0x450] =	vst v0  }
0x4b: {  	[tilespmem:s5+$0x460] =	vst v0  }
0x4c: {  	[spmem:s9] =	stream.linear.scatter [tilespmem:s25], [sflag:$0x2], $0x4000, $0x38;
	[tilespmem:$0x1C400] =	vst v63  }
0x4d: {  	_ = 	snop  }
0x4e: {  	[spmem:s12] =	stream.linear.scatter [tilespmem:s25], [sflag:$0x2], $0x4000, $0x38;
	[tilespmem:$0x1C400] =	vst v63  }
0x4f: {  	_ = 	snop  }
0x50: {  	[spmem:s13] =	stream.linear.scatter [tilespmem:s25], [sflag:$0x2], $0x4000, $0x38;
	[tilespmem:$0x1C400] =	vst v63  }
0x51: {  	_ = 	snop  }
0x52: {  	[spmem:s14] =	stream.linear.scatter [tilespmem:s25], [sflag:$0x2], $0x4000, $0x38;
	[tilespmem:$0x1C400] =	vst v63  }
0x53: {  	_ = 	snop  }
0x54: {  	[spmem:s15] =	stream.linear.scatter [tilespmem:s25], [sflag:$0x2], $0x4000, $0x38;
	[tilespmem:$0x1C400] =	vst v63  }
0x55: {  	_ =	swait.ge [sflag:s26], $0x4000  }
0x56: {  	[sflag:s26] =	ssyncset.done $0x0  }
0x57: {  	[sflag:s26] =	ssyncadd.s32 $0xFFFFC000  }
0x58: {  	_ =	swait.ge [sflag:s26], $0x4000  }
0x59: {  	[sflag:s26] =	ssyncset.done $0x0  }
0x5a: {  	[sflag:s26] =	ssyncadd.s32 $0xFFFFC000  }
0x5b: {  	_ =	swait.ge [sflag:s26], $0x4000  }
0x5c: {  	[sflag:s26] =	ssyncset.done $0x0  }
0x5d: {  	[sflag:s26] =	ssyncadd.s32 $0xFFFFC000  }
0x5e: {  	_ =	swait.ge [sflag:s26], $0x4000  }
0x5f: {  	[sflag:s26] =	ssyncset.done $0x0  }
0x60: {  	[sflag:s26] =	ssyncadd.s32 $0xFFFFC000  }
0x61: {  	_ =	swait.ge [sflag:s26], $0x4000  }
0x62: {  	[sflag:s26] =	ssyncset.done $0x0  }
0x63: {  	[sflag:s26] =	ssyncadd.s32 $0xFFFFC000  }
0x64: {  	_ =	swait.ge [sflag:s28], $0x80  }
0x65: {  	[sflag:s28] =	ssyncset.done $0x0  }
0x66: {  	[sflag:s28] =	ssyncadd.s32 $0xFFFFFF80  }
0x67: {  	_ =	swait.ge [sflag:s28], $0x80  }
0x68: {  	[sflag:s28] =	ssyncset.done $0x0  }
0x69: {  	[sflag:s28] =	ssyncadd.s32 $0xFFFFFF80  }
0x6a: {  	s5 =	simm.s32 $0x0;
	[bflag:$0x0] =	sbarrier.arrive $0xFFFF  }
0x6b: {  	[tilespmem:s25], [sflag:$0x2] =	stream.indirect.gather [hbm4b:s4+s21], $0x80, s5, s21, $0xb8;
	[tilespmem:$0x1C400] =	vst v63  }
.LBB2_5:
0x6c: {  	_ =	swait.ge [sflag:s26], $0x4000  }
0x6d: {  	p1 =	seq.s32 s5, $0x0;
	[sflag:s26] =	ssyncset.done $0x0  }
0x6e: {  	s6 =	simm.s32 @!p1 $0x3;
	[sflag:s26] =	ssyncadd.s32 $0xFFFFC000  }
0x6f: {  	[spmem:s1] =	stream.indirect.scatter.add.f32 [tilespmem:s25], [sflag:$0x3], $0x80, s20, s21, $0xb8;
	[tilespmem:$0x1C400] =	vst v63  }
0x70: {  	_ =	swait.ge @!p1 [sflag:s6], $0x4000  }
0x71: {  	[sflag:s6] =	ssyncset.done @!p1 $0x0  }
0x72: {  	[sflag:s6] =	ssyncadd.s32 @!p1 $0xFFFFC000  }
0x73: {  	_ =	swait.ge [sflag:s28], $0x80  }
0x74: {  	[sflag:s28] =	ssyncset.done $0x0  }
0x75: {  	[sflag:s28] =	ssyncadd.s32 $0xFFFFFF80  }
0x76: {  	_ =	swait.ge [sflag:s28], $0x80  }
0x77: {  	[sflag:s28] =	ssyncset.done $0x0  }
0x78: {  	s6 =	sadd.s32 s5, s19;
	[sflag:s28] =	ssyncadd.s32 $0xFFFFFF80  }
0x79: {  	[tilespmem:s29], [sflag:$0x2] =	stream.indirect.gather [hbm4b:s4+s21], $0x80, s21, s21, $0xb8;
	[tilespmem:$0x1C400] =	vst v63  }
0x7a: {  	s7 =	sadd.s32 $0x30, s6  }
0x7b: {  	[tilespmem:s30], [sflag:$0x1] =	stream.linear.gather [hbm4b:s7+s3], $0x80, $0x38;
	[tilespmem:$0x1C400] =	vst v63  }
0x7c: {  	s7 =	sadd.s32 s5, s18  }
0x7d: {  	s8 =	sadd.s32 $0x30, s7  }
0x7e: {  	[tilespmem:s31], [sflag:$0x1] =	stream.linear.gather [hbm4b:s8+s3], $0x80, $0x38;
	[tilespmem:$0x1C400] =	vst v63  }
0x7f: {  	_ =	swait.ge [sflag:s26], $0x4000  }
0x80: {  	[sflag:s26] =	ssyncset.done $0x0  }
0x81: {  	[sflag:s26] =	ssyncadd.s32 $0xFFFFC000  }
0x82: {  	[spmem:s1] =	stream.indirect.scatter.add.f32 [tilespmem:s29], [sflag:$0x3], $0x80, s22, s21, $0xb8;
	[tilespmem:$0x1C400] =	vst v63  }
0x83: {  	_ =	swait.ge [sflag:s0], $0x4000  }
0x84: {  	[sflag:s0] =	ssyncset.done $0x0  }
0x85: {  	[sflag:s0] =	ssyncadd.s32 $0xFFFFC000  }
0x86: {  	_ =	swait.ge [sflag:s28], $0x80  }
0x87: {  	[sflag:s28] =	ssyncset.done $0x0  }
0x88: {  	[sflag:s28] =	ssyncadd.s32 $0xFFFFFF80  }
0x89: {  	_ =	swait.ge [sflag:s28], $0x80  }
0x8a: {  	p1 =	seq.s32 s5, $0x9C0;
	[sflag:s28] =	ssyncset.done $0x0  }
0x8b: {  	s8 =	sadd.s32 @!p1 s5, s19;
	[sflag:s28] =	ssyncadd.s32 $0xFFFFFF80  }
0x8c: {  	[tilespmem:s25], [sflag:$0x2] =	stream.indirect.gather [hbm4b:s4+s21], $0x80, s23, s21, $0xb8;
	[tilespmem:$0x1C400] =	vst v63  }
0x8d: {  	s10 =	simm.s32 @!p1 $0x0;
	s8 =	sadd.s32 @!p1 $0x40, s8  }
0x8e: {  	[tilespmem:s10], [sflag:$0x1] =	stream.linear.gather @!p1 [hbm4b:s8+s10], $0x80, $0x38;
	[tilespmem:$0x1C400] =	vst v63  }
0x8f: {  	s8 =	sadd.s32 @!p1 s5, s18  }
0x90: {  	s11 =	simm.s32 @!p1 $0x200;
	s8 =	sadd.s32 @!p1 $0x40, s8  }
0x91: {  	[tilespmem:s11], [sflag:$0x1] =	stream.linear.gather @!p1 [hbm4b:s8+s10], $0x80, $0x38;
	[tilespmem:$0x1C400] =	vst v63  }
0x92: {  	_ =	swait.ge [sflag:s26], $0x4000  }
0x93: {  	[sflag:s26] =	ssyncset.done $0x0  }
0x94: {  	[sflag:s26] =	ssyncadd.s32 $0xFFFFC000  }
0x95: {  	[spmem:s1] =	stream.indirect.scatter.add.f32 [tilespmem:s25], [sflag:$0x3], $0x80, s24, s21, $0xb8;
	[tilespmem:$0x1C400] =	vst v63  }
0x96: {  	_ =	swait.ge [sflag:s0], $0x4000  }
0x97: {  	[sflag:s0] =	ssyncset.done $0x0  }
0x98: {  	[sflag:s0] =	ssyncadd.s32 $0xFFFFC000  }
0x99: {  	_ =	swait.ge [sflag:s28], $0x80  }
0x9a: {  	[sflag:s28] =	ssyncset.done $0x0  }
.Ltmp5:
0x9b: {  	[sflag:s28] =	ssyncadd.s32 $0xFFFFFF80;
	(pc) =	sbr.rel @p1 .LBB2_8-.Ltmp5, $4  }
0x9c: {  	_ =	swait.ge [sflag:s28], $0x80  }
0x9d: {  	[sflag:s28] =	ssyncset.done $0x0  }
0x9e: {  	[sflag:s28] =	ssyncadd.s32 $0xFFFFFF80  }
0x9f: {  	[tilespmem:s29], [sflag:$0x2] =	stream.indirect.gather [hbm4b:s4+s21], $0x80, s30, s21, $0xb8;
	[tilespmem:$0x1C400] =	vst v63  }
0xa0: {  	s8 =	sadd.s32 $0x50, s6  }
0xa1: {  	[tilespmem:s21], [sflag:$0x1] =	stream.linear.gather [hbm4b:s8+s3], $0x80, $0x38;
	[tilespmem:$0x1C400] =	vst v63  }
0xa2: {  	s11 =	sadd.s32 $0x50, s7  }
0xa3: {  	[tilespmem:s22], [sflag:$0x1] =	stream.linear.gather [hbm4b:s11+s3], $0x80, $0x38;
	[tilespmem:$0x1C400] =	vst v63  }
0xa4: {  	_ =	swait.ge [sflag:s26], $0x4000  }
0xa5: {  	[sflag:s26] =	ssyncset.done $0x0  }
0xa6: {  	[sflag:s26] =	ssyncadd.s32 $0xFFFFC000  }
0xa7: {  	[spmem:s1] =	stream.indirect.scatter.add.f32 [tilespmem:s29], [sflag:$0x3], $0x80, s31, s21, $0xb8;
	[tilespmem:$0x1C400] =	vst v63  }
0xa8: {  	_ =	swait.ge [sflag:s0], $0x4000  }
0xa9: {  	[sflag:s0] =	ssyncset.done $0x0  }
0xaa: {  	[sflag:s0] =	ssyncadd.s32 $0xFFFFC000  }
0xab: {  	_ =	swait.ge [sflag:s28], $0x80  }
0xac: {  	[sflag:s28] =	ssyncset.done $0x0  }
0xad: {  	[sflag:s28] =	ssyncadd.s32 $0xFFFFFF80  }
0xae: {  	_ =	swait.ge [sflag:s28], $0x80  }
0xaf: {  	[sflag:s28] =	ssyncset.done $0x0  }
0xb0: {  	[sflag:s28] =	ssyncadd.s32 $0xFFFFFF80  }
0xb1: {  	[tilespmem:s25], [sflag:$0x2] =	stream.indirect.gather [hbm4b:s4+s21], $0x80, s3, s21, $0xb8;
	[tilespmem:$0x1C400] =	vst v63  }
.Ltmp6:
0xb2: {  	_ = 	snop;
	(pc) =	sbr.rel .LBB2_5-.Ltmp6, $4  }
0xb3: {  	s10 =	sadd.s32 $0x60, s6  }
0xb4: {  	[tilespmem:s23], [sflag:$0x1] =	stream.linear.gather [hbm4b:s10+s3], $0x80, $0x38;
	[tilespmem:$0x1C400] =	vst v63  }
0xb5: {  	s5 =	sadd.s32 $0x40, s5;
	s11 =	sadd.s32 $0x60, s7  }
0xb6: {  	[tilespmem:s24], [sflag:$0x1] =	stream.linear.gather [hbm4b:s11+s3], $0x80, $0x38;
	[tilespmem:$0x1C400] =	vst v63  }
.LBB2_10:
0xb7: {  	_ =	sfence.sel $0x180000  }
0xb8: {  	[bflag:$0x0] =	sbarrier.arrive $0xFFFF  }
0xb9: {  	_ =	strace $0x90000050  }
0xba: {  	s0 =	stileid.u32;
	[bflag:$0x2] =	sbarrier.arrive $0xFFFF  }
0xbb: {  	p0 =	sne.s32 s0, $0x0;
	s0 =	rddreg [dreg:$0x2]  }
0xbc: {  	s0 =	sadd.s32 @!p0 $0x100000, s0  }
0xbd: {  	[sflag:s0] =	ssyncadd.tile.s32 @!p0 $0x1;
	_ =	shalt  }
.Lfunc_end2:
_tile_overlayer_lowered:
.L_overlay_start_2:
0xbe: {  	(tag) =	ssettag $0x2  }
0xbf: {  	s0 =	rddreg [dreg:$0x0];
	s2 =	stileid.u32  }
0xc0: {  	s1 =	rddreg [dreg:$0x1];
	p0 =	sne.s32 s2, $0x0  }
0xc1: {  	s3 =	rddreg [dreg:$0x2];
	[bflag:$0x3] =	sbarrier.arrive $0xFFFF;
	s2 =	simm.s32 @!p0 $0x1C04  }
0xc2: {  	[timem:s3], [sflag:s2] =	dma.local @!p0 [hbm:s0], s1  }
0xc3: {  	s0 =	simm.s32 @!p0 $0x4  }
0xc4: {  	_ =	swait.ge @!p0 [sflag:s0], s1  }
0xc5: {  	s1 =	ssub.s32 @!p0 $0x0, s1;
	[sflag:s0] =	ssyncset.done @!p0 $0x0  }
0xc6: {  	[sflag:s0] =	ssyncadd.s32 @!p0 s1  }
0xc7: {  	[bflag:$0x3] =	sbarrier.arrive $0xFFFF  }
0xc8: {  	_ =	shalt  }

// kernel: kernel.26.cloned.1.call-start
scs
__scs_entry_jumppad:
0x0: {  	(pc) =	sbr.rel $0x88, $3  }
0x1: {  	(tag) =	ssettag $0x0;
	lr =	simm.s32 $0x1  }
0x2: {  	[smem:$0x3F9C] =	sst lr;
	_ =	strace $0xD0000000  }
0x3: {  	_ = 	snop  }
0x4: {  	_ = 	snop  }
0x5: {  	_ = 	snop  }
0x6: {  	_ = 	snop  }
0x7: {  	_ = 	snop  }
__scs_overlays_trampoline_lowered:
0x8: {  	[smem:$0x3FAB] =	sst s0  }
0x9: {  	[smem:$0x3FAC] =	sst s1  }
0xa: {  	[smem:$0x3FAD] =	sst s2  }
0xb: {  	[smem:$0x3FAE] =	sst s3  }
0xc: {  	[smem:$0x3FAF] =	sst s4  }
0xd: {  	[smem:$0x3FB0] =	sst s5  }
0xe: {  	[smem:$0x3FB1] =	sst s6  }
0xf: {  	[smem:$0x3FB2] =	sst s7  }
0x10: {  	[smem:$0x3FB3] =	sst s8  }
0x11: {  	[smem:$0x3FB4] =	sst s9;
	s0 =	simm.s32 @!p0 $0x0  }
0x12: {  	s1 =	sld [smem:$0x3F9A];
	s0 =	simm.s32 @p0 $0x1  }
0x13: {  	[smem:$0x3FB5] =	sst s0;
	s0 =	simm.s32 @!p1 $0x0  }
0x14: {  	s2 =	sld [smem:$0x3F99];
	s0 =	simm.s32 @p1 $0x1  }
0x15: {  	[smem:$0x3FB6] =	sst s0;
	s0 =	simm.s32 @!p2 $0x0  }
0x16: {  	s3 =	sld [smem:$0x3FDB];
	s0 =	simm.s32 @p2 $0x1  }
0x17: {  	s4 =	simm.s32 $0x1BF5;
	[smem:$0x3FB8] =	sst s0  }
0x18: {  	s0 =	sld [smem:$0x3F9B];
	_ =	swait.ge [sflag:s4], $0x0  }
0x19: {  	s7 =	sld [smem:$0x3F9C]  }
0x1a: {  	s8 =	sadd.s32 $0xFFFFE003, lr  }
0x1b: {  	s9 =	sadd.s32 $0xFFFFFEF7, lr;
	s5 =	simm.s32 $0xFFFFFFFF;
	p2 =	slt.u32 s8, $0xFFFFF086  }
0x1c: {  	p1 =	slt.u32 s9, $0xF7A;
	s5 =	simm.s32 @!p2 $0x0  }
0x1d: {  	s5 =	simm.s32 @p1 $0x1;
	p0 =	seq.s32 s7, s2  }
0x1e: {  	s7 =	smul.u32 @!p0 $0xF7A, s2;
	p2 =	seq.s32 @!p0 s5, $0x0  }
0x1f: {  	s9 =	smul.u32 $0xF7A, s1;
	s8 =	simm.s32 @!p0 $0x1BF5;
	p2 =	por !p2, p0  }
0x20: {  	[sflag:s8] =	ssyncset.s32 @!p0 $0xFFFFF086;
	s6 =	sadd.s32 @!p0 s3, s7;
	s7 =	simm.s32 @!p0 $0x108  }
0x21: {  	s3 =	sadd.s32 s3, s9;
	s6 =	sadd.s32 @!p0 $0x88, s6;
	s7 =	simm.s32 @p2 $0x1082  }
0x22: {  	[simem:s7], [sflag:s8] =	dma.local @!p0 [hbm:s6], $0xF7A  }
0x23: {  	s9 =	sor.u32 $0xD0000000, s2;
	s6 =	simm.s32 $0x108;
	_ =	swait.ge @!p0 [sflag:s8], $0x0  }
0x24: {  	s3 =	sadd.s32 $0x88, s3;
	s6 =	simm.s32 @!p1 $0x1082;
	[sflag:s4] =	ssyncset.s32 $0xFFFFF086  }
0x25: {  	[simem:s6], [sflag:s4] =	dma.local [hbm:s3], $0xF7A  }
0x26: {  	[smem:$0x3F9C] =	sst s1;
	(tag) =	ssettag s2;
	_ =	strace s9  }
0x27: {  	s1 =	sld [smem:$0x3FAC]  }
0x28: {  	s2 =	sld [smem:$0x3FAD]  }
0x29: {  	s4 =	sld [smem:$0x3FAF]  }
0x2a: {  	p0 =	seq.s32 s5, $0x0;
	s5 =	sld [smem:$0x3FB0]  }
0x2b: {  	s6 =	sld [smem:$0x3FB1]  }
0x2c: {  	s7 =	sld [smem:$0x3FB2]  }
0x2d: {  	s3 =	simm.s32 $0x108;
	s8 =	sld [smem:$0x3FB3]  }
0x2e: {  	s3 =	simm.s32 @!p0 $0x1082;
	s9 =	sld [smem:$0x3FB4]  }
0x2f: {  	lr =	sadd.s32 s0, s3;
	s0 =	sld [smem:$0x3FAB]  }
0x30: {  	s3 =	sld [smem:$0x3FAE]  }
0x31: {  	[smem:$0x3FB7] =	sst s10  }
0x32: {  	s10 =	sld [smem:$0x3FB5];
	_ =	sdelay $0x3  }
0x33: {  	p0 =	seq.s32 s10, $0x1;
	s10 =	sld [smem:$0x3FB7];
	_ =	sdelay $0x3  }
0x34: {  	[smem:$0x3FB7] =	sst s10  }
0x35: {  	s10 =	sld [smem:$0x3FB6];
	_ =	sdelay $0x3  }
0x36: {  	p1 =	seq.s32 s10, $0x1;
	s10 =	sld [smem:$0x3FB7];
	_ =	sdelay $0x3  }
0x37: {  	[smem:$0x3FB7] =	sst s10  }
0x38: {  	s10 =	sld [smem:$0x3FB8]  }
0x39: {  	_ = 	snop;
	(pc) =	sbr.ind lr, $3  }
0x3a: {  	_ = 	snop  }
0x3b: {  	_ = 	snop  }
0x3c: {  	p2 =	seq.s32 s10, $0x1;
	s10 =	sld [smem:$0x3FB7]  }
0x3d: {  	_ =	shalt  }
0x3e: {  	_ =	shalt  }
0x3f: {  	_ =	shalt  }
0x40: {  	_ =	shalt  }
0x41: {  	_ =	shalt  }
0x42: {  	_ =	shalt  }
0x43: {  	_ =	shalt  }
0x44: {  	_ =	shalt  }
0x45: {  	_ =	shalt  }
0x46: {  	_ =	shalt  }
0x47: {  	_ =	shalt  }
0x48: {  	_ =	shalt  }
0x49: {  	_ =	shalt  }
0x4a: {  	_ =	shalt  }
0x4b: {  	_ =	shalt  }
0x4c: {  	_ =	shalt  }
0x4d: {  	_ =	shalt  }
0x4e: {  	_ =	shalt  }
0x4f: {  	_ =	shalt  }
0x50: {  	_ =	shalt  }
0x51: {  	_ =	shalt  }
0x52: {  	_ =	shalt  }
0x53: {  	_ =	shalt  }
0x54: {  	_ =	shalt  }
0x55: {  	_ =	shalt  }
0x56: {  	_ =	shalt  }
0x57: {  	_ =	shalt  }
0x58: {  	_ =	shalt  }
0x59: {  	_ =	shalt  }
0x5a: {  	_ =	shalt  }
0x5b: {  	_ =	shalt  }
0x5c: {  	_ =	shalt  }
0x5d: {  	_ =	shalt  }
0x5e: {  	_ =	shalt  }
0x5f: {  	_ =	shalt  }
0x60: {  	_ =	shalt  }
0x61: {  	_ =	shalt  }
0x62: {  	_ =	shalt  }
0x63: {  	_ =	shalt  }
0x64: {  	_ =	shalt  }
0x65: {  	_ =	shalt  }
0x66: {  	_ =	shalt  }
0x67: {  	_ =	shalt  }
0x68: {  	_ =	shalt  }
0x69: {  	_ =	shalt  }
0x6a: {  	_ =	shalt  }
0x6b: {  	_ =	shalt  }
0x6c: {  	_ =	shalt  }
0x6d: {  	_ =	shalt  }
0x6e: {  	_ =	shalt  }
0x6f: {  	_ =	shalt  }
0x70: {  	_ =	shalt  }
0x71: {  	_ =	shalt  }
0x72: {  	_ =	shalt  }
0x73: {  	_ =	shalt  }
0x74: {  	_ =	shalt  }
0x75: {  	_ =	shalt  }
0x76: {  	_ =	shalt  }
0x77: {  	_ =	shalt  }
0x78: {  	_ =	shalt  }
0x79: {  	_ =	shalt  }
0x7a: {  	_ =	shalt  }
0x7b: {  	_ =	shalt  }
0x7c: {  	_ =	shalt  }
0x7d: {  	_ =	shalt  }
0x7e: {  	_ =	shalt  }
0x7f: {  	_ =	shalt  }
0x80: {  	_ =	shalt  }
0x81: {  	_ =	shalt  }
0x82: {  	_ =	shalt  }
0x83: {  	_ =	shalt  }
0x84: {  	_ =	shalt  }
0x85: {  	_ =	shalt  }
0x86: {  	_ =	shalt  }
0x87: {  	_ =	shalt  }
.Lfunc_end0:
.L_simem_size_0:
called_computation.4_lowered:
.L_overlay_start_0:
0x88: {  	s2 =	sld [smem:$0x3FD9]  }
0x89: {  	s3 =	sld [smem:$0x3FFE];
	_ =	sdelay $0x1  }
0x8a: {  	s1 =	srdreg.scid  }
0x8b: {  	s0 =	sand.u32 $0x1, s1  }
0x8c: {  	s16 =	sshll.u32 s0, $0xA;
	s2 =	sadd.s32 s3, s2  }
0x8d: {  	s2 =	sadd.s32 s2, s16  }
0x8e: {  	[smem:$0x3FC3] =	sst s2  }
0x8f: {  	_ = 	snop  }
0x90: {  	(tm) =	ssettm $0x1  }
0x91: {  	s17 =	sld [smem:$0x3FFB];
	_ =	sdelay $0x3  }
0x92: {  	_ =	strace s17  }
0x93: {  	s2 =	sld [smem:$0x3FFC];
	_ =	sdelay $0x3  }
0x94: {  	_ =	strace s2  }
0x95: {  	s2 =	sld [smem:$0x3FFD];
	_ =	sdelay $0x3  }
0x96: {  	_ =	strace s2  }
0x97: {  	_ =	strace $0x8FFFFFFF  }
0x98: {  	s18 =	sld [smem:$0x3FDB];
	_ =	sdelay $0x1  }
0x99: {  	s19 =	simm.s32 $_scs_section_size  }
0x9a: {  	s4 =	simm.s32 $_size__tile_overlayer_lowered;
	s5 =	simm.s32 $_tile_overlayer_lowered  }
0x9b: {  	s22 =	simm.s32 $0x1BFF;
	s21 =	sshll.u32 s5, $0x1;
	s2 =	sadd.s32 s19, s18  }
0x9c: {  	s6 =	simm.s32 $0x0;
	s20 =	sshll.u32 s4, $0x1;
	s4 =	sadd.s32 s21, s2  }
0x9d: {  	[timem:s6], [sflag:s22] =	dma.local [hbm:s4], s20  }
0x9e: {  	_ =	swait.ge [sflag:s22], s20  }
0x9f: {  	s3 =	ssub.s32 $0x0, s20;
	[sflag:s22] =	ssyncset.done $0x0  }
0xa0: {  	[sflag:s22] =	ssyncadd.s32 s3;
	_ =	sdelay $0x1  }
0xa1: {  	s23 =	simm.s32 $0x1B8B  }
0xa2: {  	_ =	swait.ge [sflag:s23], $0x1  }
0xa3: {  	[sflag:s23] =	ssyncset.done $0x0  }
0xa4: {  	s25 =	simm.s32 $0x1B8E;
	s24 =	sld [smem:$0x3FFE];
	[sflag:s23] =	ssyncadd.s32 $0xFFFFFFFF  }
0xa5: {  	s26 =	simm.s32 $execute0_lowered;
	[smem:$0x3FD2] =	sst s25  }
0xa6: {  	s4 =	sshll.u32 s26, $0x1;
	_ =	strace $0x80000052;
	[dreg:$0x1] =	wrdreg $0xFFFFFFFF  }
0xa7: {  	s28 =	simm.s32 $_size_execute0_lowered;
	s2 =	sadd.s32 s2, s4;
	[dreg:$0x0] =	wrdreg $0x0  }
0xa8: {  	s4 =	sshll.u32 s28, $0x1;
	[dreg:$0x2] =	wrdreg s2  }
0xa9: {  	[dreg:$0x3] =	wrdreg s4  }
0xaa: {  	[dreg:$0x4] =	wrdreg $0xC0  }
0xab: {  	_ =	task [dreg:s6], $0x5FFFF  }
0xac: {  	[dreg:$0x1] =	wrdreg $0xFFFFFFFF  }
0xad: {  	[dreg:$0x0] =	wrdreg $0x60  }
0xae: {  	[dreg:$0x2] =	wrdreg s24  }
0xaf: {  	[dreg:$0x3] =	wrdreg $0x84000  }
0xb0: {  	[dreg:$0x4] =	wrdreg $0x9  }
0xb1: {  	_ =	task.clear_ibuf [dreg:s6], $0x5FFFF;
	_ =	strace $0x90000052  }
0xb2: {  	s29 =	simm.s32 $0x9;
	_ =	strace $0x80000054  }
0xb3: {  	_ =	swait.ge [sflag:s29], $0x1  }
0xb4: {  	[sflag:s29] =	ssyncadd.s32 $0xFFFFFFFF  }
0xb5: {  	_ =	strace $0x90000054  }
0xb6: {  	_ =	sfence  }
0xb7: {  	s30 =	sld [smem:$0x0];
	_ =	sdelay $0x2  }
0xb8: {  	s31 =	sshll.u32 s1, $0xD;
	s1 =	sshrl.u32 s1, $0x2  }
0xb9: {  	s3 =	sand.u32 $0x4000, s31;
	s1 =	sadd.s32 s1, s30  }
0xba: {  	s0 =	sor.u32 s3, s0;
	s1 =	sshll.u32 s1, $0x11  }
0xbb: {  	s0 =	sor.u32 s1, s0  }
0xbc: {  	s0 =	sadd.s32 $0x8F2B, s0  }
0xbd: {  	[sflag:s0] =	ssyncadd.remote.s32 $0x1  }
0xbe: {  	_ =	sfence.sel $0xFFFF  }
0xbf: {  	[dreg:$0x0] =	wrdreg $0xFFFFFFFF;
	(pc) =	sbr.abs _section_cstart, $3  }
0xc0: {  	[dreg:$0x1] =	wrdreg $0xFFFFFFFF  }
0xc1: {  	_ =	task.clear_ibuf [dreg:s6], $0x2FFFF;
	_ =	strace $0x9FFFFFFF  }
0xc2: {  	(tm) =	ssettm $0x7FFFFFFF  }
0xc3: {  	_ =	shalt  }
tec
execute0_lowered:
.L_overlay_start_1:
0x0: {  	(tag) =	ssettag $0x1  }
0x1: {  	s0 =	rddreg [dreg:$0x0]  }
0x2: {  	s1 =	rddreg [dreg:$0x1];
	s3 =	simm.s32 $0x0  }
0x3: {  	s2 =	srdreg.scid;
	s10 =	stileid.u32;
	s20 =	simm.s32 $0x200  }
0x4: {  	s21 =	simm.s32 $0x80;
	s28 =	simm.s32 $0x1;
	s29 =	simm.s32 $0x4400  }
0x5: {  	s30 =	simm.s32 $0x180;
	s31 =	simm.s32 $0x380;
	s6 =	smul.u32 $0x5000, s10  }
0x6: {  	[smem:$0x7FF] =	sst s3;
	s2 =	sand.u32 $0x1, s2;
	s9 =	smul.u32 $0x50000, s10  }
0x7: {  	s4 =	sadd.s32 $0xE200, s0;
	s7 =	sadd.s32 $0x5E200, s0;
	s14 =	smul.u32 $0x14000, s10  }
0x8: {  	s18 =	sadd.s32 $0x4200, s0;
	s19 =	smul.u32 $0xA00, s10;
	_ =	strace $0x80000053  }
0x9: {  	s5 =	ssub.s32 $0x2, s2;
	p0 =	seq.s32 s2, $0x0;
	s2 =	simm.s32 $0x0  }
0xa: {  	s8 =	sshrl.u32 s5, $0x1;
	s6 =	sshrl.u32 s6, $0x3;
	s9 =	sshrl.u32 s9, $0x2  }
0xb: {  	s26 =	sshrl.u32 s14, $0x3;
	s5 =	ssub.s32 s5, s8;
	s22 =	sadd.s32 s7, s6  }
0xc: {  	s23 =	sadd.s32 s18, s6;
	s24 =	sor.u32 $0x10, s6;
	s6 =	sor.u32 $0x20, s6  }
0xd: {  	s9 =	sadd.s32 s9, s1;
	s0 =	sadd.s32 s0, s26;
	[dreg:$0x3] =	wrdreg s22  }
0xe: {  	s26 =	simm.s32 $0x2;
	[dreg:$0x4] =	wrdreg s23;
	s11 =	sadd.s32 s7, s24  }
0xf: {  	s8 =	sadd.s32 s18, s24;
	s25 =	sadd.s32 s7, s6;
	s6 =	sadd.s32 s18, s6  }
0x10: {  	s12 =	sadd.s32 $0x4000, s9;
	s13 =	sadd.s32 $0x8000, s9;
	s14 =	sadd.s32 $0xC000, s9  }
.Ltmp0:
0x11: {  	s15 =	sadd.s32 $0x10000, s9;
	s16 =	sadd.s32 $0x90200, s0;
	(pc) =	sbr.rel .LBB2_1-.Ltmp0, $4  }
0x12: {  	s17 =	smax.u32 s5, $0x1;
	s18 =	sadd.s32 s19, s18;
	[dreg:$0x5] =	wrdreg s11  }
0x13: {  	s19 =	sadd.s32 s19, s7;
	s22 =	simm.s32 $0x280;
	[dreg:$0x6] =	wrdreg s8  }
0x14: {  	s23 =	simm.s32 $0x100;
	s24 =	simm.s32 $0x300;
	[dreg:$0x7] =	wrdreg s25  }
0x15: {  	v0 =	vimm.f32 $0.0e+00;
	s0 =	simm.s32 $0x3;
	[dreg:$0x8] =	wrdreg s6;
	s25 =	simm.s32 $0x400  }
.LBB2_8:
0x16: {  	_ =	swait.ge [sflag:s26], $0x4000  }
0x17: {  	[sflag:s26] =	ssyncset.done $0x0  }
0x18: {  	[sflag:s26] =	ssyncadd.s32 $0xFFFFC000  }
0x19: {  	[spmem:s1] =	stream.indirect.scatter.add.f32 [tilespmem:s29], [sflag:$0x3], $0x80, s31, s21, $0xb8;
	[tilespmem:$0x1C400] =	vst v63  }
0x1a: {  	_ =	swait.ge [sflag:s0], $0x4000  }
0x1b: {  	[sflag:s0] =	ssyncset.done $0x0  }
0x1c: {  	[sflag:s0] =	ssyncadd.s32 $0xFFFFC000  }
0x1d: {  	_ =	swait.ge [sflag:s0], $0x4000  }
0x1e: {  	s5 =	stileid.u32;
	[sflag:s0] =	ssyncset.done $0x0  }
0x1f: {  	s5 =	sshll.u32 s5, $0x6;
	[sflag:s0] =	ssyncadd.s32 $0xFFFFC000  }
0x20: {  	s6 =	sshrl.u32 s9, $0x3;
	s5 =	sor.u32 $0x1C03, s5;
	[bflag:$0x0] =	sbarrier.arrive $0xFFFF  }
0x21: {  	[hbm:s16], [sflag:s5] =	dma.local [spmem:s6], $0x2800  }
0x22: {  	_ =	swait.ge [sflag:s0], $0x2800  }
0x23: {  	[sflag:s0] =	ssyncset.done $0x0  }
0x24: {  	[sflag:s0] =	ssyncadd.s32 $0xFFFFD800  }
.LBB2_9:
0x25: {  	s2 =	sadd.s32 $0x1, s2  }
0x26: {  	p1 =	sne.s32 s2, s17  }
.Ltmp1:
0x27: {  	_ = 	snop;
	(pc) =	sbr.rel @!p1 .LBB2_10-.Ltmp1, $1  }
0x28: {  	_ =	sdelay $0x3  }
.LBB2_1:
.Ltmp2:
0x29: {  	(pc) =	sbr.rel @!p0 .LBB2_2-.Ltmp2, $1  }
0x2a: {  	_ =	sdelay $0x3  }
.Ltmp3:
0x2b: {  	(pc) =	sbr.rel .LBB2_9-.Ltmp3, $3  }
0x2c: {  	_ = 	snop  }
0x2d: {  	[bflag:$0x0] =	sbarrier.arrive $0xFFFF  }
0x2e: {  	[bflag:$0x0] =	sbarrier.arrive $0xFFFF;
	_ =	sdelay $0x1  }
.LBB2_2:
0x2f: {  	s5 =	simm.s32 $0x0;
	s6 =	rddreg [dreg:$0x3]  }
0x30: {  	[tilespmem:s5], [sflag:$0x1] =	stream.linear.gather [hbm4b:s6+s5], $0x80, $0x38;
	[tilespmem:$0x1C400] =	vst v63  }
0x31: {  	s11 =	rddreg [dreg:$0x4]  }
0x32: {  	[tilespmem:s20], [sflag:$0x1] =	stream.linear.gather [hbm4b:s11+s5], $0x80, $0x38;
	[tilespmem:$0x1C400] =	vst v63  }
0x33: {  	s7 =	rddreg [dreg:$0x5]  }
0x34: {  	[tilespmem:s21], [sflag:$0x1] =	stream.linear.gather [hbm4b:s7+s5], $0x80, $0x38;
	[tilespmem:$0x1C400] =	vst v63  }
0x35: {  	s8 =	rddreg [dreg:$0x6]  }
0x36: {  	[tilespmem:s22], [sflag:$0x1] =	stream.linear.gather [hbm4b:s8+s5], $0x80, $0x38;
	[tilespmem:$0x1C400] =	vst v63  }
0x37: {  	s10 =	rddreg [dreg:$0x7]  }
0x38: {  	[tilespmem:s23], [sflag:$0x1] =	stream.linear.gather [hbm4b:s10+s5], $0x80, $0x38;
	[tilespmem:$0x1C400] =	vst v63  }
0x39: {  	s11 =	rddreg [dreg:$0x8]  }
0x3a: {  	[tilespmem:s24], [sflag:$0x1] =	stream.linear.gather [hbm4b:s11+s5], $0x80, $0x38;
	[tilespmem:$0x1C400] =	vst v63  }
0x3b: {  	s6 =	simm.s32 $0x200;
	s5 =	simm.s32 $0x0  }
.LBB2_3:
0x3c: {  	p1 =	sne.s32 s6, $0xFE00;
	[tilespmem:s5+$0x470] =	vst v0  }
0x3d: {  	[tilespmem:s5+$0x400] =	vst v0  }
0x3e: {  	[tilespmem:s5+$0x410] =	vst v0  }
.Ltmp4:
0x3f: {  	[tilespmem:s5+$0x420] =	vst v0;
	(pc) =	sbr.rel @p1 .LBB2_3-.Ltmp4, $4  }
0x40: {  	[tilespmem:s5+$0x430] =	vst v0  }
0x41: {  	[tilespmem:s5+$0x440] =	vst v0  }
0x42: {  	[tilespmem:s5+$0x450] =	vst v0  }
0x43: {  	[tilespmem:s5+$0x460] =	vst v0;
	s5 =	sshra.s32 s6, $0x2;
	s6 =	sadd.s32 $0x200, s6  }
0x44: {  	[tilespmem:s5+$0x470] =	vst v0  }
0x45: {  	[tilespmem:s5+$0x400] =	vst v0  }
0x46: {  	[tilespmem:s5+$0x410] =	vst v0  }
0x47: {  	[tilespmem:s5+$0x420] =	vst v0  }
0x48: {  	[tilespmem:s5+$0x430] =	vst v0  }
0x49: {  	[tilespmem:s5+$0x440] =	vst v0  }
0x4a: {  	[tilespmem:s5+$0x450] =	vst v0  }
0x4b: {  	[tilespmem:s5+$0x460] =	vst v0  }
0x4c: {  	[spmem:s9] =	stream.linear.scatter [tilespmem:s25], [sflag:$0x2], $0x4000, $0x38;
	[tilespmem:$0x1C400] =	vst v63  }
0x4d: {  	_ = 	snop  }
0x4e: {  	[spmem:s12] =	stream.linear.scatter [tilespmem:s25], [sflag:$0x2], $0x4000, $0x38;
	[tilespmem:$0x1C400] =	vst v63  }
0x4f: {  	_ = 	snop  }
0x50: {  	[spmem:s13] =	stream.linear.scatter [tilespmem:s25], [sflag:$0x2], $0x4000, $0x38;
	[tilespmem:$0x1C400] =	vst v63  }
0x51: {  	_ = 	snop  }
0x52: {  	[spmem:s14] =	stream.linear.scatter [tilespmem:s25], [sflag:$0x2], $0x4000, $0x38;
	[tilespmem:$0x1C400] =	vst v63  }
0x53: {  	_ = 	snop  }
0x54: {  	[spmem:s15] =	stream.linear.scatter [tilespmem:s25], [sflag:$0x2], $0x4000, $0x38;
	[tilespmem:$0x1C400] =	vst v63  }
0x55: {  	_ =	swait.ge [sflag:s26], $0x4000  }
0x56: {  	[sflag:s26] =	ssyncset.done $0x0  }
0x57: {  	[sflag:s26] =	ssyncadd.s32 $0xFFFFC000  }
0x58: {  	_ =	swait.ge [sflag:s26], $0x4000  }
0x59: {  	[sflag:s26] =	ssyncset.done $0x0  }
0x5a: {  	[sflag:s26] =	ssyncadd.s32 $0xFFFFC000  }
0x5b: {  	_ =	swait.ge [sflag:s26], $0x4000  }
0x5c: {  	[sflag:s26] =	ssyncset.done $0x0  }
0x5d: {  	[sflag:s26] =	ssyncadd.s32 $0xFFFFC000  }
0x5e: {  	_ =	swait.ge [sflag:s26], $0x4000  }
0x5f: {  	[sflag:s26] =	ssyncset.done $0x0  }
0x60: {  	[sflag:s26] =	ssyncadd.s32 $0xFFFFC000  }
0x61: {  	_ =	swait.ge [sflag:s26], $0x4000  }
0x62: {  	[sflag:s26] =	ssyncset.done $0x0  }
0x63: {  	[sflag:s26] =	ssyncadd.s32 $0xFFFFC000  }
0x64: {  	_ =	swait.ge [sflag:s28], $0x80  }
0x65: {  	[sflag:s28] =	ssyncset.done $0x0  }
0x66: {  	[sflag:s28] =	ssyncadd.s32 $0xFFFFFF80  }
0x67: {  	_ =	swait.ge [sflag:s28], $0x80  }
0x68: {  	[sflag:s28] =	ssyncset.done $0x0  }
0x69: {  	[sflag:s28] =	ssyncadd.s32 $0xFFFFFF80  }
0x6a: {  	s5 =	simm.s32 $0x0;
	[bflag:$0x0] =	sbarrier.arrive $0xFFFF  }
0x6b: {  	[tilespmem:s25], [sflag:$0x2] =	stream.indirect.gather [hbm4b:s4+s21], $0x80, s5, s21, $0xb8;
	[tilespmem:$0x1C400] =	vst v63  }
.LBB2_5:
0x6c: {  	_ =	swait.ge [sflag:s26], $0x4000  }
0x6d: {  	p1 =	seq.s32 s5, $0x0;
	[sflag:s26] =	ssyncset.done $0x0  }
0x6e: {  	s6 =	simm.s32 @!p1 $0x3;
	[sflag:s26] =	ssyncadd.s32 $0xFFFFC000  }
0x6f: {  	[spmem:s1] =	stream.indirect.scatter.add.f32 [tilespmem:s25], [sflag:$0x3], $0x80, s20, s21, $0xb8;
	[tilespmem:$0x1C400] =	vst v63  }
0x70: {  	_ =	swait.ge @!p1 [sflag:s6], $0x4000  }
0x71: {  	[sflag:s6] =	ssyncset.done @!p1 $0x0  }
0x72: {  	[sflag:s6] =	ssyncadd.s32 @!p1 $0xFFFFC000  }
0x73: {  	_ =	swait.ge [sflag:s28], $0x80  }
0x74: {  	[sflag:s28] =	ssyncset.done $0x0  }
0x75: {  	[sflag:s28] =	ssyncadd.s32 $0xFFFFFF80  }
0x76: {  	_ =	swait.ge [sflag:s28], $0x80  }
0x77: {  	[sflag:s28] =	ssyncset.done $0x0  }
0x78: {  	s6 =	sadd.s32 s5, s19;
	[sflag:s28] =	ssyncadd.s32 $0xFFFFFF80  }
0x79: {  	[tilespmem:s29], [sflag:$0x2] =	stream.indirect.gather [hbm4b:s4+s21], $0x80, s21, s21, $0xb8;
	[tilespmem:$0x1C400] =	vst v63  }
0x7a: {  	s7 =	sadd.s32 $0x30, s6  }
0x7b: {  	[tilespmem:s30], [sflag:$0x1] =	stream.linear.gather [hbm4b:s7+s3], $0x80, $0x38;
	[tilespmem:$0x1C400] =	vst v63  }
0x7c: {  	s7 =	sadd.s32 s5, s18  }
0x7d: {  	s8 =	sadd.s32 $0x30, s7  }
0x7e: {  	[tilespmem:s31], [sflag:$0x1] =	stream.linear.gather [hbm4b:s8+s3], $0x80, $0x38;
	[tilespmem:$0x1C400] =	vst v63  }
0x7f: {  	_ =	swait.ge [sflag:s26], $0x4000  }
0x80: {  	[sflag:s26] =	ssyncset.done $0x0  }
0x81: {  	[sflag:s26] =	ssyncadd.s32 $0xFFFFC000  }
0x82: {  	[spmem:s1] =	stream.indirect.scatter.add.f32 [tilespmem:s29], [sflag:$0x3], $0x80, s22, s21, $0xb8;
	[tilespmem:$0x1C400] =	vst v63  }
0x83: {  	_ =	swait.ge [sflag:s0], $0x4000  }
0x84: {  	[sflag:s0] =	ssyncset.done $0x0  }
0x85: {  	[sflag:s0] =	ssyncadd.s32 $0xFFFFC000  }
0x86: {  	_ =	swait.ge [sflag:s28], $0x80  }
0x87: {  	[sflag:s28] =	ssyncset.done $0x0  }
0x88: {  	[sflag:s28] =	ssyncadd.s32 $0xFFFFFF80  }
0x89: {  	_ =	swait.ge [sflag:s28], $0x80  }
0x8a: {  	p1 =	seq.s32 s5, $0x9C0;
	[sflag:s28] =	ssyncset.done $0x0  }
0x8b: {  	s8 =	sadd.s32 @!p1 s5, s19;
	[sflag:s28] =	ssyncadd.s32 $0xFFFFFF80  }
0x8c: {  	[tilespmem:s25], [sflag:$0x2] =	stream.indirect.gather [hbm4b:s4+s21], $0x80, s23, s21, $0xb8;
	[tilespmem:$0x1C400] =	vst v63  }
0x8d: {  	s10 =	simm.s32 @!p1 $0x0;
	s8 =	sadd.s32 @!p1 $0x40, s8  }
0x8e: {  	[tilespmem:s10], [sflag:$0x1] =	stream.linear.gather @!p1 [hbm4b:s8+s10], $0x80, $0x38;
	[tilespmem:$0x1C400] =	vst v63  }
0x8f: {  	s8 =	sadd.s32 @!p1 s5, s18  }
0x90: {  	s11 =	simm.s32 @!p1 $0x200;
	s8 =	sadd.s32 @!p1 $0x40, s8  }
0x91: {  	[tilespmem:s11], [sflag:$0x1] =	stream.linear.gather @!p1 [hbm4b:s8+s10], $0x80, $0x38;
	[tilespmem:$0x1C400] =	vst v63  }
0x92: {  	_ =	swait.ge [sflag:s26], $0x4000  }
0x93: {  	[sflag:s26] =	ssyncset.done $0x0  }
0x94: {  	[sflag:s26] =	ssyncadd.s32 $0xFFFFC000  }
0x95: {  	[spmem:s1] =	stream.indirect.scatter.add.f32 [tilespmem:s25], [sflag:$0x3], $0x80, s24, s21, $0xb8;
	[tilespmem:$0x1C400] =	vst v63  }
0x96: {  	_ =	swait.ge [sflag:s0], $0x4000  }
0x97: {  	[sflag:s0] =	ssyncset.done $0x0  }
0x98: {  	[sflag:s0] =	ssyncadd.s32 $0xFFFFC000  }
0x99: {  	_ =	swait.ge [sflag:s28], $0x80  }
0x9a: {  	[sflag:s28] =	ssyncset.done $0x0  }
.Ltmp5:
0x9b: {  	[sflag:s28] =	ssyncadd.s32 $0xFFFFFF80;
	(pc) =	sbr.rel @p1 .LBB2_8-.Ltmp5, $4  }
0x9c: {  	_ =	swait.ge [sflag:s28], $0x80  }
0x9d: {  	[sflag:s28] =	ssyncset.done $0x0  }
0x9e: {  	[sflag:s28] =	ssyncadd.s32 $0xFFFFFF80  }
0x9f: {  	[tilespmem:s29], [sflag:$0x2] =	stream.indirect.gather [hbm4b:s4+s21], $0x80, s30, s21, $0xb8;
	[tilespmem:$0x1C400] =	vst v63  }
0xa0: {  	s8 =	sadd.s32 $0x50, s6  }
0xa1: {  	[tilespmem:s21], [sflag:$0x1] =	stream.linear.gather [hbm4b:s8+s3], $0x80, $0x38;
	[tilespmem:$0x1C400] =	vst v63  }
0xa2: {  	s11 =	sadd.s32 $0x50, s7  }
0xa3: {  	[tilespmem:s22], [sflag:$0x1] =	stream.linear.gather [hbm4b:s11+s3], $0x80, $0x38;
	[tilespmem:$0x1C400] =	vst v63  }
0xa4: {  	_ =	swait.ge [sflag:s26], $0x4000  }
0xa5: {  	[sflag:s26] =	ssyncset.done $0x0  }
0xa6: {  	[sflag:s26] =	ssyncadd.s32 $0xFFFFC000  }
0xa7: {  	[spmem:s1] =	stream.indirect.scatter.add.f32 [tilespmem:s29], [sflag:$0x3], $0x80, s31, s21, $0xb8;
	[tilespmem:$0x1C400] =	vst v63  }
0xa8: {  	_ =	swait.ge [sflag:s0], $0x4000  }
0xa9: {  	[sflag:s0] =	ssyncset.done $0x0  }
0xaa: {  	[sflag:s0] =	ssyncadd.s32 $0xFFFFC000  }
0xab: {  	_ =	swait.ge [sflag:s28], $0x80  }
0xac: {  	[sflag:s28] =	ssyncset.done $0x0  }
0xad: {  	[sflag:s28] =	ssyncadd.s32 $0xFFFFFF80  }
0xae: {  	_ =	swait.ge [sflag:s28], $0x80  }
0xaf: {  	[sflag:s28] =	ssyncset.done $0x0  }
0xb0: {  	[sflag:s28] =	ssyncadd.s32 $0xFFFFFF80  }
0xb1: {  	[tilespmem:s25], [sflag:$0x2] =	stream.indirect.gather [hbm4b:s4+s21], $0x80, s3, s21, $0xb8;
	[tilespmem:$0x1C400] =	vst v63  }
.Ltmp6:
0xb2: {  	_ = 	snop;
	(pc) =	sbr.rel .LBB2_5-.Ltmp6, $4  }
0xb3: {  	s10 =	sadd.s32 $0x60, s6  }
0xb4: {  	[tilespmem:s23], [sflag:$0x1] =	stream.linear.gather [hbm4b:s10+s3], $0x80, $0x38;
	[tilespmem:$0x1C400] =	vst v63  }
0xb5: {  	s5 =	sadd.s32 $0x40, s5;
	s11 =	sadd.s32 $0x60, s7  }
0xb6: {  	[tilespmem:s24], [sflag:$0x1] =	stream.linear.gather [hbm4b:s11+s3], $0x80, $0x38;
	[tilespmem:$0x1C400] =	vst v63  }
.LBB2_10:
0xb7: {  	_ =	sfence.sel $0x180000  }
0xb8: {  	[bflag:$0x0] =	sbarrier.arrive $0xFFFF  }
0xb9: {  	_ =	strace $0x90000053  }
0xba: {  	s0 =	stileid.u32;
	[bflag:$0x2] =	sbarrier.arrive $0xFFFF  }
0xbb: {  	p0 =	sne.s32 s0, $0x0;
	s0 =	rddreg [dreg:$0x2]  }
0xbc: {  	s0 =	sadd.s32 @!p0 $0x100000, s0  }
0xbd: {  	[sflag:s0] =	ssyncadd.tile.s32 @!p0 $0x1;
	_ =	shalt  }
.Lfunc_end2:
_tile_overlayer_lowered:
.L_overlay_start_2:
0xbe: {  	(tag) =	ssettag $0x2  }
0xbf: {  	s0 =	rddreg [dreg:$0x0];
	s2 =	stileid.u32  }
0xc0: {  	s1 =	rddreg [dreg:$0x1];
	p0 =	sne.s32 s2, $0x0  }
0xc1: {  	s3 =	rddreg [dreg:$0x2];
	[bflag:$0x3] =	sbarrier.arrive $0xFFFF;
	s2 =	simm.s32 @!p0 $0x1C04  }
0xc2: {  	[timem:s3], [sflag:s2] =	dma.local @!p0 [hbm:s0], s1  }
0xc3: {  	s0 =	simm.s32 @!p0 $0x4  }
0xc4: {  	_ =	swait.ge @!p0 [sflag:s0], s1  }
0xc5: {  	s1 =	ssub.s32 @!p0 $0x0, s1;
	[sflag:s0] =	ssyncset.done @!p0 $0x0  }
0xc6: {  	[sflag:s0] =	ssyncadd.s32 @!p0 s1  }
0xc7: {  	[bflag:$0x3] =	sbarrier.arrive $0xFFFF  }
0xc8: {  	_ =	shalt  }

// kernel: kernel.29.cloned.1.call-start
scs
__scs_entry_jumppad:
0x0: {  	(pc) =	sbr.rel $0x88, $3  }
0x1: {  	(tag) =	ssettag $0x0;
	lr =	simm.s32 $0x1  }
0x2: {  	[smem:$0x3F9C] =	sst lr;
	_ =	strace $0xD0000000  }
0x3: {  	_ = 	snop  }
0x4: {  	_ = 	snop  }
0x5: {  	_ = 	snop  }
0x6: {  	_ = 	snop  }
0x7: {  	_ = 	snop  }
__scs_overlays_trampoline_lowered:
0x8: {  	[smem:$0x3FAB] =	sst s0  }
0x9: {  	[smem:$0x3FAC] =	sst s1  }
0xa: {  	[smem:$0x3FAD] =	sst s2  }
0xb: {  	[smem:$0x3FAE] =	sst s3  }
0xc: {  	[smem:$0x3FAF] =	sst s4  }
0xd: {  	[smem:$0x3FB0] =	sst s5  }
0xe: {  	[smem:$0x3FB1] =	sst s6  }
0xf: {  	[smem:$0x3FB2] =	sst s7  }
0x10: {  	[smem:$0x3FB3] =	sst s8  }
0x11: {  	[smem:$0x3FB4] =	sst s9;
	s0 =	simm.s32 @!p0 $0x0  }
0x12: {  	s1 =	sld [smem:$0x3F9A];
	s0 =	simm.s32 @p0 $0x1  }
0x13: {  	[smem:$0x3FB5] =	sst s0;
	s0 =	simm.s32 @!p1 $0x0  }
0x14: {  	s2 =	sld [smem:$0x3F99];
	s0 =	simm.s32 @p1 $0x1  }
0x15: {  	[smem:$0x3FB6] =	sst s0;
	s0 =	simm.s32 @!p2 $0x0  }
0x16: {  	s3 =	sld [smem:$0x3FDB];
	s0 =	simm.s32 @p2 $0x1  }
0x17: {  	s4 =	simm.s32 $0x1BF5;
	[smem:$0x3FB8] =	sst s0  }
0x18: {  	s0 =	sld [smem:$0x3F9B];
	_ =	swait.ge [sflag:s4], $0x0  }
0x19: {  	s7 =	sld [smem:$0x3F9C]  }
0x1a: {  	s8 =	sadd.s32 $0xFFFFE003, lr  }
0x1b: {  	s9 =	sadd.s32 $0xFFFFFEF7, lr;
	s5 =	simm.s32 $0xFFFFFFFF;
	p2 =	slt.u32 s8, $0xFFFFF086  }
0x1c: {  	p1 =	slt.u32 s9, $0xF7A;
	s5 =	simm.s32 @!p2 $0x0  }
0x1d: {  	s5 =	simm.s32 @p1 $0x1;
	p0 =	seq.s32 s7, s2  }
0x1e: {  	s7 =	smul.u32 @!p0 $0xF7A, s2;
	p2 =	seq.s32 @!p0 s5, $0x0  }
0x1f: {  	s9 =	smul.u32 $0xF7A, s1;
	s8 =	simm.s32 @!p0 $0x1BF5;
	p2 =	por !p2, p0  }
0x20: {  	[sflag:s8] =	ssyncset.s32 @!p0 $0xFFFFF086;
	s6 =	sadd.s32 @!p0 s3, s7;
	s7 =	simm.s32 @!p0 $0x108  }
0x21: {  	s3 =	sadd.s32 s3, s9;
	s6 =	sadd.s32 @!p0 $0x88, s6;
	s7 =	simm.s32 @p2 $0x1082  }
0x22: {  	[simem:s7], [sflag:s8] =	dma.local @!p0 [hbm:s6], $0xF7A  }
0x23: {  	s9 =	sor.u32 $0xD0000000, s2;
	s6 =	simm.s32 $0x108;
	_ =	swait.ge @!p0 [sflag:s8], $0x0  }
0x24: {  	s3 =	sadd.s32 $0x88, s3;
	s6 =	simm.s32 @!p1 $0x1082;
	[sflag:s4] =	ssyncset.s32 $0xFFFFF086  }
0x25: {  	[simem:s6], [sflag:s4] =	dma.local [hbm:s3], $0xF7A  }
0x26: {  	[smem:$0x3F9C] =	sst s1;
	(tag) =	ssettag s2;
	_ =	strace s9  }
0x27: {  	s1 =	sld [smem:$0x3FAC]  }
0x28: {  	s2 =	sld [smem:$0x3FAD]  }
0x29: {  	s4 =	sld [smem:$0x3FAF]  }
0x2a: {  	p0 =	seq.s32 s5, $0x0;
	s5 =	sld [smem:$0x3FB0]  }
0x2b: {  	s6 =	sld [smem:$0x3FB1]  }
0x2c: {  	s7 =	sld [smem:$0x3FB2]  }
0x2d: {  	s3 =	simm.s32 $0x108;
	s8 =	sld [smem:$0x3FB3]  }
0x2e: {  	s3 =	simm.s32 @!p0 $0x1082;
	s9 =	sld [smem:$0x3FB4]  }
0x2f: {  	lr =	sadd.s32 s0, s3;
	s0 =	sld [smem:$0x3FAB]  }
0x30: {  	s3 =	sld [smem:$0x3FAE]  }
0x31: {  	[smem:$0x3FB7] =	sst s10  }
0x32: {  	s10 =	sld [smem:$0x3FB5];
	_ =	sdelay $0x3  }
0x33: {  	p0 =	seq.s32 s10, $0x1;
	s10 =	sld [smem:$0x3FB7];
	_ =	sdelay $0x3  }
0x34: {  	[smem:$0x3FB7] =	sst s10  }
0x35: {  	s10 =	sld [smem:$0x3FB6];
	_ =	sdelay $0x3  }
0x36: {  	p1 =	seq.s32 s10, $0x1;
	s10 =	sld [smem:$0x3FB7];
	_ =	sdelay $0x3  }
0x37: {  	[smem:$0x3FB7] =	sst s10  }
0x38: {  	s10 =	sld [smem:$0x3FB8]  }
0x39: {  	_ = 	snop;
	(pc) =	sbr.ind lr, $3  }
0x3a: {  	_ = 	snop  }
0x3b: {  	_ = 	snop  }
0x3c: {  	p2 =	seq.s32 s10, $0x1;
	s10 =	sld [smem:$0x3FB7]  }
0x3d: {  	_ =	shalt  }
0x3e: {  	_ =	shalt  }
0x3f: {  	_ =	shalt  }
0x40: {  	_ =	shalt  }
0x41: {  	_ =	shalt  }
0x42: {  	_ =	shalt  }
0x43: {  	_ =	shalt  }
0x44: {  	_ =	shalt  }
0x45: {  	_ =	shalt  }
0x46: {  	_ =	shalt  }
0x47: {  	_ =	shalt  }
0x48: {  	_ =	shalt  }
0x49: {  	_ =	shalt  }
0x4a: {  	_ =	shalt  }
0x4b: {  	_ =	shalt  }
0x4c: {  	_ =	shalt  }
0x4d: {  	_ =	shalt  }
0x4e: {  	_ =	shalt  }
0x4f: {  	_ =	shalt  }
0x50: {  	_ =	shalt  }
0x51: {  	_ =	shalt  }
0x52: {  	_ =	shalt  }
0x53: {  	_ =	shalt  }
0x54: {  	_ =	shalt  }
0x55: {  	_ =	shalt  }
0x56: {  	_ =	shalt  }
0x57: {  	_ =	shalt  }
0x58: {  	_ =	shalt  }
0x59: {  	_ =	shalt  }
0x5a: {  	_ =	shalt  }
0x5b: {  	_ =	shalt  }
0x5c: {  	_ =	shalt  }
0x5d: {  	_ =	shalt  }
0x5e: {  	_ =	shalt  }
0x5f: {  	_ =	shalt  }
0x60: {  	_ =	shalt  }
0x61: {  	_ =	shalt  }
0x62: {  	_ =	shalt  }
0x63: {  	_ =	shalt  }
0x64: {  	_ =	shalt  }
0x65: {  	_ =	shalt  }
0x66: {  	_ =	shalt  }
0x67: {  	_ =	shalt  }
0x68: {  	_ =	shalt  }
0x69: {  	_ =	shalt  }
0x6a: {  	_ =	shalt  }
0x6b: {  	_ =	shalt  }
0x6c: {  	_ =	shalt  }
0x6d: {  	_ =	shalt  }
0x6e: {  	_ =	shalt  }
0x6f: {  	_ =	shalt  }
0x70: {  	_ =	shalt  }
0x71: {  	_ =	shalt  }
0x72: {  	_ =	shalt  }
0x73: {  	_ =	shalt  }
0x74: {  	_ =	shalt  }
0x75: {  	_ =	shalt  }
0x76: {  	_ =	shalt  }
0x77: {  	_ =	shalt  }
0x78: {  	_ =	shalt  }
0x79: {  	_ =	shalt  }
0x7a: {  	_ =	shalt  }
0x7b: {  	_ =	shalt  }
0x7c: {  	_ =	shalt  }
0x7d: {  	_ =	shalt  }
0x7e: {  	_ =	shalt  }
0x7f: {  	_ =	shalt  }
0x80: {  	_ =	shalt  }
0x81: {  	_ =	shalt  }
0x82: {  	_ =	shalt  }
0x83: {  	_ =	shalt  }
0x84: {  	_ =	shalt  }
0x85: {  	_ =	shalt  }
0x86: {  	_ =	shalt  }
0x87: {  	_ =	shalt  }
.Lfunc_end0:
.L_simem_size_0:
called_computation.5_lowered:
.L_overlay_start_0:
0x88: {  	s2 =	sld [smem:$0x3FD9]  }
0x89: {  	s3 =	sld [smem:$0x3FFE];
	_ =	sdelay $0x1  }
0x8a: {  	s1 =	srdreg.scid  }
0x8b: {  	s0 =	sand.u32 $0x1, s1  }
0x8c: {  	s16 =	sshll.u32 s0, $0xA;
	s2 =	sadd.s32 s3, s2  }
0x8d: {  	s2 =	sadd.s32 s2, s16  }
0x8e: {  	[smem:$0x3FC3] =	sst s2  }
0x8f: {  	_ = 	snop  }
0x90: {  	(tm) =	ssettm $0x1  }
0x91: {  	s17 =	sld [smem:$0x3FFB];
	_ =	sdelay $0x3  }
0x92: {  	_ =	strace s17  }
0x93: {  	s2 =	sld [smem:$0x3FFC];
	_ =	sdelay $0x3  }
0x94: {  	_ =	strace s2  }
0x95: {  	s2 =	sld [smem:$0x3FFD];
	_ =	sdelay $0x3  }
0x96: {  	_ =	strace s2  }
0x97: {  	_ =	strace $0x8FFFFFFF  }
0x98: {  	s18 =	sld [smem:$0x3FDB];
	_ =	sdelay $0x1  }
0x99: {  	s19 =	simm.s32 $_scs_section_size  }
0x9a: {  	s4 =	simm.s32 $_size__tile_overlayer_lowered;
	s5 =	simm.s32 $_tile_overlayer_lowered  }
0x9b: {  	s22 =	simm.s32 $0x1BFF;
	s21 =	sshll.u32 s5, $0x1;
	s2 =	sadd.s32 s19, s18  }
0x9c: {  	s6 =	simm.s32 $0x0;
	s20 =	sshll.u32 s4, $0x1;
	s4 =	sadd.s32 s21, s2  }
0x9d: {  	[timem:s6], [sflag:s22] =	dma.local [hbm:s4], s20  }
0x9e: {  	_ =	swait.ge [sflag:s22], s20  }
0x9f: {  	s3 =	ssub.s32 $0x0, s20;
	[sflag:s22] =	ssyncset.done $0x0  }
0xa0: {  	[sflag:s22] =	ssyncadd.s32 s3;
	_ =	sdelay $0x1  }
0xa1: {  	s23 =	simm.s32 $0x1B8B  }
0xa2: {  	_ =	swait.ge [sflag:s23], $0x1  }
0xa3: {  	[sflag:s23] =	ssyncset.done $0x0  }
0xa4: {  	s25 =	simm.s32 $0x1B8E;
	s24 =	sld [smem:$0x3FFE];
	[sflag:s23] =	ssyncadd.s32 $0xFFFFFFFF  }
0xa5: {  	s26 =	simm.s32 $execute0_lowered;
	[smem:$0x3FD2] =	sst s25  }
0xa6: {  	s4 =	sshll.u32 s26, $0x1;
	_ =	strace $0x80000055;
	[dreg:$0x1] =	wrdreg $0xFFFFFFFF  }
0xa7: {  	s28 =	simm.s32 $_size_execute0_lowered;
	s2 =	sadd.s32 s2, s4;
	[dreg:$0x0] =	wrdreg $0x0  }
0xa8: {  	s4 =	sshll.u32 s28, $0x1;
	[dreg:$0x2] =	wrdreg s2  }
0xa9: {  	[dreg:$0x3] =	wrdreg s4  }
0xaa: {  	[dreg:$0x4] =	wrdreg $0xC0  }
0xab: {  	_ =	task [dreg:s6], $0x5FFFF  }
0xac: {  	[dreg:$0x1] =	wrdreg $0xFFFFFFFF  }
0xad: {  	[dreg:$0x0] =	wrdreg $0x60  }
0xae: {  	[dreg:$0x2] =	wrdreg s24  }
0xaf: {  	[dreg:$0x3] =	wrdreg $0x84000  }
0xb0: {  	[dreg:$0x4] =	wrdreg $0x9  }
0xb1: {  	_ =	task.clear_ibuf [dreg:s6], $0x5FFFF;
	_ =	strace $0x90000055  }
0xb2: {  	s29 =	simm.s32 $0x9;
	_ =	strace $0x80000057  }
0xb3: {  	_ =	swait.ge [sflag:s29], $0x1  }
0xb4: {  	[sflag:s29] =	ssyncadd.s32 $0xFFFFFFFF  }
0xb5: {  	_ =	strace $0x90000057  }
0xb6: {  	_ =	sfence  }
0xb7: {  	s30 =	sld [smem:$0x0];
	_ =	sdelay $0x2  }
0xb8: {  	s31 =	sshll.u32 s1, $0xD;
	s1 =	sshrl.u32 s1, $0x2  }
0xb9: {  	s3 =	sand.u32 $0x4000, s31;
	s1 =	sadd.s32 s1, s30  }
0xba: {  	s0 =	sor.u32 s3, s0;
	s1 =	sshll.u32 s1, $0x11  }
0xbb: {  	s0 =	sor.u32 s1, s0  }
0xbc: {  	s0 =	sadd.s32 $0x8F2B, s0  }
0xbd: {  	[sflag:s0] =	ssyncadd.remote.s32 $0x1  }
0xbe: {  	_ =	sfence.sel $0xFFFF  }
0xbf: {  	[dreg:$0x0] =	wrdreg $0xFFFFFFFF;
	(pc) =	sbr.abs _section_cstart, $3  }
0xc0: {  	[dreg:$0x1] =	wrdreg $0xFFFFFFFF  }
0xc1: {  	_ =	task.clear_ibuf [dreg:s6], $0x2FFFF;
	_ =	strace $0x9FFFFFFF  }
0xc2: {  	(tm) =	ssettm $0x7FFFFFFF  }
0xc3: {  	_ =	shalt  }
tec
execute0_lowered:
.L_overlay_start_1:
0x0: {  	(tag) =	ssettag $0x1  }
0x1: {  	s0 =	rddreg [dreg:$0x0]  }
0x2: {  	s1 =	rddreg [dreg:$0x1];
	s3 =	simm.s32 $0x0  }
0x3: {  	s2 =	srdreg.scid;
	s10 =	stileid.u32;
	s20 =	simm.s32 $0x200  }
0x4: {  	s21 =	simm.s32 $0x80;
	s28 =	simm.s32 $0x1;
	s29 =	simm.s32 $0x4400  }
0x5: {  	s30 =	simm.s32 $0x180;
	s31 =	simm.s32 $0x380;
	s6 =	smul.u32 $0x5000, s10  }
0x6: {  	[smem:$0x7FF] =	sst s3;
	s2 =	sand.u32 $0x1, s2;
	s9 =	smul.u32 $0x50000, s10  }
0x7: {  	s4 =	sadd.s32 $0xE200, s0;
	s7 =	sadd.s32 $0x5E200, s0;
	s14 =	smul.u32 $0x14000, s10  }
0x8: {  	s18 =	sadd.s32 $0x4200, s0;
	s19 =	smul.u32 $0xA00, s10;
	_ =	strace $0x80000056  }
0x9: {  	s5 =	ssub.s32 $0x2, s2;
	p0 =	seq.s32 s2, $0x0;
	s2 =	simm.s32 $0x0  }
0xa: {  	s8 =	sshrl.u32 s5, $0x1;
	s6 =	sshrl.u32 s6, $0x3;
	s9 =	sshrl.u32 s9, $0x2  }
0xb: {  	s26 =	sshrl.u32 s14, $0x3;
	s5 =	ssub.s32 s5, s8;
	s22 =	sadd.s32 s7, s6  }
0xc: {  	s23 =	sadd.s32 s18, s6;
	s24 =	sor.u32 $0x10, s6;
	s6 =	sor.u32 $0x20, s6  }
0xd: {  	s9 =	sadd.s32 s9, s1;
	s0 =	sadd.s32 s0, s26;
	[dreg:$0x3] =	wrdreg s22  }
0xe: {  	s26 =	simm.s32 $0x2;
	[dreg:$0x4] =	wrdreg s23;
	s11 =	sadd.s32 s7, s24  }
0xf: {  	s8 =	sadd.s32 s18, s24;
	s25 =	sadd.s32 s7, s6;
	s6 =	sadd.s32 s18, s6  }
0x10: {  	s12 =	sadd.s32 $0x4000, s9;
	s13 =	sadd.s32 $0x8000, s9;
	s14 =	sadd.s32 $0xC000, s9  }
.Ltmp0:
0x11: {  	s15 =	sadd.s32 $0x10000, s9;
	s16 =	sadd.s32 $0x90200, s0;
	(pc) =	sbr.rel .LBB2_1-.Ltmp0, $4  }
0x12: {  	s17 =	smax.u32 s5, $0x1;
	s18 =	sadd.s32 s19, s18;
	[dreg:$0x5] =	wrdreg s11  }
0x13: {  	s19 =	sadd.s32 s19, s7;
	s22 =	simm.s32 $0x280;
	[dreg:$0x6] =	wrdreg s8  }
0x14: {  	s23 =	simm.s32 $0x100;
	s24 =	simm.s32 $0x300;
	[dreg:$0x7] =	wrdreg s25  }
0x15: {  	v0 =	vimm.f32 $0.0e+00;
	s0 =	simm.s32 $0x3;
	[dreg:$0x8] =	wrdreg s6;
	s25 =	simm.s32 $0x400  }
.LBB2_8:
0x16: {  	_ =	swait.ge [sflag:s26], $0x4000  }
0x17: {  	[sflag:s26] =	ssyncset.done $0x0  }
0x18: {  	[sflag:s26] =	ssyncadd.s32 $0xFFFFC000  }
0x19: {  	[spmem:s1] =	stream.indirect.scatter.add.f32 [tilespmem:s29], [sflag:$0x3], $0x80, s31, s21, $0xb8;
	[tilespmem:$0x1C400] =	vst v63  }
0x1a: {  	_ =	swait.ge [sflag:s0], $0x4000  }
0x1b: {  	[sflag:s0] =	ssyncset.done $0x0  }
0x1c: {  	[sflag:s0] =	ssyncadd.s32 $0xFFFFC000  }
0x1d: {  	_ =	swait.ge [sflag:s0], $0x4000  }
0x1e: {  	s5 =	stileid.u32;
	[sflag:s0] =	ssyncset.done $0x0  }
0x1f: {  	s5 =	sshll.u32 s5, $0x6;
	[sflag:s0] =	ssyncadd.s32 $0xFFFFC000  }
0x20: {  	s6 =	sshrl.u32 s9, $0x3;
	s5 =	sor.u32 $0x1C03, s5;
	[bflag:$0x0] =	sbarrier.arrive $0xFFFF  }
0x21: {  	[hbm:s16], [sflag:s5] =	dma.local [spmem:s6], $0x2800  }
0x22: {  	_ =	swait.ge [sflag:s0], $0x2800  }
0x23: {  	[sflag:s0] =	ssyncset.done $0x0  }
0x24: {  	[sflag:s0] =	ssyncadd.s32 $0xFFFFD800  }
.LBB2_9:
0x25: {  	s2 =	sadd.s32 $0x1, s2  }
0x26: {  	p1 =	sne.s32 s2, s17  }
.Ltmp1:
0x27: {  	_ = 	snop;
	(pc) =	sbr.rel @!p1 .LBB2_10-.Ltmp1, $1  }
0x28: {  	_ =	sdelay $0x3  }
.LBB2_1:
.Ltmp2:
0x29: {  	(pc) =	sbr.rel @!p0 .LBB2_2-.Ltmp2, $1  }
0x2a: {  	_ =	sdelay $0x3  }
.Ltmp3:
0x2b: {  	(pc) =	sbr.rel .LBB2_9-.Ltmp3, $3  }
0x2c: {  	_ = 	snop  }
0x2d: {  	[bflag:$0x0] =	sbarrier.arrive $0xFFFF  }
0x2e: {  	[bflag:$0x0] =	sbarrier.arrive $0xFFFF;
	_ =	sdelay $0x1  }
.LBB2_2:
0x2f: {  	s5 =	simm.s32 $0x0;
	s6 =	rddreg [dreg:$0x3]  }
0x30: {  	[tilespmem:s5], [sflag:$0x1] =	stream.linear.gather [hbm4b:s6+s5], $0x80, $0x38;
	[tilespmem:$0x1C400] =	vst v63  }
0x31: {  	s11 =	rddreg [dreg:$0x4]  }
0x32: {  	[tilespmem:s20], [sflag:$0x1] =	stream.linear.gather [hbm4b:s11+s5], $0x80, $0x38;
	[tilespmem:$0x1C400] =	vst v63  }
0x33: {  	s7 =	rddreg [dreg:$0x5]  }
0x34: {  	[tilespmem:s21], [sflag:$0x1] =	stream.linear.gather [hbm4b:s7+s5], $0x80, $0x38;
	[tilespmem:$0x1C400] =	vst v63  }
0x35: {  	s8 =	rddreg [dreg:$0x6]  }
0x36: {  	[tilespmem:s22], [sflag:$0x1] =	stream.linear.gather [hbm4b:s8+s5], $0x80, $0x38;
	[tilespmem:$0x1C400] =	vst v63  }
0x37: {  	s10 =	rddreg [dreg:$0x7]  }
0x38: {  	[tilespmem:s23], [sflag:$0x1] =	stream.linear.gather [hbm4b:s10+s5], $0x80, $0x38;
	[tilespmem:$0x1C400] =	vst v63  }
0x39: {  	s11 =	rddreg [dreg:$0x8]  }
0x3a: {  	[tilespmem:s24], [sflag:$0x1] =	stream.linear.gather [hbm4b:s11+s5], $0x80, $0x38;
	[tilespmem:$0x1C400] =	vst v63  }
0x3b: {  	s6 =	simm.s32 $0x200;
	s5 =	simm.s32 $0x0  }
.LBB2_3:
0x3c: {  	p1 =	sne.s32 s6, $0xFE00;
	[tilespmem:s5+$0x470] =	vst v0  }
0x3d: {  	[tilespmem:s5+$0x400] =	vst v0  }
0x3e: {  	[tilespmem:s5+$0x410] =	vst v0  }
.Ltmp4:
0x3f: {  	[tilespmem:s5+$0x420] =	vst v0;
	(pc) =	sbr.rel @p1 .LBB2_3-.Ltmp4, $4  }
0x40: {  	[tilespmem:s5+$0x430] =	vst v0  }
0x41: {  	[tilespmem:s5+$0x440] =	vst v0  }
0x42: {  	[tilespmem:s5+$0x450] =	vst v0  }
0x43: {  	[tilespmem:s5+$0x460] =	vst v0;
	s5 =	sshra.s32 s6, $0x2;
	s6 =	sadd.s32 $0x200, s6  }
0x44: {  	[tilespmem:s5+$0x470] =	vst v0  }
0x45: {  	[tilespmem:s5+$0x400] =	vst v0  }
0x46: {  	[tilespmem:s5+$0x410] =	vst v0  }
0x47: {  	[tilespmem:s5+$0x420] =	vst v0  }
0x48: {  	[tilespmem:s5+$0x430] =	vst v0  }
0x49: {  	[tilespmem:s5+$0x440] =	vst v0  }
0x4a: {  	[tilespmem:s5+$0x450] =	vst v0  }
0x4b: {  	[tilespmem:s5+$0x460] =	vst v0  }
0x4c: {  	[spmem:s9] =	stream.linear.scatter [tilespmem:s25], [sflag:$0x2], $0x4000, $0x38;
	[tilespmem:$0x1C400] =	vst v63  }
0x4d: {  	_ = 	snop  }
0x4e: {  	[spmem:s12] =	stream.linear.scatter [tilespmem:s25], [sflag:$0x2], $0x4000, $0x38;
	[tilespmem:$0x1C400] =	vst v63  }
0x4f: {  	_ = 	snop  }
0x50: {  	[spmem:s13] =	stream.linear.scatter [tilespmem:s25], [sflag:$0x2], $0x4000, $0x38;
	[tilespmem:$0x1C400] =	vst v63  }
0x51: {  	_ = 	snop  }
0x52: {  	[spmem:s14] =	stream.linear.scatter [tilespmem:s25], [sflag:$0x2], $0x4000, $0x38;
	[tilespmem:$0x1C400] =	vst v63  }
0x53: {  	_ = 	snop  }
0x54: {  	[spmem:s15] =	stream.linear.scatter [tilespmem:s25], [sflag:$0x2], $0x4000, $0x38;
	[tilespmem:$0x1C400] =	vst v63  }
0x55: {  	_ =	swait.ge [sflag:s26], $0x4000  }
0x56: {  	[sflag:s26] =	ssyncset.done $0x0  }
0x57: {  	[sflag:s26] =	ssyncadd.s32 $0xFFFFC000  }
0x58: {  	_ =	swait.ge [sflag:s26], $0x4000  }
0x59: {  	[sflag:s26] =	ssyncset.done $0x0  }
0x5a: {  	[sflag:s26] =	ssyncadd.s32 $0xFFFFC000  }
0x5b: {  	_ =	swait.ge [sflag:s26], $0x4000  }
0x5c: {  	[sflag:s26] =	ssyncset.done $0x0  }
0x5d: {  	[sflag:s26] =	ssyncadd.s32 $0xFFFFC000  }
0x5e: {  	_ =	swait.ge [sflag:s26], $0x4000  }
0x5f: {  	[sflag:s26] =	ssyncset.done $0x0  }
0x60: {  	[sflag:s26] =	ssyncadd.s32 $0xFFFFC000  }
0x61: {  	_ =	swait.ge [sflag:s26], $0x4000  }
0x62: {  	[sflag:s26] =	ssyncset.done $0x0  }
0x63: {  	[sflag:s26] =	ssyncadd.s32 $0xFFFFC000  }
0x64: {  	_ =	swait.ge [sflag:s28], $0x80  }
0x65: {  	[sflag:s28] =	ssyncset.done $0x0  }
0x66: {  	[sflag:s28] =	ssyncadd.s32 $0xFFFFFF80  }
0x67: {  	_ =	swait.ge [sflag:s28], $0x80  }
0x68: {  	[sflag:s28] =	ssyncset.done $0x0  }
0x69: {  	[sflag:s28] =	ssyncadd.s32 $0xFFFFFF80  }
0x6a: {  	s5 =	simm.s32 $0x0;
	[bflag:$0x0] =	sbarrier.arrive $0xFFFF  }
0x6b: {  	[tilespmem:s25], [sflag:$0x2] =	stream.indirect.gather [hbm4b:s4+s21], $0x80, s5, s21, $0xb8;
	[tilespmem:$0x1C400] =	vst v63  }
.LBB2_5:
0x6c: {  	_ =	swait.ge [sflag:s26], $0x4000  }
0x6d: {  	p1 =	seq.s32 s5, $0x0;
	[sflag:s26] =	ssyncset.done $0x0  }
0x6e: {  	s6 =	simm.s32 @!p1 $0x3;
	[sflag:s26] =	ssyncadd.s32 $0xFFFFC000  }
0x6f: {  	[spmem:s1] =	stream.indirect.scatter.add.f32 [tilespmem:s25], [sflag:$0x3], $0x80, s20, s21, $0xb8;
	[tilespmem:$0x1C400] =	vst v63  }
0x70: {  	_ =	swait.ge @!p1 [sflag:s6], $0x4000  }
0x71: {  	[sflag:s6] =	ssyncset.done @!p1 $0x0  }
0x72: {  	[sflag:s6] =	ssyncadd.s32 @!p1 $0xFFFFC000  }
0x73: {  	_ =	swait.ge [sflag:s28], $0x80  }
0x74: {  	[sflag:s28] =	ssyncset.done $0x0  }
0x75: {  	[sflag:s28] =	ssyncadd.s32 $0xFFFFFF80  }
0x76: {  	_ =	swait.ge [sflag:s28], $0x80  }
0x77: {  	[sflag:s28] =	ssyncset.done $0x0  }
0x78: {  	s6 =	sadd.s32 s5, s19;
	[sflag:s28] =	ssyncadd.s32 $0xFFFFFF80  }
0x79: {  	[tilespmem:s29], [sflag:$0x2] =	stream.indirect.gather [hbm4b:s4+s21], $0x80, s21, s21, $0xb8;
	[tilespmem:$0x1C400] =	vst v63  }
0x7a: {  	s7 =	sadd.s32 $0x30, s6  }
0x7b: {  	[tilespmem:s30], [sflag:$0x1] =	stream.linear.gather [hbm4b:s7+s3], $0x80, $0x38;
	[tilespmem:$0x1C400] =	vst v63  }
0x7c: {  	s7 =	sadd.s32 s5, s18  }
0x7d: {  	s8 =	sadd.s32 $0x30, s7  }
0x7e: {  	[tilespmem:s31], [sflag:$0x1] =	stream.linear.gather [hbm4b:s8+s3], $0x80, $0x38;
	[tilespmem:$0x1C400] =	vst v63  }
0x7f: {  	_ =	swait.ge [sflag:s26], $0x4000  }
0x80: {  	[sflag:s26] =	ssyncset.done $0x0  }
0x81: {  	[sflag:s26] =	ssyncadd.s32 $0xFFFFC000  }
0x82: {  	[spmem:s1] =	stream.indirect.scatter.add.f32 [tilespmem:s29], [sflag:$0x3], $0x80, s22, s21, $0xb8;
	[tilespmem:$0x1C400] =	vst v63  }
0x83: {  	_ =	swait.ge [sflag:s0], $0x4000  }
0x84: {  	[sflag:s0] =	ssyncset.done $0x0  }
0x85: {  	[sflag:s0] =	ssyncadd.s32 $0xFFFFC000  }
0x86: {  	_ =	swait.ge [sflag:s28], $0x80  }
0x87: {  	[sflag:s28] =	ssyncset.done $0x0  }
0x88: {  	[sflag:s28] =	ssyncadd.s32 $0xFFFFFF80  }
0x89: {  	_ =	swait.ge [sflag:s28], $0x80  }
0x8a: {  	p1 =	seq.s32 s5, $0x9C0;
	[sflag:s28] =	ssyncset.done $0x0  }
0x8b: {  	s8 =	sadd.s32 @!p1 s5, s19;
	[sflag:s28] =	ssyncadd.s32 $0xFFFFFF80  }
0x8c: {  	[tilespmem:s25], [sflag:$0x2] =	stream.indirect.gather [hbm4b:s4+s21], $0x80, s23, s21, $0xb8;
	[tilespmem:$0x1C400] =	vst v63  }
0x8d: {  	s10 =	simm.s32 @!p1 $0x0;
	s8 =	sadd.s32 @!p1 $0x40, s8  }
0x8e: {  	[tilespmem:s10], [sflag:$0x1] =	stream.linear.gather @!p1 [hbm4b:s8+s10], $0x80, $0x38;
	[tilespmem:$0x1C400] =	vst v63  }
0x8f: {  	s8 =	sadd.s32 @!p1 s5, s18  }
0x90: {  	s11 =	simm.s32 @!p1 $0x200;
	s8 =	sadd.s32 @!p1 $0x40, s8  }
0x91: {  	[tilespmem:s11], [sflag:$0x1] =	stream.linear.gather @!p1 [hbm4b:s8+s10], $0x80, $0x38;
	[tilespmem:$0x1C400] =	vst v63  }
0x92: {  	_ =	swait.ge [sflag:s26], $0x4000  }
0x93: {  	[sflag:s26] =	ssyncset.done $0x0  }
0x94: {  	[sflag:s26] =	ssyncadd.s32 $0xFFFFC000  }
0x95: {  	[spmem:s1] =	stream.indirect.scatter.add.f32 [tilespmem:s25], [sflag:$0x3], $0x80, s24, s21, $0xb8;
	[tilespmem:$0x1C400] =	vst v63  }
0x96: {  	_ =	swait.ge [sflag:s0], $0x4000  }
0x97: {  	[sflag:s0] =	ssyncset.done $0x0  }
0x98: {  	[sflag:s0] =	ssyncadd.s32 $0xFFFFC000  }
0x99: {  	_ =	swait.ge [sflag:s28], $0x80  }
0x9a: {  	[sflag:s28] =	ssyncset.done $0x0  }
.Ltmp5:
0x9b: {  	[sflag:s28] =	ssyncadd.s32 $0xFFFFFF80;
	(pc) =	sbr.rel @p1 .LBB2_8-.Ltmp5, $4  }
0x9c: {  	_ =	swait.ge [sflag:s28], $0x80  }
0x9d: {  	[sflag:s28] =	ssyncset.done $0x0  }
0x9e: {  	[sflag:s28] =	ssyncadd.s32 $0xFFFFFF80  }
0x9f: {  	[tilespmem:s29], [sflag:$0x2] =	stream.indirect.gather [hbm4b:s4+s21], $0x80, s30, s21, $0xb8;
	[tilespmem:$0x1C400] =	vst v63  }
0xa0: {  	s8 =	sadd.s32 $0x50, s6  }
0xa1: {  	[tilespmem:s21], [sflag:$0x1] =	stream.linear.gather [hbm4b:s8+s3], $0x80, $0x38;
	[tilespmem:$0x1C400] =	vst v63  }
0xa2: {  	s11 =	sadd.s32 $0x50, s7  }
0xa3: {  	[tilespmem:s22], [sflag:$0x1] =	stream.linear.gather [hbm4b:s11+s3], $0x80, $0x38;
	[tilespmem:$0x1C400] =	vst v63  }
0xa4: {  	_ =	swait.ge [sflag:s26], $0x4000  }
0xa5: {  	[sflag:s26] =	ssyncset.done $0x0  }
0xa6: {  	[sflag:s26] =	ssyncadd.s32 $0xFFFFC000  }
0xa7: {  	[spmem:s1] =	stream.indirect.scatter.add.f32 [tilespmem:s29], [sflag:$0x3], $0x80, s31, s21, $0xb8;
	[tilespmem:$0x1C400] =	vst v63  }
0xa8: {  	_ =	swait.ge [sflag:s0], $0x4000  }
0xa9: {  	[sflag:s0] =	ssyncset.done $0x0  }
0xaa: {  	[sflag:s0] =	ssyncadd.s32 $0xFFFFC000  }
0xab: {  	_ =	swait.ge [sflag:s28], $0x80  }
0xac: {  	[sflag:s28] =	ssyncset.done $0x0  }
0xad: {  	[sflag:s28] =	ssyncadd.s32 $0xFFFFFF80  }
0xae: {  	_ =	swait.ge [sflag:s28], $0x80  }
0xaf: {  	[sflag:s28] =	ssyncset.done $0x0  }
0xb0: {  	[sflag:s28] =	ssyncadd.s32 $0xFFFFFF80  }
0xb1: {  	[tilespmem:s25], [sflag:$0x2] =	stream.indirect.gather [hbm4b:s4+s21], $0x80, s3, s21, $0xb8;
	[tilespmem:$0x1C400] =	vst v63  }
.Ltmp6:
0xb2: {  	_ = 	snop;
	(pc) =	sbr.rel .LBB2_5-.Ltmp6, $4  }
0xb3: {  	s10 =	sadd.s32 $0x60, s6  }
0xb4: {  	[tilespmem:s23], [sflag:$0x1] =	stream.linear.gather [hbm4b:s10+s3], $0x80, $0x38;
	[tilespmem:$0x1C400] =	vst v63  }
0xb5: {  	s5 =	sadd.s32 $0x40, s5;
	s11 =	sadd.s32 $0x60, s7  }
0xb6: {  	[tilespmem:s24], [sflag:$0x1] =	stream.linear.gather [hbm4b:s11+s3], $0x80, $0x38;
	[tilespmem:$0x1C400] =	vst v63  }
.LBB2_10:
0xb7: {  	_ =	sfence.sel $0x180000  }
0xb8: {  	[bflag:$0x0] =	sbarrier.arrive $0xFFFF  }
0xb9: {  	_ =	strace $0x90000056  }
0xba: {  	s0 =	stileid.u32;
	[bflag:$0x2] =	sbarrier.arrive $0xFFFF  }
0xbb: {  	p0 =	sne.s32 s0, $0x0;
	s0 =	rddreg [dreg:$0x2]  }
0xbc: {  	s0 =	sadd.s32 @!p0 $0x100000, s0  }
0xbd: {  	[sflag:s0] =	ssyncadd.tile.s32 @!p0 $0x1;
	_ =	shalt  }
.Lfunc_end2:
_tile_overlayer_lowered:
.L_overlay_start_2:
0xbe: {  	(tag) =	ssettag $0x2  }
0xbf: {  	s0 =	rddreg [dreg:$0x0];
	s2 =	stileid.u32  }
0xc0: {  	s1 =	rddreg [dreg:$0x1];
	p0 =	sne.s32 s2, $0x0  }
0xc1: {  	s3 =	rddreg [dreg:$0x2];
	[bflag:$0x3] =	sbarrier.arrive $0xFFFF;
	s2 =	simm.s32 @!p0 $0x1C04  }
0xc2: {  	[timem:s3], [sflag:s2] =	dma.local @!p0 [hbm:s0], s1  }
0xc3: {  	s0 =	simm.s32 @!p0 $0x4  }
0xc4: {  	_ =	swait.ge @!p0 [sflag:s0], s1  }
0xc5: {  	s1 =	ssub.s32 @!p0 $0x0, s1;
	[sflag:s0] =	ssyncset.done @!p0 $0x0  }
0xc6: {  	[sflag:s0] =	ssyncadd.s32 @!p0 s1  }
0xc7: {  	[bflag:$0x3] =	sbarrier.arrive $0xFFFF  }
0xc8: {  	_ =	shalt  }

</sc_bundles>
